<compile_context>
chip_gen: v7x
topology: tpu7x:2x2x1
jax: 0.10.2.dev20260603
libtpu: 0.0.44.dev20260713+nightly
codegen_flags: <defaults>
</compile_context>

<pallas_src>
import jax
import jax.numpy as jnp
from jax import lax
from jax.experimental import pallas as pl
from jax.experimental.pallas import tpu as pltpu
from jax.experimental.pallas import tpu_sc as plsc

N_NODES_K = 100000
N_EDGES_K = 3200000
DIM_K = 128
EDIM_K = 16
NV_K = 50000
EV_K = 5000
EPS_K = 1e-5

NC = 2
NS = 16
NW = NC * NS
L = 16


EV_PAD = 5120
NV_PAD = 50176
E_PER_HTILE = N_EDGES_K // NW
E_HCHUNK = 10000
NX_NOM = N_NODES_K // NW
NX_WIN = 3136
NCOPY_W = 3136
ECOPY_W = EV_PAD // NS

_sc_mesh = plsc.VectorSubcoreMesh(core_axis_name="c", subcore_axis_name="s")


def _nhist_body(x_hbm, cn2_hbm, nxbuf_v, nvals_v, zbuf_v, sh_n):
    c = lax.axis_index("c")
    s = lax.axis_index("s")
    w = c * NS + s

    def zb(j, carry):
        zbuf_v[pl.ds(j * L, L)] = jnp.zeros((L,), jnp.float32)
        return carry
    lax.fori_loop(0, NCOPY_W // L, zb, 0)
    pltpu.sync_copy(zbuf_v, sh_n.at[pl.ds(s * NCOPY_W, NCOPY_W)])

    lo = w * NX_NOM
    start = pl.multiple_of(
        jnp.minimum(lo - lax.rem(lo, 8), N_NODES_K - NX_WIN), 8)
    pltpu.sync_copy(x_hbm.at[pl.ds(start, NX_WIN)], nxbuf_v)
    hi = lo + NX_NOM
    lane = lax.iota(jnp.int32, L)

    def vb(j, carry):
        pos = start + j * L + lane
        m = (pos >= lo) & (pos < hi)
        nvals_v[pl.ds(j * L, L)] = jnp.where(m, 1.0, 0.0).astype(jnp.float32)
        return carry
    lax.fori_loop(0, NX_WIN // L, vb, 0)

    plsc.subcore_barrier()
    pltpu.sync_copy(nvals_v, sh_n.at[nxbuf_v], add=True)
    plsc.subcore_barrier()

    nlo = s * (NV_K // NS)
    nstart = pl.multiple_of(
        jnp.minimum(nlo - lax.rem(nlo, 8), NV_K - NCOPY_W), 8)
    pltpu.sync_copy(sh_n.at[pl.ds(nstart, NCOPY_W)], zbuf_v)
    pltpu.sync_copy(zbuf_v, cn2_hbm.at[pl.ds(c * NV_K + nstart, NCOPY_W)])


_nhist = pl.kernel(
    _nhist_body,
    out_type=jax.ShapeDtypeStruct((2 * NV_K,), jnp.float32),
    mesh=_sc_mesh,
    compiler_params=pltpu.CompilerParams(needs_layout_passes=False),
    scratch_types=[
        pltpu.VMEM((NX_WIN,), jnp.int32),
        pltpu.VMEM((NX_WIN,), jnp.float32),
        pltpu.VMEM((NCOPY_W,), jnp.float32),
        pltpu.VMEM_SHARED((NV_PAD,), jnp.float32),
    ],
)


def _ehist_body(ea_hbm, ce2_hbm, ehist_v, exbuf_v, acc_v, tmp_v, sh_e):
    c = lax.axis_index("c")
    s = lax.axis_index("s")
    w = c * NS + s

    def zero_body(j, carry):
        ehist_v[pl.ds(j * L, L)] = jnp.zeros((L,), jnp.float32)
        return carry
    lax.fori_loop(0, EV_PAD // L, zero_body, 0)

    base = w * E_PER_HTILE
    ones = jnp.ones((L,), jnp.float32)

    def chunk(i, carry):
        pltpu.sync_copy(ea_hbm.at[pl.ds(base + i * E_HCHUNK, E_HCHUNK)],
                        exbuf_v)

        def inner(j, carry2):
            iv = exbuf_v[pl.ds(j * L, L)]
            plsc.addupdate_scatter(ehist_v, [iv], ones)
            return carry2
        lax.fori_loop(0, E_HCHUNK // L, inner, 0, unroll=4)
        return carry
    lax.fori_loop(0, E_PER_HTILE // E_HCHUNK, chunk, 0)
    pltpu.sync_copy(ehist_v,
                    sh_e.at[pl.ds(pl.multiple_of(s * EV_PAD, 8), EV_PAD)])

    plsc.subcore_barrier()

    estart = pl.multiple_of(jnp.minimum(s * ECOPY_W, EV_K - ECOPY_W), 8)

    def zb(j, carry):
        acc_v[pl.ds(j * L, L)] = jnp.zeros((L,), jnp.float32)
        return carry
    lax.fori_loop(0, ECOPY_W // L, zb, 0)

    def red(k, carry):
        pltpu.sync_copy(
            sh_e.at[pl.ds(pl.multiple_of(k * EV_PAD + estart, 8),
                          ECOPY_W)], tmp_v)

        def addv(j, carry2):
            acc_v[pl.ds(j * L, L)] = (acc_v[pl.ds(j * L, L)]
                                      + tmp_v[pl.ds(j * L, L)])
            return carry2
        lax.fori_loop(0, ECOPY_W // L, addv, 0)
        return carry
    lax.fori_loop(0, NS, red, 0)
    pltpu.sync_copy(acc_v, ce2_hbm.at[pl.ds(c * EV_K + estart, ECOPY_W)])


_ehist = pl.kernel(
    _ehist_body,
    out_type=jax.ShapeDtypeStruct((2 * EV_K,), jnp.float32),
    mesh=_sc_mesh,
    compiler_params=pltpu.CompilerParams(needs_layout_passes=False),
    scratch_types=[
        pltpu.VMEM((EV_PAD,), jnp.float32),
        pltpu.VMEM((E_HCHUNK,), jnp.int32),
        pltpu.VMEM((ECOPY_W,), jnp.float32),
        pltpu.VMEM((ECOPY_W,), jnp.float32),
        pltpu.VMEM_SHARED((NS * EV_PAD,), jnp.float32),
    ],
)


VBLK = 2000
NBLK = NV_K // VBLK


def _nstats_body(c_ref, t_ref, o_ref, acc):
    j = pl.program_id(0)

    @pl.when(j == 0)
    def _():
        acc[...] = jnp.zeros_like(acc)

    c2 = c_ref[0]
    cvec = c2[0:1, :] + c2[1:2, :]
    T = t_ref[...]
    s1 = jnp.dot(cvec, T, preferred_element_type=jnp.float32)
    s2 = jnp.dot(cvec, T * T, preferred_element_type=jnp.float32)
    acc[0:1, :] = acc[0:1, :] + s1
    acc[1:2, :] = acc[1:2, :] + s2
    o_ref[...] = acc[...]


_nstats = pl.pallas_call(
    _nstats_body,
    grid=(NBLK,),
    in_specs=[pl.BlockSpec((1, 2, VBLK), lambda j: (j, 0, 0)),
              pl.BlockSpec((VBLK, DIM_K), lambda j: (j, 0))],
    out_specs=pl.BlockSpec((2, DIM_K), lambda j: (0, 0)),
    out_shape=jax.ShapeDtypeStruct((2, DIM_K), jnp.float32),
    scratch_shapes=[pltpu.VMEM((2, DIM_K), jnp.float32)],
)


def _nnorm_body(ss_ref, g_ref, b_ref, t_ref, o_ref):
    s1 = ss_ref[0:1, :]
    s2 = ss_ref[1:2, :]
    mean = s1 / N_NODES_K
    var = s2 / N_NODES_K - mean * mean
    a = g_ref[...] * lax.rsqrt(var + EPS_K)
    b = b_ref[...] - mean * a
    o_ref[...] = t_ref[...] * a + b


_nnorm = pl.pallas_call(
    _nnorm_body,
    grid=(NBLK,),
    in_specs=[pl.BlockSpec((2, DIM_K), lambda j: (0, 0)),
              pl.BlockSpec((1, DIM_K), lambda j: (0, 0)),
              pl.BlockSpec((1, DIM_K), lambda j: (0, 0)),
              pl.BlockSpec((VBLK, DIM_K), lambda j: (j, 0))],
    out_specs=pl.BlockSpec((VBLK, DIM_K), lambda j: (j, 0)),
    out_shape=jax.ShapeDtypeStruct((NV_K, DIM_K), jnp.float32),
)


EV_GPAD = 5120


def _enorm_body(c_ref, g_ref, b_ref, t_ref, o_ref):
    c2 = c_ref[...]
    cvec = c2[0:1, :] + c2[1:2, :]
    Tt = t_ref[...]
    dn = (((1,), (1,)), ((), ()))
    s1 = lax.dot_general(Tt, cvec, dn, preferred_element_type=jnp.float32)
    s2 = lax.dot_general(Tt * Tt, cvec, dn,
                         preferred_element_type=jnp.float32)
    mean = s1 / N_EDGES_K
    var = s2 / N_EDGES_K - mean * mean
    a = g_ref[...] * lax.rsqrt(var + EPS_K)
    b = b_ref[...] - mean * a
    o_ref[...] = Tt * a + b


_enorm = pl.pallas_call(
    _enorm_body,
    out_shape=jax.ShapeDtypeStruct((EDIM_K, EV_GPAD), jnp.float32),
)


NG_NOM = N_NODES_K // NW
NG_WIN = 3136
NG_CHUNK = 56
NG_STEPS = NG_WIN // NG_CHUNK
NGRP = N_EDGES_K // 128
EG_WIN = 1568
EG_GRP = 16
EG_CHUNK = EG_GRP * 128
EG_STEPS = EG_WIN // EG_GRP
EG_NOM = NGRP // 16


def _gather_body(nt_hbm, x_hbm, et_hbm, ea_hbm, hn_hbm, he4_hbm,
                 nx_v, nr0, nr1, nr2, nr3, trow_v, ex0, ex1, ob0, ob1,
                 ng0, ng1, ng2, ng3, ns0, ns1, ns2, ns3,
                 si0, si1, so0, so1):
    c = lax.axis_index("c")
    s = lax.axis_index("s")
    w = s * NC + c

    nlo = w * NG_NOM
    nstart = pl.multiple_of(
        jnp.minimum(nlo - lax.rem(nlo, 8), N_NODES_K - NG_WIN), 8)
    pltpu.sync_copy(x_hbm.at[pl.ds(nstart, NG_WIN)], nx_v)

    nbufs = ((nr0, ng0, ns0), (nr1, ng1, ns1),
             (nr2, ng2, ns2), (nr3, ng3, ns3))

    def ngather(i, buf, gsem):
        off = pl.multiple_of(i * NG_CHUNK, 8)
        pltpu.async_copy(nt_hbm.at[nx_v.at[pl.ds(off, NG_CHUNK)]], buf, gsem)

    def nstore(i, buf, ssem):
        off = pl.multiple_of(i * NG_CHUNK, 8)
        pltpu.async_copy(buf, hn_hbm.at[pl.ds(nstart + off, NG_CHUNK)], ssem)

    ngather(0, nr0, ng0)
    ngather(1, nr1, ng1)

    def nstep(k, carry):
        for b in range(4):
            buf, gsem, ssem = nbufs[b]
            i = 4 * k + b
            pltpu.make_async_copy(nt_hbm.at[nx_v.at[pl.ds(0, NG_CHUNK)]],
                                  buf, gsem).wait()
            nstore(i, buf, ssem)
            bufn, gsemn, ssemn = nbufs[(b + 2) % 4]

            @pl.when(i + 2 < NG_STEPS)
            def _():
                @pl.when(i >= 2)
                def _():
                    pltpu.make_async_copy(bufn,
                                          hn_hbm.at[pl.ds(0, NG_CHUNK)],
                                          ssemn).wait()
                ngather(i + 2, bufn, gsemn)
        return carry
    lax.fori_loop(0, NG_STEPS // 4, nstep, 0)
    for b in range(4):
        buf, _gs, ssem = nbufs[b]
        pltpu.make_async_copy(buf, hn_hbm.at[pl.ds(0, NG_CHUNK)], ssem).wait()

    band = c
    g0r = jnp.minimum(s * 1563, NGRP - EG_WIN)
    pltpu.sync_copy(et_hbm.at[pl.ds(band * 8, 8)], trow_v)

    def idx_src(cix):
        return ea_hbm.at[pl.ds((g0r + cix * EG_GRP) * 128, EG_CHUNK)]

    def out_dst(cix):
        return he4_hbm.at[band, pl.ds(g0r + cix * EG_GRP, EG_GRP)]

    bufs = ((ex0, ob0, si0, so0), (ex1, ob1, si1, so1))
    pltpu.async_copy(idx_src(0), ex0, si0)

    def compute(ex, ob):
        @plsc.parallel_loop(0, EG_GRP, unroll=2)
        def _(g):
            for seg in range(8):
                iv = ex[pl.ds((g * 8 + seg) * L, L)]
                for fr in range(8):
                    vals = plsc.load_gather(trow_v.at[fr], [iv])
                    ob[g, fr, pl.ds(seg * L, L)] = vals

    def step(k, carry):
        for b in (0, 1):
            ex, ob, s_in, s_out = bufs[b]
            exn, _, s_inn, _ = bufs[1 - b]
            cix = 2 * k + b
            pltpu.make_async_copy(idx_src(0), ex, s_in).wait()

            @pl.when(cix + 1 < EG_STEPS)
            def _():
                pltpu.async_copy(idx_src(cix + 1), exn, s_inn)

            @pl.when(k > 0)
            def _():
                pltpu.make_async_copy(ob, out_dst(0), s_out).wait()

            compute(ex, ob)
            pltpu.async_copy(ob, out_dst(cix), s_out)
        return carry
    lax.fori_loop(0, EG_STEPS // 2, step, 0)
    pltpu.make_async_copy(ob0, out_dst(0), so0).wait()
    pltpu.make_async_copy(ob1, out_dst(1), so1).wait()


_gather = pl.kernel(
    _gather_body,
    out_type=(jax.ShapeDtypeStruct((N_NODES_K, DIM_K), jnp.float32),
              jax.ShapeDtypeStruct((2, NGRP, 8, 128), jnp.float32)),
    mesh=_sc_mesh,
    compiler_params=pltpu.CompilerParams(use_tc_tiling_on_sc=False,
                                         needs_layout_passes=False),
    scratch_types=(
        [pltpu.VMEM((NG_WIN,), jnp.int32)]
        + [pltpu.VMEM((NG_CHUNK, DIM_K), jnp.float32) for _ in range(4)]
        + [pltpu.VMEM((8, EV_GPAD), jnp.float32),
           pltpu.VMEM((EG_CHUNK,), jnp.int32),
           pltpu.VMEM((EG_CHUNK,), jnp.int32),
           pltpu.VMEM((EG_GRP, 8, 128), jnp.float32),
           pltpu.VMEM((EG_GRP, 8, 128), jnp.float32)]
        + [pltpu.SemaphoreType.DMA for _ in range(12)]
    ),
)


def kernel(x, edge_index, edge_attr, node_table, edge_table,
           node_gamma, node_beta, edge_gamma, edge_beta):
    xi = x.astype(jnp.int32)
    eai = edge_attr.astype(jnp.int32)
    cn2 = _nhist(xi)
    cnt = cn2.reshape(2, NBLK, VBLK).transpose(1, 0, 2)
    ss = _nstats(cnt, node_table)
    ntab = _nnorm(ss, node_gamma.reshape(1, DIM_K),
                  node_beta.reshape(1, DIM_K), node_table)
    ce2 = _ehist(eai)
    ce_pad = jnp.pad(ce2.reshape(2, EV_K), ((0, 0), (0, EV_GPAD - EV_K)))
    et_t = jnp.pad(edge_table.T, ((0, 0), (0, EV_GPAD - EV_K)))
    etab_t = _enorm(ce_pad, edge_gamma.reshape(EDIM_K, 1),
                    edge_beta.reshape(EDIM_K, 1), et_t)
    h_node, he4 = _gather(ntab, xi, etab_t, eai)
    h_edge = he4.transpose(1, 3, 0, 2).reshape(N_EDGES_K, EDIM_K)
    return (h_node, edge_index, h_edge)

# --- scband reference (transcript-rebuilt; emitter-appended) ---
"""Pipeline reference for scband-feature-encoder-56908316672644 (READ-ONLY COPY).

The authoritative reference and input builder live on the scoring server;
editing this copy changes nothing except your own understanding.
"""

import jax, jax.numpy as jnp
import numpy as np

N_NODES = 100000
N_EDGES = 3200000
DIM_INNER = 128
EDGE_DIM = 16
NODE_VOCAB = 50000
EDGE_VOCAB = 5000
EPS = 1e-5


def setup_inputs(seed: int = 0) -> dict:
    key = jax.random.key(seed)
    ks = jax.random.split(key, 9)
    x = jax.random.randint(ks[0], (N_NODES,), 0, NODE_VOCAB)
    edge_index = jax.random.randint(ks[1], (2, N_EDGES), 0, N_NODES)
    edge_attr = jax.random.randint(ks[2], (N_EDGES,), 0, EDGE_VOCAB)
    node_table = jax.random.normal(ks[3], (NODE_VOCAB, DIM_INNER), dtype=jnp.float32) * 0.02
    edge_table = jax.random.normal(ks[4], (EDGE_VOCAB, EDGE_DIM), dtype=jnp.float32) * 0.02
    node_gamma = jnp.ones((DIM_INNER,), dtype=jnp.float32)
    node_beta = jnp.zeros((DIM_INNER,), dtype=jnp.float32)
    edge_gamma = jnp.ones((EDGE_DIM,), dtype=jnp.float32)
    edge_beta = jnp.zeros((EDGE_DIM,), dtype=jnp.float32)
    return {
        "x": x,
        "edge_index": edge_index,
        "edge_attr": edge_attr,
        "node_table": node_table,
        "edge_table": edge_table,
        "node_gamma": node_gamma,
        "node_beta": node_beta,
        "edge_gamma": edge_gamma,
        "edge_beta": edge_beta,
    }


def _batchnorm(h, gamma, beta):
    mean = jnp.mean(h, axis=0, keepdims=True)
    var = jnp.var(h, axis=0, keepdims=True)
    return (h - mean) / jnp.sqrt(var + EPS) * gamma + beta


def reference(x, edge_index, edge_attr, node_table, edge_table, node_gamma, node_beta, edge_gamma, edge_beta):
    # node encoder: embedding lookup on integer node features
    h_node = jnp.take(node_table, x, axis=0)
    # node encoder batchnorm (BatchNorm1dNode, training-mode batch stats)
    h_node = _batchnorm(h_node, node_gamma, node_beta)
    # edge encoder: embedding lookup on integer edge features
    h_edge = jnp.take(edge_table, edge_attr, axis=0)
    # edge encoder batchnorm (BatchNorm1dEdge)
    h_edge = _batchnorm(h_edge, edge_gamma, edge_beta)
    return (h_node, edge_index, h_edge)

if __name__ == "__main__":
    import jax
    _d = setup_inputs()
    print(jax.jit(kernel)(*tuple(_d.values())))

</pallas_src>

<mosaic_0001>
#map = affine_map<(d0, d1) -> (0)>
module attributes {stable_mosaic.version = 14 : i64} {
  func.func @_ehist_body(%arg0: i32, %arg1: i32, %arg2: memref<3200000xi32, #tpu.memory_space<hbm>>, %arg3: memref<10000xf32, #tpu.memory_space<hbm>>, %arg4: memref<5120xf32, #tpu.memory_space<vmem>>, %arg5: memref<10000xi32, #tpu.memory_space<vmem>>, %arg6: memref<320xf32, #tpu.memory_space<vmem>>, %arg7: memref<320xf32, #tpu.memory_space<vmem>>, %arg8: memref<81920xf32, #tpu.memory_space<vmem_shared>>) attributes {dimension_semantics = [#tpu.dimension_semantics<core_parallel>, #tpu.dimension_semantics<subcore_parallel>], iteration_bounds = array<i64: 2, 16>, scalar_prefetch = 0 : i64, scratch_operands = 5 : i64, tpu.core_type = #tpu.core_type<sc_vector_subcore>, window_params = [{transform_indices = #map}, {transform_indices = #map}]} {
    %mul3A = arith.constant 16 : i32
    %mul3A_0 = arith.muli %arg0, %mul3A : i32
    %add3A = arith.addi %mul3A_0, %arg1 : i32
    %scan3A = arith.constant 0 : i32
    %scan3A_1 = arith.constant 0 : i32
    %scan3A_2 = arith.constant 320 : i32
    %scan3A_3 = arith.addi %scan3A_1, %scan3A_2 : i32
    %scan3A_4 = arith.constant 1 : i32
    scf.for %scan3A_36 = %scan3A_1 to %scan3A_3 step %scan3A_4  : i32 {
      %broadcast_in_dim3A_37 = arith.constant 0.000000e+00 : f32
      %broadcast_in_dim3A_38 = vector.broadcast %broadcast_in_dim3A_37 : f32 to vector<16xf32>
      %mul3A_39 = arith.constant 16 : i32
      %mul3A_40 = arith.muli %scan3A_36, %mul3A_39 : i32
      %swap3A = arith.index_cast %mul3A_40 : i32 to index
      %swap3A_41 = tpu.vector_load %arg4[%swap3A] {strides = array<i32>} : memref<5120xf32, #tpu.memory_space<vmem>>, vector<16xf32>,
      tpu.vector_store %arg4[%swap3A], %broadcast_in_dim3A_38 {strides = array<i32>} : memref<5120xf32, #tpu.memory_space<vmem>>, vector<16xf32>,
    }
    %scan3A_5 = arith.constant 320 : i32
    %mul3A_6 = arith.constant 100000 : i32
    %mul3A_7 = arith.muli %add3A, %mul3A_6 : i32
    %broadcast_in_dim3A = arith.constant 1.000000e+00 : f32
    %broadcast_in_dim3A_8 = vector.broadcast %broadcast_in_dim3A : f32 to vector<16xf32>
    %scan3A_9 = arith.constant 0 : i32
    %scan3A_10 = arith.constant 0 : i32
    %scan3A_11 = arith.constant 10 : i32
    %scan3A_12 = arith.addi %scan3A_10, %scan3A_11 : i32
    %scan3A_13 = arith.constant 1 : i32
    scf.for %scan3A_36 = %scan3A_10 to %scan3A_12 step %scan3A_13  : i32 {
      %mul3A_37 = arith.constant 10000 : i32
      %mul3A_38 = arith.muli %scan3A_36, %mul3A_37 : i32
      %add3A_39 = arith.addi %mul3A_7, %mul3A_38 : i32
      "tpu.region"() ({
        %run_scoped3A = tpu.sem_alloc : memref<!tpu.dma_semaphore, #tpu.memory_space<semaphore_mem>>
        %dma_start3A = tpu.memref_slice %arg2[%add3A_39] : memref<3200000xi32, #tpu.memory_space<hbm>> -> memref<10000xi32, #tpu.memory_space<hbm>>
        %dma_start3A_51 = tpu.memref_slice %arg2[%add3A_39] : memref<3200000xi32, #tpu.memory_space<hbm>> -> memref<10000xi32, #tpu.memory_space<hbm>>
        tpu.enqueue_dma source(%dma_start3A_51 : memref<10000xi32, #tpu.memory_space<hbm>>) target(%arg5 : memref<10000xi32, #tpu.memory_space<vmem>>) target_semaphore(%run_scoped3A : memref<!tpu.dma_semaphore, #tpu.memory_space<semaphore_mem>>)
        %dma_wait3A = tpu.memref_slice %arg2[%add3A_39] : memref<3200000xi32, #tpu.memory_space<hbm>> -> memref<10000xi32, #tpu.memory_space<hbm>>
        %dma_wait3A_52 = tpu.memref_slice %arg2[%add3A_39] : memref<3200000xi32, #tpu.memory_space<hbm>> -> memref<10000xi32, #tpu.memory_space<hbm>>
        tpu.wait_dma2 semaphore(%run_scoped3A : memref<!tpu.dma_semaphore, #tpu.memory_space<semaphore_mem>>) src(%dma_wait3A_52 : memref<10000xi32, #tpu.memory_space<hbm>>) dst(%arg5 : memref<10000xi32, #tpu.memory_space<vmem>>)
        tpu.yield
      }) : () -> ()
      %scan3A_40 = arith.constant 0 : i32
      %scan3A_41 = arith.constant 0 : i32
      %scan3A_42 = arith.constant 624 : i32
      %scan3A_43 = arith.addi %scan3A_41, %scan3A_42 : i32
      %scan3A_44 = arith.constant 4 : i32
      scf.for %scan3A_51 = %scan3A_41 to %scan3A_43 step %scan3A_44  : i32 {
        %mul3A_52 = arith.constant 16 : i32
        %mul3A_53 = arith.muli %scan3A_51, %mul3A_52 : i32
        %get3A_54 = arith.index_cast %mul3A_53 : i32 to index
        %get3A_55 = tpu.vector_load %arg5[%get3A_54] {strides = array<i32>} : memref<10000xi32, #tpu.memory_space<vmem>>, vector<16xi32>,
        tpu.vector_store_idx %arg4[%get3A_55], %broadcast_in_dim3A_8 {add = true} : memref<5120xf32, #tpu.memory_space<vmem>>[vector<16xi32>], vector<16xf32>,
        %scan3A_56 = arith.constant 1 : i32
        %scan3A_57 = arith.addi %scan3A_51, %scan3A_56 : i32
        %mul3A_58 = arith.constant 16 : i32
        %mul3A_59 = arith.muli %scan3A_57, %mul3A_58 : i32
        %get3A_60 = arith.index_cast %mul3A_59 : i32 to index
        %get3A_61 = tpu.vector_load %arg5[%get3A_60] {strides = array<i32>} : memref<10000xi32, #tpu.memory_space<vmem>>, vector<16xi32>,
        tpu.vector_store_idx %arg4[%get3A_61], %broadcast_in_dim3A_8 {add = true} : memref<5120xf32, #tpu.memory_space<vmem>>[vector<16xi32>], vector<16xf32>,
        %scan3A_62 = arith.constant 2 : i32
        %scan3A_63 = arith.addi %scan3A_51, %scan3A_62 : i32
        %mul3A_64 = arith.constant 16 : i32
        %mul3A_65 = arith.muli %scan3A_63, %mul3A_64 : i32
        %get3A_66 = arith.index_cast %mul3A_65 : i32 to index
        %get3A_67 = tpu.vector_load %arg5[%get3A_66] {strides = array<i32>} : memref<10000xi32, #tpu.memory_space<vmem>>, vector<16xi32>,
        tpu.vector_store_idx %arg4[%get3A_67], %broadcast_in_dim3A_8 {add = true} : memref<5120xf32, #tpu.memory_space<vmem>>[vector<16xi32>], vector<16xf32>,
        %scan3A_68 = arith.constant 3 : i32
        %scan3A_69 = arith.addi %scan3A_51, %scan3A_68 : i32
        %mul3A_70 = arith.constant 16 : i32
        %mul3A_71 = arith.muli %scan3A_69, %mul3A_70 : i32
        %get3A_72 = arith.index_cast %mul3A_71 : i32 to index
        %get3A_73 = tpu.vector_load %arg5[%get3A_72] {strides = array<i32>} : memref<10000xi32, #tpu.memory_space<vmem>>, vector<16xi32>,
        tpu.vector_store_idx %arg4[%get3A_73], %broadcast_in_dim3A_8 {add = true} : memref<5120xf32, #tpu.memory_space<vmem>>[vector<16xi32>], vector<16xf32>,
      }
      %scan3A_45 = arith.constant 624 : i32
      %scan3A_46 = arith.addi %scan3A_41, %scan3A_45 : i32
      %mul3A_47 = arith.constant 16 : i32
      %mul3A_48 = arith.muli %scan3A_46, %mul3A_47 : i32
      %get3A = arith.index_cast %mul3A_48 : i32 to index
      %get3A_49 = tpu.vector_load %arg5[%get3A] {strides = array<i32>} : memref<10000xi32, #tpu.memory_space<vmem>>, vector<16xi32>,
      tpu.vector_store_idx %arg4[%get3A_49], %broadcast_in_dim3A_8 {add = true} : memref<5120xf32, #tpu.memory_space<vmem>>[vector<16xi32>], vector<16xf32>,
      %scan3A_50 = arith.constant 625 : i32
    }
    %scan3A_14 = arith.constant 10 : i32
    %mul3A_15 = arith.constant 5120 : i32
    %mul3A_16 = arith.muli %arg1, %mul3A_15 : i32
    %multiple_of3A = tpu.assume_multiple %mul3A_16, 8 : i32
    "tpu.region"() ({
      %run_scoped3A = tpu.sem_alloc : memref<!tpu.dma_semaphore, #tpu.memory_space<semaphore_mem>>
      %dma_start3A = tpu.memref_slice %arg8[%multiple_of3A] : memref<81920xf32, #tpu.memory_space<vmem_shared>> -> memref<5120xf32, #tpu.memory_space<vmem_shared>>
      %dma_start3A_36 = tpu.memref_slice %arg8[%multiple_of3A] : memref<81920xf32, #tpu.memory_space<vmem_shared>> -> memref<5120xf32, #tpu.memory_space<vmem_shared>>
      tpu.enqueue_dma source(%arg4 : memref<5120xf32, #tpu.memory_space<vmem>>) target(%dma_start3A_36 : memref<5120xf32, #tpu.memory_space<vmem_shared>>) target_semaphore(%run_scoped3A : memref<!tpu.dma_semaphore, #tpu.memory_space<semaphore_mem>>)
      %dma_wait3A = tpu.memref_slice %arg8[%multiple_of3A] : memref<81920xf32, #tpu.memory_space<vmem_shared>> -> memref<5120xf32, #tpu.memory_space<vmem_shared>>
      %dma_wait3A_37 = tpu.memref_slice %arg8[%multiple_of3A] : memref<81920xf32, #tpu.memory_space<vmem_shared>> -> memref<5120xf32, #tpu.memory_space<vmem_shared>>
      tpu.wait_dma2 semaphore(%run_scoped3A : memref<!tpu.dma_semaphore, #tpu.memory_space<semaphore_mem>>) src(%arg4 : memref<5120xf32, #tpu.memory_space<vmem>>) dst(%dma_wait3A_37 : memref<5120xf32, #tpu.memory_space<vmem_shared>>)
      tpu.yield
    }) : () -> ()
    %barrier3A = arith.constant 0 : index
    tpu.barrier barrier_id(%barrier3A)
    %mul3A_17 = arith.constant 320 : i32
    %mul3A_18 = arith.muli %arg1, %mul3A_17 : i32
    %min3A = arith.constant 4680 : i32
    %min3A_19 = arith.minsi %mul3A_18, %min3A : i32
    %multiple_of3A_20 = tpu.assume_multiple %min3A_19, 8 : i32
    %scan3A_21 = arith.constant 0 : i32
    %scan3A_22 = arith.constant 0 : i32
    %scan3A_23 = arith.constant 20 : i32
    %scan3A_24 = arith.addi %scan3A_22, %scan3A_23 : i32
    %scan3A_25 = arith.constant 1 : i32
    scf.for %scan3A_36 = %scan3A_22 to %scan3A_24 step %scan3A_25  : i32 {
      %broadcast_in_dim3A_37 = arith.constant 0.000000e+00 : f32
      %broadcast_in_dim3A_38 = vector.broadcast %broadcast_in_dim3A_37 : f32 to vector<16xf32>
      %mul3A_39 = arith.constant 16 : i32
      %mul3A_40 = arith.muli %scan3A_36, %mul3A_39 : i32
      %swap3A = arith.index_cast %mul3A_40 : i32 to index
      %swap3A_41 = tpu.vector_load %arg6[%swap3A] {strides = array<i32>} : memref<320xf32, #tpu.memory_space<vmem>>, vector<16xf32>,
      tpu.vector_store %arg6[%swap3A], %broadcast_in_dim3A_38 {strides = array<i32>} : memref<320xf32, #tpu.memory_space<vmem>>, vector<16xf32>,
    }
    %scan3A_26 = arith.constant 20 : i32
    %scan3A_27 = arith.constant 0 : i32
    %scan3A_28 = arith.constant 0 : i32
    %scan3A_29 = arith.constant 16 : i32
    %scan3A_30 = arith.addi %scan3A_28, %scan3A_29 : i32
    %scan3A_31 = arith.constant 1 : i32
    scf.for %scan3A_36 = %scan3A_28 to %scan3A_30 step %scan3A_31  : i32 {
      %mul3A_37 = arith.constant 5120 : i32
      %mul3A_38 = arith.muli %scan3A_36, %mul3A_37 : i32
      %add3A_39 = arith.addi %mul3A_38, %multiple_of3A_20 : i32
      %multiple_of3A_40 = tpu.assume_multiple %add3A_39, 8 : i32
      "tpu.region"() ({
        %run_scoped3A = tpu.sem_alloc : memref<!tpu.dma_semaphore, #tpu.memory_space<semaphore_mem>>
        %dma_start3A = tpu.memref_slice %arg8[%multiple_of3A_40] : memref<81920xf32, #tpu.memory_space<vmem_shared>> -> memref<320xf32, #tpu.memory_space<vmem_shared>>
        %dma_start3A_47 = tpu.memref_slice %arg8[%multiple_of3A_40] : memref<81920xf32, #tpu.memory_space<vmem_shared>> -> memref<320xf32, #tpu.memory_space<vmem_shared>>
        tpu.enqueue_dma source(%dma_start3A_47 : memref<320xf32, #tpu.memory_space<vmem_shared>>) target(%arg7 : memref<320xf32, #tpu.memory_space<vmem>>) target_semaphore(%run_scoped3A : memref<!tpu.dma_semaphore, #tpu.memory_space<semaphore_mem>>)
        %dma_wait3A = tpu.memref_slice %arg8[%multiple_of3A_40] : memref<81920xf32, #tpu.memory_space<vmem_shared>> -> memref<320xf32, #tpu.memory_space<vmem_shared>>
        %dma_wait3A_48 = tpu.memref_slice %arg8[%multiple_of3A_40] : memref<81920xf32, #tpu.memory_space<vmem_shared>> -> memref<320xf32, #tpu.memory_space<vmem_shared>>
        tpu.wait_dma2 semaphore(%run_scoped3A : memref<!tpu.dma_semaphore, #tpu.memory_space<semaphore_mem>>) src(%dma_wait3A_48 : memref<320xf32, #tpu.memory_space<vmem_shared>>) dst(%arg7 : memref<320xf32, #tpu.memory_space<vmem>>)
        tpu.yield
      }) : () -> ()
      %scan3A_41 = arith.constant 0 : i32
      %scan3A_42 = arith.constant 0 : i32
      %scan3A_43 = arith.constant 20 : i32
      %scan3A_44 = arith.addi %scan3A_42, %scan3A_43 : i32
      %scan3A_45 = arith.constant 1 : i32
      scf.for %scan3A_47 = %scan3A_42 to %scan3A_44 step %scan3A_45  : i32 {
        %mul3A_48 = arith.constant 16 : i32
        %mul3A_49 = arith.muli %scan3A_47, %mul3A_48 : i32
        %get3A = arith.index_cast %mul3A_49 : i32 to index
        %get3A_50 = tpu.vector_load %arg6[%get3A] {strides = array<i32>} : memref<320xf32, #tpu.memory_space<vmem>>, vector<16xf32>,
        %mul3A_51 = arith.constant 16 : i32
        %mul3A_52 = arith.muli %scan3A_47, %mul3A_51 : i32
        %get3A_53 = arith.index_cast %mul3A_52 : i32 to index
        %get3A_54 = tpu.vector_load %arg7[%get3A_53] {strides = array<i32>} : memref<320xf32, #tpu.memory_space<vmem>>, vector<16xf32>,
        %add3A_55 = arith.addf %get3A_50, %get3A_54 : vector<16xf32>
        %mul3A_56 = arith.constant 16 : i32
        %mul3A_57 = arith.muli %scan3A_47, %mul3A_56 : i32
        %swap3A = arith.index_cast %mul3A_57 : i32 to index
        %swap3A_58 = tpu.vector_load %arg6[%swap3A] {strides = array<i32>} : memref<320xf32, #tpu.memory_space<vmem>>, vector<16xf32>,
        tpu.vector_store %arg6[%swap3A], %add3A_55 {strides = array<i32>} : memref<320xf32, #tpu.memory_space<vmem>>, vector<16xf32>,
      }
      %scan3A_46 = arith.constant 20 : i32
    }
    %scan3A_32 = arith.constant 16 : i32
    %mul3A_33 = arith.constant 5000 : i32
    %mul3A_34 = arith.muli %arg0, %mul3A_33 : i32
    %add3A_35 = arith.addi %mul3A_34, %multiple_of3A_20 : i32
    "tpu.region"() ({
      %run_scoped3A = tpu.sem_alloc : memref<!tpu.dma_semaphore, #tpu.memory_space<semaphore_mem>>
      %dma_start3A = tpu.memref_slice %arg3[%add3A_35] : memref<10000xf32, #tpu.memory_space<hbm>> -> memref<320xf32, #tpu.memory_space<hbm>>
      %dma_start3A_36 = tpu.memref_slice %arg3[%add3A_35] : memref<10000xf32, #tpu.memory_space<hbm>> -> memref<320xf32, #tpu.memory_space<hbm>>
      tpu.enqueue_dma source(%arg6 : memref<320xf32, #tpu.memory_space<vmem>>) target(%dma_start3A_36 : memref<320xf32, #tpu.memory_space<hbm>>) target_semaphore(%run_scoped3A : memref<!tpu.dma_semaphore, #tpu.memory_space<semaphore_mem>>)
      %dma_wait3A = tpu.memref_slice %arg3[%add3A_35] : memref<10000xf32, #tpu.memory_space<hbm>> -> memref<320xf32, #tpu.memory_space<hbm>>
      %dma_wait3A_37 = tpu.memref_slice %arg3[%add3A_35] : memref<10000xf32, #tpu.memory_space<hbm>> -> memref<320xf32, #tpu.memory_space<hbm>>
      tpu.wait_dma2 semaphore(%run_scoped3A : memref<!tpu.dma_semaphore, #tpu.memory_space<semaphore_mem>>) src(%arg6 : memref<320xf32, #tpu.memory_space<vmem>>) dst(%dma_wait3A_37 : memref<320xf32, #tpu.memory_space<hbm>>)
      tpu.yield
    }) : () -> ()
    return
  }
}

#map = affine_map<(d0, d1) -> (0)>
module attributes {stable_mosaic.version = 14 : i64} {
  func.func @_nhist_body(%arg0: i32, %arg1: i32, %arg2: memref<100000xi32, #tpu.memory_space<hbm>>, %arg3: memref<100000xf32, #tpu.memory_space<hbm>>, %arg4: memref<3136xi32, #tpu.memory_space<vmem>>, %arg5: memref<3136xf32, #tpu.memory_space<vmem>>, %arg6: memref<3136xf32, #tpu.memory_space<vmem>>, %arg7: memref<50176xf32, #tpu.memory_space<vmem_shared>>) attributes {dimension_semantics = [#tpu.dimension_semantics<core_parallel>, #tpu.dimension_semantics<subcore_parallel>], iteration_bounds = array<i64: 2, 16>, scalar_prefetch = 0 : i64, scratch_operands = 4 : i64, tpu.core_type = #tpu.core_type<sc_vector_subcore>, window_params = [{transform_indices = #map}, {transform_indices = #map}]} {
    %mul3A = arith.constant 16 : i32
    %mul3A_0 = arith.muli %arg0, %mul3A : i32
    %add3A = arith.addi %mul3A_0, %arg1 : i32
    %scan3A = arith.constant 0 : i32
    %scan3A_1 = arith.constant 0 : i32
    %scan3A_2 = arith.constant 196 : i32
    %scan3A_3 = arith.addi %scan3A_1, %scan3A_2 : i32
    %scan3A_4 = arith.constant 1 : i32
    scf.for %scan3A_32 = %scan3A_1 to %scan3A_3 step %scan3A_4  : i32 {
      %broadcast_in_dim3A = arith.constant 0.000000e+00 : f32
      %broadcast_in_dim3A_33 = vector.broadcast %broadcast_in_dim3A : f32 to vector<16xf32>
      %mul3A_34 = arith.constant 16 : i32
      %mul3A_35 = arith.muli %scan3A_32, %mul3A_34 : i32
      %swap3A = arith.index_cast %mul3A_35 : i32 to index
      %swap3A_36 = tpu.vector_load %arg6[%swap3A] {strides = array<i32>} : memref<3136xf32, #tpu.memory_space<vmem>>, vector<16xf32>,
      tpu.vector_store %arg6[%swap3A], %broadcast_in_dim3A_33 {strides = array<i32>} : memref<3136xf32, #tpu.memory_space<vmem>>, vector<16xf32>,
    }
    %scan3A_5 = arith.constant 196 : i32
    %mul3A_6 = arith.constant 3136 : i32
    %mul3A_7 = arith.muli %arg1, %mul3A_6 : i32
    "tpu.region"() ({
      %run_scoped3A = tpu.sem_alloc : memref<!tpu.dma_semaphore, #tpu.memory_space<semaphore_mem>>
      %dma_start3A = tpu.memref_slice %arg7[%mul3A_7] : memref<50176xf32, #tpu.memory_space<vmem_shared>> -> memref<3136xf32, #tpu.memory_space<vmem_shared>>
      %dma_start3A_32 = tpu.memref_slice %arg7[%mul3A_7] : memref<50176xf32, #tpu.memory_space<vmem_shared>> -> memref<3136xf32, #tpu.memory_space<vmem_shared>>
      tpu.enqueue_dma source(%arg6 : memref<3136xf32, #tpu.memory_space<vmem>>) target(%dma_start3A_32 : memref<3136xf32, #tpu.memory_space<vmem_shared>>) target_semaphore(%run_scoped3A : memref<!tpu.dma_semaphore, #tpu.memory_space<semaphore_mem>>)
      %dma_wait3A = tpu.memref_slice %arg7[%mul3A_7] : memref<50176xf32, #tpu.memory_space<vmem_shared>> -> memref<3136xf32, #tpu.memory_space<vmem_shared>>
      %dma_wait3A_33 = tpu.memref_slice %arg7[%mul3A_7] : memref<50176xf32, #tpu.memory_space<vmem_shared>> -> memref<3136xf32, #tpu.memory_space<vmem_shared>>
      tpu.wait_dma2 semaphore(%run_scoped3A : memref<!tpu.dma_semaphore, #tpu.memory_space<semaphore_mem>>) src(%arg6 : memref<3136xf32, #tpu.memory_space<vmem>>) dst(%dma_wait3A_33 : memref<3136xf32, #tpu.memory_space<vmem_shared>>)
      tpu.yield
    }) : () -> ()
    %mul3A_8 = arith.constant 3125 : i32
    %mul3A_9 = arith.muli %add3A, %mul3A_8 : i32
    %rem3A = arith.constant 8 : i32
    %rem3A_10 = arith.remsi %mul3A_9, %rem3A : i32
    %sub3A = arith.subi %mul3A_9, %rem3A_10 : i32
    %min3A = arith.constant 96864 : i32
    %min3A_11 = arith.minsi %sub3A, %min3A : i32
    %multiple_of3A = tpu.assume_multiple %min3A_11, 8 : i32
    "tpu.region"() ({
      %run_scoped3A = tpu.sem_alloc : memref<!tpu.dma_semaphore, #tpu.memory_space<semaphore_mem>>
      %dma_start3A = tpu.memref_slice %arg2[%multiple_of3A] : memref<100000xi32, #tpu.memory_space<hbm>> -> memref<3136xi32, #tpu.memory_space<hbm>>
      %dma_start3A_32 = tpu.memref_slice %arg2[%multiple_of3A] : memref<100000xi32, #tpu.memory_space<hbm>> -> memref<3136xi32, #tpu.memory_space<hbm>>
      tpu.enqueue_dma source(%dma_start3A_32 : memref<3136xi32, #tpu.memory_space<hbm>>) target(%arg4 : memref<3136xi32, #tpu.memory_space<vmem>>) target_semaphore(%run_scoped3A : memref<!tpu.dma_semaphore, #tpu.memory_space<semaphore_mem>>)
      %dma_wait3A = tpu.memref_slice %arg2[%multiple_of3A] : memref<100000xi32, #tpu.memory_space<hbm>> -> memref<3136xi32, #tpu.memory_space<hbm>>
      %dma_wait3A_33 = tpu.memref_slice %arg2[%multiple_of3A] : memref<100000xi32, #tpu.memory_space<hbm>> -> memref<3136xi32, #tpu.memory_space<hbm>>
      tpu.wait_dma2 semaphore(%run_scoped3A : memref<!tpu.dma_semaphore, #tpu.memory_space<semaphore_mem>>) src(%dma_wait3A_33 : memref<3136xi32, #tpu.memory_space<hbm>>) dst(%arg4 : memref<3136xi32, #tpu.memory_space<vmem>>)
      tpu.yield
    }) : () -> ()
    %add3A_12 = arith.constant 3125 : i32
    %add3A_13 = arith.addi %mul3A_9, %add3A_12 : i32
    %iota3A = tpu.iota {dimensions = array<i32: 0>} : vector<16xi32>
    %scan3A_14 = arith.constant 0 : i32
    %scan3A_15 = arith.constant 0 : i32
    %scan3A_16 = arith.constant 196 : i32
    %scan3A_17 = arith.addi %scan3A_15, %scan3A_16 : i32
    %scan3A_18 = arith.constant 1 : i32
    scf.for %scan3A_32 = %scan3A_15 to %scan3A_17 step %scan3A_18  : i32 {
      %mul3A_33 = arith.constant 16 : i32
      %mul3A_34 = arith.muli %scan3A_32, %mul3A_33 : i32
      %add3A_35 = arith.addi %multiple_of3A, %mul3A_34 : i32
      %add3A_36 = vector.broadcast %add3A_35 : i32 to vector<16xi32>
      %add3A_37 = arith.addi %add3A_36, %iota3A : vector<16xi32>
      %ge3A = vector.broadcast %mul3A_9 : i32 to vector<16xi32>
      %ge3A_38 = arith.cmpi sge, %add3A_37, %ge3A : vector<16xi32>
      %lt3A = vector.broadcast %add3A_13 : i32 to vector<16xi32>
      %lt3A_39 = arith.cmpi slt, %add3A_37, %lt3A : vector<16xi32>
      %and3A = arith.andi %ge3A_38, %lt3A_39 : vector<16xi1>
      %jit3A = arith.constant 1.000000e+00 : f32
      %jit3A_40 = arith.constant 0.000000e+00 : f32
      %broadcast_in_dim3A = vector.broadcast %jit3A : f32 to vector<16xf32>
      %broadcast_in_dim3A_41 = vector.broadcast %jit3A_40 : f32 to vector<16xf32>
      %select_n3A = arith.select %and3A, %broadcast_in_dim3A, %broadcast_in_dim3A_41 : vector<16xi1>, vector<16xf32>
      %mul3A_42 = arith.constant 16 : i32
      %mul3A_43 = arith.muli %scan3A_32, %mul3A_42 : i32
      %swap3A = arith.index_cast %mul3A_43 : i32 to index
      %swap3A_44 = tpu.vector_load %arg5[%swap3A] {strides = array<i32>} : memref<3136xf32, #tpu.memory_space<vmem>>, vector<16xf32>,
      tpu.vector_store %arg5[%swap3A], %select_n3A {strides = array<i32>} : memref<3136xf32, #tpu.memory_space<vmem>>, vector<16xf32>,
    }
    %scan3A_19 = arith.constant 196 : i32
    %barrier3A = arith.constant 0 : index
    tpu.barrier barrier_id(%barrier3A)
    "tpu.region"() ({
      %run_scoped3A = tpu.sem_alloc : memref<!tpu.dma_semaphore, #tpu.memory_space<semaphore_mem>>
      %dma_start3A = arith.constant 0 : i32
      %dma_start3A_32 = tpu.memref_slice %arg7[%dma_start3A] : memref<50176xf32, #tpu.memory_space<vmem_shared>> -> memref<50176xf32, #tpu.memory_space<vmem_shared>>
      tpu.enqueue_indirect_dma source(%arg5 : memref<3136xf32, #tpu.memory_space<vmem>>) target(%dma_start3A_32 : memref<50176xf32, #tpu.memory_space<vmem_shared>>) offsets(%arg4 : memref<3136xi32, #tpu.memory_space<vmem>>) semaphore(%run_scoped3A : memref<!tpu.dma_semaphore, #tpu.memory_space<semaphore_mem>>) {add = true}
      %dma_wait3A = arith.constant 0 : i32
      %dma_wait3A_33 = tpu.memref_slice %arg7[%dma_wait3A] : memref<50176xf32, #tpu.memory_space<vmem_shared>> -> memref<50176xf32, #tpu.memory_space<vmem_shared>>
      tpu.wait_indirect_dma semaphore(%run_scoped3A : memref<!tpu.dma_semaphore, #tpu.memory_space<semaphore_mem>>) src(%arg5 : memref<3136xf32, #tpu.memory_space<vmem>>) dst(%dma_wait3A_33 : memref<50176xf32, #tpu.memory_space<vmem_shared>>)
      tpu.yield
    }) : () -> ()
    %barrier3A_20 = arith.constant 0 : index
    tpu.barrier barrier_id(%barrier3A_20)
    %mul3A_21 = arith.constant 3125 : i32
    %mul3A_22 = arith.muli %arg1, %mul3A_21 : i32
    %rem3A_23 = arith.constant 8 : i32
    %rem3A_24 = arith.remsi %mul3A_22, %rem3A_23 : i32
    %sub3A_25 = arith.subi %mul3A_22, %rem3A_24 : i32
    %min3A_26 = arith.constant 46864 : i32
    %min3A_27 = arith.minsi %sub3A_25, %min3A_26 : i32
    %multiple_of3A_28 = tpu.assume_multiple %min3A_27, 8 : i32
    "tpu.region"() ({
      %run_scoped3A = tpu.sem_alloc : memref<!tpu.dma_semaphore, #tpu.memory_space<semaphore_mem>>
      %dma_start3A = tpu.memref_slice %arg7[%multiple_of3A_28] : memref<50176xf32, #tpu.memory_space<vmem_shared>> -> memref<3136xf32, #tpu.memory_space<vmem_shared>>
      %dma_start3A_32 = tpu.memref_slice %arg7[%multiple_of3A_28] : memref<50176xf32, #tpu.memory_space<vmem_shared>> -> memref<3136xf32, #tpu.memory_space<vmem_shared>>
      tpu.enqueue_dma source(%dma_start3A_32 : memref<3136xf32, #tpu.memory_space<vmem_shared>>) target(%arg6 : memref<3136xf32, #tpu.memory_space<vmem>>) target_semaphore(%run_scoped3A : memref<!tpu.dma_semaphore, #tpu.memory_space<semaphore_mem>>)
      %dma_wait3A = tpu.memref_slice %arg7[%multiple_of3A_28] : memref<50176xf32, #tpu.memory_space<vmem_shared>> -> memref<3136xf32, #tpu.memory_space<vmem_shared>>
      %dma_wait3A_33 = tpu.memref_slice %arg7[%multiple_of3A_28] : memref<50176xf32, #tpu.memory_space<vmem_shared>> -> memref<3136xf32, #tpu.memory_space<vmem_shared>>
      tpu.wait_dma2 semaphore(%run_scoped3A : memref<!tpu.dma_semaphore, #tpu.memory_space<semaphore_mem>>) src(%dma_wait3A_33 : memref<3136xf32, #tpu.memory_space<vmem_shared>>) dst(%arg6 : memref<3136xf32, #tpu.memory_space<vmem>>)
      tpu.yield
    }) : () -> ()
    %mul3A_29 = arith.constant 50000 : i32
    %mul3A_30 = arith.muli %arg0, %mul3A_29 : i32
    %add3A_31 = arith.addi %mul3A_30, %multiple_of3A_28 : i32
    "tpu.region"() ({
      %run_scoped3A = tpu.sem_alloc : memref<!tpu.dma_semaphore, #tpu.memory_space<semaphore_mem>>
      %dma_start3A = tpu.memref_slice %arg3[%add3A_31] : memref<100000xf32, #tpu.memory_space<hbm>> -> memref<3136xf32, #tpu.memory_space<hbm>>
      %dma_start3A_32 = tpu.memref_slice %arg3[%add3A_31] : memref<100000xf32, #tpu.memory_space<hbm>> -> memref<3136xf32, #tpu.memory_space<hbm>>
      tpu.enqueue_dma source(%arg6 : memref<3136xf32, #tpu.memory_space<vmem>>) target(%dma_start3A_32 : memref<3136xf32, #tpu.memory_space<hbm>>) target_semaphore(%run_scoped3A : memref<!tpu.dma_semaphore, #tpu.memory_space<semaphore_mem>>)
      %dma_wait3A = tpu.memref_slice %arg3[%add3A_31] : memref<100000xf32, #tpu.memory_space<hbm>> -> memref<3136xf32, #tpu.memory_space<hbm>>
      %dma_wait3A_33 = tpu.memref_slice %arg3[%add3A_31] : memref<100000xf32, #tpu.memory_space<hbm>> -> memref<3136xf32, #tpu.memory_space<hbm>>
      tpu.wait_dma2 semaphore(%run_scoped3A : memref<!tpu.dma_semaphore, #tpu.memory_space<semaphore_mem>>) src(%arg6 : memref<3136xf32, #tpu.memory_space<vmem>>) dst(%dma_wait3A_33 : memref<3136xf32, #tpu.memory_space<hbm>>)
      tpu.yield
    }) : () -> ()
    return
  }
}

#map = affine_map<(d0, d1) -> (0, 0)>
#map1 = affine_map<(d0, d1) -> (0)>
#map2 = affine_map<(d0, d1) -> (0, 0, 0, 0)>
module attributes {stable_mosaic.version = 14 : i64} {
  func.func @_gather_body(%arg0: i32, %arg1: i32, %arg2: memref<50000x128xf32, #tpu.memory_space<hbm>>, %arg3: memref<100000xi32, #tpu.memory_space<hbm>>, %arg4: memref<16x5120xf32, #tpu.memory_space<hbm>>, %arg5: memref<3200000xi32, #tpu.memory_space<hbm>>, %arg6: memref<100000x128xf32, #tpu.memory_space<hbm>>, %arg7: memref<2x25000x8x128xf32, #tpu.memory_space<hbm>>, %arg8: memref<3136xi32, #tpu.memory_space<vmem>>, %arg9: memref<56x128xf32, #tpu.memory_space<vmem>>, %arg10: memref<56x128xf32, #tpu.memory_space<vmem>>, %arg11: memref<56x128xf32, #tpu.memory_space<vmem>>, %arg12: memref<56x128xf32, #tpu.memory_space<vmem>>, %arg13: memref<8x5120xf32, #tpu.memory_space<vmem>>, %arg14: memref<2048xi32, #tpu.memory_space<vmem>>, %arg15: memref<2048xi32, #tpu.memory_space<vmem>>, %arg16: memref<16x8x128xf32, #tpu.memory_space<vmem>>, %arg17: memref<16x8x128xf32, #tpu.memory_space<vmem>>, %arg18: memref<!tpu.dma_semaphore, #tpu.memory_space<semaphore_mem>>, %arg19: memref<!tpu.dma_semaphore, #tpu.memory_space<semaphore_mem>>, %arg20: memref<!tpu.dma_semaphore, #tpu.memory_space<semaphore_mem>>, %arg21: memref<!tpu.dma_semaphore, #tpu.memory_space<semaphore_mem>>, %arg22: memref<!tpu.dma_semaphore, #tpu.memory_space<semaphore_mem>>, %arg23: memref<!tpu.dma_semaphore, #tpu.memory_space<semaphore_mem>>, %arg24: memref<!tpu.dma_semaphore, #tpu.memory_space<semaphore_mem>>, %arg25: memref<!tpu.dma_semaphore, #tpu.memory_space<semaphore_mem>>, %arg26: memref<!tpu.dma_semaphore, #tpu.memory_space<semaphore_mem>>, %arg27: memref<!tpu.dma_semaphore, #tpu.memory_space<semaphore_mem>>, %arg28: memref<!tpu.dma_semaphore, #tpu.memory_space<semaphore_mem>>, %arg29: memref<!tpu.dma_semaphore, #tpu.memory_space<semaphore_mem>>) attributes {dimension_semantics = [#tpu.dimension_semantics<core_parallel>, #tpu.dimension_semantics<subcore_parallel>], iteration_bounds = array<i64: 2, 16>, scalar_prefetch = 0 : i64, scratch_operands = 22 : i64, tpu.core_type = #tpu.core_type<sc_vector_subcore>, window_params = [{transform_indices = #map}, {transform_indices = #map1}, {transform_indices = #map}, {transform_indices = #map1}, {transform_indices = #map}, {transform_indices = #map2}]} {
    %mul3A = arith.constant 2 : i32
    %mul3A_0 = arith.muli %arg1, %mul3A : i32
    %add3A = arith.addi %mul3A_0, %arg0 : i32
    %mul3A_1 = arith.constant 3125 : i32
    %mul3A_2 = arith.muli %add3A, %mul3A_1 : i32
    %rem3A = arith.constant 8 : i32
    %rem3A_3 = arith.remsi %mul3A_2, %rem3A : i32
    %sub3A = arith.subi %mul3A_2, %rem3A_3 : i32
    %min3A = arith.constant 96864 : i32
    %min3A_4 = arith.minsi %sub3A, %min3A : i32
    %multiple_of3A = tpu.assume_multiple %min3A_4, 8 : i32
    "tpu.region"() ({
      %run_scoped3A = tpu.sem_alloc : memref<!tpu.dma_semaphore, #tpu.memory_space<semaphore_mem>>
      %dma_start3A_82 = tpu.memref_slice %arg3[%multiple_of3A] : memref<100000xi32, #tpu.memory_space<hbm>> -> memref<3136xi32, #tpu.memory_space<hbm>>
      %dma_start3A_83 = tpu.memref_slice %arg3[%multiple_of3A] : memref<100000xi32, #tpu.memory_space<hbm>> -> memref<3136xi32, #tpu.memory_space<hbm>>
      tpu.enqueue_dma source(%dma_start3A_83 : memref<3136xi32, #tpu.memory_space<hbm>>) target(%arg8 : memref<3136xi32, #tpu.memory_space<vmem>>) target_semaphore(%run_scoped3A : memref<!tpu.dma_semaphore, #tpu.memory_space<semaphore_mem>>)
      %dma_wait3A_84 = tpu.memref_slice %arg3[%multiple_of3A] : memref<100000xi32, #tpu.memory_space<hbm>> -> memref<3136xi32, #tpu.memory_space<hbm>>
      %dma_wait3A_85 = tpu.memref_slice %arg3[%multiple_of3A] : memref<100000xi32, #tpu.memory_space<hbm>> -> memref<3136xi32, #tpu.memory_space<hbm>>
      tpu.wait_dma2 semaphore(%run_scoped3A : memref<!tpu.dma_semaphore, #tpu.memory_space<semaphore_mem>>) src(%dma_wait3A_85 : memref<3136xi32, #tpu.memory_space<hbm>>) dst(%arg8 : memref<3136xi32, #tpu.memory_space<vmem>>)
      tpu.yield
    }) : () -> ()
    %multiple_of3A_5 = arith.constant 0 : i32
    %multiple_of3A_6 = tpu.assume_multiple %multiple_of3A_5, 8 : i32
    %dma_start3A = tpu.memref_slice %arg8[%multiple_of3A_6] : memref<3136xi32, #tpu.memory_space<vmem>> -> memref<56xi32, #tpu.memory_space<vmem>>
    %dma_start3A_7 = arith.constant 0 : i32
    %dma_start3A_8 = arith.constant 0 : i32
    %dma_start3A_9 = tpu.memref_slice %arg2[%dma_start3A_7, %dma_start3A_8] : memref<50000x128xf32, #tpu.memory_space<hbm>> -> memref<50000x128xf32, #tpu.memory_space<hbm>>
    tpu.enqueue_indirect_dma source(%dma_start3A_9 : memref<50000x128xf32, #tpu.memory_space<hbm>>) target(%arg9 : memref<56x128xf32, #tpu.memory_space<vmem>>) offsets(%dma_start3A : memref<56xi32, #tpu.memory_space<vmem>>) semaphore(%arg18 : memref<!tpu.dma_semaphore, #tpu.memory_space<semaphore_mem>>)
    %multiple_of3A_10 = arith.constant 56 : i32
    %multiple_of3A_11 = tpu.assume_multiple %multiple_of3A_10, 8 : i32
    %dma_start3A_12 = tpu.memref_slice %arg8[%multiple_of3A_11] : memref<3136xi32, #tpu.memory_space<vmem>> -> memref<56xi32, #tpu.memory_space<vmem>>
    %dma_start3A_13 = arith.constant 0 : i32
    %dma_start3A_14 = arith.constant 0 : i32
    %dma_start3A_15 = tpu.memref_slice %arg2[%dma_start3A_13, %dma_start3A_14] : memref<50000x128xf32, #tpu.memory_space<hbm>> -> memref<50000x128xf32, #tpu.memory_space<hbm>>
    tpu.enqueue_indirect_dma source(%dma_start3A_15 : memref<50000x128xf32, #tpu.memory_space<hbm>>) target(%arg10 : memref<56x128xf32, #tpu.memory_space<vmem>>) offsets(%dma_start3A_12 : memref<56xi32, #tpu.memory_space<vmem>>) semaphore(%arg19 : memref<!tpu.dma_semaphore, #tpu.memory_space<semaphore_mem>>)
    %scan3A = arith.constant 0 : i32
    %scan3A_16 = arith.constant 0 : i32
    %scan3A_17 = arith.constant 14 : i32
    %scan3A_18 = arith.addi %scan3A_16, %scan3A_17 : i32
    %scan3A_19 = arith.constant 1 : i32
    scf.for %scan3A_82 = %scan3A_16 to %scan3A_18 step %scan3A_19  : i32 {
      %mul3A_83 = arith.constant 4 : i32
      %mul3A_84 = arith.muli %mul3A_83, %scan3A_82 : i32
      %add3A_85 = arith.constant 0 : i32
      %add3A_86 = arith.addi %mul3A_84, %add3A_85 : i32
      %dma_wait3A_87 = arith.constant 0 : i32
      %dma_wait3A_88 = tpu.memref_slice %arg8[%dma_wait3A_87] : memref<3136xi32, #tpu.memory_space<vmem>> -> memref<56xi32, #tpu.memory_space<vmem>>
      %dma_wait3A_89 = arith.constant 0 : i32
      %dma_wait3A_90 = arith.constant 0 : i32
      %dma_wait3A_91 = tpu.memref_slice %arg2[%dma_wait3A_89, %dma_wait3A_90] : memref<50000x128xf32, #tpu.memory_space<hbm>> -> memref<50000x128xf32, #tpu.memory_space<hbm>>
      tpu.wait_indirect_dma semaphore(%arg18 : memref<!tpu.dma_semaphore, #tpu.memory_space<semaphore_mem>>) src(%dma_wait3A_91 : memref<50000x128xf32, #tpu.memory_space<hbm>>) dst(%arg9 : memref<56x128xf32, #tpu.memory_space<vmem>>)
      %mul3A_92 = arith.constant 56 : i32
      %mul3A_93 = arith.muli %add3A_86, %mul3A_92 : i32
      %multiple_of3A_94 = tpu.assume_multiple %mul3A_93, 8 : i32
      %add3A_95 = arith.addi %multiple_of3A, %multiple_of3A_94 : i32
      %dma_start3A_96 = arith.constant 0 : i32
      %dma_start3A_97 = tpu.memref_slice %arg6[%add3A_95, %dma_start3A_96] : memref<100000x128xf32, #tpu.memory_space<hbm>> -> memref<56x128xf32, #tpu.memory_space<hbm>>
      %dma_start3A_98 = arith.constant 0 : i32
      %dma_start3A_99 = tpu.memref_slice %arg6[%add3A_95, %dma_start3A_98] : memref<100000x128xf32, #tpu.memory_space<hbm>> -> memref<56x128xf32, #tpu.memory_space<hbm>>
      tpu.enqueue_dma source(%arg9 : memref<56x128xf32, #tpu.memory_space<vmem>>) target(%dma_start3A_99 : memref<56x128xf32, #tpu.memory_space<hbm>>) target_semaphore(%arg22 : memref<!tpu.dma_semaphore, #tpu.memory_space<semaphore_mem>>)
      %add3A_100 = arith.constant 2 : i32
      %add3A_101 = arith.addi %add3A_86, %add3A_100 : i32
      %lt3A = arith.constant 56 : i32
      %lt3A_102 = arith.cmpi slt, %add3A_101, %lt3A : i32
      %convert_element_type3A = arith.extui %lt3A_102 : i1 to i32
      %cond3A = arith.constant 0 : i32
      %cond3A_103 = arith.cmpi ne, %convert_element_type3A, %cond3A : i32
      scf.if %cond3A_103 {
        %ge3A = arith.constant 2 : i32
        %ge3A_176 = arith.cmpi sge, %add3A_86, %ge3A : i32
        %convert_element_type3A_177 = arith.extui %ge3A_176 : i1 to i32
        %cond3A_178 = arith.constant 0 : i32
        %cond3A_179 = arith.cmpi ne, %convert_element_type3A_177, %cond3A_178 : i32
        scf.if %cond3A_179 {
          %dma_wait3A_189 = arith.constant 0 : i32
          %dma_wait3A_190 = arith.constant 0 : i32
          %dma_wait3A_191 = tpu.memref_slice %arg6[%dma_wait3A_189, %dma_wait3A_190] : memref<100000x128xf32, #tpu.memory_space<hbm>> -> memref<56x128xf32, #tpu.memory_space<hbm>>
          %dma_wait3A_192 = arith.constant 0 : i32
          %dma_wait3A_193 = arith.constant 0 : i32
          %dma_wait3A_194 = tpu.memref_slice %arg6[%dma_wait3A_192, %dma_wait3A_193] : memref<100000x128xf32, #tpu.memory_space<hbm>> -> memref<56x128xf32, #tpu.memory_space<hbm>>
          tpu.wait_dma2 semaphore(%arg24 : memref<!tpu.dma_semaphore, #tpu.memory_space<semaphore_mem>>) src(%arg11 : memref<56x128xf32, #tpu.memory_space<vmem>>) dst(%dma_wait3A_194 : memref<56x128xf32, #tpu.memory_space<hbm>>)
        } else {
        }
        %add3A_180 = arith.constant 2 : i32
        %add3A_181 = arith.addi %add3A_86, %add3A_180 : i32
        %mul3A_182 = arith.constant 56 : i32
        %mul3A_183 = arith.muli %add3A_181, %mul3A_182 : i32
        %multiple_of3A_184 = tpu.assume_multiple %mul3A_183, 8 : i32
        %dma_start3A_185 = tpu.memref_slice %arg8[%multiple_of3A_184] : memref<3136xi32, #tpu.memory_space<vmem>> -> memref<56xi32, #tpu.memory_space<vmem>>
        %dma_start3A_186 = arith.constant 0 : i32
        %dma_start3A_187 = arith.constant 0 : i32
        %dma_start3A_188 = tpu.memref_slice %arg2[%dma_start3A_186, %dma_start3A_187] : memref<50000x128xf32, #tpu.memory_space<hbm>> -> memref<50000x128xf32, #tpu.memory_space<hbm>>
        tpu.enqueue_indirect_dma source(%dma_start3A_188 : memref<50000x128xf32, #tpu.memory_space<hbm>>) target(%arg11 : memref<56x128xf32, #tpu.memory_space<vmem>>) offsets(%dma_start3A_185 : memref<56xi32, #tpu.memory_space<vmem>>) semaphore(%arg20 : memref<!tpu.dma_semaphore, #tpu.memory_space<semaphore_mem>>)
      } else {
      }
      %mul3A_104 = arith.constant 4 : i32
      %mul3A_105 = arith.muli %mul3A_104, %scan3A_82 : i32
      %add3A_106 = arith.constant 1 : i32
      %add3A_107 = arith.addi %mul3A_105, %add3A_106 : i32
      %dma_wait3A_108 = arith.constant 0 : i32
      %dma_wait3A_109 = tpu.memref_slice %arg8[%dma_wait3A_108] : memref<3136xi32, #tpu.memory_space<vmem>> -> memref<56xi32, #tpu.memory_space<vmem>>
      %dma_wait3A_110 = arith.constant 0 : i32
      %dma_wait3A_111 = arith.constant 0 : i32
      %dma_wait3A_112 = tpu.memref_slice %arg2[%dma_wait3A_110, %dma_wait3A_111] : memref<50000x128xf32, #tpu.memory_space<hbm>> -> memref<50000x128xf32, #tpu.memory_space<hbm>>
      tpu.wait_indirect_dma semaphore(%arg19 : memref<!tpu.dma_semaphore, #tpu.memory_space<semaphore_mem>>) src(%dma_wait3A_112 : memref<50000x128xf32, #tpu.memory_space<hbm>>) dst(%arg10 : memref<56x128xf32, #tpu.memory_space<vmem>>)
      %mul3A_113 = arith.constant 56 : i32
      %mul3A_114 = arith.muli %add3A_107, %mul3A_113 : i32
      %multiple_of3A_115 = tpu.assume_multiple %mul3A_114, 8 : i32
      %add3A_116 = arith.addi %multiple_of3A, %multiple_of3A_115 : i32
      %dma_start3A_117 = arith.constant 0 : i32
      %dma_start3A_118 = tpu.memref_slice %arg6[%add3A_116, %dma_start3A_117] : memref<100000x128xf32, #tpu.memory_space<hbm>> -> memref<56x128xf32, #tpu.memory_space<hbm>>
      %dma_start3A_119 = arith.constant 0 : i32
      %dma_start3A_120 = tpu.memref_slice %arg6[%add3A_116, %dma_start3A_119] : memref<100000x128xf32, #tpu.memory_space<hbm>> -> memref<56x128xf32, #tpu.memory_space<hbm>>
      tpu.enqueue_dma source(%arg10 : memref<56x128xf32, #tpu.memory_space<vmem>>) target(%dma_start3A_120 : memref<56x128xf32, #tpu.memory_space<hbm>>) target_semaphore(%arg23 : memref<!tpu.dma_semaphore, #tpu.memory_space<semaphore_mem>>)
      %add3A_121 = arith.constant 2 : i32
      %add3A_122 = arith.addi %add3A_107, %add3A_121 : i32
      %lt3A_123 = arith.constant 56 : i32
      %lt3A_124 = arith.cmpi slt, %add3A_122, %lt3A_123 : i32
      %convert_element_type3A_125 = arith.extui %lt3A_124 : i1 to i32
      %cond3A_126 = arith.constant 0 : i32
      %cond3A_127 = arith.cmpi ne, %convert_element_type3A_125, %cond3A_126 : i32
      scf.if %cond3A_127 {
        %ge3A = arith.constant 2 : i32
        %ge3A_176 = arith.cmpi sge, %add3A_107, %ge3A : i32
        %convert_element_type3A_177 = arith.extui %ge3A_176 : i1 to i32
        %cond3A_178 = arith.constant 0 : i32
        %cond3A_179 = arith.cmpi ne, %convert_element_type3A_177, %cond3A_178 : i32
        scf.if %cond3A_179 {
          %dma_wait3A_189 = arith.constant 0 : i32
          %dma_wait3A_190 = arith.constant 0 : i32
          %dma_wait3A_191 = tpu.memref_slice %arg6[%dma_wait3A_189, %dma_wait3A_190] : memref<100000x128xf32, #tpu.memory_space<hbm>> -> memref<56x128xf32, #tpu.memory_space<hbm>>
          %dma_wait3A_192 = arith.constant 0 : i32
          %dma_wait3A_193 = arith.constant 0 : i32
          %dma_wait3A_194 = tpu.memref_slice %arg6[%dma_wait3A_192, %dma_wait3A_193] : memref<100000x128xf32, #tpu.memory_space<hbm>> -> memref<56x128xf32, #tpu.memory_space<hbm>>
          tpu.wait_dma2 semaphore(%arg25 : memref<!tpu.dma_semaphore, #tpu.memory_space<semaphore_mem>>) src(%arg12 : memref<56x128xf32, #tpu.memory_space<vmem>>) dst(%dma_wait3A_194 : memref<56x128xf32, #tpu.memory_space<hbm>>)
        } else {
        }
        %add3A_180 = arith.constant 2 : i32
        %add3A_181 = arith.addi %add3A_107, %add3A_180 : i32
        %mul3A_182 = arith.constant 56 : i32
        %mul3A_183 = arith.muli %add3A_181, %mul3A_182 : i32
        %multiple_of3A_184 = tpu.assume_multiple %mul3A_183, 8 : i32
        %dma_start3A_185 = tpu.memref_slice %arg8[%multiple_of3A_184] : memref<3136xi32, #tpu.memory_space<vmem>> -> memref<56xi32, #tpu.memory_space<vmem>>
        %dma_start3A_186 = arith.constant 0 : i32
        %dma_start3A_187 = arith.constant 0 : i32
        %dma_start3A_188 = tpu.memref_slice %arg2[%dma_start3A_186, %dma_start3A_187] : memref<50000x128xf32, #tpu.memory_space<hbm>> -> memref<50000x128xf32, #tpu.memory_space<hbm>>
        tpu.enqueue_indirect_dma source(%dma_start3A_188 : memref<50000x128xf32, #tpu.memory_space<hbm>>) target(%arg12 : memref<56x128xf32, #tpu.memory_space<vmem>>) offsets(%dma_start3A_185 : memref<56xi32, #tpu.memory_space<vmem>>) semaphore(%arg21 : memref<!tpu.dma_semaphore, #tpu.memory_space<semaphore_mem>>)
      } else {
      }
      %mul3A_128 = arith.constant 4 : i32
      %mul3A_129 = arith.muli %mul3A_128, %scan3A_82 : i32
      %add3A_130 = arith.constant 2 : i32
      %add3A_131 = arith.addi %mul3A_129, %add3A_130 : i32
      %dma_wait3A_132 = arith.constant 0 : i32
      %dma_wait3A_133 = tpu.memref_slice %arg8[%dma_wait3A_132] : memref<3136xi32, #tpu.memory_space<vmem>> -> memref<56xi32, #tpu.memory_space<vmem>>
      %dma_wait3A_134 = arith.constant 0 : i32
      %dma_wait3A_135 = arith.constant 0 : i32
      %dma_wait3A_136 = tpu.memref_slice %arg2[%dma_wait3A_134, %dma_wait3A_135] : memref<50000x128xf32, #tpu.memory_space<hbm>> -> memref<50000x128xf32, #tpu.memory_space<hbm>>
      tpu.wait_indirect_dma semaphore(%arg20 : memref<!tpu.dma_semaphore, #tpu.memory_space<semaphore_mem>>) src(%dma_wait3A_136 : memref<50000x128xf32, #tpu.memory_space<hbm>>) dst(%arg11 : memref<56x128xf32, #tpu.memory_space<vmem>>)
      %mul3A_137 = arith.constant 56 : i32
      %mul3A_138 = arith.muli %add3A_131, %mul3A_137 : i32
      %multiple_of3A_139 = tpu.assume_multiple %mul3A_138, 8 : i32
      %add3A_140 = arith.addi %multiple_of3A, %multiple_of3A_139 : i32
      %dma_start3A_141 = arith.constant 0 : i32
      %dma_start3A_142 = tpu.memref_slice %arg6[%add3A_140, %dma_start3A_141] : memref<100000x128xf32, #tpu.memory_space<hbm>> -> memref<56x128xf32, #tpu.memory_space<hbm>>
      %dma_start3A_143 = arith.constant 0 : i32
      %dma_start3A_144 = tpu.memref_slice %arg6[%add3A_140, %dma_start3A_143] : memref<100000x128xf32, #tpu.memory_space<hbm>> -> memref<56x128xf32, #tpu.memory_space<hbm>>
      tpu.enqueue_dma source(%arg11 : memref<56x128xf32, #tpu.memory_space<vmem>>) target(%dma_start3A_144 : memref<56x128xf32, #tpu.memory_space<hbm>>) target_semaphore(%arg24 : memref<!tpu.dma_semaphore, #tpu.memory_space<semaphore_mem>>)
      %add3A_145 = arith.constant 2 : i32
      %add3A_146 = arith.addi %add3A_131, %add3A_145 : i32
      %lt3A_147 = arith.constant 56 : i32
      %lt3A_148 = arith.cmpi slt, %add3A_146, %lt3A_147 : i32
      %convert_element_type3A_149 = arith.extui %lt3A_148 : i1 to i32
      %cond3A_150 = arith.constant 0 : i32
      %cond3A_151 = arith.cmpi ne, %convert_element_type3A_149, %cond3A_150 : i32
      scf.if %cond3A_151 {
        %ge3A = arith.constant 2 : i32
        %ge3A_176 = arith.cmpi sge, %add3A_131, %ge3A : i32
        %convert_element_type3A_177 = arith.extui %ge3A_176 : i1 to i32
        %cond3A_178 = arith.constant 0 : i32
        %cond3A_179 = arith.cmpi ne, %convert_element_type3A_177, %cond3A_178 : i32
        scf.if %cond3A_179 {
          %dma_wait3A_189 = arith.constant 0 : i32
          %dma_wait3A_190 = arith.constant 0 : i32
          %dma_wait3A_191 = tpu.memref_slice %arg6[%dma_wait3A_189, %dma_wait3A_190] : memref<100000x128xf32, #tpu.memory_space<hbm>> -> memref<56x128xf32, #tpu.memory_space<hbm>>
          %dma_wait3A_192 = arith.constant 0 : i32
          %dma_wait3A_193 = arith.constant 0 : i32
          %dma_wait3A_194 = tpu.memref_slice %arg6[%dma_wait3A_192, %dma_wait3A_193] : memref<100000x128xf32, #tpu.memory_space<hbm>> -> memref<56x128xf32, #tpu.memory_space<hbm>>
          tpu.wait_dma2 semaphore(%arg22 : memref<!tpu.dma_semaphore, #tpu.memory_space<semaphore_mem>>) src(%arg9 : memref<56x128xf32, #tpu.memory_space<vmem>>) dst(%dma_wait3A_194 : memref<56x128xf32, #tpu.memory_space<hbm>>)
        } else {
        }
        %add3A_180 = arith.constant 2 : i32
        %add3A_181 = arith.addi %add3A_131, %add3A_180 : i32
        %mul3A_182 = arith.constant 56 : i32
        %mul3A_183 = arith.muli %add3A_181, %mul3A_182 : i32
        %multiple_of3A_184 = tpu.assume_multiple %mul3A_183, 8 : i32
        %dma_start3A_185 = tpu.memref_slice %arg8[%multiple_of3A_184] : memref<3136xi32, #tpu.memory_space<vmem>> -> memref<56xi32, #tpu.memory_space<vmem>>
        %dma_start3A_186 = arith.constant 0 : i32
        %dma_start3A_187 = arith.constant 0 : i32
        %dma_start3A_188 = tpu.memref_slice %arg2[%dma_start3A_186, %dma_start3A_187] : memref<50000x128xf32, #tpu.memory_space<hbm>> -> memref<50000x128xf32, #tpu.memory_space<hbm>>
        tpu.enqueue_indirect_dma source(%dma_start3A_188 : memref<50000x128xf32, #tpu.memory_space<hbm>>) target(%arg9 : memref<56x128xf32, #tpu.memory_space<vmem>>) offsets(%dma_start3A_185 : memref<56xi32, #tpu.memory_space<vmem>>) semaphore(%arg18 : memref<!tpu.dma_semaphore, #tpu.memory_space<semaphore_mem>>)
      } else {
      }
      %mul3A_152 = arith.constant 4 : i32
      %mul3A_153 = arith.muli %mul3A_152, %scan3A_82 : i32
      %add3A_154 = arith.constant 3 : i32
      %add3A_155 = arith.addi %mul3A_153, %add3A_154 : i32
      %dma_wait3A_156 = arith.constant 0 : i32
      %dma_wait3A_157 = tpu.memref_slice %arg8[%dma_wait3A_156] : memref<3136xi32, #tpu.memory_space<vmem>> -> memref<56xi32, #tpu.memory_space<vmem>>
      %dma_wait3A_158 = arith.constant 0 : i32
      %dma_wait3A_159 = arith.constant 0 : i32
      %dma_wait3A_160 = tpu.memref_slice %arg2[%dma_wait3A_158, %dma_wait3A_159] : memref<50000x128xf32, #tpu.memory_space<hbm>> -> memref<50000x128xf32, #tpu.memory_space<hbm>>
      tpu.wait_indirect_dma semaphore(%arg21 : memref<!tpu.dma_semaphore, #tpu.memory_space<semaphore_mem>>) src(%dma_wait3A_160 : memref<50000x128xf32, #tpu.memory_space<hbm>>) dst(%arg12 : memref<56x128xf32, #tpu.memory_space<vmem>>)
      %mul3A_161 = arith.constant 56 : i32
      %mul3A_162 = arith.muli %add3A_155, %mul3A_161 : i32
      %multiple_of3A_163 = tpu.assume_multiple %mul3A_162, 8 : i32
      %add3A_164 = arith.addi %multiple_of3A, %multiple_of3A_163 : i32
      %dma_start3A_165 = arith.constant 0 : i32
      %dma_start3A_166 = tpu.memref_slice %arg6[%add3A_164, %dma_start3A_165] : memref<100000x128xf32, #tpu.memory_space<hbm>> -> memref<56x128xf32, #tpu.memory_space<hbm>>
      %dma_start3A_167 = arith.constant 0 : i32
      %dma_start3A_168 = tpu.memref_slice %arg6[%add3A_164, %dma_start3A_167] : memref<100000x128xf32, #tpu.memory_space<hbm>> -> memref<56x128xf32, #tpu.memory_space<hbm>>
      tpu.enqueue_dma source(%arg12 : memref<56x128xf32, #tpu.memory_space<vmem>>) target(%dma_start3A_168 : memref<56x128xf32, #tpu.memory_space<hbm>>) target_semaphore(%arg25 : memref<!tpu.dma_semaphore, #tpu.memory_space<semaphore_mem>>)
      %add3A_169 = arith.constant 2 : i32
      %add3A_170 = arith.addi %add3A_155, %add3A_169 : i32
      %lt3A_171 = arith.constant 56 : i32
      %lt3A_172 = arith.cmpi slt, %add3A_170, %lt3A_171 : i32
      %convert_element_type3A_173 = arith.extui %lt3A_172 : i1 to i32
      %cond3A_174 = arith.constant 0 : i32
      %cond3A_175 = arith.cmpi ne, %convert_element_type3A_173, %cond3A_174 : i32
      scf.if %cond3A_175 {
        %ge3A = arith.constant 2 : i32
        %ge3A_176 = arith.cmpi sge, %add3A_155, %ge3A : i32
        %convert_element_type3A_177 = arith.extui %ge3A_176 : i1 to i32
        %cond3A_178 = arith.constant 0 : i32
        %cond3A_179 = arith.cmpi ne, %convert_element_type3A_177, %cond3A_178 : i32
        scf.if %cond3A_179 {
          %dma_wait3A_189 = arith.constant 0 : i32
          %dma_wait3A_190 = arith.constant 0 : i32
          %dma_wait3A_191 = tpu.memref_slice %arg6[%dma_wait3A_189, %dma_wait3A_190] : memref<100000x128xf32, #tpu.memory_space<hbm>> -> memref<56x128xf32, #tpu.memory_space<hbm>>
          %dma_wait3A_192 = arith.constant 0 : i32
          %dma_wait3A_193 = arith.constant 0 : i32
          %dma_wait3A_194 = tpu.memref_slice %arg6[%dma_wait3A_192, %dma_wait3A_193] : memref<100000x128xf32, #tpu.memory_space<hbm>> -> memref<56x128xf32, #tpu.memory_space<hbm>>
          tpu.wait_dma2 semaphore(%arg23 : memref<!tpu.dma_semaphore, #tpu.memory_space<semaphore_mem>>) src(%arg10 : memref<56x128xf32, #tpu.memory_space<vmem>>) dst(%dma_wait3A_194 : memref<56x128xf32, #tpu.memory_space<hbm>>)
        } else {
        }
        %add3A_180 = arith.constant 2 : i32
        %add3A_181 = arith.addi %add3A_155, %add3A_180 : i32
        %mul3A_182 = arith.constant 56 : i32
        %mul3A_183 = arith.muli %add3A_181, %mul3A_182 : i32
        %multiple_of3A_184 = tpu.assume_multiple %mul3A_183, 8 : i32
        %dma_start3A_185 = tpu.memref_slice %arg8[%multiple_of3A_184] : memref<3136xi32, #tpu.memory_space<vmem>> -> memref<56xi32, #tpu.memory_space<vmem>>
        %dma_start3A_186 = arith.constant 0 : i32
        %dma_start3A_187 = arith.constant 0 : i32
        %dma_start3A_188 = tpu.memref_slice %arg2[%dma_start3A_186, %dma_start3A_187] : memref<50000x128xf32, #tpu.memory_space<hbm>> -> memref<50000x128xf32, #tpu.memory_space<hbm>>
        tpu.enqueue_indirect_dma source(%dma_start3A_188 : memref<50000x128xf32, #tpu.memory_space<hbm>>) target(%arg10 : memref<56x128xf32, #tpu.memory_space<vmem>>) offsets(%dma_start3A_185 : memref<56xi32, #tpu.memory_space<vmem>>) semaphore(%arg19 : memref<!tpu.dma_semaphore, #tpu.memory_space<semaphore_mem>>)
      } else {
      }
    }
    %scan3A_20 = arith.constant 14 : i32
    %dma_wait3A = arith.constant 0 : i32
    %dma_wait3A_21 = arith.constant 0 : i32
    %dma_wait3A_22 = tpu.memref_slice %arg6[%dma_wait3A, %dma_wait3A_21] : memref<100000x128xf32, #tpu.memory_space<hbm>> -> memref<56x128xf32, #tpu.memory_space<hbm>>
    %dma_wait3A_23 = arith.constant 0 : i32
    %dma_wait3A_24 = arith.constant 0 : i32
    %dma_wait3A_25 = tpu.memref_slice %arg6[%dma_wait3A_23, %dma_wait3A_24] : memref<100000x128xf32, #tpu.memory_space<hbm>> -> memref<56x128xf32, #tpu.memory_space<hbm>>
    tpu.wait_dma2 semaphore(%arg22 : memref<!tpu.dma_semaphore, #tpu.memory_space<semaphore_mem>>) src(%arg9 : memref<56x128xf32, #tpu.memory_space<vmem>>) dst(%dma_wait3A_25 : memref<56x128xf32, #tpu.memory_space<hbm>>)
    %dma_wait3A_26 = arith.constant 0 : i32
    %dma_wait3A_27 = arith.constant 0 : i32
    %dma_wait3A_28 = tpu.memref_slice %arg6[%dma_wait3A_26, %dma_wait3A_27] : memref<100000x128xf32, #tpu.memory_space<hbm>> -> memref<56x128xf32, #tpu.memory_space<hbm>>
    %dma_wait3A_29 = arith.constant 0 : i32
    %dma_wait3A_30 = arith.constant 0 : i32
    %dma_wait3A_31 = tpu.memref_slice %arg6[%dma_wait3A_29, %dma_wait3A_30] : memref<100000x128xf32, #tpu.memory_space<hbm>> -> memref<56x128xf32, #tpu.memory_space<hbm>>
    tpu.wait_dma2 semaphore(%arg23 : memref<!tpu.dma_semaphore, #tpu.memory_space<semaphore_mem>>) src(%arg10 : memref<56x128xf32, #tpu.memory_space<vmem>>) dst(%dma_wait3A_31 : memref<56x128xf32, #tpu.memory_space<hbm>>)
    %dma_wait3A_32 = arith.constant 0 : i32
    %dma_wait3A_33 = arith.constant 0 : i32
    %dma_wait3A_34 = tpu.memref_slice %arg6[%dma_wait3A_32, %dma_wait3A_33] : memref<100000x128xf32, #tpu.memory_space<hbm>> -> memref<56x128xf32, #tpu.memory_space<hbm>>
    %dma_wait3A_35 = arith.constant 0 : i32
    %dma_wait3A_36 = arith.constant 0 : i32
    %dma_wait3A_37 = tpu.memref_slice %arg6[%dma_wait3A_35, %dma_wait3A_36] : memref<100000x128xf32, #tpu.memory_space<hbm>> -> memref<56x128xf32, #tpu.memory_space<hbm>>
    tpu.wait_dma2 semaphore(%arg24 : memref<!tpu.dma_semaphore, #tpu.memory_space<semaphore_mem>>) src(%arg11 : memref<56x128xf32, #tpu.memory_space<vmem>>) dst(%dma_wait3A_37 : memref<56x128xf32, #tpu.memory_space<hbm>>)
    %dma_wait3A_38 = arith.constant 0 : i32
    %dma_wait3A_39 = arith.constant 0 : i32
    %dma_wait3A_40 = tpu.memref_slice %arg6[%dma_wait3A_38, %dma_wait3A_39] : memref<100000x128xf32, #tpu.memory_space<hbm>> -> memref<56x128xf32, #tpu.memory_space<hbm>>
    %dma_wait3A_41 = arith.constant 0 : i32
    %dma_wait3A_42 = arith.constant 0 : i32
    %dma_wait3A_43 = tpu.memref_slice %arg6[%dma_wait3A_41, %dma_wait3A_42] : memref<100000x128xf32, #tpu.memory_space<hbm>> -> memref<56x128xf32, #tpu.memory_space<hbm>>
    tpu.wait_dma2 semaphore(%arg25 : memref<!tpu.dma_semaphore, #tpu.memory_space<semaphore_mem>>) src(%arg12 : memref<56x128xf32, #tpu.memory_space<vmem>>) dst(%dma_wait3A_43 : memref<56x128xf32, #tpu.memory_space<hbm>>)
    %mul3A_44 = arith.constant 1563 : i32
    %mul3A_45 = arith.muli %arg1, %mul3A_44 : i32
    %min3A_46 = arith.constant 23432 : i32
    %min3A_47 = arith.minsi %mul3A_45, %min3A_46 : i32
    %mul3A_48 = arith.constant 8 : i32
    %mul3A_49 = arith.muli %arg0, %mul3A_48 : i32
    "tpu.region"() ({
      %run_scoped3A = tpu.sem_alloc : memref<!tpu.dma_semaphore, #tpu.memory_space<semaphore_mem>>
      %dma_start3A_82 = arith.constant 0 : i32
      %dma_start3A_83 = tpu.memref_slice %arg4[%mul3A_49, %dma_start3A_82] : memref<16x5120xf32, #tpu.memory_space<hbm>> -> memref<8x5120xf32, #tpu.memory_space<hbm>>
      %dma_start3A_84 = arith.constant 0 : i32
      %dma_start3A_85 = tpu.memref_slice %arg4[%mul3A_49, %dma_start3A_84] : memref<16x5120xf32, #tpu.memory_space<hbm>> -> memref<8x5120xf32, #tpu.memory_space<hbm>>
      tpu.enqueue_dma source(%dma_start3A_85 : memref<8x5120xf32, #tpu.memory_space<hbm>>) target(%arg13 : memref<8x5120xf32, #tpu.memory_space<vmem>>) target_semaphore(%run_scoped3A : memref<!tpu.dma_semaphore, #tpu.memory_space<semaphore_mem>>)
      %dma_wait3A_86 = arith.constant 0 : i32
      %dma_wait3A_87 = tpu.memref_slice %arg4[%mul3A_49, %dma_wait3A_86] : memref<16x5120xf32, #tpu.memory_space<hbm>> -> memref<8x5120xf32, #tpu.memory_space<hbm>>
      %dma_wait3A_88 = arith.constant 0 : i32
      %dma_wait3A_89 = tpu.memref_slice %arg4[%mul3A_49, %dma_wait3A_88] : memref<16x5120xf32, #tpu.memory_space<hbm>> -> memref<8x5120xf32, #tpu.memory_space<hbm>>
      tpu.wait_dma2 semaphore(%run_scoped3A : memref<!tpu.dma_semaphore, #tpu.memory_space<semaphore_mem>>) src(%dma_wait3A_89 : memref<8x5120xf32, #tpu.memory_space<hbm>>) dst(%arg13 : memref<8x5120xf32, #tpu.memory_space<vmem>>)
      tpu.yield
    }) : () -> ()
    %add3A_50 = arith.constant 0 : i32
    %add3A_51 = arith.addi %min3A_47, %add3A_50 : i32
    %mul3A_52 = arith.constant 128 : i32
    %mul3A_53 = arith.muli %add3A_51, %mul3A_52 : i32
    %dma_start3A_54 = tpu.memref_slice %arg5[%mul3A_53] : memref<3200000xi32, #tpu.memory_space<hbm>> -> memref<2048xi32, #tpu.memory_space<hbm>>
    %dma_start3A_55 = tpu.memref_slice %arg5[%mul3A_53] : memref<3200000xi32, #tpu.memory_space<hbm>> -> memref<2048xi32, #tpu.memory_space<hbm>>
    tpu.enqueue_dma source(%dma_start3A_55 : memref<2048xi32, #tpu.memory_space<hbm>>) target(%arg14 : memref<2048xi32, #tpu.memory_space<vmem>>) target_semaphore(%arg26 : memref<!tpu.dma_semaphore, #tpu.memory_space<semaphore_mem>>)
    %scan3A_56 = arith.constant 0 : i32
    %scan3A_57 = arith.constant 0 : i32
    %scan3A_58 = arith.constant 49 : i32
    %scan3A_59 = arith.addi %scan3A_57, %scan3A_58 : i32
    %scan3A_60 = arith.constant 1 : i32
    scf.for %scan3A_82 = %scan3A_57 to %scan3A_59 step %scan3A_60  : i32 {
      %mul3A_83 = arith.constant 2 : i32
      %mul3A_84 = arith.muli %mul3A_83, %scan3A_82 : i32
      %add3A_85 = arith.constant 0 : i32
      %add3A_86 = arith.addi %mul3A_84, %add3A_85 : i32
      %add3A_87 = arith.constant 0 : i32
      %add3A_88 = arith.addi %min3A_47, %add3A_87 : i32
      %mul3A_89 = arith.constant 128 : i32
      %mul3A_90 = arith.muli %add3A_88, %mul3A_89 : i32
      %dma_wait3A_91 = tpu.memref_slice %arg5[%mul3A_90] : memref<3200000xi32, #tpu.memory_space<hbm>> -> memref<2048xi32, #tpu.memory_space<hbm>>
      %dma_wait3A_92 = tpu.memref_slice %arg5[%mul3A_90] : memref<3200000xi32, #tpu.memory_space<hbm>> -> memref<2048xi32, #tpu.memory_space<hbm>>
      tpu.wait_dma2 semaphore(%arg26 : memref<!tpu.dma_semaphore, #tpu.memory_space<semaphore_mem>>) src(%dma_wait3A_92 : memref<2048xi32, #tpu.memory_space<hbm>>) dst(%arg14 : memref<2048xi32, #tpu.memory_space<vmem>>)
      %add3A_93 = arith.constant 1 : i32
      %add3A_94 = arith.addi %add3A_86, %add3A_93 : i32
      %lt3A = arith.constant 98 : i32
      %lt3A_95 = arith.cmpi slt, %add3A_94, %lt3A : i32
      %convert_element_type3A = arith.extui %lt3A_95 : i1 to i32
      %cond3A = arith.constant 0 : i32
      %cond3A_96 = arith.cmpi ne, %convert_element_type3A, %cond3A : i32
      scf.if %cond3A_96 {
        %add3A_150 = arith.constant 1 : i32
        %add3A_151 = arith.addi %add3A_86, %add3A_150 : i32
        %mul3A_152 = arith.constant 16 : i32
        %mul3A_153 = arith.muli %add3A_151, %mul3A_152 : i32
        %add3A_154 = arith.addi %min3A_47, %mul3A_153 : i32
        %mul3A_155 = arith.constant 128 : i32
        %mul3A_156 = arith.muli %add3A_154, %mul3A_155 : i32
        %dma_start3A_157 = tpu.memref_slice %arg5[%mul3A_156] : memref<3200000xi32, #tpu.memory_space<hbm>> -> memref<2048xi32, #tpu.memory_space<hbm>>
        %dma_start3A_158 = tpu.memref_slice %arg5[%mul3A_156] : memref<3200000xi32, #tpu.memory_space<hbm>> -> memref<2048xi32, #tpu.memory_space<hbm>>
        tpu.enqueue_dma source(%dma_start3A_158 : memref<2048xi32, #tpu.memory_space<hbm>>) target(%arg15 : memref<2048xi32, #tpu.memory_space<vmem>>) target_semaphore(%arg27 : memref<!tpu.dma_semaphore, #tpu.memory_space<semaphore_mem>>)
      } else {
      }
      %gt3A = arith.constant 0 : i32
      %gt3A_97 = arith.cmpi sgt, %scan3A_82, %gt3A : i32
      %convert_element_type3A_98 = arith.extui %gt3A_97 : i1 to i32
      %cond3A_99 = arith.constant 0 : i32
      %cond3A_100 = arith.cmpi ne, %convert_element_type3A_98, %cond3A_99 : i32
      scf.if %cond3A_100 {
        %add3A_150 = arith.constant 0 : i32
        %add3A_151 = arith.addi %min3A_47, %add3A_150 : i32
        %dma_wait3A_152 = arith.constant 0 : i32
        %dma_wait3A_153 = arith.constant 0 : i32
        %dma_wait3A_154 = tpu.memref_slice %arg7[%arg0, %add3A_151, %dma_wait3A_152, %dma_wait3A_153] : memref<2x25000x8x128xf32, #tpu.memory_space<hbm>> -> memref<1x16x8x128xf32, #tpu.memory_space<hbm>>
        %dma_wait3A_155 = tpu.memref_squeeze %dma_wait3A_154 : memref<1x16x8x128xf32, #tpu.memory_space<hbm>> -> memref<16x8x128xf32, #tpu.memory_space<hbm>>
        %dma_wait3A_156 = arith.constant 0 : i32
        %dma_wait3A_157 = arith.constant 0 : i32
        %dma_wait3A_158 = tpu.memref_slice %arg7[%arg0, %add3A_151, %dma_wait3A_156, %dma_wait3A_157] : memref<2x25000x8x128xf32, #tpu.memory_space<hbm>> -> memref<1x16x8x128xf32, #tpu.memory_space<hbm>>
        %dma_wait3A_159 = tpu.memref_squeeze %dma_wait3A_158 : memref<1x16x8x128xf32, #tpu.memory_space<hbm>> -> memref<16x8x128xf32, #tpu.memory_space<hbm>>
        tpu.wait_dma2 semaphore(%arg28 : memref<!tpu.dma_semaphore, #tpu.memory_space<semaphore_mem>>) src(%arg16 : memref<16x8x128xf32, #tpu.memory_space<vmem>>) dst(%dma_wait3A_159 : memref<16x8x128xf32, #tpu.memory_space<hbm>>)
      } else {
      }
      %parallel_loop3A = arith.constant 0 : i32
      %parallel_loop3A_101 = arith.constant 16 : i32
      %parallel_loop3A_102 = arith.constant 1 : i32
      scf.for %parallel_loop3A_150 = %parallel_loop3A to %parallel_loop3A_101 step %parallel_loop3A_102  : i32 {
        %parallel_loop3A_151 = arith.constant 8 : i32
        %parallel_loop3A_152 = arith.muli %parallel_loop3A_150, %parallel_loop3A_151 : i32
        %parallel_loop3A_153 = arith.constant 0 : i32
        %parallel_loop3A_154 = arith.addi %parallel_loop3A_152, %parallel_loop3A_153 : i32
        %parallel_loop3A_155 = arith.constant 16 : i32
        %parallel_loop3A_156 = arith.muli %parallel_loop3A_154, %parallel_loop3A_155 : i32
        %parallel_loop3A_157 = arith.index_cast %parallel_loop3A_156 : i32 to index
        %parallel_loop3A_158 = tpu.vector_load %arg14[%parallel_loop3A_157] {strides = array<i32>} : memref<2048xi32, #tpu.memory_space<vmem>>, vector<16xi32>,
        %parallel_loop3A_159 = arith.constant 0 : i32
        %parallel_loop3A_160 = arith.constant 0 : i32
        %parallel_loop3A_161 = tpu.memref_slice %arg13[%parallel_loop3A_159, %parallel_loop3A_160] : memref<8x5120xf32, #tpu.memory_space<vmem>> -> memref<1x5120xf32, #tpu.memory_space<vmem>>
        %parallel_loop3A_162 = tpu.memref_squeeze %parallel_loop3A_161 : memref<1x5120xf32, #tpu.memory_space<vmem>> -> memref<5120xf32, #tpu.memory_space<vmem>>
        %parallel_loop3A_163 = tpu.vector_load_idx %parallel_loop3A_162[%parallel_loop3A_158] : memref<5120xf32, #tpu.memory_space<vmem>>[vector<16xi32>], vector<16xf32>,
        %parallel_loop3A_164 = arith.constant 0 : i32
        %parallel_loop3A_165 = arith.index_cast %parallel_loop3A_150 : i32 to index
        %parallel_loop3A_166 = arith.index_cast %parallel_loop3A_164 : i32 to index
        %parallel_loop3A_167 = arith.constant 0 : index
        %parallel_loop3A_168 = tpu.vector_load %arg16[%parallel_loop3A_165, %parallel_loop3A_166, %parallel_loop3A_167] {strides = array<i32>} : memref<16x8x128xf32, #tpu.memory_space<vmem>>, vector<16xf32>,
        tpu.vector_store %arg16[%parallel_loop3A_165, %parallel_loop3A_166, %parallel_loop3A_167], %parallel_loop3A_163 {strides = array<i32>} : memref<16x8x128xf32, #tpu.memory_space<vmem>>, vector<16xf32>,
        %parallel_loop3A_169 = arith.constant 1 : i32
        %parallel_loop3A_170 = arith.constant 0 : i32
        %parallel_loop3A_171 = tpu.memref_slice %arg13[%parallel_loop3A_169, %parallel_loop3A_170] : memref<8x5120xf32, #tpu.memory_space<vmem>> -> memref<1x5120xf32, #tpu.memory_space<vmem>>
        %parallel_loop3A_172 = tpu.memref_squeeze %parallel_loop3A_171 : memref<1x5120xf32, #tpu.memory_space<vmem>> -> memref<5120xf32, #tpu.memory_space<vmem>>
        %parallel_loop3A_173 = tpu.vector_load_idx %parallel_loop3A_172[%parallel_loop3A_158] : memref<5120xf32, #tpu.memory_space<vmem>>[vector<16xi32>], vector<16xf32>,
        %parallel_loop3A_174 = arith.constant 1 : i32
        %parallel_loop3A_175 = arith.index_cast %parallel_loop3A_150 : i32 to index
        %parallel_loop3A_176 = arith.index_cast %parallel_loop3A_174 : i32 to index
        %parallel_loop3A_177 = arith.constant 0 : index
        %parallel_loop3A_178 = tpu.vector_load %arg16[%parallel_loop3A_175, %parallel_loop3A_176, %parallel_loop3A_177] {strides = array<i32>} : memref<16x8x128xf32, #tpu.memory_space<vmem>>, vector<16xf32>,
        tpu.vector_store %arg16[%parallel_loop3A_175, %parallel_loop3A_176, %parallel_loop3A_177], %parallel_loop3A_173 {strides = array<i32>} : memref<16x8x128xf32, #tpu.memory_space<vmem>>, vector<16xf32>,
        %parallel_loop3A_179 = arith.constant 2 : i32
        %parallel_loop3A_180 = arith.constant 0 : i32
        %parallel_loop3A_181 = tpu.memref_slice %arg13[%parallel_loop3A_179, %parallel_loop3A_180] : memref<8x5120xf32, #tpu.memory_space<vmem>> -> memref<1x5120xf32, #tpu.memory_space<vmem>>
        %parallel_loop3A_182 = tpu.memref_squeeze %parallel_loop3A_181 : memref<1x5120xf32, #tpu.memory_space<vmem>> -> memref<5120xf32, #tpu.memory_space<vmem>>
        %parallel_loop3A_183 = tpu.vector_load_idx %parallel_loop3A_182[%parallel_loop3A_158] : memref<5120xf32, #tpu.memory_space<vmem>>[vector<16xi32>], vector<16xf32>,
        %parallel_loop3A_184 = arith.constant 2 : i32
        %parallel_loop3A_185 = arith.index_cast %parallel_loop3A_150 : i32 to index
        %parallel_loop3A_186 = arith.index_cast %parallel_loop3A_184 : i32 to index
        %parallel_loop3A_187 = arith.constant 0 : index
        %parallel_loop3A_188 = tpu.vector_load %arg16[%parallel_loop3A_185, %parallel_loop3A_186, %parallel_loop3A_187] {strides = array<i32>} : memref<16x8x128xf32, #tpu.memory_space<vmem>>, vector<16xf32>,
        tpu.vector_store %arg16[%parallel_loop3A_185, %parallel_loop3A_186, %parallel_loop3A_187], %parallel_loop3A_183 {strides = array<i32>} : memref<16x8x128xf32, #tpu.memory_space<vmem>>, vector<16xf32>,
        %parallel_loop3A_189 = arith.constant 3 : i32
        %parallel_loop3A_190 = arith.constant 0 : i32
        %parallel_loop3A_191 = tpu.memref_slice %arg13[%parallel_loop3A_189, %parallel_loop3A_190] : memref<8x5120xf32, #tpu.memory_space<vmem>> -> memref<1x5120xf32, #tpu.memory_space<vmem>>
        %parallel_loop3A_192 = tpu.memref_squeeze %parallel_loop3A_191 : memref<1x5120xf32, #tpu.memory_space<vmem>> -> memref<5120xf32, #tpu.memory_space<vmem>>
        %parallel_loop3A_193 = tpu.vector_load_idx %parallel_loop3A_192[%parallel_loop3A_158] : memref<5120xf32, #tpu.memory_space<vmem>>[vector<16xi32>], vector<16xf32>,
        %parallel_loop3A_194 = arith.constant 3 : i32
        %parallel_loop3A_195 = arith.index_cast %parallel_loop3A_150 : i32 to index
        %parallel_loop3A_196 = arith.index_cast %parallel_loop3A_194 : i32 to index
        %parallel_loop3A_197 = arith.constant 0 : index
        %parallel_loop3A_198 = tpu.vector_load %arg16[%parallel_loop3A_195, %parallel_loop3A_196, %parallel_loop3A_197] {strides = array<i32>} : memref<16x8x128xf32, #tpu.memory_space<vmem>>, vector<16xf32>,
        tpu.vector_store %arg16[%parallel_loop3A_195, %parallel_loop3A_196, %parallel_loop3A_197], %parallel_loop3A_193 {strides = array<i32>} : memref<16x8x128xf32, #tpu.memory_space<vmem>>, vector<16xf32>,
        %parallel_loop3A_199 = arith.constant 4 : i32
        %parallel_loop3A_200 = arith.constant 0 : i32
        %parallel_loop3A_201 = tpu.memref_slice %arg13[%parallel_loop3A_199, %parallel_loop3A_200] : memref<8x5120xf32, #tpu.memory_space<vmem>> -> memref<1x5120xf32, #tpu.memory_space<vmem>>
        %parallel_loop3A_202 = tpu.memref_squeeze %parallel_loop3A_201 : memref<1x5120xf32, #tpu.memory_space<vmem>> -> memref<5120xf32, #tpu.memory_space<vmem>>
        %parallel_loop3A_203 = tpu.vector_load_idx %parallel_loop3A_202[%parallel_loop3A_158] : memref<5120xf32, #tpu.memory_space<vmem>>[vector<16xi32>], vector<16xf32>,
        %parallel_loop3A_204 = arith.constant 4 : i32
        %parallel_loop3A_205 = arith.index_cast %parallel_loop3A_150 : i32 to index
        %parallel_loop3A_206 = arith.index_cast %parallel_loop3A_204 : i32 to index
        %parallel_loop3A_207 = arith.constant 0 : index
        %parallel_loop3A_208 = tpu.vector_load %arg16[%parallel_loop3A_205, %parallel_loop3A_206, %parallel_loop3A_207] {strides = array<i32>} : memref<16x8x128xf32, #tpu.memory_space<vmem>>, vector<16xf32>,
        tpu.vector_store %arg16[%parallel_loop3A_205, %parallel_loop3A_206, %parallel_loop3A_207], %parallel_loop3A_203 {strides = array<i32>} : memref<16x8x128xf32, #tpu.memory_space<vmem>>, vector<16xf32>,
        %parallel_loop3A_209 = arith.constant 5 : i32
        %parallel_loop3A_210 = arith.constant 0 : i32
        %parallel_loop3A_211 = tpu.memref_slice %arg13[%parallel_loop3A_209, %parallel_loop3A_210] : memref<8x5120xf32, #tpu.memory_space<vmem>> -> memref<1x5120xf32, #tpu.memory_space<vmem>>
        %parallel_loop3A_212 = tpu.memref_squeeze %parallel_loop3A_211 : memref<1x5120xf32, #tpu.memory_space<vmem>> -> memref<5120xf32, #tpu.memory_space<vmem>>
        %parallel_loop3A_213 = tpu.vector_load_idx %parallel_loop3A_212[%parallel_loop3A_158] : memref<5120xf32, #tpu.memory_space<vmem>>[vector<16xi32>], vector<16xf32>,
        %parallel_loop3A_214 = arith.constant 5 : i32
        %parallel_loop3A_215 = arith.index_cast %parallel_loop3A_150 : i32 to index
        %parallel_loop3A_216 = arith.index_cast %parallel_loop3A_214 : i32 to index
        %parallel_loop3A_217 = arith.constant 0 : index
        %parallel_loop3A_218 = tpu.vector_load %arg16[%parallel_loop3A_215, %parallel_loop3A_216, %parallel_loop3A_217] {strides = array<i32>} : memref<16x8x128xf32, #tpu.memory_space<vmem>>, vector<16xf32>,
        tpu.vector_store %arg16[%parallel_loop3A_215, %parallel_loop3A_216, %parallel_loop3A_217], %parallel_loop3A_213 {strides = array<i32>} : memref<16x8x128xf32, #tpu.memory_space<vmem>>, vector<16xf32>,
        %parallel_loop3A_219 = arith.constant 6 : i32
        %parallel_loop3A_220 = arith.constant 0 : i32
        %parallel_loop3A_221 = tpu.memref_slice %arg13[%parallel_loop3A_219, %parallel_loop3A_220] : memref<8x5120xf32, #tpu.memory_space<vmem>> -> memref<1x5120xf32, #tpu.memory_space<vmem>>
        %parallel_loop3A_222 = tpu.memref_squeeze %parallel_loop3A_221 : memref<1x5120xf32, #tpu.memory_space<vmem>> -> memref<5120xf32, #tpu.memory_space<vmem>>
        %parallel_loop3A_223 = tpu.vector_load_idx %parallel_loop3A_222[%parallel_loop3A_158] : memref<5120xf32, #tpu.memory_space<vmem>>[vector<16xi32>], vector<16xf32>,
        %parallel_loop3A_224 = arith.constant 6 : i32
        %parallel_loop3A_225 = arith.index_cast %parallel_loop3A_150 : i32 to index
        %parallel_loop3A_226 = arith.index_cast %parallel_loop3A_224 : i32 to index
        %parallel_loop3A_227 = arith.constant 0 : index
        %parallel_loop3A_228 = tpu.vector_load %arg16[%parallel_loop3A_225, %parallel_loop3A_226, %parallel_loop3A_227] {strides = array<i32>} : memref<16x8x128xf32, #tpu.memory_space<vmem>>, vector<16xf32>,
        tpu.vector_store %arg16[%parallel_loop3A_225, %parallel_loop3A_226, %parallel_loop3A_227], %parallel_loop3A_223 {strides = array<i32>} : memref<16x8x128xf32, #tpu.memory_space<vmem>>, vector<16xf32>,
        %parallel_loop3A_229 = arith.constant 7 : i32
        %parallel_loop3A_230 = arith.constant 0 : i32
        %parallel_loop3A_231 = tpu.memref_slice %arg13[%parallel_loop3A_229, %parallel_loop3A_230] : memref<8x5120xf32, #tpu.memory_space<vmem>> -> memref<1x5120xf32, #tpu.memory_space<vmem>>
        %parallel_loop3A_232 = tpu.memref_squeeze %parallel_loop3A_231 : memref<1x5120xf32, #tpu.memory_space<vmem>> -> memref<5120xf32, #tpu.memory_space<vmem>>
        %parallel_loop3A_233 = tpu.vector_load_idx %parallel_loop3A_232[%parallel_loop3A_158] : memref<5120xf32, #tpu.memory_space<vmem>>[vector<16xi32>], vector<16xf32>,
        %parallel_loop3A_234 = arith.constant 7 : i32
        %parallel_loop3A_235 = arith.index_cast %parallel_loop3A_150 : i32 to index
        %parallel_loop3A_236 = arith.index_cast %parallel_loop3A_234 : i32 to index
        %parallel_loop3A_237 = arith.constant 0 : index
        %parallel_loop3A_238 = tpu.vector_load %arg16[%parallel_loop3A_235, %parallel_loop3A_236, %parallel_loop3A_237] {strides = array<i32>} : memref<16x8x128xf32, #tpu.memory_space<vmem>>, vector<16xf32>,
        tpu.vector_store %arg16[%parallel_loop3A_235, %parallel_loop3A_236, %parallel_loop3A_237], %parallel_loop3A_233 {strides = array<i32>} : memref<16x8x128xf32, #tpu.memory_space<vmem>>, vector<16xf32>,
        %parallel_loop3A_239 = arith.constant 8 : i32
        %parallel_loop3A_240 = arith.muli %parallel_loop3A_150, %parallel_loop3A_239 : i32
        %parallel_loop3A_241 = arith.constant 1 : i32
        %parallel_loop3A_242 = arith.addi %parallel_loop3A_240, %parallel_loop3A_241 : i32
        %parallel_loop3A_243 = arith.constant 16 : i32
        %parallel_loop3A_244 = arith.muli %parallel_loop3A_242, %parallel_loop3A_243 : i32
        %parallel_loop3A_245 = arith.index_cast %parallel_loop3A_244 : i32 to index
        %parallel_loop3A_246 = tpu.vector_load %arg14[%parallel_loop3A_245] {strides = array<i32>} : memref<2048xi32, #tpu.memory_space<vmem>>, vector<16xi32>,
        %parallel_loop3A_247 = arith.constant 0 : i32
        %parallel_loop3A_248 = arith.constant 0 : i32
        %parallel_loop3A_249 = tpu.memref_slice %arg13[%parallel_loop3A_247, %parallel_loop3A_248] : memref<8x5120xf32, #tpu.memory_space<vmem>> -> memref<1x5120xf32, #tpu.memory_space<vmem>>
        %parallel_loop3A_250 = tpu.memref_squeeze %parallel_loop3A_249 : memref<1x5120xf32, #tpu.memory_space<vmem>> -> memref<5120xf32, #tpu.memory_space<vmem>>
        %parallel_loop3A_251 = tpu.vector_load_idx %parallel_loop3A_250[%parallel_loop3A_246] : memref<5120xf32, #tpu.memory_space<vmem>>[vector<16xi32>], vector<16xf32>,
        %parallel_loop3A_252 = arith.constant 0 : i32
        %parallel_loop3A_253 = arith.index_cast %parallel_loop3A_150 : i32 to index
        %parallel_loop3A_254 = arith.index_cast %parallel_loop3A_252 : i32 to index
        %parallel_loop3A_255 = arith.constant 16 : index
        %parallel_loop3A_256 = tpu.vector_load %arg16[%parallel_loop3A_253, %parallel_loop3A_254, %parallel_loop3A_255] {strides = array<i32>} : memref<16x8x128xf32, #tpu.memory_space<vmem>>, vector<16xf32>,
        tpu.vector_store %arg16[%parallel_loop3A_253, %parallel_loop3A_254, %parallel_loop3A_255], %parallel_loop3A_251 {strides = array<i32>} : memref<16x8x128xf32, #tpu.memory_space<vmem>>, vector<16xf32>,
        %parallel_loop3A_257 = arith.constant 1 : i32
        %parallel_loop3A_258 = arith.constant 0 : i32
        %parallel_loop3A_259 = tpu.memref_slice %arg13[%parallel_loop3A_257, %parallel_loop3A_258] : memref<8x5120xf32, #tpu.memory_space<vmem>> -> memref<1x5120xf32, #tpu.memory_space<vmem>>
        %parallel_loop3A_260 = tpu.memref_squeeze %parallel_loop3A_259 : memref<1x5120xf32, #tpu.memory_space<vmem>> -> memref<5120xf32, #tpu.memory_space<vmem>>
        %parallel_loop3A_261 = tpu.vector_load_idx %parallel_loop3A_260[%parallel_loop3A_246] : memref<5120xf32, #tpu.memory_space<vmem>>[vector<16xi32>], vector<16xf32>,
        %parallel_loop3A_262 = arith.constant 1 : i32
        %parallel_loop3A_263 = arith.index_cast %parallel_loop3A_150 : i32 to index
        %parallel_loop3A_264 = arith.index_cast %parallel_loop3A_262 : i32 to index
        %parallel_loop3A_265 = arith.constant 16 : index
        %parallel_loop3A_266 = tpu.vector_load %arg16[%parallel_loop3A_263, %parallel_loop3A_264, %parallel_loop3A_265] {strides = array<i32>} : memref<16x8x128xf32, #tpu.memory_space<vmem>>, vector<16xf32>,
        tpu.vector_store %arg16[%parallel_loop3A_263, %parallel_loop3A_264, %parallel_loop3A_265], %parallel_loop3A_261 {strides = array<i32>} : memref<16x8x128xf32, #tpu.memory_space<vmem>>, vector<16xf32>,
        %parallel_loop3A_267 = arith.constant 2 : i32
        %parallel_loop3A_268 = arith.constant 0 : i32
        %parallel_loop3A_269 = tpu.memref_slice %arg13[%parallel_loop3A_267, %parallel_loop3A_268] : memref<8x5120xf32, #tpu.memory_space<vmem>> -> memref<1x5120xf32, #tpu.memory_space<vmem>>
        %parallel_loop3A_270 = tpu.memref_squeeze %parallel_loop3A_269 : memref<1x5120xf32, #tpu.memory_space<vmem>> -> memref<5120xf32, #tpu.memory_space<vmem>>
        %parallel_loop3A_271 = tpu.vector_load_idx %parallel_loop3A_270[%parallel_loop3A_246] : memref<5120xf32, #tpu.memory_space<vmem>>[vector<16xi32>], vector<16xf32>,
        %parallel_loop3A_272 = arith.constant 2 : i32
        %parallel_loop3A_273 = arith.index_cast %parallel_loop3A_150 : i32 to index
        %parallel_loop3A_274 = arith.index_cast %parallel_loop3A_272 : i32 to index
        %parallel_loop3A_275 = arith.constant 16 : index
        %parallel_loop3A_276 = tpu.vector_load %arg16[%parallel_loop3A_273, %parallel_loop3A_274, %parallel_loop3A_275] {strides = array<i32>} : memref<16x8x128xf32, #tpu.memory_space<vmem>>, vector<16xf32>,
        tpu.vector_store %arg16[%parallel_loop3A_273, %parallel_loop3A_274, %parallel_loop3A_275], %parallel_loop3A_271 {strides = array<i32>} : memref<16x8x128xf32, #tpu.memory_space<vmem>>, vector<16xf32>,
        %parallel_loop3A_277 = arith.constant 3 : i32
        %parallel_loop3A_278 = arith.constant 0 : i32
        %parallel_loop3A_279 = tpu.memref_slice %arg13[%parallel_loop3A_277, %parallel_loop3A_278] : memref<8x5120xf32, #tpu.memory_space<vmem>> -> memref<1x5120xf32, #tpu.memory_space<vmem>>
        %parallel_loop3A_280 = tpu.memref_squeeze %parallel_loop3A_279 : memref<1x5120xf32, #tpu.memory_space<vmem>> -> memref<5120xf32, #tpu.memory_space<vmem>>
        %parallel_loop3A_281 = tpu.vector_load_idx %parallel_loop3A_280[%parallel_loop3A_246] : memref<5120xf32, #tpu.memory_space<vmem>>[vector<16xi32>], vector<16xf32>,
        %parallel_loop3A_282 = arith.constant 3 : i32
        %parallel_loop3A_283 = arith.index_cast %parallel_loop3A_150 : i32 to index
        %parallel_loop3A_284 = arith.index_cast %parallel_loop3A_282 : i32 to index
        %parallel_loop3A_285 = arith.constant 16 : index
        %parallel_loop3A_286 = tpu.vector_load %arg16[%parallel_loop3A_283, %parallel_loop3A_284, %parallel_loop3A_285] {strides = array<i32>} : memref<16x8x128xf32, #tpu.memory_space<vmem>>, vector<16xf32>,
        tpu.vector_store %arg16[%parallel_loop3A_283, %parallel_loop3A_284, %parallel_loop3A_285], %parallel_loop3A_281 {strides = array<i32>} : memref<16x8x128xf32, #tpu.memory_space<vmem>>, vector<16xf32>,
        %parallel_loop3A_287 = arith.constant 4 : i32
        %parallel_loop3A_288 = arith.constant 0 : i32
        %parallel_loop3A_289 = tpu.memref_slice %arg13[%parallel_loop3A_287, %parallel_loop3A_288] : memref<8x5120xf32, #tpu.memory_space<vmem>> -> memref<1x5120xf32, #tpu.memory_space<vmem>>
        %parallel_loop3A_290 = tpu.memref_squeeze %parallel_loop3A_289 : memref<1x5120xf32, #tpu.memory_space<vmem>> -> memref<5120xf32, #tpu.memory_space<vmem>>
        %parallel_loop3A_291 = tpu.vector_load_idx %parallel_loop3A_290[%parallel_loop3A_246] : memref<5120xf32, #tpu.memory_space<vmem>>[vector<16xi32>], vector<16xf32>,
        %parallel_loop3A_292 = arith.constant 4 : i32
        %parallel_loop3A_293 = arith.index_cast %parallel_loop3A_150 : i32 to index
        %parallel_loop3A_294 = arith.index_cast %parallel_loop3A_292 : i32 to index
        %parallel_loop3A_295 = arith.constant 16 : index
        %parallel_loop3A_296 = tpu.vector_load %arg16[%parallel_loop3A_293, %parallel_loop3A_294, %parallel_loop3A_295] {strides = array<i32>} : memref<16x8x128xf32, #tpu.memory_space<vmem>>, vector<16xf32>,
        tpu.vector_store %arg16[%parallel_loop3A_293, %parallel_loop3A_294, %parallel_loop3A_295], %parallel_loop3A_291 {strides = array<i32>} : memref<16x8x128xf32, #tpu.memory_space<vmem>>, vector<16xf32>,
        %parallel_loop3A_297 = arith.constant 5 : i32
        %parallel_loop3A_298 = arith.constant 0 : i32
        %parallel_loop3A_299 = tpu.memref_slice %arg13[%parallel_loop3A_297, %parallel_loop3A_298] : memref<8x5120xf32, #tpu.memory_space<vmem>> -> memref<1x5120xf32, #tpu.memory_space<vmem>>
        %parallel_loop3A_300 = tpu.memref_squeeze %parallel_loop3A_299 : memref<1x5120xf32, #tpu.memory_space<vmem>> -> memref<5120xf32, #tpu.memory_space<vmem>>
        %parallel_loop3A_301 = tpu.vector_load_idx %parallel_loop3A_300[%parallel_loop3A_246] : memref<5120xf32, #tpu.memory_space<vmem>>[vector<16xi32>], vector<16xf32>,
        %parallel_loop3A_302 = arith.constant 5 : i32
        %parallel_loop3A_303 = arith.index_cast %parallel_loop3A_150 : i32 to index
        %parallel_loop3A_304 = arith.index_cast %parallel_loop3A_302 : i32 to index
        %parallel_loop3A_305 = arith.constant 16 : index
        %parallel_loop3A_306 = tpu.vector_load %arg16[%parallel_loop3A_303, %parallel_loop3A_304, %parallel_loop3A_305] {strides = array<i32>} : memref<16x8x128xf32, #tpu.memory_space<vmem>>, vector<16xf32>,
        tpu.vector_store %arg16[%parallel_loop3A_303, %parallel_loop3A_304, %parallel_loop3A_305], %parallel_loop3A_301 {strides = array<i32>} : memref<16x8x128xf32, #tpu.memory_space<vmem>>, vector<16xf32>,
        %parallel_loop3A_307 = arith.constant 6 : i32
        %parallel_loop3A_308 = arith.constant 0 : i32
        %parallel_loop3A_309 = tpu.memref_slice %arg13[%parallel_loop3A_307, %parallel_loop3A_308] : memref<8x5120xf32, #tpu.memory_space<vmem>> -> memref<1x5120xf32, #tpu.memory_space<vmem>>
        %parallel_loop3A_310 = tpu.memref_squeeze %parallel_loop3A_309 : memref<1x5120xf32, #tpu.memory_space<vmem>> -> memref<5120xf32, #tpu.memory_space<vmem>>
        %parallel_loop3A_311 = tpu.vector_load_idx %parallel_loop3A_310[%parallel_loop3A_246] : memref<5120xf32, #tpu.memory_space<vmem>>[vector<16xi32>], vector<16xf32>,
        %parallel_loop3A_312 = arith.constant 6 : i32
        %parallel_loop3A_313 = arith.index_cast %parallel_loop3A_150 : i32 to index
        %parallel_loop3A_314 = arith.index_cast %parallel_loop3A_312 : i32 to index
        %parallel_loop3A_315 = arith.constant 16 : index
        %parallel_loop3A_316 = tpu.vector_load %arg16[%parallel_loop3A_313, %parallel_loop3A_314, %parallel_loop3A_315] {strides = array<i32>} : memref<16x8x128xf32, #tpu.memory_space<vmem>>, vector<16xf32>,
        tpu.vector_store %arg16[%parallel_loop3A_313, %parallel_loop3A_314, %parallel_loop3A_315], %parallel_loop3A_311 {strides = array<i32>} : memref<16x8x128xf32, #tpu.memory_space<vmem>>, vector<16xf32>,
        %parallel_loop3A_317 = arith.constant 7 : i32
        %parallel_loop3A_318 = arith.constant 0 : i32
        %parallel_loop3A_319 = tpu.memref_slice %arg13[%parallel_loop3A_317, %parallel_loop3A_318] : memref<8x5120xf32, #tpu.memory_space<vmem>> -> memref<1x5120xf32, #tpu.memory_space<vmem>>
        %parallel_loop3A_320 = tpu.memref_squeeze %parallel_loop3A_319 : memref<1x5120xf32, #tpu.memory_space<vmem>> -> memref<5120xf32, #tpu.memory_space<vmem>>
        %parallel_loop3A_321 = tpu.vector_load_idx %parallel_loop3A_320[%parallel_loop3A_246] : memref<5120xf32, #tpu.memory_space<vmem>>[vector<16xi32>], vector<16xf32>,
        %parallel_loop3A_322 = arith.constant 7 : i32
        %parallel_loop3A_323 = arith.index_cast %parallel_loop3A_150 : i32 to index
        %parallel_loop3A_324 = arith.index_cast %parallel_loop3A_322 : i32 to index
        %parallel_loop3A_325 = arith.constant 16 : index
        %parallel_loop3A_326 = tpu.vector_load %arg16[%parallel_loop3A_323, %parallel_loop3A_324, %parallel_loop3A_325] {strides = array<i32>} : memref<16x8x128xf32, #tpu.memory_space<vmem>>, vector<16xf32>,
        tpu.vector_store %arg16[%parallel_loop3A_323, %parallel_loop3A_324, %parallel_loop3A_325], %parallel_loop3A_321 {strides = array<i32>} : memref<16x8x128xf32, #tpu.memory_space<vmem>>, vector<16xf32>,
        %parallel_loop3A_327 = arith.constant 8 : i32
        %parallel_loop3A_328 = arith.muli %parallel_loop3A_150, %parallel_loop3A_327 : i32
        %parallel_loop3A_329 = arith.constant 2 : i32
        %parallel_loop3A_330 = arith.addi %parallel_loop3A_328, %parallel_loop3A_329 : i32
        %parallel_loop3A_331 = arith.constant 16 : i32
        %parallel_loop3A_332 = arith.muli %parallel_loop3A_330, %parallel_loop3A_331 : i32
        %parallel_loop3A_333 = arith.index_cast %parallel_loop3A_332 : i32 to index
        %parallel_loop3A_334 = tpu.vector_load %arg14[%parallel_loop3A_333] {strides = array<i32>} : memref<2048xi32, #tpu.memory_space<vmem>>, vector<16xi32>,
        %parallel_loop3A_335 = arith.constant 0 : i32
        %parallel_loop3A_336 = arith.constant 0 : i32
        %parallel_loop3A_337 = tpu.memref_slice %arg13[%parallel_loop3A_335, %parallel_loop3A_336] : memref<8x5120xf32, #tpu.memory_space<vmem>> -> memref<1x5120xf32, #tpu.memory_space<vmem>>
        %parallel_loop3A_338 = tpu.memref_squeeze %parallel_loop3A_337 : memref<1x5120xf32, #tpu.memory_space<vmem>> -> memref<5120xf32, #tpu.memory_space<vmem>>
        %parallel_loop3A_339 = tpu.vector_load_idx %parallel_loop3A_338[%parallel_loop3A_334] : memref<5120xf32, #tpu.memory_space<vmem>>[vector<16xi32>], vector<16xf32>,
        %parallel_loop3A_340 = arith.constant 0 : i32
        %parallel_loop3A_341 = arith.index_cast %parallel_loop3A_150 : i32 to index
        %parallel_loop3A_342 = arith.index_cast %parallel_loop3A_340 : i32 to index
        %parallel_loop3A_343 = arith.constant 32 : index
        %parallel_loop3A_344 = tpu.vector_load %arg16[%parallel_loop3A_341, %parallel_loop3A_342, %parallel_loop3A_343] {strides = array<i32>} : memref<16x8x128xf32, #tpu.memory_space<vmem>>, vector<16xf32>,
        tpu.vector_store %arg16[%parallel_loop3A_341, %parallel_loop3A_342, %parallel_loop3A_343], %parallel_loop3A_339 {strides = array<i32>} : memref<16x8x128xf32, #tpu.memory_space<vmem>>, vector<16xf32>,
        %parallel_loop3A_345 = arith.constant 1 : i32
        %parallel_loop3A_346 = arith.constant 0 : i32
        %parallel_loop3A_347 = tpu.memref_slice %arg13[%parallel_loop3A_345, %parallel_loop3A_346] : memref<8x5120xf32, #tpu.memory_space<vmem>> -> memref<1x5120xf32, #tpu.memory_space<vmem>>
        %parallel_loop3A_348 = tpu.memref_squeeze %parallel_loop3A_347 : memref<1x5120xf32, #tpu.memory_space<vmem>> -> memref<5120xf32, #tpu.memory_space<vmem>>
        %parallel_loop3A_349 = tpu.vector_load_idx %parallel_loop3A_348[%parallel_loop3A_334] : memref<5120xf32, #tpu.memory_space<vmem>>[vector<16xi32>], vector<16xf32>,
        %parallel_loop3A_350 = arith.constant 1 : i32
        %parallel_loop3A_351 = arith.index_cast %parallel_loop3A_150 : i32 to index
        %parallel_loop3A_352 = arith.index_cast %parallel_loop3A_350 : i32 to index
        %parallel_loop3A_353 = arith.constant 32 : index
        %parallel_loop3A_354 = tpu.vector_load %arg16[%parallel_loop3A_351, %parallel_loop3A_352, %parallel_loop3A_353] {strides = array<i32>} : memref<16x8x128xf32, #tpu.memory_space<vmem>>, vector<16xf32>,
        tpu.vector_store %arg16[%parallel_loop3A_351, %parallel_loop3A_352, %parallel_loop3A_353], %parallel_loop3A_349 {strides = array<i32>} : memref<16x8x128xf32, #tpu.memory_space<vmem>>, vector<16xf32>,
        %parallel_loop3A_355 = arith.constant 2 : i32
        %parallel_loop3A_356 = arith.constant 0 : i32
        %parallel_loop3A_357 = tpu.memref_slice %arg13[%parallel_loop3A_355, %parallel_loop3A_356] : memref<8x5120xf32, #tpu.memory_space<vmem>> -> memref<1x5120xf32, #tpu.memory_space<vmem>>
        %parallel_loop3A_358 = tpu.memref_squeeze %parallel_loop3A_357 : memref<1x5120xf32, #tpu.memory_space<vmem>> -> memref<5120xf32, #tpu.memory_space<vmem>>
        %parallel_loop3A_359 = tpu.vector_load_idx %parallel_loop3A_358[%parallel_loop3A_334] : memref<5120xf32, #tpu.memory_space<vmem>>[vector<16xi32>], vector<16xf32>,
        %parallel_loop3A_360 = arith.constant 2 : i32
        %parallel_loop3A_361 = arith.index_cast %parallel_loop3A_150 : i32 to index
        %parallel_loop3A_362 = arith.index_cast %parallel_loop3A_360 : i32 to index
        %parallel_loop3A_363 = arith.constant 32 : index
        %parallel_loop3A_364 = tpu.vector_load %arg16[%parallel_loop3A_361, %parallel_loop3A_362, %parallel_loop3A_363] {strides = array<i32>} : memref<16x8x128xf32, #tpu.memory_space<vmem>>, vector<16xf32>,
        tpu.vector_store %arg16[%parallel_loop3A_361, %parallel_loop3A_362, %parallel_loop3A_363], %parallel_loop3A_359 {strides = array<i32>} : memref<16x8x128xf32, #tpu.memory_space<vmem>>, vector<16xf32>,
        %parallel_loop3A_365 = arith.constant 3 : i32
        %parallel_loop3A_366 = arith.constant 0 : i32
        %parallel_loop3A_367 = tpu.memref_slice %arg13[%parallel_loop3A_365, %parallel_loop3A_366] : memref<8x5120xf32, #tpu.memory_space<vmem>> -> memref<1x5120xf32, #tpu.memory_space<vmem>>
        %parallel_loop3A_368 = tpu.memref_squeeze %parallel_loop3A_367 : memref<1x5120xf32, #tpu.memory_space<vmem>> -> memref<5120xf32, #tpu.memory_space<vmem>>
        %parallel_loop3A_369 = tpu.vector_load_idx %parallel_loop3A_368[%parallel_loop3A_334] : memref<5120xf32, #tpu.memory_space<vmem>>[vector<16xi32>], vector<16xf32>,
        %parallel_loop3A_370 = arith.constant 3 : i32
        %parallel_loop3A_371 = arith.index_cast %parallel_loop3A_150 : i32 to index
        %parallel_loop3A_372 = arith.index_cast %parallel_loop3A_370 : i32 to index
        %parallel_loop3A_373 = arith.constant 32 : index
        %parallel_loop3A_374 = tpu.vector_load %arg16[%parallel_loop3A_371, %parallel_loop3A_372, %parallel_loop3A_373] {strides = array<i32>} : memref<16x8x128xf32, #tpu.memory_space<vmem>>, vector<16xf32>,
        tpu.vector_store %arg16[%parallel_loop3A_371, %parallel_loop3A_372, %parallel_loop3A_373], %parallel_loop3A_369 {strides = array<i32>} : memref<16x8x128xf32, #tpu.memory_space<vmem>>, vector<16xf32>,
        %parallel_loop3A_375 = arith.constant 4 : i32
        %parallel_loop3A_376 = arith.constant 0 : i32
        %parallel_loop3A_377 = tpu.memref_slice %arg13[%parallel_loop3A_375, %parallel_loop3A_376] : memref<8x5120xf32, #tpu.memory_space<vmem>> -> memref<1x5120xf32, #tpu.memory_space<vmem>>
        %parallel_loop3A_378 = tpu.memref_squeeze %parallel_loop3A_377 : memref<1x5120xf32, #tpu.memory_space<vmem>> -> memref<5120xf32, #tpu.memory_space<vmem>>
        %parallel_loop3A_379 = tpu.vector_load_idx %parallel_loop3A_378[%parallel_loop3A_334] : memref<5120xf32, #tpu.memory_space<vmem>>[vector<16xi32>], vector<16xf32>,
        %parallel_loop3A_380 = arith.constant 4 : i32
        %parallel_loop3A_381 = arith.index_cast %parallel_loop3A_150 : i32 to index
        %parallel_loop3A_382 = arith.index_cast %parallel_loop3A_380 : i32 to index
        %parallel_loop3A_383 = arith.constant 32 : index
        %parallel_loop3A_384 = tpu.vector_load %arg16[%parallel_loop3A_381, %parallel_loop3A_382, %parallel_loop3A_383] {strides = array<i32>} : memref<16x8x128xf32, #tpu.memory_space<vmem>>, vector<16xf32>,
        tpu.vector_store %arg16[%parallel_loop3A_381, %parallel_loop3A_382, %parallel_loop3A_383], %parallel_loop3A_379 {strides = array<i32>} : memref<16x8x128xf32, #tpu.memory_space<vmem>>, vector<16xf32>,
        %parallel_loop3A_385 = arith.constant 5 : i32
        %parallel_loop3A_386 = arith.constant 0 : i32
        %parallel_loop3A_387 = tpu.memref_slice %arg13[%parallel_loop3A_385, %parallel_loop3A_386] : memref<8x5120xf32, #tpu.memory_space<vmem>> -> memref<1x5120xf32, #tpu.memory_space<vmem>>
        %parallel_loop3A_388 = tpu.memref_squeeze %parallel_loop3A_387 : memref<1x5120xf32, #tpu.memory_space<vmem>> -> memref<5120xf32, #tpu.memory_space<vmem>>
        %parallel_loop3A_389 = tpu.vector_load_idx %parallel_loop3A_388[%parallel_loop3A_334] : memref<5120xf32, #tpu.memory_space<vmem>>[vector<16xi32>], vector<16xf32>,
        %parallel_loop3A_390 = arith.constant 5 : i32
        %parallel_loop3A_391 = arith.index_cast %parallel_loop3A_150 : i32 to index
        %parallel_loop3A_392 = arith.index_cast %parallel_loop3A_390 : i32 to index
        %parallel_loop3A_393 = arith.constant 32 : index
        %parallel_loop3A_394 = tpu.vector_load %arg16[%parallel_loop3A_391, %parallel_loop3A_392, %parallel_loop3A_393] {strides = array<i32>} : memref<16x8x128xf32, #tpu.memory_space<vmem>>, vector<16xf32>,
        tpu.vector_store %arg16[%parallel_loop3A_391, %parallel_loop3A_392, %parallel_loop3A_393], %parallel_loop3A_389 {strides = array<i32>} : memref<16x8x128xf32, #tpu.memory_space<vmem>>, vector<16xf32>,
        %parallel_loop3A_395 = arith.constant 6 : i32
        %parallel_loop3A_396 = arith.constant 0 : i32
        %parallel_loop3A_397 = tpu.memref_slice %arg13[%parallel_loop3A_395, %parallel_loop3A_396] : memref<8x5120xf32, #tpu.memory_space<vmem>> -> memref<1x5120xf32, #tpu.memory_space<vmem>>
        %parallel_loop3A_398 = tpu.memref_squeeze %parallel_loop3A_397 : memref<1x5120xf32, #tpu.memory_space<vmem>> -> memref<5120xf32, #tpu.memory_space<vmem>>
        %parallel_loop3A_399 = tpu.vector_load_idx %parallel_loop3A_398[%parallel_loop3A_334] : memref<5120xf32, #tpu.memory_space<vmem>>[vector<16xi32>], vector<16xf32>,
        %parallel_loop3A_400 = arith.constant 6 : i32
        %parallel_loop3A_401 = arith.index_cast %parallel_loop3A_150 : i32 to index
        %parallel_loop3A_402 = arith.index_cast %parallel_loop3A_400 : i32 to index
        %parallel_loop3A_403 = arith.constant 32 : index
        %parallel_loop3A_404 = tpu.vector_load %arg16[%parallel_loop3A_401, %parallel_loop3A_402, %parallel_loop3A_403] {strides = array<i32>} : memref<16x8x128xf32, #tpu.memory_space<vmem>>, vector<16xf32>,
        tpu.vector_store %arg16[%parallel_loop3A_401, %parallel_loop3A_402, %parallel_loop3A_403], %parallel_loop3A_399 {strides = array<i32>} : memref<16x8x128xf32, #tpu.memory_space<vmem>>, vector<16xf32>,
        %parallel_loop3A_405 = arith.constant 7 : i32
        %parallel_loop3A_406 = arith.constant 0 : i32
        %parallel_loop3A_407 = tpu.memref_slice %arg13[%parallel_loop3A_405, %parallel_loop3A_406] : memref<8x5120xf32, #tpu.memory_space<vmem>> -> memref<1x5120xf32, #tpu.memory_space<vmem>>
        %parallel_loop3A_408 = tpu.memref_squeeze %parallel_loop3A_407 : memref<1x5120xf32, #tpu.memory_space<vmem>> -> memref<5120xf32, #tpu.memory_space<vmem>>
        %parallel_loop3A_409 = tpu.vector_load_idx %parallel_loop3A_408[%parallel_loop3A_334] : memref<5120xf32, #tpu.memory_space<vmem>>[vector<16xi32>], vector<16xf32>,
        %parallel_loop3A_410 = arith.constant 7 : i32
        %parallel_loop3A_411 = arith.index_cast %parallel_loop3A_150 : i32 to index
        %parallel_loop3A_412 = arith.index_cast %parallel_loop3A_410 : i32 to index
        %parallel_loop3A_413 = arith.constant 32 : index
        %parallel_loop3A_414 = tpu.vector_load %arg16[%parallel_loop3A_411, %parallel_loop3A_412, %parallel_loop3A_413] {strides = array<i32>} : memref<16x8x128xf32, #tpu.memory_space<vmem>>, vector<16xf32>,
        tpu.vector_store %arg16[%parallel_loop3A_411, %parallel_loop3A_412, %parallel_loop3A_413], %parallel_loop3A_409 {strides = array<i32>} : memref<16x8x128xf32, #tpu.memory_space<vmem>>, vector<16xf32>,
        %parallel_loop3A_415 = arith.constant 8 : i32
        %parallel_loop3A_416 = arith.muli %parallel_loop3A_150, %parallel_loop3A_415 : i32
        %parallel_loop3A_417 = arith.constant 3 : i32
        %parallel_loop3A_418 = arith.addi %parallel_loop3A_416, %parallel_loop3A_417 : i32
        %parallel_loop3A_419 = arith.constant 16 : i32
        %parallel_loop3A_420 = arith.muli %parallel_loop3A_418, %parallel_loop3A_419 : i32
        %parallel_loop3A_421 = arith.index_cast %parallel_loop3A_420 : i32 to index
        %parallel_loop3A_422 = tpu.vector_load %arg14[%parallel_loop3A_421] {strides = array<i32>} : memref<2048xi32, #tpu.memory_space<vmem>>, vector<16xi32>,
        %parallel_loop3A_423 = arith.constant 0 : i32
        %parallel_loop3A_424 = arith.constant 0 : i32
        %parallel_loop3A_425 = tpu.memref_slice %arg13[%parallel_loop3A_423, %parallel_loop3A_424] : memref<8x5120xf32, #tpu.memory_space<vmem>> -> memref<1x5120xf32, #tpu.memory_space<vmem>>
        %parallel_loop3A_426 = tpu.memref_squeeze %parallel_loop3A_425 : memref<1x5120xf32, #tpu.memory_space<vmem>> -> memref<5120xf32, #tpu.memory_space<vmem>>
        %parallel_loop3A_427 = tpu.vector_load_idx %parallel_loop3A_426[%parallel_loop3A_422] : memref<5120xf32, #tpu.memory_space<vmem>>[vector<16xi32>], vector<16xf32>,
        %parallel_loop3A_428 = arith.constant 0 : i32
        %parallel_loop3A_429 = arith.index_cast %parallel_loop3A_150 : i32 to index
        %parallel_loop3A_430 = arith.index_cast %parallel_loop3A_428 : i32 to index
        %parallel_loop3A_431 = arith.constant 48 : index
        %parallel_loop3A_432 = tpu.vector_load %arg16[%parallel_loop3A_429, %parallel_loop3A_430, %parallel_loop3A_431] {strides = array<i32>} : memref<16x8x128xf32, #tpu.memory_space<vmem>>, vector<16xf32>,
        tpu.vector_store %arg16[%parallel_loop3A_429, %parallel_loop3A_430, %parallel_loop3A_431], %parallel_loop3A_427 {strides = array<i32>} : memref<16x8x128xf32, #tpu.memory_space<vmem>>, vector<16xf32>,
        %parallel_loop3A_433 = arith.constant 1 : i32
        %parallel_loop3A_434 = arith.constant 0 : i32
        %parallel_loop3A_435 = tpu.memref_slice %arg13[%parallel_loop3A_433, %parallel_loop3A_434] : memref<8x5120xf32, #tpu.memory_space<vmem>> -> memref<1x5120xf32, #tpu.memory_space<vmem>>
        %parallel_loop3A_436 = tpu.memref_squeeze %parallel_loop3A_435 : memref<1x5120xf32, #tpu.memory_space<vmem>> -> memref<5120xf32, #tpu.memory_space<vmem>>
        %parallel_loop3A_437 = tpu.vector_load_idx %parallel_loop3A_436[%parallel_loop3A_422] : memref<5120xf32, #tpu.memory_space<vmem>>[vector<16xi32>], vector<16xf32>,
        %parallel_loop3A_438 = arith.constant 1 : i32
        %parallel_loop3A_439 = arith.index_cast %parallel_loop3A_150 : i32 to index
        %parallel_loop3A_440 = arith.index_cast %parallel_loop3A_438 : i32 to index
        %parallel_loop3A_441 = arith.constant 48 : index
        %parallel_loop3A_442 = tpu.vector_load %arg16[%parallel_loop3A_439, %parallel_loop3A_440, %parallel_loop3A_441] {strides = array<i32>} : memref<16x8x128xf32, #tpu.memory_space<vmem>>, vector<16xf32>,
        tpu.vector_store %arg16[%parallel_loop3A_439, %parallel_loop3A_440, %parallel_loop3A_441], %parallel_loop3A_437 {strides = array<i32>} : memref<16x8x128xf32, #tpu.memory_space<vmem>>, vector<16xf32>,
        %parallel_loop3A_443 = arith.constant 2 : i32
        %parallel_loop3A_444 = arith.constant 0 : i32
        %parallel_loop3A_445 = tpu.memref_slice %arg13[%parallel_loop3A_443, %parallel_loop3A_444] : memref<8x5120xf32, #tpu.memory_space<vmem>> -> memref<1x5120xf32, #tpu.memory_space<vmem>>
        %parallel_loop3A_446 = tpu.memref_squeeze %parallel_loop3A_445 : memref<1x5120xf32, #tpu.memory_space<vmem>> -> memref<5120xf32, #tpu.memory_space<vmem>>
        %parallel_loop3A_447 = tpu.vector_load_idx %parallel_loop3A_446[%parallel_loop3A_422] : memref<5120xf32, #tpu.memory_space<vmem>>[vector<16xi32>], vector<16xf32>,
        %parallel_loop3A_448 = arith.constant 2 : i32
        %parallel_loop3A_449 = arith.index_cast %parallel_loop3A_150 : i32 to index
        %parallel_loop3A_450 = arith.index_cast %parallel_loop3A_448 : i32 to index
        %parallel_loop3A_451 = arith.constant 48 : index
        %parallel_loop3A_452 = tpu.vector_load %arg16[%parallel_loop3A_449, %parallel_loop3A_450, %parallel_loop3A_451] {strides = array<i32>} : memref<16x8x128xf32, #tpu.memory_space<vmem>>, vector<16xf32>,
        tpu.vector_store %arg16[%parallel_loop3A_449, %parallel_loop3A_450, %parallel_loop3A_451], %parallel_loop3A_447 {strides = array<i32>} : memref<16x8x128xf32, #tpu.memory_space<vmem>>, vector<16xf32>,
        %parallel_loop3A_453 = arith.constant 3 : i32
        %parallel_loop3A_454 = arith.constant 0 : i32
        %parallel_loop3A_455 = tpu.memref_slice %arg13[%parallel_loop3A_453, %parallel_loop3A_454] : memref<8x5120xf32, #tpu.memory_space<vmem>> -> memref<1x5120xf32, #tpu.memory_space<vmem>>
        %parallel_loop3A_456 = tpu.memref_squeeze %parallel_loop3A_455 : memref<1x5120xf32, #tpu.memory_space<vmem>> -> memref<5120xf32, #tpu.memory_space<vmem>>
        %parallel_loop3A_457 = tpu.vector_load_idx %parallel_loop3A_456[%parallel_loop3A_422] : memref<5120xf32, #tpu.memory_space<vmem>>[vector<16xi32>], vector<16xf32>,
        %parallel_loop3A_458 = arith.constant 3 : i32
        %parallel_loop3A_459 = arith.index_cast %parallel_loop3A_150 : i32 to index
        %parallel_loop3A_460 = arith.index_cast %parallel_loop3A_458 : i32 to index
        %parallel_loop3A_461 = arith.constant 48 : index
        %parallel_loop3A_462 = tpu.vector_load %arg16[%parallel_loop3A_459, %parallel_loop3A_460, %parallel_loop3A_461] {strides = array<i32>} : memref<16x8x128xf32, #tpu.memory_space<vmem>>, vector<16xf32>,
        tpu.vector_store %arg16[%parallel_loop3A_459, %parallel_loop3A_460, %parallel_loop3A_461], %parallel_loop3A_457 {strides = array<i32>} : memref<16x8x128xf32, #tpu.memory_space<vmem>>, vector<16xf32>,
        %parallel_loop3A_463 = arith.constant 4 : i32
        %parallel_loop3A_464 = arith.constant 0 : i32
        %parallel_loop3A_465 = tpu.memref_slice %arg13[%parallel_loop3A_463, %parallel_loop3A_464] : memref<8x5120xf32, #tpu.memory_space<vmem>> -> memref<1x5120xf32, #tpu.memory_space<vmem>>
        %parallel_loop3A_466 = tpu.memref_squeeze %parallel_loop3A_465 : memref<1x5120xf32, #tpu.memory_space<vmem>> -> memref<5120xf32, #tpu.memory_space<vmem>>
        %parallel_loop3A_467 = tpu.vector_load_idx %parallel_loop3A_466[%parallel_loop3A_422] : memref<5120xf32, #tpu.memory_space<vmem>>[vector<16xi32>], vector<16xf32>,
        %parallel_loop3A_468 = arith.constant 4 : i32
        %parallel_loop3A_469 = arith.index_cast %parallel_loop3A_150 : i32 to index
        %parallel_loop3A_470 = arith.index_cast %parallel_loop3A_468 : i32 to index
        %parallel_loop3A_471 = arith.constant 48 : index
        %parallel_loop3A_472 = tpu.vector_load %arg16[%parallel_loop3A_469, %parallel_loop3A_470, %parallel_loop3A_471] {strides = array<i32>} : memref<16x8x128xf32, #tpu.memory_space<vmem>>, vector<16xf32>,
        tpu.vector_store %arg16[%parallel_loop3A_469, %parallel_loop3A_470, %parallel_loop3A_471], %parallel_loop3A_467 {strides = array<i32>} : memref<16x8x128xf32, #tpu.memory_space<vmem>>, vector<16xf32>,
        %parallel_loop3A_473 = arith.constant 5 : i32
        %parallel_loop3A_474 = arith.constant 0 : i32
        %parallel_loop3A_475 = tpu.memref_slice %arg13[%parallel_loop3A_473, %parallel_loop3A_474] : memref<8x5120xf32, #tpu.memory_space<vmem>> -> memref<1x5120xf32, #tpu.memory_space<vmem>>
        %parallel_loop3A_476 = tpu.memref_squeeze %parallel_loop3A_475 : memref<1x5120xf32, #tpu.memory_space<vmem>> -> memref<5120xf32, #tpu.memory_space<vmem>>
        %parallel_loop3A_477 = tpu.vector_load_idx %parallel_loop3A_476[%parallel_loop3A_422] : memref<5120xf32, #tpu.memory_space<vmem>>[vector<16xi32>], vector<16xf32>,
        %parallel_loop3A_478 = arith.constant 5 : i32
        %parallel_loop3A_479 = arith.index_cast %parallel_loop3A_150 : i32 to index
        %parallel_loop3A_480 = arith.index_cast %parallel_loop3A_478 : i32 to index
        %parallel_loop3A_481 = arith.constant 48 : index
        %parallel_loop3A_482 = tpu.vector_load %arg16[%parallel_loop3A_479, %parallel_loop3A_480, %parallel_loop3A_481] {strides = array<i32>} : memref<16x8x128xf32, #tpu.memory_space<vmem>>, vector<16xf32>,
        tpu.vector_store %arg16[%parallel_loop3A_479, %parallel_loop3A_480, %parallel_loop3A_481], %parallel_loop3A_477 {strides = array<i32>} : memref<16x8x128xf32, #tpu.memory_space<vmem>>, vector<16xf32>,
        %parallel_loop3A_483 = arith.constant 6 : i32
        %parallel_loop3A_484 = arith.constant 0 : i32
        %parallel_loop3A_485 = tpu.memref_slice %arg13[%parallel_loop3A_483, %parallel_loop3A_484] : memref<8x5120xf32, #tpu.memory_space<vmem>> -> memref<1x5120xf32, #tpu.memory_space<vmem>>
        %parallel_loop3A_486 = tpu.memref_squeeze %parallel_loop3A_485 : memref<1x5120xf32, #tpu.memory_space<vmem>> -> memref<5120xf32, #tpu.memory_space<vmem>>
        %parallel_loop3A_487 = tpu.vector_load_idx %parallel_loop3A_486[%parallel_loop3A_422] : memref<5120xf32, #tpu.memory_space<vmem>>[vector<16xi32>], vector<16xf32>,
        %parallel_loop3A_488 = arith.constant 6 : i32
        %parallel_loop3A_489 = arith.index_cast %parallel_loop3A_150 : i32 to index
        %parallel_loop3A_490 = arith.index_cast %parallel_loop3A_488 : i32 to index
        %parallel_loop3A_491 = arith.constant 48 : index
        %parallel_loop3A_492 = tpu.vector_load %arg16[%parallel_loop3A_489, %parallel_loop3A_490, %parallel_loop3A_491] {strides = array<i32>} : memref<16x8x128xf32, #tpu.memory_space<vmem>>, vector<16xf32>,
        tpu.vector_store %arg16[%parallel_loop3A_489, %parallel_loop3A_490, %parallel_loop3A_491], %parallel_loop3A_487 {strides = array<i32>} : memref<16x8x128xf32, #tpu.memory_space<vmem>>, vector<16xf32>,
        %parallel_loop3A_493 = arith.constant 7 : i32
        %parallel_loop3A_494 = arith.constant 0 : i32
        %parallel_loop3A_495 = tpu.memref_slice %arg13[%parallel_loop3A_493, %parallel_loop3A_494] : memref<8x5120xf32, #tpu.memory_space<vmem>> -> memref<1x5120xf32, #tpu.memory_space<vmem>>
        %parallel_loop3A_496 = tpu.memref_squeeze %parallel_loop3A_495 : memref<1x5120xf32, #tpu.memory_space<vmem>> -> memref<5120xf32, #tpu.memory_space<vmem>>
        %parallel_loop3A_497 = tpu.vector_load_idx %parallel_loop3A_496[%parallel_loop3A_422] : memref<5120xf32, #tpu.memory_space<vmem>>[vector<16xi32>], vector<16xf32>,
        %parallel_loop3A_498 = arith.constant 7 : i32
        %parallel_loop3A_499 = arith.index_cast %parallel_loop3A_150 : i32 to index
        %parallel_loop3A_500 = arith.index_cast %parallel_loop3A_498 : i32 to index
        %parallel_loop3A_501 = arith.constant 48 : index
        %parallel_loop3A_502 = tpu.vector_load %arg16[%parallel_loop3A_499, %parallel_loop3A_500, %parallel_loop3A_501] {strides = array<i32>} : memref<16x8x128xf32, #tpu.memory_space<vmem>>, vector<16xf32>,
        tpu.vector_store %arg16[%parallel_loop3A_499, %parallel_loop3A_500, %parallel_loop3A_501], %parallel_loop3A_497 {strides = array<i32>} : memref<16x8x128xf32, #tpu.memory_space<vmem>>, vector<16xf32>,
        %parallel_loop3A_503 = arith.constant 8 : i32
        %parallel_loop3A_504 = arith.muli %parallel_loop3A_150, %parallel_loop3A_503 : i32
        %parallel_loop3A_505 = arith.constant 4 : i32
        %parallel_loop3A_506 = arith.addi %parallel_loop3A_504, %parallel_loop3A_505 : i32
        %parallel_loop3A_507 = arith.constant 16 : i32
        %parallel_loop3A_508 = arith.muli %parallel_loop3A_506, %parallel_loop3A_507 : i32
        %parallel_loop3A_509 = arith.index_cast %parallel_loop3A_508 : i32 to index
        %parallel_loop3A_510 = tpu.vector_load %arg14[%parallel_loop3A_509] {strides = array<i32>} : memref<2048xi32, #tpu.memory_space<vmem>>, vector<16xi32>,
        %parallel_loop3A_511 = arith.constant 0 : i32
        %parallel_loop3A_512 = arith.constant 0 : i32
        %parallel_loop3A_513 = tpu.memref_slice %arg13[%parallel_loop3A_511, %parallel_loop3A_512] : memref<8x5120xf32, #tpu.memory_space<vmem>> -> memref<1x5120xf32, #tpu.memory_space<vmem>>
        %parallel_loop3A_514 = tpu.memref_squeeze %parallel_loop3A_513 : memref<1x5120xf32, #tpu.memory_space<vmem>> -> memref<5120xf32, #tpu.memory_space<vmem>>
        %parallel_loop3A_515 = tpu.vector_load_idx %parallel_loop3A_514[%parallel_loop3A_510] : memref<5120xf32, #tpu.memory_space<vmem>>[vector<16xi32>], vector<16xf32>,
        %parallel_loop3A_516 = arith.constant 0 : i32
        %parallel_loop3A_517 = arith.index_cast %parallel_loop3A_150 : i32 to index
        %parallel_loop3A_518 = arith.index_cast %parallel_loop3A_516 : i32 to index
        %parallel_loop3A_519 = arith.constant 64 : index
        %parallel_loop3A_520 = tpu.vector_load %arg16[%parallel_loop3A_517, %parallel_loop3A_518, %parallel_loop3A_519] {strides = array<i32>} : memref<16x8x128xf32, #tpu.memory_space<vmem>>, vector<16xf32>,
        tpu.vector_store %arg16[%parallel_loop3A_517, %parallel_loop3A_518, %parallel_loop3A_519], %parallel_loop3A_515 {strides = array<i32>} : memref<16x8x128xf32, #tpu.memory_space<vmem>>, vector<16xf32>,
        %parallel_loop3A_521 = arith.constant 1 : i32
        %parallel_loop3A_522 = arith.constant 0 : i32
        %parallel_loop3A_523 = tpu.memref_slice %arg13[%parallel_loop3A_521, %parallel_loop3A_522] : memref<8x5120xf32, #tpu.memory_space<vmem>> -> memref<1x5120xf32, #tpu.memory_space<vmem>>
        %parallel_loop3A_524 = tpu.memref_squeeze %parallel_loop3A_523 : memref<1x5120xf32, #tpu.memory_space<vmem>> -> memref<5120xf32, #tpu.memory_space<vmem>>
        %parallel_loop3A_525 = tpu.vector_load_idx %parallel_loop3A_524[%parallel_loop3A_510] : memref<5120xf32, #tpu.memory_space<vmem>>[vector<16xi32>], vector<16xf32>,
        %parallel_loop3A_526 = arith.constant 1 : i32
        %parallel_loop3A_527 = arith.index_cast %parallel_loop3A_150 : i32 to index
        %parallel_loop3A_528 = arith.index_cast %parallel_loop3A_526 : i32 to index
        %parallel_loop3A_529 = arith.constant 64 : index
        %parallel_loop3A_530 = tpu.vector_load %arg16[%parallel_loop3A_527, %parallel_loop3A_528, %parallel_loop3A_529] {strides = array<i32>} : memref<16x8x128xf32, #tpu.memory_space<vmem>>, vector<16xf32>,
        tpu.vector_store %arg16[%parallel_loop3A_527, %parallel_loop3A_528, %parallel_loop3A_529], %parallel_loop3A_525 {strides = array<i32>} : memref<16x8x128xf32, #tpu.memory_space<vmem>>, vector<16xf32>,
        %parallel_loop3A_531 = arith.constant 2 : i32
        %parallel_loop3A_532 = arith.constant 0 : i32
        %parallel_loop3A_533 = tpu.memref_slice %arg13[%parallel_loop3A_531, %parallel_loop3A_532] : memref<8x5120xf32, #tpu.memory_space<vmem>> -> memref<1x5120xf32, #tpu.memory_space<vmem>>
        %parallel_loop3A_534 = tpu.memref_squeeze %parallel_loop3A_533 : memref<1x5120xf32, #tpu.memory_space<vmem>> -> memref<5120xf32, #tpu.memory_space<vmem>>
        %parallel_loop3A_535 = tpu.vector_load_idx %parallel_loop3A_534[%parallel_loop3A_510] : memref<5120xf32, #tpu.memory_space<vmem>>[vector<16xi32>], vector<16xf32>,
        %parallel_loop3A_536 = arith.constant 2 : i32
        %parallel_loop3A_537 = arith.index_cast %parallel_loop3A_150 : i32 to index
        %parallel_loop3A_538 = arith.index_cast %parallel_loop3A_536 : i32 to index
        %parallel_loop3A_539 = arith.constant 64 : index
        %parallel_loop3A_540 = tpu.vector_load %arg16[%parallel_loop3A_537, %parallel_loop3A_538, %parallel_loop3A_539] {strides = array<i32>} : memref<16x8x128xf32, #tpu.memory_space<vmem>>, vector<16xf32>,
        tpu.vector_store %arg16[%parallel_loop3A_537, %parallel_loop3A_538, %parallel_loop3A_539], %parallel_loop3A_535 {strides = array<i32>} : memref<16x8x128xf32, #tpu.memory_space<vmem>>, vector<16xf32>,
        %parallel_loop3A_541 = arith.constant 3 : i32
        %parallel_loop3A_542 = arith.constant 0 : i32
        %parallel_loop3A_543 = tpu.memref_slice %arg13[%parallel_loop3A_541, %parallel_loop3A_542] : memref<8x5120xf32, #tpu.memory_space<vmem>> -> memref<1x5120xf32, #tpu.memory_space<vmem>>
        %parallel_loop3A_544 = tpu.memref_squeeze %parallel_loop3A_543 : memref<1x5120xf32, #tpu.memory_space<vmem>> -> memref<5120xf32, #tpu.memory_space<vmem>>
        %parallel_loop3A_545 = tpu.vector_load_idx %parallel_loop3A_544[%parallel_loop3A_510] : memref<5120xf32, #tpu.memory_space<vmem>>[vector<16xi32>], vector<16xf32>,
        %parallel_loop3A_546 = arith.constant 3 : i32
        %parallel_loop3A_547 = arith.index_cast %parallel_loop3A_150 : i32 to index
        %parallel_loop3A_548 = arith.index_cast %parallel_loop3A_546 : i32 to index
        %parallel_loop3A_549 = arith.constant 64 : index
        %parallel_loop3A_550 = tpu.vector_load %arg16[%parallel_loop3A_547, %parallel_loop3A_548, %parallel_loop3A_549] {strides = array<i32>} : memref<16x8x128xf32, #tpu.memory_space<vmem>>, vector<16xf32>,
        tpu.vector_store %arg16[%parallel_loop3A_547, %parallel_loop3A_548, %parallel_loop3A_549], %parallel_loop3A_545 {strides = array<i32>} : memref<16x8x128xf32, #tpu.memory_space<vmem>>, vector<16xf32>,
        %parallel_loop3A_551 = arith.constant 4 : i32
        %parallel_loop3A_552 = arith.constant 0 : i32
        %parallel_loop3A_553 = tpu.memref_slice %arg13[%parallel_loop3A_551, %parallel_loop3A_552] : memref<8x5120xf32, #tpu.memory_space<vmem>> -> memref<1x5120xf32, #tpu.memory_space<vmem>>
        %parallel_loop3A_554 = tpu.memref_squeeze %parallel_loop3A_553 : memref<1x5120xf32, #tpu.memory_space<vmem>> -> memref<5120xf32, #tpu.memory_space<vmem>>
        %parallel_loop3A_555 = tpu.vector_load_idx %parallel_loop3A_554[%parallel_loop3A_510] : memref<5120xf32, #tpu.memory_space<vmem>>[vector<16xi32>], vector<16xf32>,
        %parallel_loop3A_556 = arith.constant 4 : i32
        %parallel_loop3A_557 = arith.index_cast %parallel_loop3A_150 : i32 to index
        %parallel_loop3A_558 = arith.index_cast %parallel_loop3A_556 : i32 to index
        %parallel_loop3A_559 = arith.constant 64 : index
        %parallel_loop3A_560 = tpu.vector_load %arg16[%parallel_loop3A_557, %parallel_loop3A_558, %parallel_loop3A_559] {strides = array<i32>} : memref<16x8x128xf32, #tpu.memory_space<vmem>>, vector<16xf32>,
        tpu.vector_store %arg16[%parallel_loop3A_557, %parallel_loop3A_558, %parallel_loop3A_559], %parallel_loop3A_555 {strides = array<i32>} : memref<16x8x128xf32, #tpu.memory_space<vmem>>, vector<16xf32>,
        %parallel_loop3A_561 = arith.constant 5 : i32
        %parallel_loop3A_562 = arith.constant 0 : i32
        %parallel_loop3A_563 = tpu.memref_slice %arg13[%parallel_loop3A_561, %parallel_loop3A_562] : memref<8x5120xf32, #tpu.memory_space<vmem>> -> memref<1x5120xf32, #tpu.memory_space<vmem>>
        %parallel_loop3A_564 = tpu.memref_squeeze %parallel_loop3A_563 : memref<1x5120xf32, #tpu.memory_space<vmem>> -> memref<5120xf32, #tpu.memory_space<vmem>>
        %parallel_loop3A_565 = tpu.vector_load_idx %parallel_loop3A_564[%parallel_loop3A_510] : memref<5120xf32, #tpu.memory_space<vmem>>[vector<16xi32>], vector<16xf32>,
        %parallel_loop3A_566 = arith.constant 5 : i32
        %parallel_loop3A_567 = arith.index_cast %parallel_loop3A_150 : i32 to index
        %parallel_loop3A_568 = arith.index_cast %parallel_loop3A_566 : i32 to index
        %parallel_loop3A_569 = arith.constant 64 : index
        %parallel_loop3A_570 = tpu.vector_load %arg16[%parallel_loop3A_567, %parallel_loop3A_568, %parallel_loop3A_569] {strides = array<i32>} : memref<16x8x128xf32, #tpu.memory_space<vmem>>, vector<16xf32>,
        tpu.vector_store %arg16[%parallel_loop3A_567, %parallel_loop3A_568, %parallel_loop3A_569], %parallel_loop3A_565 {strides = array<i32>} : memref<16x8x128xf32, #tpu.memory_space<vmem>>, vector<16xf32>,
        %parallel_loop3A_571 = arith.constant 6 : i32
        %parallel_loop3A_572 = arith.constant 0 : i32
        %parallel_loop3A_573 = tpu.memref_slice %arg13[%parallel_loop3A_571, %parallel_loop3A_572] : memref<8x5120xf32, #tpu.memory_space<vmem>> -> memref<1x5120xf32, #tpu.memory_space<vmem>>
        %parallel_loop3A_574 = tpu.memref_squeeze %parallel_loop3A_573 : memref<1x5120xf32, #tpu.memory_space<vmem>> -> memref<5120xf32, #tpu.memory_space<vmem>>
        %parallel_loop3A_575 = tpu.vector_load_idx %parallel_loop3A_574[%parallel_loop3A_510] : memref<5120xf32, #tpu.memory_space<vmem>>[vector<16xi32>], vector<16xf32>,
        %parallel_loop3A_576 = arith.constant 6 : i32
        %parallel_loop3A_577 = arith.index_cast %parallel_loop3A_150 : i32 to index
        %parallel_loop3A_578 = arith.index_cast %parallel_loop3A_576 : i32 to index
        %parallel_loop3A_579 = arith.constant 64 : index
        %parallel_loop3A_580 = tpu.vector_load %arg16[%parallel_loop3A_577, %parallel_loop3A_578, %parallel_loop3A_579] {strides = array<i32>} : memref<16x8x128xf32, #tpu.memory_space<vmem>>, vector<16xf32>,
        tpu.vector_store %arg16[%parallel_loop3A_577, %parallel_loop3A_578, %parallel_loop3A_579], %parallel_loop3A_575 {strides = array<i32>} : memref<16x8x128xf32, #tpu.memory_space<vmem>>, vector<16xf32>,
        %parallel_loop3A_581 = arith.constant 7 : i32
        %parallel_loop3A_582 = arith.constant 0 : i32
        %parallel_loop3A_583 = tpu.memref_slice %arg13[%parallel_loop3A_581, %parallel_loop3A_582] : memref<8x5120xf32, #tpu.memory_space<vmem>> -> memref<1x5120xf32, #tpu.memory_space<vmem>>
        %parallel_loop3A_584 = tpu.memref_squeeze %parallel_loop3A_583 : memref<1x5120xf32, #tpu.memory_space<vmem>> -> memref<5120xf32, #tpu.memory_space<vmem>>
        %parallel_loop3A_585 = tpu.vector_load_idx %parallel_loop3A_584[%parallel_loop3A_510] : memref<5120xf32, #tpu.memory_space<vmem>>[vector<16xi32>], vector<16xf32>,
        %parallel_loop3A_586 = arith.constant 7 : i32
        %parallel_loop3A_587 = arith.index_cast %parallel_loop3A_150 : i32 to index
        %parallel_loop3A_588 = arith.index_cast %parallel_loop3A_586 : i32 to index
        %parallel_loop3A_589 = arith.constant 64 : index
        %parallel_loop3A_590 = tpu.vector_load %arg16[%parallel_loop3A_587, %parallel_loop3A_588, %parallel_loop3A_589] {strides = array<i32>} : memref<16x8x128xf32, #tpu.memory_space<vmem>>, vector<16xf32>,
        tpu.vector_store %arg16[%parallel_loop3A_587, %parallel_loop3A_588, %parallel_loop3A_589], %parallel_loop3A_585 {strides = array<i32>} : memref<16x8x128xf32, #tpu.memory_space<vmem>>, vector<16xf32>,
        %parallel_loop3A_591 = arith.constant 8 : i32
        %parallel_loop3A_592 = arith.muli %parallel_loop3A_150, %parallel_loop3A_591 : i32
        %parallel_loop3A_593 = arith.constant 5 : i32
        %parallel_loop3A_594 = arith.addi %parallel_loop3A_592, %parallel_loop3A_593 : i32
        %parallel_loop3A_595 = arith.constant 16 : i32
        %parallel_loop3A_596 = arith.muli %parallel_loop3A_594, %parallel_loop3A_595 : i32
        %parallel_loop3A_597 = arith.index_cast %parallel_loop3A_596 : i32 to index
        %parallel_loop3A_598 = tpu.vector_load %arg14[%parallel_loop3A_597] {strides = array<i32>} : memref<2048xi32, #tpu.memory_space<vmem>>, vector<16xi32>,
        %parallel_loop3A_599 = arith.constant 0 : i32
        %parallel_loop3A_600 = arith.constant 0 : i32
        %parallel_loop3A_601 = tpu.memref_slice %arg13[%parallel_loop3A_599, %parallel_loop3A_600] : memref<8x5120xf32, #tpu.memory_space<vmem>> -> memref<1x5120xf32, #tpu.memory_space<vmem>>
        %parallel_loop3A_602 = tpu.memref_squeeze %parallel_loop3A_601 : memref<1x5120xf32, #tpu.memory_space<vmem>> -> memref<5120xf32, #tpu.memory_space<vmem>>
        %parallel_loop3A_603 = tpu.vector_load_idx %parallel_loop3A_602[%parallel_loop3A_598] : memref<5120xf32, #tpu.memory_space<vmem>>[vector<16xi32>], vector<16xf32>,
        %parallel_loop3A_604 = arith.constant 0 : i32
        %parallel_loop3A_605 = arith.index_cast %parallel_loop3A_150 : i32 to index
        %parallel_loop3A_606 = arith.index_cast %parallel_loop3A_604 : i32 to index
        %parallel_loop3A_607 = arith.constant 80 : index
        %parallel_loop3A_608 = tpu.vector_load %arg16[%parallel_loop3A_605, %parallel_loop3A_606, %parallel_loop3A_607] {strides = array<i32>} : memref<16x8x128xf32, #tpu.memory_space<vmem>>, vector<16xf32>,
        tpu.vector_store %arg16[%parallel_loop3A_605, %parallel_loop3A_606, %parallel_loop3A_607], %parallel_loop3A_603 {strides = array<i32>} : memref<16x8x128xf32, #tpu.memory_space<vmem>>, vector<16xf32>,
        %parallel_loop3A_609 = arith.constant 1 : i32
        %parallel_loop3A_610 = arith.constant 0 : i32
        %parallel_loop3A_611 = tpu.memref_slice %arg13[%parallel_loop3A_609, %parallel_loop3A_610] : memref<8x5120xf32, #tpu.memory_space<vmem>> -> memref<1x5120xf32, #tpu.memory_space<vmem>>
        %parallel_loop3A_612 = tpu.memref_squeeze %parallel_loop3A_611 : memref<1x5120xf32, #tpu.memory_space<vmem>> -> memref<5120xf32, #tpu.memory_space<vmem>>
        %parallel_loop3A_613 = tpu.vector_load_idx %parallel_loop3A_612[%parallel_loop3A_598] : memref<5120xf32, #tpu.memory_space<vmem>>[vector<16xi32>], vector<16xf32>,
        %parallel_loop3A_614 = arith.constant 1 : i32
        %parallel_loop3A_615 = arith.index_cast %parallel_loop3A_150 : i32 to index
        %parallel_loop3A_616 = arith.index_cast %parallel_loop3A_614 : i32 to index
        %parallel_loop3A_617 = arith.constant 80 : index
        %parallel_loop3A_618 = tpu.vector_load %arg16[%parallel_loop3A_615, %parallel_loop3A_616, %parallel_loop3A_617] {strides = array<i32>} : memref<16x8x128xf32, #tpu.memory_space<vmem>>, vector<16xf32>,
        tpu.vector_store %arg16[%parallel_loop3A_615, %parallel_loop3A_616, %parallel_loop3A_617], %parallel_loop3A_613 {strides = array<i32>} : memref<16x8x128xf32, #tpu.memory_space<vmem>>, vector<16xf32>,
        %parallel_loop3A_619 = arith.constant 2 : i32
        %parallel_loop3A_620 = arith.constant 0 : i32
        %parallel_loop3A_621 = tpu.memref_slice %arg13[%parallel_loop3A_619, %parallel_loop3A_620] : memref<8x5120xf32, #tpu.memory_space<vmem>> -> memref<1x5120xf32, #tpu.memory_space<vmem>>
        %parallel_loop3A_622 = tpu.memref_squeeze %parallel_loop3A_621 : memref<1x5120xf32, #tpu.memory_space<vmem>> -> memref<5120xf32, #tpu.memory_space<vmem>>
        %parallel_loop3A_623 = tpu.vector_load_idx %parallel_loop3A_622[%parallel_loop3A_598] : memref<5120xf32, #tpu.memory_space<vmem>>[vector<16xi32>], vector<16xf32>,
        %parallel_loop3A_624 = arith.constant 2 : i32
        %parallel_loop3A_625 = arith.index_cast %parallel_loop3A_150 : i32 to index
        %parallel_loop3A_626 = arith.index_cast %parallel_loop3A_624 : i32 to index
        %parallel_loop3A_627 = arith.constant 80 : index
        %parallel_loop3A_628 = tpu.vector_load %arg16[%parallel_loop3A_625, %parallel_loop3A_626, %parallel_loop3A_627] {strides = array<i32>} : memref<16x8x128xf32, #tpu.memory_space<vmem>>, vector<16xf32>,
        tpu.vector_store %arg16[%parallel_loop3A_625, %parallel_loop3A_626, %parallel_loop3A_627], %parallel_loop3A_623 {strides = array<i32>} : memref<16x8x128xf32, #tpu.memory_space<vmem>>, vector<16xf32>,
        %parallel_loop3A_629 = arith.constant 3 : i32
        %parallel_loop3A_630 = arith.constant 0 : i32
        %parallel_loop3A_631 = tpu.memref_slice %arg13[%parallel_loop3A_629, %parallel_loop3A_630] : memref<8x5120xf32, #tpu.memory_space<vmem>> -> memref<1x5120xf32, #tpu.memory_space<vmem>>
        %parallel_loop3A_632 = tpu.memref_squeeze %parallel_loop3A_631 : memref<1x5120xf32, #tpu.memory_space<vmem>> -> memref<5120xf32, #tpu.memory_space<vmem>>
        %parallel_loop3A_633 = tpu.vector_load_idx %parallel_loop3A_632[%parallel_loop3A_598] : memref<5120xf32, #tpu.memory_space<vmem>>[vector<16xi32>], vector<16xf32>,
        %parallel_loop3A_634 = arith.constant 3 : i32
        %parallel_loop3A_635 = arith.index_cast %parallel_loop3A_150 : i32 to index
        %parallel_loop3A_636 = arith.index_cast %parallel_loop3A_634 : i32 to index
        %parallel_loop3A_637 = arith.constant 80 : index
        %parallel_loop3A_638 = tpu.vector_load %arg16[%parallel_loop3A_635, %parallel_loop3A_636, %parallel_loop3A_637] {strides = array<i32>} : memref<16x8x128xf32, #tpu.memory_space<vmem>>, vector<16xf32>,
        tpu.vector_store %arg16[%parallel_loop3A_635, %parallel_loop3A_636, %parallel_loop3A_637], %parallel_loop3A_633 {strides = array<i32>} : memref<16x8x128xf32, #tpu.memory_space<vmem>>, vector<16xf32>,
        %parallel_loop3A_639 = arith.constant 4 : i32
        %parallel_loop3A_640 = arith.constant 0 : i32
        %parallel_loop3A_641 = tpu.memref_slice %arg13[%parallel_loop3A_639, %parallel_loop3A_640] : memref<8x5120xf32, #tpu.memory_space<vmem>> -> memref<1x5120xf32, #tpu.memory_space<vmem>>
        %parallel_loop3A_642 = tpu.memref_squeeze %parallel_loop3A_641 : memref<1x5120xf32, #tpu.memory_space<vmem>> -> memref<5120xf32, #tpu.memory_space<vmem>>
        %parallel_loop3A_643 = tpu.vector_load_idx %parallel_loop3A_642[%parallel_loop3A_598] : memref<5120xf32, #tpu.memory_space<vmem>>[vector<16xi32>], vector<16xf32>,
        %parallel_loop3A_644 = arith.constant 4 : i32
        %parallel_loop3A_645 = arith.index_cast %parallel_loop3A_150 : i32 to index
        %parallel_loop3A_646 = arith.index_cast %parallel_loop3A_644 : i32 to index
        %parallel_loop3A_647 = arith.constant 80 : index
        %parallel_loop3A_648 = tpu.vector_load %arg16[%parallel_loop3A_645, %parallel_loop3A_646, %parallel_loop3A_647] {strides = array<i32>} : memref<16x8x128xf32, #tpu.memory_space<vmem>>, vector<16xf32>,
        tpu.vector_store %arg16[%parallel_loop3A_645, %parallel_loop3A_646, %parallel_loop3A_647], %parallel_loop3A_643 {strides = array<i32>} : memref<16x8x128xf32, #tpu.memory_space<vmem>>, vector<16xf32>,
        %parallel_loop3A_649 = arith.constant 5 : i32
        %parallel_loop3A_650 = arith.constant 0 : i32
        %parallel_loop3A_651 = tpu.memref_slice %arg13[%parallel_loop3A_649, %parallel_loop3A_650] : memref<8x5120xf32, #tpu.memory_space<vmem>> -> memref<1x5120xf32, #tpu.memory_space<vmem>>
        %parallel_loop3A_652 = tpu.memref_squeeze %parallel_loop3A_651 : memref<1x5120xf32, #tpu.memory_space<vmem>> -> memref<5120xf32, #tpu.memory_space<vmem>>
        %parallel_loop3A_653 = tpu.vector_load_idx %parallel_loop3A_652[%parallel_loop3A_598] : memref<5120xf32, #tpu.memory_space<vmem>>[vector<16xi32>], vector<16xf32>,
        %parallel_loop3A_654 = arith.constant 5 : i32
        %parallel_loop3A_655 = arith.index_cast %parallel_loop3A_150 : i32 to index
        %parallel_loop3A_656 = arith.index_cast %parallel_loop3A_654 : i32 to index
        %parallel_loop3A_657 = arith.constant 80 : index
        %parallel_loop3A_658 = tpu.vector_load %arg16[%parallel_loop3A_655, %parallel_loop3A_656, %parallel_loop3A_657] {strides = array<i32>} : memref<16x8x128xf32, #tpu.memory_space<vmem>>, vector<16xf32>,
        tpu.vector_store %arg16[%parallel_loop3A_655, %parallel_loop3A_656, %parallel_loop3A_657], %parallel_loop3A_653 {strides = array<i32>} : memref<16x8x128xf32, #tpu.memory_space<vmem>>, vector<16xf32>,
        %parallel_loop3A_659 = arith.constant 6 : i32
        %parallel_loop3A_660 = arith.constant 0 : i32
        %parallel_loop3A_661 = tpu.memref_slice %arg13[%parallel_loop3A_659, %parallel_loop3A_660] : memref<8x5120xf32, #tpu.memory_space<vmem>> -> memref<1x5120xf32, #tpu.memory_space<vmem>>
        %parallel_loop3A_662 = tpu.memref_squeeze %parallel_loop3A_661 : memref<1x5120xf32, #tpu.memory_space<vmem>> -> memref<5120xf32, #tpu.memory_space<vmem>>
        %parallel_loop3A_663 = tpu.vector_load_idx %parallel_loop3A_662[%parallel_loop3A_598] : memref<5120xf32, #tpu.memory_space<vmem>>[vector<16xi32>], vector<16xf32>,
        %parallel_loop3A_664 = arith.constant 6 : i32
        %parallel_loop3A_665 = arith.index_cast %parallel_loop3A_150 : i32 to index
        %parallel_loop3A_666 = arith.index_cast %parallel_loop3A_664 : i32 to index
        %parallel_loop3A_667 = arith.constant 80 : index
        %parallel_loop3A_668 = tpu.vector_load %arg16[%parallel_loop3A_665, %parallel_loop3A_666, %parallel_loop3A_667] {strides = array<i32>} : memref<16x8x128xf32, #tpu.memory_space<vmem>>, vector<16xf32>,
        tpu.vector_store %arg16[%parallel_loop3A_665, %parallel_loop3A_666, %parallel_loop3A_667], %parallel_loop3A_663 {strides = array<i32>} : memref<16x8x128xf32, #tpu.memory_space<vmem>>, vector<16xf32>,
        %parallel_loop3A_669 = arith.constant 7 : i32
        %parallel_loop3A_670 = arith.constant 0 : i32
        %parallel_loop3A_671 = tpu.memref_slice %arg13[%parallel_loop3A_669, %parallel_loop3A_670] : memref<8x5120xf32, #tpu.memory_space<vmem>> -> memref<1x5120xf32, #tpu.memory_space<vmem>>
        %parallel_loop3A_672 = tpu.memref_squeeze %parallel_loop3A_671 : memref<1x5120xf32, #tpu.memory_space<vmem>> -> memref<5120xf32, #tpu.memory_space<vmem>>
        %parallel_loop3A_673 = tpu.vector_load_idx %parallel_loop3A_672[%parallel_loop3A_598] : memref<5120xf32, #tpu.memory_space<vmem>>[vector<16xi32>], vector<16xf32>,
        %parallel_loop3A_674 = arith.constant 7 : i32
        %parallel_loop3A_675 = arith.index_cast %parallel_loop3A_150 : i32 to index
        %parallel_loop3A_676 = arith.index_cast %parallel_loop3A_674 : i32 to index
        %parallel_loop3A_677 = arith.constant 80 : index
        %parallel_loop3A_678 = tpu.vector_load %arg16[%parallel_loop3A_675, %parallel_loop3A_676, %parallel_loop3A_677] {strides = array<i32>} : memref<16x8x128xf32, #tpu.memory_space<vmem>>, vector<16xf32>,
        tpu.vector_store %arg16[%parallel_loop3A_675, %parallel_loop3A_676, %parallel_loop3A_677], %parallel_loop3A_673 {strides = array<i32>} : memref<16x8x128xf32, #tpu.memory_space<vmem>>, vector<16xf32>,
        %parallel_loop3A_679 = arith.constant 8 : i32
        %parallel_loop3A_680 = arith.muli %parallel_loop3A_150, %parallel_loop3A_679 : i32
        %parallel_loop3A_681 = arith.constant 6 : i32
        %parallel_loop3A_682 = arith.addi %parallel_loop3A_680, %parallel_loop3A_681 : i32
        %parallel_loop3A_683 = arith.constant 16 : i32
        %parallel_loop3A_684 = arith.muli %parallel_loop3A_682, %parallel_loop3A_683 : i32
        %parallel_loop3A_685 = arith.index_cast %parallel_loop3A_684 : i32 to index
        %parallel_loop3A_686 = tpu.vector_load %arg14[%parallel_loop3A_685] {strides = array<i32>} : memref<2048xi32, #tpu.memory_space<vmem>>, vector<16xi32>,
        %parallel_loop3A_687 = arith.constant 0 : i32
        %parallel_loop3A_688 = arith.constant 0 : i32
        %parallel_loop3A_689 = tpu.memref_slice %arg13[%parallel_loop3A_687, %parallel_loop3A_688] : memref<8x5120xf32, #tpu.memory_space<vmem>> -> memref<1x5120xf32, #tpu.memory_space<vmem>>
        %parallel_loop3A_690 = tpu.memref_squeeze %parallel_loop3A_689 : memref<1x5120xf32, #tpu.memory_space<vmem>> -> memref<5120xf32, #tpu.memory_space<vmem>>
        %parallel_loop3A_691 = tpu.vector_load_idx %parallel_loop3A_690[%parallel_loop3A_686] : memref<5120xf32, #tpu.memory_space<vmem>>[vector<16xi32>], vector<16xf32>,
        %parallel_loop3A_692 = arith.constant 0 : i32
        %parallel_loop3A_693 = arith.index_cast %parallel_loop3A_150 : i32 to index
        %parallel_loop3A_694 = arith.index_cast %parallel_loop3A_692 : i32 to index
        %parallel_loop3A_695 = arith.constant 96 : index
        %parallel_loop3A_696 = tpu.vector_load %arg16[%parallel_loop3A_693, %parallel_loop3A_694, %parallel_loop3A_695] {strides = array<i32>} : memref<16x8x128xf32, #tpu.memory_space<vmem>>, vector<16xf32>,
        tpu.vector_store %arg16[%parallel_loop3A_693, %parallel_loop3A_694, %parallel_loop3A_695], %parallel_loop3A_691 {strides = array<i32>} : memref<16x8x128xf32, #tpu.memory_space<vmem>>, vector<16xf32>,
        %parallel_loop3A_697 = arith.constant 1 : i32
        %parallel_loop3A_698 = arith.constant 0 : i32
        %parallel_loop3A_699 = tpu.memref_slice %arg13[%parallel_loop3A_697, %parallel_loop3A_698] : memref<8x5120xf32, #tpu.memory_space<vmem>> -> memref<1x5120xf32, #tpu.memory_space<vmem>>
        %parallel_loop3A_700 = tpu.memref_squeeze %parallel_loop3A_699 : memref<1x5120xf32, #tpu.memory_space<vmem>> -> memref<5120xf32, #tpu.memory_space<vmem>>
        %parallel_loop3A_701 = tpu.vector_load_idx %parallel_loop3A_700[%parallel_loop3A_686] : memref<5120xf32, #tpu.memory_space<vmem>>[vector<16xi32>], vector<16xf32>,
        %parallel_loop3A_702 = arith.constant 1 : i32
        %parallel_loop3A_703 = arith.index_cast %parallel_loop3A_150 : i32 to index
        %parallel_loop3A_704 = arith.index_cast %parallel_loop3A_702 : i32 to index
        %parallel_loop3A_705 = arith.constant 96 : index
        %parallel_loop3A_706 = tpu.vector_load %arg16[%parallel_loop3A_703, %parallel_loop3A_704, %parallel_loop3A_705] {strides = array<i32>} : memref<16x8x128xf32, #tpu.memory_space<vmem>>, vector<16xf32>,
        tpu.vector_store %arg16[%parallel_loop3A_703, %parallel_loop3A_704, %parallel_loop3A_705], %parallel_loop3A_701 {strides = array<i32>} : memref<16x8x128xf32, #tpu.memory_space<vmem>>, vector<16xf32>,
        %parallel_loop3A_707 = arith.constant 2 : i32
        %parallel_loop3A_708 = arith.constant 0 : i32
        %parallel_loop3A_709 = tpu.memref_slice %arg13[%parallel_loop3A_707, %parallel_loop3A_708] : memref<8x5120xf32, #tpu.memory_space<vmem>> -> memref<1x5120xf32, #tpu.memory_space<vmem>>
        %parallel_loop3A_710 = tpu.memref_squeeze %parallel_loop3A_709 : memref<1x5120xf32, #tpu.memory_space<vmem>> -> memref<5120xf32, #tpu.memory_space<vmem>>
        %parallel_loop3A_711 = tpu.vector_load_idx %parallel_loop3A_710[%parallel_loop3A_686] : memref<5120xf32, #tpu.memory_space<vmem>>[vector<16xi32>], vector<16xf32>,
        %parallel_loop3A_712 = arith.constant 2 : i32
        %parallel_loop3A_713 = arith.index_cast %parallel_loop3A_150 : i32 to index
        %parallel_loop3A_714 = arith.index_cast %parallel_loop3A_712 : i32 to index
        %parallel_loop3A_715 = arith.constant 96 : index
        %parallel_loop3A_716 = tpu.vector_load %arg16[%parallel_loop3A_713, %parallel_loop3A_714, %parallel_loop3A_715] {strides = array<i32>} : memref<16x8x128xf32, #tpu.memory_space<vmem>>, vector<16xf32>,
        tpu.vector_store %arg16[%parallel_loop3A_713, %parallel_loop3A_714, %parallel_loop3A_715], %parallel_loop3A_711 {strides = array<i32>} : memref<16x8x128xf32, #tpu.memory_space<vmem>>, vector<16xf32>,
        %parallel_loop3A_717 = arith.constant 3 : i32
        %parallel_loop3A_718 = arith.constant 0 : i32
        %parallel_loop3A_719 = tpu.memref_slice %arg13[%parallel_loop3A_717, %parallel_loop3A_718] : memref<8x5120xf32, #tpu.memory_space<vmem>> -> memref<1x5120xf32, #tpu.memory_space<vmem>>
        %parallel_loop3A_720 = tpu.memref_squeeze %parallel_loop3A_719 : memref<1x5120xf32, #tpu.memory_space<vmem>> -> memref<5120xf32, #tpu.memory_space<vmem>>
        %parallel_loop3A_721 = tpu.vector_load_idx %parallel_loop3A_720[%parallel_loop3A_686] : memref<5120xf32, #tpu.memory_space<vmem>>[vector<16xi32>], vector<16xf32>,
        %parallel_loop3A_722 = arith.constant 3 : i32
        %parallel_loop3A_723 = arith.index_cast %parallel_loop3A_150 : i32 to index
        %parallel_loop3A_724 = arith.index_cast %parallel_loop3A_722 : i32 to index
        %parallel_loop3A_725 = arith.constant 96 : index
        %parallel_loop3A_726 = tpu.vector_load %arg16[%parallel_loop3A_723, %parallel_loop3A_724, %parallel_loop3A_725] {strides = array<i32>} : memref<16x8x128xf32, #tpu.memory_space<vmem>>, vector<16xf32>,
        tpu.vector_store %arg16[%parallel_loop3A_723, %parallel_loop3A_724, %parallel_loop3A_725], %parallel_loop3A_721 {strides = array<i32>} : memref<16x8x128xf32, #tpu.memory_space<vmem>>, vector<16xf32>,
        %parallel_loop3A_727 = arith.constant 4 : i32
        %parallel_loop3A_728 = arith.constant 0 : i32
        %parallel_loop3A_729 = tpu.memref_slice %arg13[%parallel_loop3A_727, %parallel_loop3A_728] : memref<8x5120xf32, #tpu.memory_space<vmem>> -> memref<1x5120xf32, #tpu.memory_space<vmem>>
        %parallel_loop3A_730 = tpu.memref_squeeze %parallel_loop3A_729 : memref<1x5120xf32, #tpu.memory_space<vmem>> -> memref<5120xf32, #tpu.memory_space<vmem>>
        %parallel_loop3A_731 = tpu.vector_load_idx %parallel_loop3A_730[%parallel_loop3A_686] : memref<5120xf32, #tpu.memory_space<vmem>>[vector<16xi32>], vector<16xf32>,
        %parallel_loop3A_732 = arith.constant 4 : i32
        %parallel_loop3A_733 = arith.index_cast %parallel_loop3A_150 : i32 to index
        %parallel_loop3A_734 = arith.index_cast %parallel_loop3A_732 : i32 to index
        %parallel_loop3A_735 = arith.constant 96 : index
        %parallel_loop3A_736 = tpu.vector_load %arg16[%parallel_loop3A_733, %parallel_loop3A_734, %parallel_loop3A_735] {strides = array<i32>} : memref<16x8x128xf32, #tpu.memory_space<vmem>>, vector<16xf32>,
        tpu.vector_store %arg16[%parallel_loop3A_733, %parallel_loop3A_734, %parallel_loop3A_735], %parallel_loop3A_731 {strides = array<i32>} : memref<16x8x128xf32, #tpu.memory_space<vmem>>, vector<16xf32>,
        %parallel_loop3A_737 = arith.constant 5 : i32
        %parallel_loop3A_738 = arith.constant 0 : i32
        %parallel_loop3A_739 = tpu.memref_slice %arg13[%parallel_loop3A_737, %parallel_loop3A_738] : memref<8x5120xf32, #tpu.memory_space<vmem>> -> memref<1x5120xf32, #tpu.memory_space<vmem>>
        %parallel_loop3A_740 = tpu.memref_squeeze %parallel_loop3A_739 : memref<1x5120xf32, #tpu.memory_space<vmem>> -> memref<5120xf32, #tpu.memory_space<vmem>>
        %parallel_loop3A_741 = tpu.vector_load_idx %parallel_loop3A_740[%parallel_loop3A_686] : memref<5120xf32, #tpu.memory_space<vmem>>[vector<16xi32>], vector<16xf32>,
        %parallel_loop3A_742 = arith.constant 5 : i32
        %parallel_loop3A_743 = arith.index_cast %parallel_loop3A_150 : i32 to index
        %parallel_loop3A_744 = arith.index_cast %parallel_loop3A_742 : i32 to index
        %parallel_loop3A_745 = arith.constant 96 : index
        %parallel_loop3A_746 = tpu.vector_load %arg16[%parallel_loop3A_743, %parallel_loop3A_744, %parallel_loop3A_745] {strides = array<i32>} : memref<16x8x128xf32, #tpu.memory_space<vmem>>, vector<16xf32>,
        tpu.vector_store %arg16[%parallel_loop3A_743, %parallel_loop3A_744, %parallel_loop3A_745], %parallel_loop3A_741 {strides = array<i32>} : memref<16x8x128xf32, #tpu.memory_space<vmem>>, vector<16xf32>,
        %parallel_loop3A_747 = arith.constant 6 : i32
        %parallel_loop3A_748 = arith.constant 0 : i32
        %parallel_loop3A_749 = tpu.memref_slice %arg13[%parallel_loop3A_747, %parallel_loop3A_748] : memref<8x5120xf32, #tpu.memory_space<vmem>> -> memref<1x5120xf32, #tpu.memory_space<vmem>>
        %parallel_loop3A_750 = tpu.memref_squeeze %parallel_loop3A_749 : memref<1x5120xf32, #tpu.memory_space<vmem>> -> memref<5120xf32, #tpu.memory_space<vmem>>
        %parallel_loop3A_751 = tpu.vector_load_idx %parallel_loop3A_750[%parallel_loop3A_686] : memref<5120xf32, #tpu.memory_space<vmem>>[vector<16xi32>], vector<16xf32>,
        %parallel_loop3A_752 = arith.constant 6 : i32
        %parallel_loop3A_753 = arith.index_cast %parallel_loop3A_150 : i32 to index
        %parallel_loop3A_754 = arith.index_cast %parallel_loop3A_752 : i32 to index
        %parallel_loop3A_755 = arith.constant 96 : index
        %parallel_loop3A_756 = tpu.vector_load %arg16[%parallel_loop3A_753, %parallel_loop3A_754, %parallel_loop3A_755] {strides = array<i32>} : memref<16x8x128xf32, #tpu.memory_space<vmem>>, vector<16xf32>,
        tpu.vector_store %arg16[%parallel_loop3A_753, %parallel_loop3A_754, %parallel_loop3A_755], %parallel_loop3A_751 {strides = array<i32>} : memref<16x8x128xf32, #tpu.memory_space<vmem>>, vector<16xf32>,
        %parallel_loop3A_757 = arith.constant 7 : i32
        %parallel_loop3A_758 = arith.constant 0 : i32
        %parallel_loop3A_759 = tpu.memref_slice %arg13[%parallel_loop3A_757, %parallel_loop3A_758] : memref<8x5120xf32, #tpu.memory_space<vmem>> -> memref<1x5120xf32, #tpu.memory_space<vmem>>
        %parallel_loop3A_760 = tpu.memref_squeeze %parallel_loop3A_759 : memref<1x5120xf32, #tpu.memory_space<vmem>> -> memref<5120xf32, #tpu.memory_space<vmem>>
        %parallel_loop3A_761 = tpu.vector_load_idx %parallel_loop3A_760[%parallel_loop3A_686] : memref<5120xf32, #tpu.memory_space<vmem>>[vector<16xi32>], vector<16xf32>,
        %parallel_loop3A_762 = arith.constant 7 : i32
        %parallel_loop3A_763 = arith.index_cast %parallel_loop3A_150 : i32 to index
        %parallel_loop3A_764 = arith.index_cast %parallel_loop3A_762 : i32 to index
        %parallel_loop3A_765 = arith.constant 96 : index
        %parallel_loop3A_766 = tpu.vector_load %arg16[%parallel_loop3A_763, %parallel_loop3A_764, %parallel_loop3A_765] {strides = array<i32>} : memref<16x8x128xf32, #tpu.memory_space<vmem>>, vector<16xf32>,
        tpu.vector_store %arg16[%parallel_loop3A_763, %parallel_loop3A_764, %parallel_loop3A_765], %parallel_loop3A_761 {strides = array<i32>} : memref<16x8x128xf32, #tpu.memory_space<vmem>>, vector<16xf32>,
        %parallel_loop3A_767 = arith.constant 8 : i32
        %parallel_loop3A_768 = arith.muli %parallel_loop3A_150, %parallel_loop3A_767 : i32
        %parallel_loop3A_769 = arith.constant 7 : i32
        %parallel_loop3A_770 = arith.addi %parallel_loop3A_768, %parallel_loop3A_769 : i32
        %parallel_loop3A_771 = arith.constant 16 : i32
        %parallel_loop3A_772 = arith.muli %parallel_loop3A_770, %parallel_loop3A_771 : i32
        %parallel_loop3A_773 = arith.index_cast %parallel_loop3A_772 : i32 to index
        %parallel_loop3A_774 = tpu.vector_load %arg14[%parallel_loop3A_773] {strides = array<i32>} : memref<2048xi32, #tpu.memory_space<vmem>>, vector<16xi32>,
        %parallel_loop3A_775 = arith.constant 0 : i32
        %parallel_loop3A_776 = arith.constant 0 : i32
        %parallel_loop3A_777 = tpu.memref_slice %arg13[%parallel_loop3A_775, %parallel_loop3A_776] : memref<8x5120xf32, #tpu.memory_space<vmem>> -> memref<1x5120xf32, #tpu.memory_space<vmem>>
        %parallel_loop3A_778 = tpu.memref_squeeze %parallel_loop3A_777 : memref<1x5120xf32, #tpu.memory_space<vmem>> -> memref<5120xf32, #tpu.memory_space<vmem>>
        %parallel_loop3A_779 = tpu.vector_load_idx %parallel_loop3A_778[%parallel_loop3A_774] : memref<5120xf32, #tpu.memory_space<vmem>>[vector<16xi32>], vector<16xf32>,
        %parallel_loop3A_780 = arith.constant 0 : i32
        %parallel_loop3A_781 = arith.index_cast %parallel_loop3A_150 : i32 to index
        %parallel_loop3A_782 = arith.index_cast %parallel_loop3A_780 : i32 to index
        %parallel_loop3A_783 = arith.constant 112 : index
        %parallel_loop3A_784 = tpu.vector_load %arg16[%parallel_loop3A_781, %parallel_loop3A_782, %parallel_loop3A_783] {strides = array<i32>} : memref<16x8x128xf32, #tpu.memory_space<vmem>>, vector<16xf32>,
        tpu.vector_store %arg16[%parallel_loop3A_781, %parallel_loop3A_782, %parallel_loop3A_783], %parallel_loop3A_779 {strides = array<i32>} : memref<16x8x128xf32, #tpu.memory_space<vmem>>, vector<16xf32>,
        %parallel_loop3A_785 = arith.constant 1 : i32
        %parallel_loop3A_786 = arith.constant 0 : i32
        %parallel_loop3A_787 = tpu.memref_slice %arg13[%parallel_loop3A_785, %parallel_loop3A_786] : memref<8x5120xf32, #tpu.memory_space<vmem>> -> memref<1x5120xf32, #tpu.memory_space<vmem>>
        %parallel_loop3A_788 = tpu.memref_squeeze %parallel_loop3A_787 : memref<1x5120xf32, #tpu.memory_space<vmem>> -> memref<5120xf32, #tpu.memory_space<vmem>>
        %parallel_loop3A_789 = tpu.vector_load_idx %parallel_loop3A_788[%parallel_loop3A_774] : memref<5120xf32, #tpu.memory_space<vmem>>[vector<16xi32>], vector<16xf32>,
        %parallel_loop3A_790 = arith.constant 1 : i32
        %parallel_loop3A_791 = arith.index_cast %parallel_loop3A_150 : i32 to index
        %parallel_loop3A_792 = arith.index_cast %parallel_loop3A_790 : i32 to index
        %parallel_loop3A_793 = arith.constant 112 : index
        %parallel_loop3A_794 = tpu.vector_load %arg16[%parallel_loop3A_791, %parallel_loop3A_792, %parallel_loop3A_793] {strides = array<i32>} : memref<16x8x128xf32, #tpu.memory_space<vmem>>, vector<16xf32>,
        tpu.vector_store %arg16[%parallel_loop3A_791, %parallel_loop3A_792, %parallel_loop3A_793], %parallel_loop3A_789 {strides = array<i32>} : memref<16x8x128xf32, #tpu.memory_space<vmem>>, vector<16xf32>,
        %parallel_loop3A_795 = arith.constant 2 : i32
        %parallel_loop3A_796 = arith.constant 0 : i32
        %parallel_loop3A_797 = tpu.memref_slice %arg13[%parallel_loop3A_795, %parallel_loop3A_796] : memref<8x5120xf32, #tpu.memory_space<vmem>> -> memref<1x5120xf32, #tpu.memory_space<vmem>>
        %parallel_loop3A_798 = tpu.memref_squeeze %parallel_loop3A_797 : memref<1x5120xf32, #tpu.memory_space<vmem>> -> memref<5120xf32, #tpu.memory_space<vmem>>
        %parallel_loop3A_799 = tpu.vector_load_idx %parallel_loop3A_798[%parallel_loop3A_774] : memref<5120xf32, #tpu.memory_space<vmem>>[vector<16xi32>], vector<16xf32>,
        %parallel_loop3A_800 = arith.constant 2 : i32
        %parallel_loop3A_801 = arith.index_cast %parallel_loop3A_150 : i32 to index
        %parallel_loop3A_802 = arith.index_cast %parallel_loop3A_800 : i32 to index
        %parallel_loop3A_803 = arith.constant 112 : index
        %parallel_loop3A_804 = tpu.vector_load %arg16[%parallel_loop3A_801, %parallel_loop3A_802, %parallel_loop3A_803] {strides = array<i32>} : memref<16x8x128xf32, #tpu.memory_space<vmem>>, vector<16xf32>,
        tpu.vector_store %arg16[%parallel_loop3A_801, %parallel_loop3A_802, %parallel_loop3A_803], %parallel_loop3A_799 {strides = array<i32>} : memref<16x8x128xf32, #tpu.memory_space<vmem>>, vector<16xf32>,
        %parallel_loop3A_805 = arith.constant 3 : i32
        %parallel_loop3A_806 = arith.constant 0 : i32
        %parallel_loop3A_807 = tpu.memref_slice %arg13[%parallel_loop3A_805, %parallel_loop3A_806] : memref<8x5120xf32, #tpu.memory_space<vmem>> -> memref<1x5120xf32, #tpu.memory_space<vmem>>
        %parallel_loop3A_808 = tpu.memref_squeeze %parallel_loop3A_807 : memref<1x5120xf32, #tpu.memory_space<vmem>> -> memref<5120xf32, #tpu.memory_space<vmem>>
        %parallel_loop3A_809 = tpu.vector_load_idx %parallel_loop3A_808[%parallel_loop3A_774] : memref<5120xf32, #tpu.memory_space<vmem>>[vector<16xi32>], vector<16xf32>,
        %parallel_loop3A_810 = arith.constant 3 : i32
        %parallel_loop3A_811 = arith.index_cast %parallel_loop3A_150 : i32 to index
        %parallel_loop3A_812 = arith.index_cast %parallel_loop3A_810 : i32 to index
        %parallel_loop3A_813 = arith.constant 112 : index
        %parallel_loop3A_814 = tpu.vector_load %arg16[%parallel_loop3A_811, %parallel_loop3A_812, %parallel_loop3A_813] {strides = array<i32>} : memref<16x8x128xf32, #tpu.memory_space<vmem>>, vector<16xf32>,
        tpu.vector_store %arg16[%parallel_loop3A_811, %parallel_loop3A_812, %parallel_loop3A_813], %parallel_loop3A_809 {strides = array<i32>} : memref<16x8x128xf32, #tpu.memory_space<vmem>>, vector<16xf32>,
        %parallel_loop3A_815 = arith.constant 4 : i32
        %parallel_loop3A_816 = arith.constant 0 : i32
        %parallel_loop3A_817 = tpu.memref_slice %arg13[%parallel_loop3A_815, %parallel_loop3A_816] : memref<8x5120xf32, #tpu.memory_space<vmem>> -> memref<1x5120xf32, #tpu.memory_space<vmem>>
        %parallel_loop3A_818 = tpu.memref_squeeze %parallel_loop3A_817 : memref<1x5120xf32, #tpu.memory_space<vmem>> -> memref<5120xf32, #tpu.memory_space<vmem>>
        %parallel_loop3A_819 = tpu.vector_load_idx %parallel_loop3A_818[%parallel_loop3A_774] : memref<5120xf32, #tpu.memory_space<vmem>>[vector<16xi32>], vector<16xf32>,
        %parallel_loop3A_820 = arith.constant 4 : i32
        %parallel_loop3A_821 = arith.index_cast %parallel_loop3A_150 : i32 to index
        %parallel_loop3A_822 = arith.index_cast %parallel_loop3A_820 : i32 to index
        %parallel_loop3A_823 = arith.constant 112 : index
        %parallel_loop3A_824 = tpu.vector_load %arg16[%parallel_loop3A_821, %parallel_loop3A_822, %parallel_loop3A_823] {strides = array<i32>} : memref<16x8x128xf32, #tpu.memory_space<vmem>>, vector<16xf32>,
        tpu.vector_store %arg16[%parallel_loop3A_821, %parallel_loop3A_822, %parallel_loop3A_823], %parallel_loop3A_819 {strides = array<i32>} : memref<16x8x128xf32, #tpu.memory_space<vmem>>, vector<16xf32>,
        %parallel_loop3A_825 = arith.constant 5 : i32
        %parallel_loop3A_826 = arith.constant 0 : i32
        %parallel_loop3A_827 = tpu.memref_slice %arg13[%parallel_loop3A_825, %parallel_loop3A_826] : memref<8x5120xf32, #tpu.memory_space<vmem>> -> memref<1x5120xf32, #tpu.memory_space<vmem>>
        %parallel_loop3A_828 = tpu.memref_squeeze %parallel_loop3A_827 : memref<1x5120xf32, #tpu.memory_space<vmem>> -> memref<5120xf32, #tpu.memory_space<vmem>>
        %parallel_loop3A_829 = tpu.vector_load_idx %parallel_loop3A_828[%parallel_loop3A_774] : memref<5120xf32, #tpu.memory_space<vmem>>[vector<16xi32>], vector<16xf32>,
        %parallel_loop3A_830 = arith.constant 5 : i32
        %parallel_loop3A_831 = arith.index_cast %parallel_loop3A_150 : i32 to index
        %parallel_loop3A_832 = arith.index_cast %parallel_loop3A_830 : i32 to index
        %parallel_loop3A_833 = arith.constant 112 : index
        %parallel_loop3A_834 = tpu.vector_load %arg16[%parallel_loop3A_831, %parallel_loop3A_832, %parallel_loop3A_833] {strides = array<i32>} : memref<16x8x128xf32, #tpu.memory_space<vmem>>, vector<16xf32>,
        tpu.vector_store %arg16[%parallel_loop3A_831, %parallel_loop3A_832, %parallel_loop3A_833], %parallel_loop3A_829 {strides = array<i32>} : memref<16x8x128xf32, #tpu.memory_space<vmem>>, vector<16xf32>,
        %parallel_loop3A_835 = arith.constant 6 : i32
        %parallel_loop3A_836 = arith.constant 0 : i32
        %parallel_loop3A_837 = tpu.memref_slice %arg13[%parallel_loop3A_835, %parallel_loop3A_836] : memref<8x5120xf32, #tpu.memory_space<vmem>> -> memref<1x5120xf32, #tpu.memory_space<vmem>>
        %parallel_loop3A_838 = tpu.memref_squeeze %parallel_loop3A_837 : memref<1x5120xf32, #tpu.memory_space<vmem>> -> memref<5120xf32, #tpu.memory_space<vmem>>
        %parallel_loop3A_839 = tpu.vector_load_idx %parallel_loop3A_838[%parallel_loop3A_774] : memref<5120xf32, #tpu.memory_space<vmem>>[vector<16xi32>], vector<16xf32>,
        %parallel_loop3A_840 = arith.constant 6 : i32
        %parallel_loop3A_841 = arith.index_cast %parallel_loop3A_150 : i32 to index
        %parallel_loop3A_842 = arith.index_cast %parallel_loop3A_840 : i32 to index
        %parallel_loop3A_843 = arith.constant 112 : index
        %parallel_loop3A_844 = tpu.vector_load %arg16[%parallel_loop3A_841, %parallel_loop3A_842, %parallel_loop3A_843] {strides = array<i32>} : memref<16x8x128xf32, #tpu.memory_space<vmem>>, vector<16xf32>,
        tpu.vector_store %arg16[%parallel_loop3A_841, %parallel_loop3A_842, %parallel_loop3A_843], %parallel_loop3A_839 {strides = array<i32>} : memref<16x8x128xf32, #tpu.memory_space<vmem>>, vector<16xf32>,
        %parallel_loop3A_845 = arith.constant 7 : i32
        %parallel_loop3A_846 = arith.constant 0 : i32
        %parallel_loop3A_847 = tpu.memref_slice %arg13[%parallel_loop3A_845, %parallel_loop3A_846] : memref<8x5120xf32, #tpu.memory_space<vmem>> -> memref<1x5120xf32, #tpu.memory_space<vmem>>
        %parallel_loop3A_848 = tpu.memref_squeeze %parallel_loop3A_847 : memref<1x5120xf32, #tpu.memory_space<vmem>> -> memref<5120xf32, #tpu.memory_space<vmem>>
        %parallel_loop3A_849 = tpu.vector_load_idx %parallel_loop3A_848[%parallel_loop3A_774] : memref<5120xf32, #tpu.memory_space<vmem>>[vector<16xi32>], vector<16xf32>,
        %parallel_loop3A_850 = arith.constant 7 : i32
        %parallel_loop3A_851 = arith.index_cast %parallel_loop3A_150 : i32 to index
        %parallel_loop3A_852 = arith.index_cast %parallel_loop3A_850 : i32 to index
        %parallel_loop3A_853 = arith.constant 112 : index
        %parallel_loop3A_854 = tpu.vector_load %arg16[%parallel_loop3A_851, %parallel_loop3A_852, %parallel_loop3A_853] {strides = array<i32>} : memref<16x8x128xf32, #tpu.memory_space<vmem>>, vector<16xf32>,
        tpu.vector_store %arg16[%parallel_loop3A_851, %parallel_loop3A_852, %parallel_loop3A_853], %parallel_loop3A_849 {strides = array<i32>} : memref<16x8x128xf32, #tpu.memory_space<vmem>>, vector<16xf32>,
      } {sc.loop_unroll_factor = 2 : i64, sc.parallel_access}
      %mul3A_103 = arith.constant 16 : i32
      %mul3A_104 = arith.muli %add3A_86, %mul3A_103 : i32
      %add3A_105 = arith.addi %min3A_47, %mul3A_104 : i32
      %dma_start3A_106 = arith.constant 0 : i32
      %dma_start3A_107 = arith.constant 0 : i32
      %dma_start3A_108 = tpu.memref_slice %arg7[%arg0, %add3A_105, %dma_start3A_106, %dma_start3A_107] : memref<2x25000x8x128xf32, #tpu.memory_space<hbm>> -> memref<1x16x8x128xf32, #tpu.memory_space<hbm>>
      %dma_start3A_109 = tpu.memref_squeeze %dma_start3A_108 : memref<1x16x8x128xf32, #tpu.memory_space<hbm>> -> memref<16x8x128xf32, #tpu.memory_space<hbm>>
      %dma_start3A_110 = arith.constant 0 : i32
      %dma_start3A_111 = arith.constant 0 : i32
      %dma_start3A_112 = tpu.memref_slice %arg7[%arg0, %add3A_105, %dma_start3A_110, %dma_start3A_111] : memref<2x25000x8x128xf32, #tpu.memory_space<hbm>> -> memref<1x16x8x128xf32, #tpu.memory_space<hbm>>
      %dma_start3A_113 = tpu.memref_squeeze %dma_start3A_112 : memref<1x16x8x128xf32, #tpu.memory_space<hbm>> -> memref<16x8x128xf32, #tpu.memory_space<hbm>>
      tpu.enqueue_dma source(%arg16 : memref<16x8x128xf32, #tpu.memory_space<vmem>>) target(%dma_start3A_113 : memref<16x8x128xf32, #tpu.memory_space<hbm>>) target_semaphore(%arg28 : memref<!tpu.dma_semaphore, #tpu.memory_space<semaphore_mem>>)
      %mul3A_114 = arith.constant 2 : i32
      %mul3A_115 = arith.muli %mul3A_114, %scan3A_82 : i32
      %add3A_116 = arith.constant 1 : i32
      %add3A_117 = arith.addi %mul3A_115, %add3A_116 : i32
      %add3A_118 = arith.constant 0 : i32
      %add3A_119 = arith.addi %min3A_47, %add3A_118 : i32
      %mul3A_120 = arith.constant 128 : i32
      %mul3A_121 = arith.muli %add3A_119, %mul3A_120 : i32
      %dma_wait3A_122 = tpu.memref_slice %arg5[%mul3A_121] : memref<3200000xi32, #tpu.memory_space<hbm>> -> memref<2048xi32, #tpu.memory_space<hbm>>
      %dma_wait3A_123 = tpu.memref_slice %arg5[%mul3A_121] : memref<3200000xi32, #tpu.memory_space<hbm>> -> memref<2048xi32, #tpu.memory_space<hbm>>
      tpu.wait_dma2 semaphore(%arg27 : memref<!tpu.dma_semaphore, #tpu.memory_space<semaphore_mem>>) src(%dma_wait3A_123 : memref<2048xi32, #tpu.memory_space<hbm>>) dst(%arg15 : memref<2048xi32, #tpu.memory_space<vmem>>)
      %add3A_124 = arith.constant 1 : i32
      %add3A_125 = arith.addi %add3A_117, %add3A_124 : i32
      %lt3A_126 = arith.constant 98 : i32
      %lt3A_127 = arith.cmpi slt, %add3A_125, %lt3A_126 : i32
      %convert_element_type3A_128 = arith.extui %lt3A_127 : i1 to i32
      %cond3A_129 = arith.constant 0 : i32
      %cond3A_130 = arith.cmpi ne, %convert_element_type3A_128, %cond3A_129 : i32
      scf.if %cond3A_130 {
        %add3A_150 = arith.constant 1 : i32
        %add3A_151 = arith.addi %add3A_117, %add3A_150 : i32
        %mul3A_152 = arith.constant 16 : i32
        %mul3A_153 = arith.muli %add3A_151, %mul3A_152 : i32
        %add3A_154 = arith.addi %min3A_47, %mul3A_153 : i32
        %mul3A_155 = arith.constant 128 : i32
        %mul3A_156 = arith.muli %add3A_154, %mul3A_155 : i32
        %dma_start3A_157 = tpu.memref_slice %arg5[%mul3A_156] : memref<3200000xi32, #tpu.memory_space<hbm>> -> memref<2048xi32, #tpu.memory_space<hbm>>
        %dma_start3A_158 = tpu.memref_slice %arg5[%mul3A_156] : memref<3200000xi32, #tpu.memory_space<hbm>> -> memref<2048xi32, #tpu.memory_space<hbm>>
        tpu.enqueue_dma source(%dma_start3A_158 : memref<2048xi32, #tpu.memory_space<hbm>>) target(%arg14 : memref<2048xi32, #tpu.memory_space<vmem>>) target_semaphore(%arg26 : memref<!tpu.dma_semaphore, #tpu.memory_space<semaphore_mem>>)
      } else {
      }
      %gt3A_131 = arith.constant 0 : i32
      %gt3A_132 = arith.cmpi sgt, %scan3A_82, %gt3A_131 : i32
      %convert_element_type3A_133 = arith.extui %gt3A_132 : i1 to i32
      %cond3A_134 = arith.constant 0 : i32
      %cond3A_135 = arith.cmpi ne, %convert_element_type3A_133, %cond3A_134 : i32
      scf.if %cond3A_135 {
        %add3A_150 = arith.constant 0 : i32
        %add3A_151 = arith.addi %min3A_47, %add3A_150 : i32
        %dma_wait3A_152 = arith.constant 0 : i32
        %dma_wait3A_153 = arith.constant 0 : i32
        %dma_wait3A_154 = tpu.memref_slice %arg7[%arg0, %add3A_151, %dma_wait3A_152, %dma_wait3A_153] : memref<2x25000x8x128xf32, #tpu.memory_space<hbm>> -> memref<1x16x8x128xf32, #tpu.memory_space<hbm>>
        %dma_wait3A_155 = tpu.memref_squeeze %dma_wait3A_154 : memref<1x16x8x128xf32, #tpu.memory_space<hbm>> -> memref<16x8x128xf32, #tpu.memory_space<hbm>>
        %dma_wait3A_156 = arith.constant 0 : i32
        %dma_wait3A_157 = arith.constant 0 : i32
        %dma_wait3A_158 = tpu.memref_slice %arg7[%arg0, %add3A_151, %dma_wait3A_156, %dma_wait3A_157] : memref<2x25000x8x128xf32, #tpu.memory_space<hbm>> -> memref<1x16x8x128xf32, #tpu.memory_space<hbm>>
        %dma_wait3A_159 = tpu.memref_squeeze %dma_wait3A_158 : memref<1x16x8x128xf32, #tpu.memory_space<hbm>> -> memref<16x8x128xf32, #tpu.memory_space<hbm>>
        tpu.wait_dma2 semaphore(%arg29 : memref<!tpu.dma_semaphore, #tpu.memory_space<semaphore_mem>>) src(%arg17 : memref<16x8x128xf32, #tpu.memory_space<vmem>>) dst(%dma_wait3A_159 : memref<16x8x128xf32, #tpu.memory_space<hbm>>)
      } else {
      }
      %parallel_loop3A_136 = arith.constant 0 : i32
      %parallel_loop3A_137 = arith.constant 16 : i32
      %parallel_loop3A_138 = arith.constant 1 : i32
      scf.for %parallel_loop3A_150 = %parallel_loop3A_136 to %parallel_loop3A_137 step %parallel_loop3A_138  : i32 {
        %parallel_loop3A_151 = arith.constant 8 : i32
        %parallel_loop3A_152 = arith.muli %parallel_loop3A_150, %parallel_loop3A_151 : i32
        %parallel_loop3A_153 = arith.constant 0 : i32
        %parallel_loop3A_154 = arith.addi %parallel_loop3A_152, %parallel_loop3A_153 : i32
        %parallel_loop3A_155 = arith.constant 16 : i32
        %parallel_loop3A_156 = arith.muli %parallel_loop3A_154, %parallel_loop3A_155 : i32
        %parallel_loop3A_157 = arith.index_cast %parallel_loop3A_156 : i32 to index
        %parallel_loop3A_158 = tpu.vector_load %arg15[%parallel_loop3A_157] {strides = array<i32>} : memref<2048xi32, #tpu.memory_space<vmem>>, vector<16xi32>,
        %parallel_loop3A_159 = arith.constant 0 : i32
        %parallel_loop3A_160 = arith.constant 0 : i32
        %parallel_loop3A_161 = tpu.memref_slice %arg13[%parallel_loop3A_159, %parallel_loop3A_160] : memref<8x5120xf32, #tpu.memory_space<vmem>> -> memref<1x5120xf32, #tpu.memory_space<vmem>>
        %parallel_loop3A_162 = tpu.memref_squeeze %parallel_loop3A_161 : memref<1x5120xf32, #tpu.memory_space<vmem>> -> memref<5120xf32, #tpu.memory_space<vmem>>
        %parallel_loop3A_163 = tpu.vector_load_idx %parallel_loop3A_162[%parallel_loop3A_158] : memref<5120xf32, #tpu.memory_space<vmem>>[vector<16xi32>], vector<16xf32>,
        %parallel_loop3A_164 = arith.constant 0 : i32
        %parallel_loop3A_165 = arith.index_cast %parallel_loop3A_150 : i32 to index
        %parallel_loop3A_166 = arith.index_cast %parallel_loop3A_164 : i32 to index
        %parallel_loop3A_167 = arith.constant 0 : index
        %parallel_loop3A_168 = tpu.vector_load %arg17[%parallel_loop3A_165, %parallel_loop3A_166, %parallel_loop3A_167] {strides = array<i32>} : memref<16x8x128xf32, #tpu.memory_space<vmem>>, vector<16xf32>,
        tpu.vector_store %arg17[%parallel_loop3A_165, %parallel_loop3A_166, %parallel_loop3A_167], %parallel_loop3A_163 {strides = array<i32>} : memref<16x8x128xf32, #tpu.memory_space<vmem>>, vector<16xf32>,
        %parallel_loop3A_169 = arith.constant 1 : i32
        %parallel_loop3A_170 = arith.constant 0 : i32
        %parallel_loop3A_171 = tpu.memref_slice %arg13[%parallel_loop3A_169, %parallel_loop3A_170] : memref<8x5120xf32, #tpu.memory_space<vmem>> -> memref<1x5120xf32, #tpu.memory_space<vmem>>
        %parallel_loop3A_172 = tpu.memref_squeeze %parallel_loop3A_171 : memref<1x5120xf32, #tpu.memory_space<vmem>> -> memref<5120xf32, #tpu.memory_space<vmem>>
        %parallel_loop3A_173 = tpu.vector_load_idx %parallel_loop3A_172[%parallel_loop3A_158] : memref<5120xf32, #tpu.memory_space<vmem>>[vector<16xi32>], vector<16xf32>,
        %parallel_loop3A_174 = arith.constant 1 : i32
        %parallel_loop3A_175 = arith.index_cast %parallel_loop3A_150 : i32 to index
        %parallel_loop3A_176 = arith.index_cast %parallel_loop3A_174 : i32 to index
        %parallel_loop3A_177 = arith.constant 0 : index
        %parallel_loop3A_178 = tpu.vector_load %arg17[%parallel_loop3A_175, %parallel_loop3A_176, %parallel_loop3A_177] {strides = array<i32>} : memref<16x8x128xf32, #tpu.memory_space<vmem>>, vector<16xf32>,
        tpu.vector_store %arg17[%parallel_loop3A_175, %parallel_loop3A_176, %parallel_loop3A_177], %parallel_loop3A_173 {strides = array<i32>} : memref<16x8x128xf32, #tpu.memory_space<vmem>>, vector<16xf32>,
        %parallel_loop3A_179 = arith.constant 2 : i32
        %parallel_loop3A_180 = arith.constant 0 : i32
        %parallel_loop3A_181 = tpu.memref_slice %arg13[%parallel_loop3A_179, %parallel_loop3A_180] : memref<8x5120xf32, #tpu.memory_space<vmem>> -> memref<1x5120xf32, #tpu.memory_space<vmem>>
        %parallel_loop3A_182 = tpu.memref_squeeze %parallel_loop3A_181 : memref<1x5120xf32, #tpu.memory_space<vmem>> -> memref<5120xf32, #tpu.memory_space<vmem>>
        %parallel_loop3A_183 = tpu.vector_load_idx %parallel_loop3A_182[%parallel_loop3A_158] : memref<5120xf32, #tpu.memory_space<vmem>>[vector<16xi32>], vector<16xf32>,
        %parallel_loop3A_184 = arith.constant 2 : i32
        %parallel_loop3A_185 = arith.index_cast %parallel_loop3A_150 : i32 to index
        %parallel_loop3A_186 = arith.index_cast %parallel_loop3A_184 : i32 to index
        %parallel_loop3A_187 = arith.constant 0 : index
        %parallel_loop3A_188 = tpu.vector_load %arg17[%parallel_loop3A_185, %parallel_loop3A_186, %parallel_loop3A_187] {strides = array<i32>} : memref<16x8x128xf32, #tpu.memory_space<vmem>>, vector<16xf32>,
        tpu.vector_store %arg17[%parallel_loop3A_185, %parallel_loop3A_186, %parallel_loop3A_187], %parallel_loop3A_183 {strides = array<i32>} : memref<16x8x128xf32, #tpu.memory_space<vmem>>, vector<16xf32>,
        %parallel_loop3A_189 = arith.constant 3 : i32
        %parallel_loop3A_190 = arith.constant 0 : i32
        %parallel_loop3A_191 = tpu.memref_slice %arg13[%parallel_loop3A_189, %parallel_loop3A_190] : memref<8x5120xf32, #tpu.memory_space<vmem>> -> memref<1x5120xf32, #tpu.memory_space<vmem>>
        %parallel_loop3A_192 = tpu.memref_squeeze %parallel_loop3A_191 : memref<1x5120xf32, #tpu.memory_space<vmem>> -> memref<5120xf32, #tpu.memory_space<vmem>>
        %parallel_loop3A_193 = tpu.vector_load_idx %parallel_loop3A_192[%parallel_loop3A_158] : memref<5120xf32, #tpu.memory_space<vmem>>[vector<16xi32>], vector<16xf32>,
        %parallel_loop3A_194 = arith.constant 3 : i32
        %parallel_loop3A_195 = arith.index_cast %parallel_loop3A_150 : i32 to index
        %parallel_loop3A_196 = arith.index_cast %parallel_loop3A_194 : i32 to index
        %parallel_loop3A_197 = arith.constant 0 : index
        %parallel_loop3A_198 = tpu.vector_load %arg17[%parallel_loop3A_195, %parallel_loop3A_196, %parallel_loop3A_197] {strides = array<i32>} : memref<16x8x128xf32, #tpu.memory_space<vmem>>, vector<16xf32>,
        tpu.vector_store %arg17[%parallel_loop3A_195, %parallel_loop3A_196, %parallel_loop3A_197], %parallel_loop3A_193 {strides = array<i32>} : memref<16x8x128xf32, #tpu.memory_space<vmem>>, vector<16xf32>,
        %parallel_loop3A_199 = arith.constant 4 : i32
        %parallel_loop3A_200 = arith.constant 0 : i32
        %parallel_loop3A_201 = tpu.memref_slice %arg13[%parallel_loop3A_199, %parallel_loop3A_200] : memref<8x5120xf32, #tpu.memory_space<vmem>> -> memref<1x5120xf32, #tpu.memory_space<vmem>>
        %parallel_loop3A_202 = tpu.memref_squeeze %parallel_loop3A_201 : memref<1x5120xf32, #tpu.memory_space<vmem>> -> memref<5120xf32, #tpu.memory_space<vmem>>
        %parallel_loop3A_203 = tpu.vector_load_idx %parallel_loop3A_202[%parallel_loop3A_158] : memref<5120xf32, #tpu.memory_space<vmem>>[vector<16xi32>], vector<16xf32>,
        %parallel_loop3A_204 = arith.constant 4 : i32
        %parallel_loop3A_205 = arith.index_cast %parallel_loop3A_150 : i32 to index
        %parallel_loop3A_206 = arith.index_cast %parallel_loop3A_204 : i32 to index
        %parallel_loop3A_207 = arith.constant 0 : index
        %parallel_loop3A_208 = tpu.vector_load %arg17[%parallel_loop3A_205, %parallel_loop3A_206, %parallel_loop3A_207] {strides = array<i32>} : memref<16x8x128xf32, #tpu.memory_space<vmem>>, vector<16xf32>,
        tpu.vector_store %arg17[%parallel_loop3A_205, %parallel_loop3A_206, %parallel_loop3A_207], %parallel_loop3A_203 {strides = array<i32>} : memref<16x8x128xf32, #tpu.memory_space<vmem>>, vector<16xf32>,
        %parallel_loop3A_209 = arith.constant 5 : i32
        %parallel_loop3A_210 = arith.constant 0 : i32
        %parallel_loop3A_211 = tpu.memref_slice %arg13[%parallel_loop3A_209, %parallel_loop3A_210] : memref<8x5120xf32, #tpu.memory_space<vmem>> -> memref<1x5120xf32, #tpu.memory_space<vmem>>
        %parallel_loop3A_212 = tpu.memref_squeeze %parallel_loop3A_211 : memref<1x5120xf32, #tpu.memory_space<vmem>> -> memref<5120xf32, #tpu.memory_space<vmem>>
        %parallel_loop3A_213 = tpu.vector_load_idx %parallel_loop3A_212[%parallel_loop3A_158] : memref<5120xf32, #tpu.memory_space<vmem>>[vector<16xi32>], vector<16xf32>,
        %parallel_loop3A_214 = arith.constant 5 : i32
        %parallel_loop3A_215 = arith.index_cast %parallel_loop3A_150 : i32 to index
        %parallel_loop3A_216 = arith.index_cast %parallel_loop3A_214 : i32 to index
        %parallel_loop3A_217 = arith.constant 0 : index
        %parallel_loop3A_218 = tpu.vector_load %arg17[%parallel_loop3A_215, %parallel_loop3A_216, %parallel_loop3A_217] {strides = array<i32>} : memref<16x8x128xf32, #tpu.memory_space<vmem>>, vector<16xf32>,
        tpu.vector_store %arg17[%parallel_loop3A_215, %parallel_loop3A_216, %parallel_loop3A_217], %parallel_loop3A_213 {strides = array<i32>} : memref<16x8x128xf32, #tpu.memory_space<vmem>>, vector<16xf32>,
        %parallel_loop3A_219 = arith.constant 6 : i32
        %parallel_loop3A_220 = arith.constant 0 : i32
        %parallel_loop3A_221 = tpu.memref_slice %arg13[%parallel_loop3A_219, %parallel_loop3A_220] : memref<8x5120xf32, #tpu.memory_space<vmem>> -> memref<1x5120xf32, #tpu.memory_space<vmem>>
        %parallel_loop3A_222 = tpu.memref_squeeze %parallel_loop3A_221 : memref<1x5120xf32, #tpu.memory_space<vmem>> -> memref<5120xf32, #tpu.memory_space<vmem>>
        %parallel_loop3A_223 = tpu.vector_load_idx %parallel_loop3A_222[%parallel_loop3A_158] : memref<5120xf32, #tpu.memory_space<vmem>>[vector<16xi32>], vector<16xf32>,
        %parallel_loop3A_224 = arith.constant 6 : i32
        %parallel_loop3A_225 = arith.index_cast %parallel_loop3A_150 : i32 to index
        %parallel_loop3A_226 = arith.index_cast %parallel_loop3A_224 : i32 to index
        %parallel_loop3A_227 = arith.constant 0 : index
        %parallel_loop3A_228 = tpu.vector_load %arg17[%parallel_loop3A_225, %parallel_loop3A_226, %parallel_loop3A_227] {strides = array<i32>} : memref<16x8x128xf32, #tpu.memory_space<vmem>>, vector<16xf32>,
        tpu.vector_store %arg17[%parallel_loop3A_225, %parallel_loop3A_226, %parallel_loop3A_227], %parallel_loop3A_223 {strides = array<i32>} : memref<16x8x128xf32, #tpu.memory_space<vmem>>, vector<16xf32>,
        %parallel_loop3A_229 = arith.constant 7 : i32
        %parallel_loop3A_230 = arith.constant 0 : i32
        %parallel_loop3A_231 = tpu.memref_slice %arg13[%parallel_loop3A_229, %parallel_loop3A_230] : memref<8x5120xf32, #tpu.memory_space<vmem>> -> memref<1x5120xf32, #tpu.memory_space<vmem>>
        %parallel_loop3A_232 = tpu.memref_squeeze %parallel_loop3A_231 : memref<1x5120xf32, #tpu.memory_space<vmem>> -> memref<5120xf32, #tpu.memory_space<vmem>>
        %parallel_loop3A_233 = tpu.vector_load_idx %parallel_loop3A_232[%parallel_loop3A_158] : memref<5120xf32, #tpu.memory_space<vmem>>[vector<16xi32>], vector<16xf32>,
        %parallel_loop3A_234 = arith.constant 7 : i32
        %parallel_loop3A_235 = arith.index_cast %parallel_loop3A_150 : i32 to index
        %parallel_loop3A_236 = arith.index_cast %parallel_loop3A_234 : i32 to index
        %parallel_loop3A_237 = arith.constant 0 : index
        %parallel_loop3A_238 = tpu.vector_load %arg17[%parallel_loop3A_235, %parallel_loop3A_236, %parallel_loop3A_237] {strides = array<i32>} : memref<16x8x128xf32, #tpu.memory_space<vmem>>, vector<16xf32>,
        tpu.vector_store %arg17[%parallel_loop3A_235, %parallel_loop3A_236, %parallel_loop3A_237], %parallel_loop3A_233 {strides = array<i32>} : memref<16x8x128xf32, #tpu.memory_space<vmem>>, vector<16xf32>,
        %parallel_loop3A_239 = arith.constant 8 : i32
        %parallel_loop3A_240 = arith.muli %parallel_loop3A_150, %parallel_loop3A_239 : i32
        %parallel_loop3A_241 = arith.constant 1 : i32
        %parallel_loop3A_242 = arith.addi %parallel_loop3A_240, %parallel_loop3A_241 : i32
        %parallel_loop3A_243 = arith.constant 16 : i32
        %parallel_loop3A_244 = arith.muli %parallel_loop3A_242, %parallel_loop3A_243 : i32
        %parallel_loop3A_245 = arith.index_cast %parallel_loop3A_244 : i32 to index
        %parallel_loop3A_246 = tpu.vector_load %arg15[%parallel_loop3A_245] {strides = array<i32>} : memref<2048xi32, #tpu.memory_space<vmem>>, vector<16xi32>,
        %parallel_loop3A_247 = arith.constant 0 : i32
        %parallel_loop3A_248 = arith.constant 0 : i32
        %parallel_loop3A_249 = tpu.memref_slice %arg13[%parallel_loop3A_247, %parallel_loop3A_248] : memref<8x5120xf32, #tpu.memory_space<vmem>> -> memref<1x5120xf32, #tpu.memory_space<vmem>>
        %parallel_loop3A_250 = tpu.memref_squeeze %parallel_loop3A_249 : memref<1x5120xf32, #tpu.memory_space<vmem>> -> memref<5120xf32, #tpu.memory_space<vmem>>
        %parallel_loop3A_251 = tpu.vector_load_idx %parallel_loop3A_250[%parallel_loop3A_246] : memref<5120xf32, #tpu.memory_space<vmem>>[vector<16xi32>], vector<16xf32>,
        %parallel_loop3A_252 = arith.constant 0 : i32
        %parallel_loop3A_253 = arith.index_cast %parallel_loop3A_150 : i32 to index
        %parallel_loop3A_254 = arith.index_cast %parallel_loop3A_252 : i32 to index
        %parallel_loop3A_255 = arith.constant 16 : index
        %parallel_loop3A_256 = tpu.vector_load %arg17[%parallel_loop3A_253, %parallel_loop3A_254, %parallel_loop3A_255] {strides = array<i32>} : memref<16x8x128xf32, #tpu.memory_space<vmem>>, vector<16xf32>,
        tpu.vector_store %arg17[%parallel_loop3A_253, %parallel_loop3A_254, %parallel_loop3A_255], %parallel_loop3A_251 {strides = array<i32>} : memref<16x8x128xf32, #tpu.memory_space<vmem>>, vector<16xf32>,
        %parallel_loop3A_257 = arith.constant 1 : i32
        %parallel_loop3A_258 = arith.constant 0 : i32
        %parallel_loop3A_259 = tpu.memref_slice %arg13[%parallel_loop3A_257, %parallel_loop3A_258] : memref<8x5120xf32, #tpu.memory_space<vmem>> -> memref<1x5120xf32, #tpu.memory_space<vmem>>
        %parallel_loop3A_260 = tpu.memref_squeeze %parallel_loop3A_259 : memref<1x5120xf32, #tpu.memory_space<vmem>> -> memref<5120xf32, #tpu.memory_space<vmem>>
        %parallel_loop3A_261 = tpu.vector_load_idx %parallel_loop3A_260[%parallel_loop3A_246] : memref<5120xf32, #tpu.memory_space<vmem>>[vector<16xi32>], vector<16xf32>,
        %parallel_loop3A_262 = arith.constant 1 : i32
        %parallel_loop3A_263 = arith.index_cast %parallel_loop3A_150 : i32 to index
        %parallel_loop3A_264 = arith.index_cast %parallel_loop3A_262 : i32 to index
        %parallel_loop3A_265 = arith.constant 16 : index
        %parallel_loop3A_266 = tpu.vector_load %arg17[%parallel_loop3A_263, %parallel_loop3A_264, %parallel_loop3A_265] {strides = array<i32>} : memref<16x8x128xf32, #tpu.memory_space<vmem>>, vector<16xf32>,
        tpu.vector_store %arg17[%parallel_loop3A_263, %parallel_loop3A_264, %parallel_loop3A_265], %parallel_loop3A_261 {strides = array<i32>} : memref<16x8x128xf32, #tpu.memory_space<vmem>>, vector<16xf32>,
        %parallel_loop3A_267 = arith.constant 2 : i32
        %parallel_loop3A_268 = arith.constant 0 : i32
        %parallel_loop3A_269 = tpu.memref_slice %arg13[%parallel_loop3A_267, %parallel_loop3A_268] : memref<8x5120xf32, #tpu.memory_space<vmem>> -> memref<1x5120xf32, #tpu.memory_space<vmem>>
        %parallel_loop3A_270 = tpu.memref_squeeze %parallel_loop3A_269 : memref<1x5120xf32, #tpu.memory_space<vmem>> -> memref<5120xf32, #tpu.memory_space<vmem>>
        %parallel_loop3A_271 = tpu.vector_load_idx %parallel_loop3A_270[%parallel_loop3A_246] : memref<5120xf32, #tpu.memory_space<vmem>>[vector<16xi32>], vector<16xf32>,
        %parallel_loop3A_272 = arith.constant 2 : i32
        %parallel_loop3A_273 = arith.index_cast %parallel_loop3A_150 : i32 to index
        %parallel_loop3A_274 = arith.index_cast %parallel_loop3A_272 : i32 to index
        %parallel_loop3A_275 = arith.constant 16 : index
        %parallel_loop3A_276 = tpu.vector_load %arg17[%parallel_loop3A_273, %parallel_loop3A_274, %parallel_loop3A_275] {strides = array<i32>} : memref<16x8x128xf32, #tpu.memory_space<vmem>>, vector<16xf32>,
        tpu.vector_store %arg17[%parallel_loop3A_273, %parallel_loop3A_274, %parallel_loop3A_275], %parallel_loop3A_271 {strides = array<i32>} : memref<16x8x128xf32, #tpu.memory_space<vmem>>, vector<16xf32>,
        %parallel_loop3A_277 = arith.constant 3 : i32
        %parallel_loop3A_278 = arith.constant 0 : i32
        %parallel_loop3A_279 = tpu.memref_slice %arg13[%parallel_loop3A_277, %parallel_loop3A_278] : memref<8x5120xf32, #tpu.memory_space<vmem>> -> memref<1x5120xf32, #tpu.memory_space<vmem>>
        %parallel_loop3A_280 = tpu.memref_squeeze %parallel_loop3A_279 : memref<1x5120xf32, #tpu.memory_space<vmem>> -> memref<5120xf32, #tpu.memory_space<vmem>>
        %parallel_loop3A_281 = tpu.vector_load_idx %parallel_loop3A_280[%parallel_loop3A_246] : memref<5120xf32, #tpu.memory_space<vmem>>[vector<16xi32>], vector<16xf32>,
        %parallel_loop3A_282 = arith.constant 3 : i32
        %parallel_loop3A_283 = arith.index_cast %parallel_loop3A_150 : i32 to index
        %parallel_loop3A_284 = arith.index_cast %parallel_loop3A_282 : i32 to index
        %parallel_loop3A_285 = arith.constant 16 : index
        %parallel_loop3A_286 = tpu.vector_load %arg17[%parallel_loop3A_283, %parallel_loop3A_284, %parallel_loop3A_285] {strides = array<i32>} : memref<16x8x128xf32, #tpu.memory_space<vmem>>, vector<16xf32>,
        tpu.vector_store %arg17[%parallel_loop3A_283, %parallel_loop3A_284, %parallel_loop3A_285], %parallel_loop3A_281 {strides = array<i32>} : memref<16x8x128xf32, #tpu.memory_space<vmem>>, vector<16xf32>,
        %parallel_loop3A_287 = arith.constant 4 : i32
        %parallel_loop3A_288 = arith.constant 0 : i32
        %parallel_loop3A_289 = tpu.memref_slice %arg13[%parallel_loop3A_287, %parallel_loop3A_288] : memref<8x5120xf32, #tpu.memory_space<vmem>> -> memref<1x5120xf32, #tpu.memory_space<vmem>>
        %parallel_loop3A_290 = tpu.memref_squeeze %parallel_loop3A_289 : memref<1x5120xf32, #tpu.memory_space<vmem>> -> memref<5120xf32, #tpu.memory_space<vmem>>
        %parallel_loop3A_291 = tpu.vector_load_idx %parallel_loop3A_290[%parallel_loop3A_246] : memref<5120xf32, #tpu.memory_space<vmem>>[vector<16xi32>], vector<16xf32>,
        %parallel_loop3A_292 = arith.constant 4 : i32
        %parallel_loop3A_293 = arith.index_cast %parallel_loop3A_150 : i32 to index
        %parallel_loop3A_294 = arith.index_cast %parallel_loop3A_292 : i32 to index
        %parallel_loop3A_295 = arith.constant 16 : index
        %parallel_loop3A_296 = tpu.vector_load %arg17[%parallel_loop3A_293, %parallel_loop3A_294, %parallel_loop3A_295] {strides = array<i32>} : memref<16x8x128xf32, #tpu.memory_space<vmem>>, vector<16xf32>,
        tpu.vector_store %arg17[%parallel_loop3A_293, %parallel_loop3A_294, %parallel_loop3A_295], %parallel_loop3A_291 {strides = array<i32>} : memref<16x8x128xf32, #tpu.memory_space<vmem>>, vector<16xf32>,
        %parallel_loop3A_297 = arith.constant 5 : i32
        %parallel_loop3A_298 = arith.constant 0 : i32
        %parallel_loop3A_299 = tpu.memref_slice %arg13[%parallel_loop3A_297, %parallel_loop3A_298] : memref<8x5120xf32, #tpu.memory_space<vmem>> -> memref<1x5120xf32, #tpu.memory_space<vmem>>
        %parallel_loop3A_300 = tpu.memref_squeeze %parallel_loop3A_299 : memref<1x5120xf32, #tpu.memory_space<vmem>> -> memref<5120xf32, #tpu.memory_space<vmem>>
        %parallel_loop3A_301 = tpu.vector_load_idx %parallel_loop3A_300[%parallel_loop3A_246] : memref<5120xf32, #tpu.memory_space<vmem>>[vector<16xi32>], vector<16xf32>,
        %parallel_loop3A_302 = arith.constant 5 : i32
        %parallel_loop3A_303 = arith.index_cast %parallel_loop3A_150 : i32 to index
        %parallel_loop3A_304 = arith.index_cast %parallel_loop3A_302 : i32 to index
        %parallel_loop3A_305 = arith.constant 16 : index
        %parallel_loop3A_306 = tpu.vector_load %arg17[%parallel_loop3A_303, %parallel_loop3A_304, %parallel_loop3A_305] {strides = array<i32>} : memref<16x8x128xf32, #tpu.memory_space<vmem>>, vector<16xf32>,
        tpu.vector_store %arg17[%parallel_loop3A_303, %parallel_loop3A_304, %parallel_loop3A_305], %parallel_loop3A_301 {strides = array<i32>} : memref<16x8x128xf32, #tpu.memory_space<vmem>>, vector<16xf32>,
        %parallel_loop3A_307 = arith.constant 6 : i32
        %parallel_loop3A_308 = arith.constant 0 : i32
        %parallel_loop3A_309 = tpu.memref_slice %arg13[%parallel_loop3A_307, %parallel_loop3A_308] : memref<8x5120xf32, #tpu.memory_space<vmem>> -> memref<1x5120xf32, #tpu.memory_space<vmem>>
        %parallel_loop3A_310 = tpu.memref_squeeze %parallel_loop3A_309 : memref<1x5120xf32, #tpu.memory_space<vmem>> -> memref<5120xf32, #tpu.memory_space<vmem>>
        %parallel_loop3A_311 = tpu.vector_load_idx %parallel_loop3A_310[%parallel_loop3A_246] : memref<5120xf32, #tpu.memory_space<vmem>>[vector<16xi32>], vector<16xf32>,
        %parallel_loop3A_312 = arith.constant 6 : i32
        %parallel_loop3A_313 = arith.index_cast %parallel_loop3A_150 : i32 to index
        %parallel_loop3A_314 = arith.index_cast %parallel_loop3A_312 : i32 to index
        %parallel_loop3A_315 = arith.constant 16 : index
        %parallel_loop3A_316 = tpu.vector_load %arg17[%parallel_loop3A_313, %parallel_loop3A_314, %parallel_loop3A_315] {strides = array<i32>} : memref<16x8x128xf32, #tpu.memory_space<vmem>>, vector<16xf32>,
        tpu.vector_store %arg17[%parallel_loop3A_313, %parallel_loop3A_314, %parallel_loop3A_315], %parallel_loop3A_311 {strides = array<i32>} : memref<16x8x128xf32, #tpu.memory_space<vmem>>, vector<16xf32>,
        %parallel_loop3A_317 = arith.constant 7 : i32
        %parallel_loop3A_318 = arith.constant 0 : i32
        %parallel_loop3A_319 = tpu.memref_slice %arg13[%parallel_loop3A_317, %parallel_loop3A_318] : memref<8x5120xf32, #tpu.memory_space<vmem>> -> memref<1x5120xf32, #tpu.memory_space<vmem>>
        %parallel_loop3A_320 = tpu.memref_squeeze %parallel_loop3A_319 : memref<1x5120xf32, #tpu.memory_space<vmem>> -> memref<5120xf32, #tpu.memory_space<vmem>>
        %parallel_loop3A_321 = tpu.vector_load_idx %parallel_loop3A_320[%parallel_loop3A_246] : memref<5120xf32, #tpu.memory_space<vmem>>[vector<16xi32>], vector<16xf32>,
        %parallel_loop3A_322 = arith.constant 7 : i32
        %parallel_loop3A_323 = arith.index_cast %parallel_loop3A_150 : i32 to index
        %parallel_loop3A_324 = arith.index_cast %parallel_loop3A_322 : i32 to index
        %parallel_loop3A_325 = arith.constant 16 : index
        %parallel_loop3A_326 = tpu.vector_load %arg17[%parallel_loop3A_323, %parallel_loop3A_324, %parallel_loop3A_325] {strides = array<i32>} : memref<16x8x128xf32, #tpu.memory_space<vmem>>, vector<16xf32>,
        tpu.vector_store %arg17[%parallel_loop3A_323, %parallel_loop3A_324, %parallel_loop3A_325], %parallel_loop3A_321 {strides = array<i32>} : memref<16x8x128xf32, #tpu.memory_space<vmem>>, vector<16xf32>,
        %parallel_loop3A_327 = arith.constant 8 : i32
        %parallel_loop3A_328 = arith.muli %parallel_loop3A_150, %parallel_loop3A_327 : i32
        %parallel_loop3A_329 = arith.constant 2 : i32
        %parallel_loop3A_330 = arith.addi %parallel_loop3A_328, %parallel_loop3A_329 : i32
        %parallel_loop3A_331 = arith.constant 16 : i32
        %parallel_loop3A_332 = arith.muli %parallel_loop3A_330, %parallel_loop3A_331 : i32
        %parallel_loop3A_333 = arith.index_cast %parallel_loop3A_332 : i32 to index
        %parallel_loop3A_334 = tpu.vector_load %arg15[%parallel_loop3A_333] {strides = array<i32>} : memref<2048xi32, #tpu.memory_space<vmem>>, vector<16xi32>,
        %parallel_loop3A_335 = arith.constant 0 : i32
        %parallel_loop3A_336 = arith.constant 0 : i32
        %parallel_loop3A_337 = tpu.memref_slice %arg13[%parallel_loop3A_335, %parallel_loop3A_336] : memref<8x5120xf32, #tpu.memory_space<vmem>> -> memref<1x5120xf32, #tpu.memory_space<vmem>>
        %parallel_loop3A_338 = tpu.memref_squeeze %parallel_loop3A_337 : memref<1x5120xf32, #tpu.memory_space<vmem>> -> memref<5120xf32, #tpu.memory_space<vmem>>
        %parallel_loop3A_339 = tpu.vector_load_idx %parallel_loop3A_338[%parallel_loop3A_334] : memref<5120xf32, #tpu.memory_space<vmem>>[vector<16xi32>], vector<16xf32>,
        %parallel_loop3A_340 = arith.constant 0 : i32
        %parallel_loop3A_341 = arith.index_cast %parallel_loop3A_150 : i32 to index
        %parallel_loop3A_342 = arith.index_cast %parallel_loop3A_340 : i32 to index
        %parallel_loop3A_343 = arith.constant 32 : index
        %parallel_loop3A_344 = tpu.vector_load %arg17[%parallel_loop3A_341, %parallel_loop3A_342, %parallel_loop3A_343] {strides = array<i32>} : memref<16x8x128xf32, #tpu.memory_space<vmem>>, vector<16xf32>,
        tpu.vector_store %arg17[%parallel_loop3A_341, %parallel_loop3A_342, %parallel_loop3A_343], %parallel_loop3A_339 {strides = array<i32>} : memref<16x8x128xf32, #tpu.memory_space<vmem>>, vector<16xf32>,
        %parallel_loop3A_345 = arith.constant 1 : i32
        %parallel_loop3A_346 = arith.constant 0 : i32
        %parallel_loop3A_347 = tpu.memref_slice %arg13[%parallel_loop3A_345, %parallel_loop3A_346] : memref<8x5120xf32, #tpu.memory_space<vmem>> -> memref<1x5120xf32, #tpu.memory_space<vmem>>
        %parallel_loop3A_348 = tpu.memref_squeeze %parallel_loop3A_347 : memref<1x5120xf32, #tpu.memory_space<vmem>> -> memref<5120xf32, #tpu.memory_space<vmem>>
        %parallel_loop3A_349 = tpu.vector_load_idx %parallel_loop3A_348[%parallel_loop3A_334] : memref<5120xf32, #tpu.memory_space<vmem>>[vector<16xi32>], vector<16xf32>,
        %parallel_loop3A_350 = arith.constant 1 : i32
        %parallel_loop3A_351 = arith.index_cast %parallel_loop3A_150 : i32 to index
        %parallel_loop3A_352 = arith.index_cast %parallel_loop3A_350 : i32 to index
        %parallel_loop3A_353 = arith.constant 32 : index
        %parallel_loop3A_354 = tpu.vector_load %arg17[%parallel_loop3A_351, %parallel_loop3A_352, %parallel_loop3A_353] {strides = array<i32>} : memref<16x8x128xf32, #tpu.memory_space<vmem>>, vector<16xf32>,
        tpu.vector_store %arg17[%parallel_loop3A_351, %parallel_loop3A_352, %parallel_loop3A_353], %parallel_loop3A_349 {strides = array<i32>} : memref<16x8x128xf32, #tpu.memory_space<vmem>>, vector<16xf32>,
        %parallel_loop3A_355 = arith.constant 2 : i32
        %parallel_loop3A_356 = arith.constant 0 : i32
        %parallel_loop3A_357 = tpu.memref_slice %arg13[%parallel_loop3A_355, %parallel_loop3A_356] : memref<8x5120xf32, #tpu.memory_space<vmem>> -> memref<1x5120xf32, #tpu.memory_space<vmem>>
        %parallel_loop3A_358 = tpu.memref_squeeze %parallel_loop3A_357 : memref<1x5120xf32, #tpu.memory_space<vmem>> -> memref<5120xf32, #tpu.memory_space<vmem>>
        %parallel_loop3A_359 = tpu.vector_load_idx %parallel_loop3A_358[%parallel_loop3A_334] : memref<5120xf32, #tpu.memory_space<vmem>>[vector<16xi32>], vector<16xf32>,
        %parallel_loop3A_360 = arith.constant 2 : i32
        %parallel_loop3A_361 = arith.index_cast %parallel_loop3A_150 : i32 to index
        %parallel_loop3A_362 = arith.index_cast %parallel_loop3A_360 : i32 to index
        %parallel_loop3A_363 = arith.constant 32 : index
        %parallel_loop3A_364 = tpu.vector_load %arg17[%parallel_loop3A_361, %parallel_loop3A_362, %parallel_loop3A_363] {strides = array<i32>} : memref<16x8x128xf32, #tpu.memory_space<vmem>>, vector<16xf32>,
        tpu.vector_store %arg17[%parallel_loop3A_361, %parallel_loop3A_362, %parallel_loop3A_363], %parallel_loop3A_359 {strides = array<i32>} : memref<16x8x128xf32, #tpu.memory_space<vmem>>, vector<16xf32>,
        %parallel_loop3A_365 = arith.constant 3 : i32
        %parallel_loop3A_366 = arith.constant 0 : i32
        %parallel_loop3A_367 = tpu.memref_slice %arg13[%parallel_loop3A_365, %parallel_loop3A_366] : memref<8x5120xf32, #tpu.memory_space<vmem>> -> memref<1x5120xf32, #tpu.memory_space<vmem>>
        %parallel_loop3A_368 = tpu.memref_squeeze %parallel_loop3A_367 : memref<1x5120xf32, #tpu.memory_space<vmem>> -> memref<5120xf32, #tpu.memory_space<vmem>>
        %parallel_loop3A_369 = tpu.vector_load_idx %parallel_loop3A_368[%parallel_loop3A_334] : memref<5120xf32, #tpu.memory_space<vmem>>[vector<16xi32>], vector<16xf32>,
        %parallel_loop3A_370 = arith.constant 3 : i32
        %parallel_loop3A_371 = arith.index_cast %parallel_loop3A_150 : i32 to index
        %parallel_loop3A_372 = arith.index_cast %parallel_loop3A_370 : i32 to index
        %parallel_loop3A_373 = arith.constant 32 : index
        %parallel_loop3A_374 = tpu.vector_load %arg17[%parallel_loop3A_371, %parallel_loop3A_372, %parallel_loop3A_373] {strides = array<i32>} : memref<16x8x128xf32, #tpu.memory_space<vmem>>, vector<16xf32>,
        tpu.vector_store %arg17[%parallel_loop3A_371, %parallel_loop3A_372, %parallel_loop3A_373], %parallel_loop3A_369 {strides = array<i32>} : memref<16x8x128xf32, #tpu.memory_space<vmem>>, vector<16xf32>,
        %parallel_loop3A_375 = arith.constant 4 : i32
        %parallel_loop3A_376 = arith.constant 0 : i32
        %parallel_loop3A_377 = tpu.memref_slice %arg13[%parallel_loop3A_375, %parallel_loop3A_376] : memref<8x5120xf32, #tpu.memory_space<vmem>> -> memref<1x5120xf32, #tpu.memory_space<vmem>>
        %parallel_loop3A_378 = tpu.memref_squeeze %parallel_loop3A_377 : memref<1x5120xf32, #tpu.memory_space<vmem>> -> memref<5120xf32, #tpu.memory_space<vmem>>
        %parallel_loop3A_379 = tpu.vector_load_idx %parallel_loop3A_378[%parallel_loop3A_334] : memref<5120xf32, #tpu.memory_space<vmem>>[vector<16xi32>], vector<16xf32>,
        %parallel_loop3A_380 = arith.constant 4 : i32
        %parallel_loop3A_381 = arith.index_cast %parallel_loop3A_150 : i32 to index
        %parallel_loop3A_382 = arith.index_cast %parallel_loop3A_380 : i32 to index
        %parallel_loop3A_383 = arith.constant 32 : index
        %parallel_loop3A_384 = tpu.vector_load %arg17[%parallel_loop3A_381, %parallel_loop3A_382, %parallel_loop3A_383] {strides = array<i32>} : memref<16x8x128xf32, #tpu.memory_space<vmem>>, vector<16xf32>,
        tpu.vector_store %arg17[%parallel_loop3A_381, %parallel_loop3A_382, %parallel_loop3A_383], %parallel_loop3A_379 {strides = array<i32>} : memref<16x8x128xf32, #tpu.memory_space<vmem>>, vector<16xf32>,
        %parallel_loop3A_385 = arith.constant 5 : i32
        %parallel_loop3A_386 = arith.constant 0 : i32
        %parallel_loop3A_387 = tpu.memref_slice %arg13[%parallel_loop3A_385, %parallel_loop3A_386] : memref<8x5120xf32, #tpu.memory_space<vmem>> -> memref<1x5120xf32, #tpu.memory_space<vmem>>
        %parallel_loop3A_388 = tpu.memref_squeeze %parallel_loop3A_387 : memref<1x5120xf32, #tpu.memory_space<vmem>> -> memref<5120xf32, #tpu.memory_space<vmem>>
        %parallel_loop3A_389 = tpu.vector_load_idx %parallel_loop3A_388[%parallel_loop3A_334] : memref<5120xf32, #tpu.memory_space<vmem>>[vector<16xi32>], vector<16xf32>,
        %parallel_loop3A_390 = arith.constant 5 : i32
        %parallel_loop3A_391 = arith.index_cast %parallel_loop3A_150 : i32 to index
        %parallel_loop3A_392 = arith.index_cast %parallel_loop3A_390 : i32 to index
        %parallel_loop3A_393 = arith.constant 32 : index
        %parallel_loop3A_394 = tpu.vector_load %arg17[%parallel_loop3A_391, %parallel_loop3A_392, %parallel_loop3A_393] {strides = array<i32>} : memref<16x8x128xf32, #tpu.memory_space<vmem>>, vector<16xf32>,
        tpu.vector_store %arg17[%parallel_loop3A_391, %parallel_loop3A_392, %parallel_loop3A_393], %parallel_loop3A_389 {strides = array<i32>} : memref<16x8x128xf32, #tpu.memory_space<vmem>>, vector<16xf32>,
        %parallel_loop3A_395 = arith.constant 6 : i32
        %parallel_loop3A_396 = arith.constant 0 : i32
        %parallel_loop3A_397 = tpu.memref_slice %arg13[%parallel_loop3A_395, %parallel_loop3A_396] : memref<8x5120xf32, #tpu.memory_space<vmem>> -> memref<1x5120xf32, #tpu.memory_space<vmem>>
        %parallel_loop3A_398 = tpu.memref_squeeze %parallel_loop3A_397 : memref<1x5120xf32, #tpu.memory_space<vmem>> -> memref<5120xf32, #tpu.memory_space<vmem>>
        %parallel_loop3A_399 = tpu.vector_load_idx %parallel_loop3A_398[%parallel_loop3A_334] : memref<5120xf32, #tpu.memory_space<vmem>>[vector<16xi32>], vector<16xf32>,
        %parallel_loop3A_400 = arith.constant 6 : i32
        %parallel_loop3A_401 = arith.index_cast %parallel_loop3A_150 : i32 to index
        %parallel_loop3A_402 = arith.index_cast %parallel_loop3A_400 : i32 to index
        %parallel_loop3A_403 = arith.constant 32 : index
        %parallel_loop3A_404 = tpu.vector_load %arg17[%parallel_loop3A_401, %parallel_loop3A_402, %parallel_loop3A_403] {strides = array<i32>} : memref<16x8x128xf32, #tpu.memory_space<vmem>>, vector<16xf32>,
        tpu.vector_store %arg17[%parallel_loop3A_401, %parallel_loop3A_402, %parallel_loop3A_403], %parallel_loop3A_399 {strides = array<i32>} : memref<16x8x128xf32, #tpu.memory_space<vmem>>, vector<16xf32>,
        %parallel_loop3A_405 = arith.constant 7 : i32
        %parallel_loop3A_406 = arith.constant 0 : i32
        %parallel_loop3A_407 = tpu.memref_slice %arg13[%parallel_loop3A_405, %parallel_loop3A_406] : memref<8x5120xf32, #tpu.memory_space<vmem>> -> memref<1x5120xf32, #tpu.memory_space<vmem>>
        %parallel_loop3A_408 = tpu.memref_squeeze %parallel_loop3A_407 : memref<1x5120xf32, #tpu.memory_space<vmem>> -> memref<5120xf32, #tpu.memory_space<vmem>>
        %parallel_loop3A_409 = tpu.vector_load_idx %parallel_loop3A_408[%parallel_loop3A_334] : memref<5120xf32, #tpu.memory_space<vmem>>[vector<16xi32>], vector<16xf32>,
        %parallel_loop3A_410 = arith.constant 7 : i32
        %parallel_loop3A_411 = arith.index_cast %parallel_loop3A_150 : i32 to index
        %parallel_loop3A_412 = arith.index_cast %parallel_loop3A_410 : i32 to index
        %parallel_loop3A_413 = arith.constant 32 : index
        %parallel_loop3A_414 = tpu.vector_load %arg17[%parallel_loop3A_411, %parallel_loop3A_412, %parallel_loop3A_413] {strides = array<i32>} : memref<16x8x128xf32, #tpu.memory_space<vmem>>, vector<16xf32>,
        tpu.vector_store %arg17[%parallel_loop3A_411, %parallel_loop3A_412, %parallel_loop3A_413], %parallel_loop3A_409 {strides = array<i32>} : memref<16x8x128xf32, #tpu.memory_space<vmem>>, vector<16xf32>,
        %parallel_loop3A_415 = arith.constant 8 : i32
        %parallel_loop3A_416 = arith.muli %parallel_loop3A_150, %parallel_loop3A_415 : i32
        %parallel_loop3A_417 = arith.constant 3 : i32
        %parallel_loop3A_418 = arith.addi %parallel_loop3A_416, %parallel_loop3A_417 : i32
        %parallel_loop3A_419 = arith.constant 16 : i32
        %parallel_loop3A_420 = arith.muli %parallel_loop3A_418, %parallel_loop3A_419 : i32
        %parallel_loop3A_421 = arith.index_cast %parallel_loop3A_420 : i32 to index
        %parallel_loop3A_422 = tpu.vector_load %arg15[%parallel_loop3A_421] {strides = array<i32>} : memref<2048xi32, #tpu.memory_space<vmem>>, vector<16xi32>,
        %parallel_loop3A_423 = arith.constant 0 : i32
        %parallel_loop3A_424 = arith.constant 0 : i32
        %parallel_loop3A_425 = tpu.memref_slice %arg13[%parallel_loop3A_423, %parallel_loop3A_424] : memref<8x5120xf32, #tpu.memory_space<vmem>> -> memref<1x5120xf32, #tpu.memory_space<vmem>>
        %parallel_loop3A_426 = tpu.memref_squeeze %parallel_loop3A_425 : memref<1x5120xf32, #tpu.memory_space<vmem>> -> memref<5120xf32, #tpu.memory_space<vmem>>
        %parallel_loop3A_427 = tpu.vector_load_idx %parallel_loop3A_426[%parallel_loop3A_422] : memref<5120xf32, #tpu.memory_space<vmem>>[vector<16xi32>], vector<16xf32>,
        %parallel_loop3A_428 = arith.constant 0 : i32
        %parallel_loop3A_429 = arith.index_cast %parallel_loop3A_150 : i32 to index
        %parallel_loop3A_430 = arith.index_cast %parallel_loop3A_428 : i32 to index
        %parallel_loop3A_431 = arith.constant 48 : index
        %parallel_loop3A_432 = tpu.vector_load %arg17[%parallel_loop3A_429, %parallel_loop3A_430, %parallel_loop3A_431] {strides = array<i32>} : memref<16x8x128xf32, #tpu.memory_space<vmem>>, vector<16xf32>,
        tpu.vector_store %arg17[%parallel_loop3A_429, %parallel_loop3A_430, %parallel_loop3A_431], %parallel_loop3A_427 {strides = array<i32>} : memref<16x8x128xf32, #tpu.memory_space<vmem>>, vector<16xf32>,
        %parallel_loop3A_433 = arith.constant 1 : i32
        %parallel_loop3A_434 = arith.constant 0 : i32
        %parallel_loop3A_435 = tpu.memref_slice %arg13[%parallel_loop3A_433, %parallel_loop3A_434] : memref<8x5120xf32, #tpu.memory_space<vmem>> -> memref<1x5120xf32, #tpu.memory_space<vmem>>
        %parallel_loop3A_436 = tpu.memref_squeeze %parallel_loop3A_435 : memref<1x5120xf32, #tpu.memory_space<vmem>> -> memref<5120xf32, #tpu.memory_space<vmem>>
        %parallel_loop3A_437 = tpu.vector_load_idx %parallel_loop3A_436[%parallel_loop3A_422] : memref<5120xf32, #tpu.memory_space<vmem>>[vector<16xi32>], vector<16xf32>,
        %parallel_loop3A_438 = arith.constant 1 : i32
        %parallel_loop3A_439 = arith.index_cast %parallel_loop3A_150 : i32 to index
        %parallel_loop3A_440 = arith.index_cast %parallel_loop3A_438 : i32 to index
        %parallel_loop3A_441 = arith.constant 48 : index
        %parallel_loop3A_442 = tpu.vector_load %arg17[%parallel_loop3A_439, %parallel_loop3A_440, %parallel_loop3A_441] {strides = array<i32>} : memref<16x8x128xf32, #tpu.memory_space<vmem>>, vector<16xf32>,
        tpu.vector_store %arg17[%parallel_loop3A_439, %parallel_loop3A_440, %parallel_loop3A_441], %parallel_loop3A_437 {strides = array<i32>} : memref<16x8x128xf32, #tpu.memory_space<vmem>>, vector<16xf32>,
        %parallel_loop3A_443 = arith.constant 2 : i32
        %parallel_loop3A_444 = arith.constant 0 : i32
        %parallel_loop3A_445 = tpu.memref_slice %arg13[%parallel_loop3A_443, %parallel_loop3A_444] : memref<8x5120xf32, #tpu.memory_space<vmem>> -> memref<1x5120xf32, #tpu.memory_space<vmem>>
        %parallel_loop3A_446 = tpu.memref_squeeze %parallel_loop3A_445 : memref<1x5120xf32, #tpu.memory_space<vmem>> -> memref<5120xf32, #tpu.memory_space<vmem>>
        %parallel_loop3A_447 = tpu.vector_load_idx %parallel_loop3A_446[%parallel_loop3A_422] : memref<5120xf32, #tpu.memory_space<vmem>>[vector<16xi32>], vector<16xf32>,
        %parallel_loop3A_448 = arith.constant 2 : i32
        %parallel_loop3A_449 = arith.index_cast %parallel_loop3A_150 : i32 to index
        %parallel_loop3A_450 = arith.index_cast %parallel_loop3A_448 : i32 to index
        %parallel_loop3A_451 = arith.constant 48 : index
        %parallel_loop3A_452 = tpu.vector_load %arg17[%parallel_loop3A_449, %parallel_loop3A_450, %parallel_loop3A_451] {strides = array<i32>} : memref<16x8x128xf32, #tpu.memory_space<vmem>>, vector<16xf32>,
        tpu.vector_store %arg17[%parallel_loop3A_449, %parallel_loop3A_450, %parallel_loop3A_451], %parallel_loop3A_447 {strides = array<i32>} : memref<16x8x128xf32, #tpu.memory_space<vmem>>, vector<16xf32>,
        %parallel_loop3A_453 = arith.constant 3 : i32
        %parallel_loop3A_454 = arith.constant 0 : i32
        %parallel_loop3A_455 = tpu.memref_slice %arg13[%parallel_loop3A_453, %parallel_loop3A_454] : memref<8x5120xf32, #tpu.memory_space<vmem>> -> memref<1x5120xf32, #tpu.memory_space<vmem>>
        %parallel_loop3A_456 = tpu.memref_squeeze %parallel_loop3A_455 : memref<1x5120xf32, #tpu.memory_space<vmem>> -> memref<5120xf32, #tpu.memory_space<vmem>>
        %parallel_loop3A_457 = tpu.vector_load_idx %parallel_loop3A_456[%parallel_loop3A_422] : memref<5120xf32, #tpu.memory_space<vmem>>[vector<16xi32>], vector<16xf32>,
        %parallel_loop3A_458 = arith.constant 3 : i32
        %parallel_loop3A_459 = arith.index_cast %parallel_loop3A_150 : i32 to index
        %parallel_loop3A_460 = arith.index_cast %parallel_loop3A_458 : i32 to index
        %parallel_loop3A_461 = arith.constant 48 : index
        %parallel_loop3A_462 = tpu.vector_load %arg17[%parallel_loop3A_459, %parallel_loop3A_460, %parallel_loop3A_461] {strides = array<i32>} : memref<16x8x128xf32, #tpu.memory_space<vmem>>, vector<16xf32>,
        tpu.vector_store %arg17[%parallel_loop3A_459, %parallel_loop3A_460, %parallel_loop3A_461], %parallel_loop3A_457 {strides = array<i32>} : memref<16x8x128xf32, #tpu.memory_space<vmem>>, vector<16xf32>,
        %parallel_loop3A_463 = arith.constant 4 : i32
        %parallel_loop3A_464 = arith.constant 0 : i32
        %parallel_loop3A_465 = tpu.memref_slice %arg13[%parallel_loop3A_463, %parallel_loop3A_464] : memref<8x5120xf32, #tpu.memory_space<vmem>> -> memref<1x5120xf32, #tpu.memory_space<vmem>>
        %parallel_loop3A_466 = tpu.memref_squeeze %parallel_loop3A_465 : memref<1x5120xf32, #tpu.memory_space<vmem>> -> memref<5120xf32, #tpu.memory_space<vmem>>
        %parallel_loop3A_467 = tpu.vector_load_idx %parallel_loop3A_466[%parallel_loop3A_422] : memref<5120xf32, #tpu.memory_space<vmem>>[vector<16xi32>], vector<16xf32>,
        %parallel_loop3A_468 = arith.constant 4 : i32
        %parallel_loop3A_469 = arith.index_cast %parallel_loop3A_150 : i32 to index
        %parallel_loop3A_470 = arith.index_cast %parallel_loop3A_468 : i32 to index
        %parallel_loop3A_471 = arith.constant 48 : index
        %parallel_loop3A_472 = tpu.vector_load %arg17[%parallel_loop3A_469, %parallel_loop3A_470, %parallel_loop3A_471] {strides = array<i32>} : memref<16x8x128xf32, #tpu.memory_space<vmem>>, vector<16xf32>,
        tpu.vector_store %arg17[%parallel_loop3A_469, %parallel_loop3A_470, %parallel_loop3A_471], %parallel_loop3A_467 {strides = array<i32>} : memref<16x8x128xf32, #tpu.memory_space<vmem>>, vector<16xf32>,
        %parallel_loop3A_473 = arith.constant 5 : i32
        %parallel_loop3A_474 = arith.constant 0 : i32
        %parallel_loop3A_475 = tpu.memref_slice %arg13[%parallel_loop3A_473, %parallel_loop3A_474] : memref<8x5120xf32, #tpu.memory_space<vmem>> -> memref<1x5120xf32, #tpu.memory_space<vmem>>
        %parallel_loop3A_476 = tpu.memref_squeeze %parallel_loop3A_475 : memref<1x5120xf32, #tpu.memory_space<vmem>> -> memref<5120xf32, #tpu.memory_space<vmem>>
        %parallel_loop3A_477 = tpu.vector_load_idx %parallel_loop3A_476[%parallel_loop3A_422] : memref<5120xf32, #tpu.memory_space<vmem>>[vector<16xi32>], vector<16xf32>,
        %parallel_loop3A_478 = arith.constant 5 : i32
        %parallel_loop3A_479 = arith.index_cast %parallel_loop3A_150 : i32 to index
        %parallel_loop3A_480 = arith.index_cast %parallel_loop3A_478 : i32 to index
        %parallel_loop3A_481 = arith.constant 48 : index
        %parallel_loop3A_482 = tpu.vector_load %arg17[%parallel_loop3A_479, %parallel_loop3A_480, %parallel_loop3A_481] {strides = array<i32>} : memref<16x8x128xf32, #tpu.memory_space<vmem>>, vector<16xf32>,
        tpu.vector_store %arg17[%parallel_loop3A_479, %parallel_loop3A_480, %parallel_loop3A_481], %parallel_loop3A_477 {strides = array<i32>} : memref<16x8x128xf32, #tpu.memory_space<vmem>>, vector<16xf32>,
        %parallel_loop3A_483 = arith.constant 6 : i32
        %parallel_loop3A_484 = arith.constant 0 : i32
        %parallel_loop3A_485 = tpu.memref_slice %arg13[%parallel_loop3A_483, %parallel_loop3A_484] : memref<8x5120xf32, #tpu.memory_space<vmem>> -> memref<1x5120xf32, #tpu.memory_space<vmem>>
        %parallel_loop3A_486 = tpu.memref_squeeze %parallel_loop3A_485 : memref<1x5120xf32, #tpu.memory_space<vmem>> -> memref<5120xf32, #tpu.memory_space<vmem>>
        %parallel_loop3A_487 = tpu.vector_load_idx %parallel_loop3A_486[%parallel_loop3A_422] : memref<5120xf32, #tpu.memory_space<vmem>>[vector<16xi32>], vector<16xf32>,
        %parallel_loop3A_488 = arith.constant 6 : i32
        %parallel_loop3A_489 = arith.index_cast %parallel_loop3A_150 : i32 to index
        %parallel_loop3A_490 = arith.index_cast %parallel_loop3A_488 : i32 to index
        %parallel_loop3A_491 = arith.constant 48 : index
        %parallel_loop3A_492 = tpu.vector_load %arg17[%parallel_loop3A_489, %parallel_loop3A_490, %parallel_loop3A_491] {strides = array<i32>} : memref<16x8x128xf32, #tpu.memory_space<vmem>>, vector<16xf32>,
        tpu.vector_store %arg17[%parallel_loop3A_489, %parallel_loop3A_490, %parallel_loop3A_491], %parallel_loop3A_487 {strides = array<i32>} : memref<16x8x128xf32, #tpu.memory_space<vmem>>, vector<16xf32>,
        %parallel_loop3A_493 = arith.constant 7 : i32
        %parallel_loop3A_494 = arith.constant 0 : i32
        %parallel_loop3A_495 = tpu.memref_slice %arg13[%parallel_loop3A_493, %parallel_loop3A_494] : memref<8x5120xf32, #tpu.memory_space<vmem>> -> memref<1x5120xf32, #tpu.memory_space<vmem>>
        %parallel_loop3A_496 = tpu.memref_squeeze %parallel_loop3A_495 : memref<1x5120xf32, #tpu.memory_space<vmem>> -> memref<5120xf32, #tpu.memory_space<vmem>>
        %parallel_loop3A_497 = tpu.vector_load_idx %parallel_loop3A_496[%parallel_loop3A_422] : memref<5120xf32, #tpu.memory_space<vmem>>[vector<16xi32>], vector<16xf32>,
        %parallel_loop3A_498 = arith.constant 7 : i32
        %parallel_loop3A_499 = arith.index_cast %parallel_loop3A_150 : i32 to index
        %parallel_loop3A_500 = arith.index_cast %parallel_loop3A_498 : i32 to index
        %parallel_loop3A_501 = arith.constant 48 : index
        %parallel_loop3A_502 = tpu.vector_load %arg17[%parallel_loop3A_499, %parallel_loop3A_500, %parallel_loop3A_501] {strides = array<i32>} : memref<16x8x128xf32, #tpu.memory_space<vmem>>, vector<16xf32>,
        tpu.vector_store %arg17[%parallel_loop3A_499, %parallel_loop3A_500, %parallel_loop3A_501], %parallel_loop3A_497 {strides = array<i32>} : memref<16x8x128xf32, #tpu.memory_space<vmem>>, vector<16xf32>,
        %parallel_loop3A_503 = arith.constant 8 : i32
        %parallel_loop3A_504 = arith.muli %parallel_loop3A_150, %parallel_loop3A_503 : i32
        %parallel_loop3A_505 = arith.constant 4 : i32
        %parallel_loop3A_506 = arith.addi %parallel_loop3A_504, %parallel_loop3A_505 : i32
        %parallel_loop3A_507 = arith.constant 16 : i32
        %parallel_loop3A_508 = arith.muli %parallel_loop3A_506, %parallel_loop3A_507 : i32
        %parallel_loop3A_509 = arith.index_cast %parallel_loop3A_508 : i32 to index
        %parallel_loop3A_510 = tpu.vector_load %arg15[%parallel_loop3A_509] {strides = array<i32>} : memref<2048xi32, #tpu.memory_space<vmem>>, vector<16xi32>,
        %parallel_loop3A_511 = arith.constant 0 : i32
        %parallel_loop3A_512 = arith.constant 0 : i32
        %parallel_loop3A_513 = tpu.memref_slice %arg13[%parallel_loop3A_511, %parallel_loop3A_512] : memref<8x5120xf32, #tpu.memory_space<vmem>> -> memref<1x5120xf32, #tpu.memory_space<vmem>>
        %parallel_loop3A_514 = tpu.memref_squeeze %parallel_loop3A_513 : memref<1x5120xf32, #tpu.memory_space<vmem>> -> memref<5120xf32, #tpu.memory_space<vmem>>
        %parallel_loop3A_515 = tpu.vector_load_idx %parallel_loop3A_514[%parallel_loop3A_510] : memref<5120xf32, #tpu.memory_space<vmem>>[vector<16xi32>], vector<16xf32>,
        %parallel_loop3A_516 = arith.constant 0 : i32
        %parallel_loop3A_517 = arith.index_cast %parallel_loop3A_150 : i32 to index
        %parallel_loop3A_518 = arith.index_cast %parallel_loop3A_516 : i32 to index
        %parallel_loop3A_519 = arith.constant 64 : index
        %parallel_loop3A_520 = tpu.vector_load %arg17[%parallel_loop3A_517, %parallel_loop3A_518, %parallel_loop3A_519] {strides = array<i32>} : memref<16x8x128xf32, #tpu.memory_space<vmem>>, vector<16xf32>,
        tpu.vector_store %arg17[%parallel_loop3A_517, %parallel_loop3A_518, %parallel_loop3A_519], %parallel_loop3A_515 {strides = array<i32>} : memref<16x8x128xf32, #tpu.memory_space<vmem>>, vector<16xf32>,
        %parallel_loop3A_521 = arith.constant 1 : i32
        %parallel_loop3A_522 = arith.constant 0 : i32
        %parallel_loop3A_523 = tpu.memref_slice %arg13[%parallel_loop3A_521, %parallel_loop3A_522] : memref<8x5120xf32, #tpu.memory_space<vmem>> -> memref<1x5120xf32, #tpu.memory_space<vmem>>
        %parallel_loop3A_524 = tpu.memref_squeeze %parallel_loop3A_523 : memref<1x5120xf32, #tpu.memory_space<vmem>> -> memref<5120xf32, #tpu.memory_space<vmem>>
        %parallel_loop3A_525 = tpu.vector_load_idx %parallel_loop3A_524[%parallel_loop3A_510] : memref<5120xf32, #tpu.memory_space<vmem>>[vector<16xi32>], vector<16xf32>,
        %parallel_loop3A_526 = arith.constant 1 : i32
        %parallel_loop3A_527 = arith.index_cast %parallel_loop3A_150 : i32 to index
        %parallel_loop3A_528 = arith.index_cast %parallel_loop3A_526 : i32 to index
        %parallel_loop3A_529 = arith.constant 64 : index
        %parallel_loop3A_530 = tpu.vector_load %arg17[%parallel_loop3A_527, %parallel_loop3A_528, %parallel_loop3A_529] {strides = array<i32>} : memref<16x8x128xf32, #tpu.memory_space<vmem>>, vector<16xf32>,
        tpu.vector_store %arg17[%parallel_loop3A_527, %parallel_loop3A_528, %parallel_loop3A_529], %parallel_loop3A_525 {strides = array<i32>} : memref<16x8x128xf32, #tpu.memory_space<vmem>>, vector<16xf32>,
        %parallel_loop3A_531 = arith.constant 2 : i32
        %parallel_loop3A_532 = arith.constant 0 : i32
        %parallel_loop3A_533 = tpu.memref_slice %arg13[%parallel_loop3A_531, %parallel_loop3A_532] : memref<8x5120xf32, #tpu.memory_space<vmem>> -> memref<1x5120xf32, #tpu.memory_space<vmem>>
        %parallel_loop3A_534 = tpu.memref_squeeze %parallel_loop3A_533 : memref<1x5120xf32, #tpu.memory_space<vmem>> -> memref<5120xf32, #tpu.memory_space<vmem>>
        %parallel_loop3A_535 = tpu.vector_load_idx %parallel_loop3A_534[%parallel_loop3A_510] : memref<5120xf32, #tpu.memory_space<vmem>>[vector<16xi32>], vector<16xf32>,
        %parallel_loop3A_536 = arith.constant 2 : i32
        %parallel_loop3A_537 = arith.index_cast %parallel_loop3A_150 : i32 to index
        %parallel_loop3A_538 = arith.index_cast %parallel_loop3A_536 : i32 to index
        %parallel_loop3A_539 = arith.constant 64 : index
        %parallel_loop3A_540 = tpu.vector_load %arg17[%parallel_loop3A_537, %parallel_loop3A_538, %parallel_loop3A_539] {strides = array<i32>} : memref<16x8x128xf32, #tpu.memory_space<vmem>>, vector<16xf32>,
        tpu.vector_store %arg17[%parallel_loop3A_537, %parallel_loop3A_538, %parallel_loop3A_539], %parallel_loop3A_535 {strides = array<i32>} : memref<16x8x128xf32, #tpu.memory_space<vmem>>, vector<16xf32>,
        %parallel_loop3A_541 = arith.constant 3 : i32
        %parallel_loop3A_542 = arith.constant 0 : i32
        %parallel_loop3A_543 = tpu.memref_slice %arg13[%parallel_loop3A_541, %parallel_loop3A_542] : memref<8x5120xf32, #tpu.memory_space<vmem>> -> memref<1x5120xf32, #tpu.memory_space<vmem>>
        %parallel_loop3A_544 = tpu.memref_squeeze %parallel_loop3A_543 : memref<1x5120xf32, #tpu.memory_space<vmem>> -> memref<5120xf32, #tpu.memory_space<vmem>>
        %parallel_loop3A_545 = tpu.vector_load_idx %parallel_loop3A_544[%parallel_loop3A_510] : memref<5120xf32, #tpu.memory_space<vmem>>[vector<16xi32>], vector<16xf32>,
        %parallel_loop3A_546 = arith.constant 3 : i32
        %parallel_loop3A_547 = arith.index_cast %parallel_loop3A_150 : i32 to index
        %parallel_loop3A_548 = arith.index_cast %parallel_loop3A_546 : i32 to index
        %parallel_loop3A_549 = arith.constant 64 : index
        %parallel_loop3A_550 = tpu.vector_load %arg17[%parallel_loop3A_547, %parallel_loop3A_548, %parallel_loop3A_549] {strides = array<i32>} : memref<16x8x128xf32, #tpu.memory_space<vmem>>, vector<16xf32>,
        tpu.vector_store %arg17[%parallel_loop3A_547, %parallel_loop3A_548, %parallel_loop3A_549], %parallel_loop3A_545 {strides = array<i32>} : memref<16x8x128xf32, #tpu.memory_space<vmem>>, vector<16xf32>,
        %parallel_loop3A_551 = arith.constant 4 : i32
        %parallel_loop3A_552 = arith.constant 0 : i32
        %parallel_loop3A_553 = tpu.memref_slice %arg13[%parallel_loop3A_551, %parallel_loop3A_552] : memref<8x5120xf32, #tpu.memory_space<vmem>> -> memref<1x5120xf32, #tpu.memory_space<vmem>>
        %parallel_loop3A_554 = tpu.memref_squeeze %parallel_loop3A_553 : memref<1x5120xf32, #tpu.memory_space<vmem>> -> memref<5120xf32, #tpu.memory_space<vmem>>
        %parallel_loop3A_555 = tpu.vector_load_idx %parallel_loop3A_554[%parallel_loop3A_510] : memref<5120xf32, #tpu.memory_space<vmem>>[vector<16xi32>], vector<16xf32>,
        %parallel_loop3A_556 = arith.constant 4 : i32
        %parallel_loop3A_557 = arith.index_cast %parallel_loop3A_150 : i32 to index
        %parallel_loop3A_558 = arith.index_cast %parallel_loop3A_556 : i32 to index
        %parallel_loop3A_559 = arith.constant 64 : index
        %parallel_loop3A_560 = tpu.vector_load %arg17[%parallel_loop3A_557, %parallel_loop3A_558, %parallel_loop3A_559] {strides = array<i32>} : memref<16x8x128xf32, #tpu.memory_space<vmem>>, vector<16xf32>,
        tpu.vector_store %arg17[%parallel_loop3A_557, %parallel_loop3A_558, %parallel_loop3A_559], %parallel_loop3A_555 {strides = array<i32>} : memref<16x8x128xf32, #tpu.memory_space<vmem>>, vector<16xf32>,
        %parallel_loop3A_561 = arith.constant 5 : i32
        %parallel_loop3A_562 = arith.constant 0 : i32
        %parallel_loop3A_563 = tpu.memref_slice %arg13[%parallel_loop3A_561, %parallel_loop3A_562] : memref<8x5120xf32, #tpu.memory_space<vmem>> -> memref<1x5120xf32, #tpu.memory_space<vmem>>
        %parallel_loop3A_564 = tpu.memref_squeeze %parallel_loop3A_563 : memref<1x5120xf32, #tpu.memory_space<vmem>> -> memref<5120xf32, #tpu.memory_space<vmem>>
        %parallel_loop3A_565 = tpu.vector_load_idx %parallel_loop3A_564[%parallel_loop3A_510] : memref<5120xf32, #tpu.memory_space<vmem>>[vector<16xi32>], vector<16xf32>,
        %parallel_loop3A_566 = arith.constant 5 : i32
        %parallel_loop3A_567 = arith.index_cast %parallel_loop3A_150 : i32 to index
        %parallel_loop3A_568 = arith.index_cast %parallel_loop3A_566 : i32 to index
        %parallel_loop3A_569 = arith.constant 64 : index
        %parallel_loop3A_570 = tpu.vector_load %arg17[%parallel_loop3A_567, %parallel_loop3A_568, %parallel_loop3A_569] {strides = array<i32>} : memref<16x8x128xf32, #tpu.memory_space<vmem>>, vector<16xf32>,
        tpu.vector_store %arg17[%parallel_loop3A_567, %parallel_loop3A_568, %parallel_loop3A_569], %parallel_loop3A_565 {strides = array<i32>} : memref<16x8x128xf32, #tpu.memory_space<vmem>>, vector<16xf32>,
        %parallel_loop3A_571 = arith.constant 6 : i32
        %parallel_loop3A_572 = arith.constant 0 : i32
        %parallel_loop3A_573 = tpu.memref_slice %arg13[%parallel_loop3A_571, %parallel_loop3A_572] : memref<8x5120xf32, #tpu.memory_space<vmem>> -> memref<1x5120xf32, #tpu.memory_space<vmem>>
        %parallel_loop3A_574 = tpu.memref_squeeze %parallel_loop3A_573 : memref<1x5120xf32, #tpu.memory_space<vmem>> -> memref<5120xf32, #tpu.memory_space<vmem>>
        %parallel_loop3A_575 = tpu.vector_load_idx %parallel_loop3A_574[%parallel_loop3A_510] : memref<5120xf32, #tpu.memory_space<vmem>>[vector<16xi32>], vector<16xf32>,
        %parallel_loop3A_576 = arith.constant 6 : i32
        %parallel_loop3A_577 = arith.index_cast %parallel_loop3A_150 : i32 to index
        %parallel_loop3A_578 = arith.index_cast %parallel_loop3A_576 : i32 to index
        %parallel_loop3A_579 = arith.constant 64 : index
        %parallel_loop3A_580 = tpu.vector_load %arg17[%parallel_loop3A_577, %parallel_loop3A_578, %parallel_loop3A_579] {strides = array<i32>} : memref<16x8x128xf32, #tpu.memory_space<vmem>>, vector<16xf32>,
        tpu.vector_store %arg17[%parallel_loop3A_577, %parallel_loop3A_578, %parallel_loop3A_579], %parallel_loop3A_575 {strides = array<i32>} : memref<16x8x128xf32, #tpu.memory_space<vmem>>, vector<16xf32>,
        %parallel_loop3A_581 = arith.constant 7 : i32
        %parallel_loop3A_582 = arith.constant 0 : i32
        %parallel_loop3A_583 = tpu.memref_slice %arg13[%parallel_loop3A_581, %parallel_loop3A_582] : memref<8x5120xf32, #tpu.memory_space<vmem>> -> memref<1x5120xf32, #tpu.memory_space<vmem>>
        %parallel_loop3A_584 = tpu.memref_squeeze %parallel_loop3A_583 : memref<1x5120xf32, #tpu.memory_space<vmem>> -> memref<5120xf32, #tpu.memory_space<vmem>>
        %parallel_loop3A_585 = tpu.vector_load_idx %parallel_loop3A_584[%parallel_loop3A_510] : memref<5120xf32, #tpu.memory_space<vmem>>[vector<16xi32>], vector<16xf32>,
        %parallel_loop3A_586 = arith.constant 7 : i32
        %parallel_loop3A_587 = arith.index_cast %parallel_loop3A_150 : i32 to index
        %parallel_loop3A_588 = arith.index_cast %parallel_loop3A_586 : i32 to index
        %parallel_loop3A_589 = arith.constant 64 : index
        %parallel_loop3A_590 = tpu.vector_load %arg17[%parallel_loop3A_587, %parallel_loop3A_588, %parallel_loop3A_589] {strides = array<i32>} : memref<16x8x128xf32, #tpu.memory_space<vmem>>, vector<16xf32>,
        tpu.vector_store %arg17[%parallel_loop3A_587, %parallel_loop3A_588, %parallel_loop3A_589], %parallel_loop3A_585 {strides = array<i32>} : memref<16x8x128xf32, #tpu.memory_space<vmem>>, vector<16xf32>,
        %parallel_loop3A_591 = arith.constant 8 : i32
        %parallel_loop3A_592 = arith.muli %parallel_loop3A_150, %parallel_loop3A_591 : i32
        %parallel_loop3A_593 = arith.constant 5 : i32
        %parallel_loop3A_594 = arith.addi %parallel_loop3A_592, %parallel_loop3A_593 : i32
        %parallel_loop3A_595 = arith.constant 16 : i32
        %parallel_loop3A_596 = arith.muli %parallel_loop3A_594, %parallel_loop3A_595 : i32
        %parallel_loop3A_597 = arith.index_cast %parallel_loop3A_596 : i32 to index
        %parallel_loop3A_598 = tpu.vector_load %arg15[%parallel_loop3A_597] {strides = array<i32>} : memref<2048xi32, #tpu.memory_space<vmem>>, vector<16xi32>,
        %parallel_loop3A_599 = arith.constant 0 : i32
        %parallel_loop3A_600 = arith.constant 0 : i32
        %parallel_loop3A_601 = tpu.memref_slice %arg13[%parallel_loop3A_599, %parallel_loop3A_600] : memref<8x5120xf32, #tpu.memory_space<vmem>> -> memref<1x5120xf32, #tpu.memory_space<vmem>>
        %parallel_loop3A_602 = tpu.memref_squeeze %parallel_loop3A_601 : memref<1x5120xf32, #tpu.memory_space<vmem>> -> memref<5120xf32, #tpu.memory_space<vmem>>
        %parallel_loop3A_603 = tpu.vector_load_idx %parallel_loop3A_602[%parallel_loop3A_598] : memref<5120xf32, #tpu.memory_space<vmem>>[vector<16xi32>], vector<16xf32>,
        %parallel_loop3A_604 = arith.constant 0 : i32
        %parallel_loop3A_605 = arith.index_cast %parallel_loop3A_150 : i32 to index
        %parallel_loop3A_606 = arith.index_cast %parallel_loop3A_604 : i32 to index
        %parallel_loop3A_607 = arith.constant 80 : index
        %parallel_loop3A_608 = tpu.vector_load %arg17[%parallel_loop3A_605, %parallel_loop3A_606, %parallel_loop3A_607] {strides = array<i32>} : memref<16x8x128xf32, #tpu.memory_space<vmem>>, vector<16xf32>,
        tpu.vector_store %arg17[%parallel_loop3A_605, %parallel_loop3A_606, %parallel_loop3A_607], %parallel_loop3A_603 {strides = array<i32>} : memref<16x8x128xf32, #tpu.memory_space<vmem>>, vector<16xf32>,
        %parallel_loop3A_609 = arith.constant 1 : i32
        %parallel_loop3A_610 = arith.constant 0 : i32
        %parallel_loop3A_611 = tpu.memref_slice %arg13[%parallel_loop3A_609, %parallel_loop3A_610] : memref<8x5120xf32, #tpu.memory_space<vmem>> -> memref<1x5120xf32, #tpu.memory_space<vmem>>
        %parallel_loop3A_612 = tpu.memref_squeeze %parallel_loop3A_611 : memref<1x5120xf32, #tpu.memory_space<vmem>> -> memref<5120xf32, #tpu.memory_space<vmem>>
        %parallel_loop3A_613 = tpu.vector_load_idx %parallel_loop3A_612[%parallel_loop3A_598] : memref<5120xf32, #tpu.memory_space<vmem>>[vector<16xi32>], vector<16xf32>,
        %parallel_loop3A_614 = arith.constant 1 : i32
        %parallel_loop3A_615 = arith.index_cast %parallel_loop3A_150 : i32 to index
        %parallel_loop3A_616 = arith.index_cast %parallel_loop3A_614 : i32 to index
        %parallel_loop3A_617 = arith.constant 80 : index
        %parallel_loop3A_618 = tpu.vector_load %arg17[%parallel_loop3A_615, %parallel_loop3A_616, %parallel_loop3A_617] {strides = array<i32>} : memref<16x8x128xf32, #tpu.memory_space<vmem>>, vector<16xf32>,
        tpu.vector_store %arg17[%parallel_loop3A_615, %parallel_loop3A_616, %parallel_loop3A_617], %parallel_loop3A_613 {strides = array<i32>} : memref<16x8x128xf32, #tpu.memory_space<vmem>>, vector<16xf32>,
        %parallel_loop3A_619 = arith.constant 2 : i32
        %parallel_loop3A_620 = arith.constant 0 : i32
        %parallel_loop3A_621 = tpu.memref_slice %arg13[%parallel_loop3A_619, %parallel_loop3A_620] : memref<8x5120xf32, #tpu.memory_space<vmem>> -> memref<1x5120xf32, #tpu.memory_space<vmem>>
        %parallel_loop3A_622 = tpu.memref_squeeze %parallel_loop3A_621 : memref<1x5120xf32, #tpu.memory_space<vmem>> -> memref<5120xf32, #tpu.memory_space<vmem>>
        %parallel_loop3A_623 = tpu.vector_load_idx %parallel_loop3A_622[%parallel_loop3A_598] : memref<5120xf32, #tpu.memory_space<vmem>>[vector<16xi32>], vector<16xf32>,
        %parallel_loop3A_624 = arith.constant 2 : i32
        %parallel_loop3A_625 = arith.index_cast %parallel_loop3A_150 : i32 to index
        %parallel_loop3A_626 = arith.index_cast %parallel_loop3A_624 : i32 to index
        %parallel_loop3A_627 = arith.constant 80 : index
        %parallel_loop3A_628 = tpu.vector_load %arg17[%parallel_loop3A_625, %parallel_loop3A_626, %parallel_loop3A_627] {strides = array<i32>} : memref<16x8x128xf32, #tpu.memory_space<vmem>>, vector<16xf32>,
        tpu.vector_store %arg17[%parallel_loop3A_625, %parallel_loop3A_626, %parallel_loop3A_627], %parallel_loop3A_623 {strides = array<i32>} : memref<16x8x128xf32, #tpu.memory_space<vmem>>, vector<16xf32>,
        %parallel_loop3A_629 = arith.constant 3 : i32
        %parallel_loop3A_630 = arith.constant 0 : i32
        %parallel_loop3A_631 = tpu.memref_slice %arg13[%parallel_loop3A_629, %parallel_loop3A_630] : memref<8x5120xf32, #tpu.memory_space<vmem>> -> memref<1x5120xf32, #tpu.memory_space<vmem>>
        %parallel_loop3A_632 = tpu.memref_squeeze %parallel_loop3A_631 : memref<1x5120xf32, #tpu.memory_space<vmem>> -> memref<5120xf32, #tpu.memory_space<vmem>>
        %parallel_loop3A_633 = tpu.vector_load_idx %parallel_loop3A_632[%parallel_loop3A_598] : memref<5120xf32, #tpu.memory_space<vmem>>[vector<16xi32>], vector<16xf32>,
        %parallel_loop3A_634 = arith.constant 3 : i32
        %parallel_loop3A_635 = arith.index_cast %parallel_loop3A_150 : i32 to index
        %parallel_loop3A_636 = arith.index_cast %parallel_loop3A_634 : i32 to index
        %parallel_loop3A_637 = arith.constant 80 : index
        %parallel_loop3A_638 = tpu.vector_load %arg17[%parallel_loop3A_635, %parallel_loop3A_636, %parallel_loop3A_637] {strides = array<i32>} : memref<16x8x128xf32, #tpu.memory_space<vmem>>, vector<16xf32>,
        tpu.vector_store %arg17[%parallel_loop3A_635, %parallel_loop3A_636, %parallel_loop3A_637], %parallel_loop3A_633 {strides = array<i32>} : memref<16x8x128xf32, #tpu.memory_space<vmem>>, vector<16xf32>,
        %parallel_loop3A_639 = arith.constant 4 : i32
        %parallel_loop3A_640 = arith.constant 0 : i32
        %parallel_loop3A_641 = tpu.memref_slice %arg13[%parallel_loop3A_639, %parallel_loop3A_640] : memref<8x5120xf32, #tpu.memory_space<vmem>> -> memref<1x5120xf32, #tpu.memory_space<vmem>>
        %parallel_loop3A_642 = tpu.memref_squeeze %parallel_loop3A_641 : memref<1x5120xf32, #tpu.memory_space<vmem>> -> memref<5120xf32, #tpu.memory_space<vmem>>
        %parallel_loop3A_643 = tpu.vector_load_idx %parallel_loop3A_642[%parallel_loop3A_598] : memref<5120xf32, #tpu.memory_space<vmem>>[vector<16xi32>], vector<16xf32>,
        %parallel_loop3A_644 = arith.constant 4 : i32
        %parallel_loop3A_645 = arith.index_cast %parallel_loop3A_150 : i32 to index
        %parallel_loop3A_646 = arith.index_cast %parallel_loop3A_644 : i32 to index
        %parallel_loop3A_647 = arith.constant 80 : index
        %parallel_loop3A_648 = tpu.vector_load %arg17[%parallel_loop3A_645, %parallel_loop3A_646, %parallel_loop3A_647] {strides = array<i32>} : memref<16x8x128xf32, #tpu.memory_space<vmem>>, vector<16xf32>,
        tpu.vector_store %arg17[%parallel_loop3A_645, %parallel_loop3A_646, %parallel_loop3A_647], %parallel_loop3A_643 {strides = array<i32>} : memref<16x8x128xf32, #tpu.memory_space<vmem>>, vector<16xf32>,
        %parallel_loop3A_649 = arith.constant 5 : i32
        %parallel_loop3A_650 = arith.constant 0 : i32
        %parallel_loop3A_651 = tpu.memref_slice %arg13[%parallel_loop3A_649, %parallel_loop3A_650] : memref<8x5120xf32, #tpu.memory_space<vmem>> -> memref<1x5120xf32, #tpu.memory_space<vmem>>
        %parallel_loop3A_652 = tpu.memref_squeeze %parallel_loop3A_651 : memref<1x5120xf32, #tpu.memory_space<vmem>> -> memref<5120xf32, #tpu.memory_space<vmem>>
        %parallel_loop3A_653 = tpu.vector_load_idx %parallel_loop3A_652[%parallel_loop3A_598] : memref<5120xf32, #tpu.memory_space<vmem>>[vector<16xi32>], vector<16xf32>,
        %parallel_loop3A_654 = arith.constant 5 : i32
        %parallel_loop3A_655 = arith.index_cast %parallel_loop3A_150 : i32 to index
        %parallel_loop3A_656 = arith.index_cast %parallel_loop3A_654 : i32 to index
        %parallel_loop3A_657 = arith.constant 80 : index
        %parallel_loop3A_658 = tpu.vector_load %arg17[%parallel_loop3A_655, %parallel_loop3A_656, %parallel_loop3A_657] {strides = array<i32>} : memref<16x8x128xf32, #tpu.memory_space<vmem>>, vector<16xf32>,
        tpu.vector_store %arg17[%parallel_loop3A_655, %parallel_loop3A_656, %parallel_loop3A_657], %parallel_loop3A_653 {strides = array<i32>} : memref<16x8x128xf32, #tpu.memory_space<vmem>>, vector<16xf32>,
        %parallel_loop3A_659 = arith.constant 6 : i32
        %parallel_loop3A_660 = arith.constant 0 : i32
        %parallel_loop3A_661 = tpu.memref_slice %arg13[%parallel_loop3A_659, %parallel_loop3A_660] : memref<8x5120xf32, #tpu.memory_space<vmem>> -> memref<1x5120xf32, #tpu.memory_space<vmem>>
        %parallel_loop3A_662 = tpu.memref_squeeze %parallel_loop3A_661 : memref<1x5120xf32, #tpu.memory_space<vmem>> -> memref<5120xf32, #tpu.memory_space<vmem>>
        %parallel_loop3A_663 = tpu.vector_load_idx %parallel_loop3A_662[%parallel_loop3A_598] : memref<5120xf32, #tpu.memory_space<vmem>>[vector<16xi32>], vector<16xf32>,
        %parallel_loop3A_664 = arith.constant 6 : i32
        %parallel_loop3A_665 = arith.index_cast %parallel_loop3A_150 : i32 to index
        %parallel_loop3A_666 = arith.index_cast %parallel_loop3A_664 : i32 to index
        %parallel_loop3A_667 = arith.constant 80 : index
        %parallel_loop3A_668 = tpu.vector_load %arg17[%parallel_loop3A_665, %parallel_loop3A_666, %parallel_loop3A_667] {strides = array<i32>} : memref<16x8x128xf32, #tpu.memory_space<vmem>>, vector<16xf32>,
        tpu.vector_store %arg17[%parallel_loop3A_665, %parallel_loop3A_666, %parallel_loop3A_667], %parallel_loop3A_663 {strides = array<i32>} : memref<16x8x128xf32, #tpu.memory_space<vmem>>, vector<16xf32>,
        %parallel_loop3A_669 = arith.constant 7 : i32
        %parallel_loop3A_670 = arith.constant 0 : i32
        %parallel_loop3A_671 = tpu.memref_slice %arg13[%parallel_loop3A_669, %parallel_loop3A_670] : memref<8x5120xf32, #tpu.memory_space<vmem>> -> memref<1x5120xf32, #tpu.memory_space<vmem>>
        %parallel_loop3A_672 = tpu.memref_squeeze %parallel_loop3A_671 : memref<1x5120xf32, #tpu.memory_space<vmem>> -> memref<5120xf32, #tpu.memory_space<vmem>>
        %parallel_loop3A_673 = tpu.vector_load_idx %parallel_loop3A_672[%parallel_loop3A_598] : memref<5120xf32, #tpu.memory_space<vmem>>[vector<16xi32>], vector<16xf32>,
        %parallel_loop3A_674 = arith.constant 7 : i32
        %parallel_loop3A_675 = arith.index_cast %parallel_loop3A_150 : i32 to index
        %parallel_loop3A_676 = arith.index_cast %parallel_loop3A_674 : i32 to index
        %parallel_loop3A_677 = arith.constant 80 : index
        %parallel_loop3A_678 = tpu.vector_load %arg17[%parallel_loop3A_675, %parallel_loop3A_676, %parallel_loop3A_677] {strides = array<i32>} : memref<16x8x128xf32, #tpu.memory_space<vmem>>, vector<16xf32>,
        tpu.vector_store %arg17[%parallel_loop3A_675, %parallel_loop3A_676, %parallel_loop3A_677], %parallel_loop3A_673 {strides = array<i32>} : memref<16x8x128xf32, #tpu.memory_space<vmem>>, vector<16xf32>,
        %parallel_loop3A_679 = arith.constant 8 : i32
        %parallel_loop3A_680 = arith.muli %parallel_loop3A_150, %parallel_loop3A_679 : i32
        %parallel_loop3A_681 = arith.constant 6 : i32
        %parallel_loop3A_682 = arith.addi %parallel_loop3A_680, %parallel_loop3A_681 : i32
        %parallel_loop3A_683 = arith.constant 16 : i32
        %parallel_loop3A_684 = arith.muli %parallel_loop3A_682, %parallel_loop3A_683 : i32
        %parallel_loop3A_685 = arith.index_cast %parallel_loop3A_684 : i32 to index
        %parallel_loop3A_686 = tpu.vector_load %arg15[%parallel_loop3A_685] {strides = array<i32>} : memref<2048xi32, #tpu.memory_space<vmem>>, vector<16xi32>,
        %parallel_loop3A_687 = arith.constant 0 : i32
        %parallel_loop3A_688 = arith.constant 0 : i32
        %parallel_loop3A_689 = tpu.memref_slice %arg13[%parallel_loop3A_687, %parallel_loop3A_688] : memref<8x5120xf32, #tpu.memory_space<vmem>> -> memref<1x5120xf32, #tpu.memory_space<vmem>>
        %parallel_loop3A_690 = tpu.memref_squeeze %parallel_loop3A_689 : memref<1x5120xf32, #tpu.memory_space<vmem>> -> memref<5120xf32, #tpu.memory_space<vmem>>
        %parallel_loop3A_691 = tpu.vector_load_idx %parallel_loop3A_690[%parallel_loop3A_686] : memref<5120xf32, #tpu.memory_space<vmem>>[vector<16xi32>], vector<16xf32>,
        %parallel_loop3A_692 = arith.constant 0 : i32
        %parallel_loop3A_693 = arith.index_cast %parallel_loop3A_150 : i32 to index
        %parallel_loop3A_694 = arith.index_cast %parallel_loop3A_692 : i32 to index
        %parallel_loop3A_695 = arith.constant 96 : index
        %parallel_loop3A_696 = tpu.vector_load %arg17[%parallel_loop3A_693, %parallel_loop3A_694, %parallel_loop3A_695] {strides = array<i32>} : memref<16x8x128xf32, #tpu.memory_space<vmem>>, vector<16xf32>,
        tpu.vector_store %arg17[%parallel_loop3A_693, %parallel_loop3A_694, %parallel_loop3A_695], %parallel_loop3A_691 {strides = array<i32>} : memref<16x8x128xf32, #tpu.memory_space<vmem>>, vector<16xf32>,
        %parallel_loop3A_697 = arith.constant 1 : i32
        %parallel_loop3A_698 = arith.constant 0 : i32
        %parallel_loop3A_699 = tpu.memref_slice %arg13[%parallel_loop3A_697, %parallel_loop3A_698] : memref<8x5120xf32, #tpu.memory_space<vmem>> -> memref<1x5120xf32, #tpu.memory_space<vmem>>
        %parallel_loop3A_700 = tpu.memref_squeeze %parallel_loop3A_699 : memref<1x5120xf32, #tpu.memory_space<vmem>> -> memref<5120xf32, #tpu.memory_space<vmem>>
        %parallel_loop3A_701 = tpu.vector_load_idx %parallel_loop3A_700[%parallel_loop3A_686] : memref<5120xf32, #tpu.memory_space<vmem>>[vector<16xi32>], vector<16xf32>,
        %parallel_loop3A_702 = arith.constant 1 : i32
        %parallel_loop3A_703 = arith.index_cast %parallel_loop3A_150 : i32 to index
        %parallel_loop3A_704 = arith.index_cast %parallel_loop3A_702 : i32 to index
        %parallel_loop3A_705 = arith.constant 96 : index
        %parallel_loop3A_706 = tpu.vector_load %arg17[%parallel_loop3A_703, %parallel_loop3A_704, %parallel_loop3A_705] {strides = array<i32>} : memref<16x8x128xf32, #tpu.memory_space<vmem>>, vector<16xf32>,
        tpu.vector_store %arg17[%parallel_loop3A_703, %parallel_loop3A_704, %parallel_loop3A_705], %parallel_loop3A_701 {strides = array<i32>} : memref<16x8x128xf32, #tpu.memory_space<vmem>>, vector<16xf32>,
        %parallel_loop3A_707 = arith.constant 2 : i32
        %parallel_loop3A_708 = arith.constant 0 : i32
        %parallel_loop3A_709 = tpu.memref_slice %arg13[%parallel_loop3A_707, %parallel_loop3A_708] : memref<8x5120xf32, #tpu.memory_space<vmem>> -> memref<1x5120xf32, #tpu.memory_space<vmem>>
        %parallel_loop3A_710 = tpu.memref_squeeze %parallel_loop3A_709 : memref<1x5120xf32, #tpu.memory_space<vmem>> -> memref<5120xf32, #tpu.memory_space<vmem>>
        %parallel_loop3A_711 = tpu.vector_load_idx %parallel_loop3A_710[%parallel_loop3A_686] : memref<5120xf32, #tpu.memory_space<vmem>>[vector<16xi32>], vector<16xf32>,
        %parallel_loop3A_712 = arith.constant 2 : i32
        %parallel_loop3A_713 = arith.index_cast %parallel_loop3A_150 : i32 to index
        %parallel_loop3A_714 = arith.index_cast %parallel_loop3A_712 : i32 to index
        %parallel_loop3A_715 = arith.constant 96 : index
        %parallel_loop3A_716 = tpu.vector_load %arg17[%parallel_loop3A_713, %parallel_loop3A_714, %parallel_loop3A_715] {strides = array<i32>} : memref<16x8x128xf32, #tpu.memory_space<vmem>>, vector<16xf32>,
        tpu.vector_store %arg17[%parallel_loop3A_713, %parallel_loop3A_714, %parallel_loop3A_715], %parallel_loop3A_711 {strides = array<i32>} : memref<16x8x128xf32, #tpu.memory_space<vmem>>, vector<16xf32>,
        %parallel_loop3A_717 = arith.constant 3 : i32
        %parallel_loop3A_718 = arith.constant 0 : i32
        %parallel_loop3A_719 = tpu.memref_slice %arg13[%parallel_loop3A_717, %parallel_loop3A_718] : memref<8x5120xf32, #tpu.memory_space<vmem>> -> memref<1x5120xf32, #tpu.memory_space<vmem>>
        %parallel_loop3A_720 = tpu.memref_squeeze %parallel_loop3A_719 : memref<1x5120xf32, #tpu.memory_space<vmem>> -> memref<5120xf32, #tpu.memory_space<vmem>>
        %parallel_loop3A_721 = tpu.vector_load_idx %parallel_loop3A_720[%parallel_loop3A_686] : memref<5120xf32, #tpu.memory_space<vmem>>[vector<16xi32>], vector<16xf32>,
        %parallel_loop3A_722 = arith.constant 3 : i32
        %parallel_loop3A_723 = arith.index_cast %parallel_loop3A_150 : i32 to index
        %parallel_loop3A_724 = arith.index_cast %parallel_loop3A_722 : i32 to index
        %parallel_loop3A_725 = arith.constant 96 : index
        %parallel_loop3A_726 = tpu.vector_load %arg17[%parallel_loop3A_723, %parallel_loop3A_724, %parallel_loop3A_725] {strides = array<i32>} : memref<16x8x128xf32, #tpu.memory_space<vmem>>, vector<16xf32>,
        tpu.vector_store %arg17[%parallel_loop3A_723, %parallel_loop3A_724, %parallel_loop3A_725], %parallel_loop3A_721 {strides = array<i32>} : memref<16x8x128xf32, #tpu.memory_space<vmem>>, vector<16xf32>,
        %parallel_loop3A_727 = arith.constant 4 : i32
        %parallel_loop3A_728 = arith.constant 0 : i32
        %parallel_loop3A_729 = tpu.memref_slice %arg13[%parallel_loop3A_727, %parallel_loop3A_728] : memref<8x5120xf32, #tpu.memory_space<vmem>> -> memref<1x5120xf32, #tpu.memory_space<vmem>>
        %parallel_loop3A_730 = tpu.memref_squeeze %parallel_loop3A_729 : memref<1x5120xf32, #tpu.memory_space<vmem>> -> memref<5120xf32, #tpu.memory_space<vmem>>
        %parallel_loop3A_731 = tpu.vector_load_idx %parallel_loop3A_730[%parallel_loop3A_686] : memref<5120xf32, #tpu.memory_space<vmem>>[vector<16xi32>], vector<16xf32>,
        %parallel_loop3A_732 = arith.constant 4 : i32
        %parallel_loop3A_733 = arith.index_cast %parallel_loop3A_150 : i32 to index
        %parallel_loop3A_734 = arith.index_cast %parallel_loop3A_732 : i32 to index
        %parallel_loop3A_735 = arith.constant 96 : index
        %parallel_loop3A_736 = tpu.vector_load %arg17[%parallel_loop3A_733, %parallel_loop3A_734, %parallel_loop3A_735] {strides = array<i32>} : memref<16x8x128xf32, #tpu.memory_space<vmem>>, vector<16xf32>,
        tpu.vector_store %arg17[%parallel_loop3A_733, %parallel_loop3A_734, %parallel_loop3A_735], %parallel_loop3A_731 {strides = array<i32>} : memref<16x8x128xf32, #tpu.memory_space<vmem>>, vector<16xf32>,
        %parallel_loop3A_737 = arith.constant 5 : i32
        %parallel_loop3A_738 = arith.constant 0 : i32
        %parallel_loop3A_739 = tpu.memref_slice %arg13[%parallel_loop3A_737, %parallel_loop3A_738] : memref<8x5120xf32, #tpu.memory_space<vmem>> -> memref<1x5120xf32, #tpu.memory_space<vmem>>
        %parallel_loop3A_740 = tpu.memref_squeeze %parallel_loop3A_739 : memref<1x5120xf32, #tpu.memory_space<vmem>> -> memref<5120xf32, #tpu.memory_space<vmem>>
        %parallel_loop3A_741 = tpu.vector_load_idx %parallel_loop3A_740[%parallel_loop3A_686] : memref<5120xf32, #tpu.memory_space<vmem>>[vector<16xi32>], vector<16xf32>,
        %parallel_loop3A_742 = arith.constant 5 : i32
        %parallel_loop3A_743 = arith.index_cast %parallel_loop3A_150 : i32 to index
        %parallel_loop3A_744 = arith.index_cast %parallel_loop3A_742 : i32 to index
        %parallel_loop3A_745 = arith.constant 96 : index
        %parallel_loop3A_746 = tpu.vector_load %arg17[%parallel_loop3A_743, %parallel_loop3A_744, %parallel_loop3A_745] {strides = array<i32>} : memref<16x8x128xf32, #tpu.memory_space<vmem>>, vector<16xf32>,
        tpu.vector_store %arg17[%parallel_loop3A_743, %parallel_loop3A_744, %parallel_loop3A_745], %parallel_loop3A_741 {strides = array<i32>} : memref<16x8x128xf32, #tpu.memory_space<vmem>>, vector<16xf32>,
        %parallel_loop3A_747 = arith.constant 6 : i32
        %parallel_loop3A_748 = arith.constant 0 : i32
        %parallel_loop3A_749 = tpu.memref_slice %arg13[%parallel_loop3A_747, %parallel_loop3A_748] : memref<8x5120xf32, #tpu.memory_space<vmem>> -> memref<1x5120xf32, #tpu.memory_space<vmem>>
        %parallel_loop3A_750 = tpu.memref_squeeze %parallel_loop3A_749 : memref<1x5120xf32, #tpu.memory_space<vmem>> -> memref<5120xf32, #tpu.memory_space<vmem>>
        %parallel_loop3A_751 = tpu.vector_load_idx %parallel_loop3A_750[%parallel_loop3A_686] : memref<5120xf32, #tpu.memory_space<vmem>>[vector<16xi32>], vector<16xf32>,
        %parallel_loop3A_752 = arith.constant 6 : i32
        %parallel_loop3A_753 = arith.index_cast %parallel_loop3A_150 : i32 to index
        %parallel_loop3A_754 = arith.index_cast %parallel_loop3A_752 : i32 to index
        %parallel_loop3A_755 = arith.constant 96 : index
        %parallel_loop3A_756 = tpu.vector_load %arg17[%parallel_loop3A_753, %parallel_loop3A_754, %parallel_loop3A_755] {strides = array<i32>} : memref<16x8x128xf32, #tpu.memory_space<vmem>>, vector<16xf32>,
        tpu.vector_store %arg17[%parallel_loop3A_753, %parallel_loop3A_754, %parallel_loop3A_755], %parallel_loop3A_751 {strides = array<i32>} : memref<16x8x128xf32, #tpu.memory_space<vmem>>, vector<16xf32>,
        %parallel_loop3A_757 = arith.constant 7 : i32
        %parallel_loop3A_758 = arith.constant 0 : i32
        %parallel_loop3A_759 = tpu.memref_slice %arg13[%parallel_loop3A_757, %parallel_loop3A_758] : memref<8x5120xf32, #tpu.memory_space<vmem>> -> memref<1x5120xf32, #tpu.memory_space<vmem>>
        %parallel_loop3A_760 = tpu.memref_squeeze %parallel_loop3A_759 : memref<1x5120xf32, #tpu.memory_space<vmem>> -> memref<5120xf32, #tpu.memory_space<vmem>>
        %parallel_loop3A_761 = tpu.vector_load_idx %parallel_loop3A_760[%parallel_loop3A_686] : memref<5120xf32, #tpu.memory_space<vmem>>[vector<16xi32>], vector<16xf32>,
        %parallel_loop3A_762 = arith.constant 7 : i32
        %parallel_loop3A_763 = arith.index_cast %parallel_loop3A_150 : i32 to index
        %parallel_loop3A_764 = arith.index_cast %parallel_loop3A_762 : i32 to index
        %parallel_loop3A_765 = arith.constant 96 : index
        %parallel_loop3A_766 = tpu.vector_load %arg17[%parallel_loop3A_763, %parallel_loop3A_764, %parallel_loop3A_765] {strides = array<i32>} : memref<16x8x128xf32, #tpu.memory_space<vmem>>, vector<16xf32>,
        tpu.vector_store %arg17[%parallel_loop3A_763, %parallel_loop3A_764, %parallel_loop3A_765], %parallel_loop3A_761 {strides = array<i32>} : memref<16x8x128xf32, #tpu.memory_space<vmem>>, vector<16xf32>,
        %parallel_loop3A_767 = arith.constant 8 : i32
        %parallel_loop3A_768 = arith.muli %parallel_loop3A_150, %parallel_loop3A_767 : i32
        %parallel_loop3A_769 = arith.constant 7 : i32
        %parallel_loop3A_770 = arith.addi %parallel_loop3A_768, %parallel_loop3A_769 : i32
        %parallel_loop3A_771 = arith.constant 16 : i32
        %parallel_loop3A_772 = arith.muli %parallel_loop3A_770, %parallel_loop3A_771 : i32
        %parallel_loop3A_773 = arith.index_cast %parallel_loop3A_772 : i32 to index
        %parallel_loop3A_774 = tpu.vector_load %arg15[%parallel_loop3A_773] {strides = array<i32>} : memref<2048xi32, #tpu.memory_space<vmem>>, vector<16xi32>,
        %parallel_loop3A_775 = arith.constant 0 : i32
        %parallel_loop3A_776 = arith.constant 0 : i32
        %parallel_loop3A_777 = tpu.memref_slice %arg13[%parallel_loop3A_775, %parallel_loop3A_776] : memref<8x5120xf32, #tpu.memory_space<vmem>> -> memref<1x5120xf32, #tpu.memory_space<vmem>>
        %parallel_loop3A_778 = tpu.memref_squeeze %parallel_loop3A_777 : memref<1x5120xf32, #tpu.memory_space<vmem>> -> memref<5120xf32, #tpu.memory_space<vmem>>
        %parallel_loop3A_779 = tpu.vector_load_idx %parallel_loop3A_778[%parallel_loop3A_774] : memref<5120xf32, #tpu.memory_space<vmem>>[vector<16xi32>], vector<16xf32>,
        %parallel_loop3A_780 = arith.constant 0 : i32
        %parallel_loop3A_781 = arith.index_cast %parallel_loop3A_150 : i32 to index
        %parallel_loop3A_782 = arith.index_cast %parallel_loop3A_780 : i32 to index
        %parallel_loop3A_783 = arith.constant 112 : index
        %parallel_loop3A_784 = tpu.vector_load %arg17[%parallel_loop3A_781, %parallel_loop3A_782, %parallel_loop3A_783] {strides = array<i32>} : memref<16x8x128xf32, #tpu.memory_space<vmem>>, vector<16xf32>,
        tpu.vector_store %arg17[%parallel_loop3A_781, %parallel_loop3A_782, %parallel_loop3A_783], %parallel_loop3A_779 {strides = array<i32>} : memref<16x8x128xf32, #tpu.memory_space<vmem>>, vector<16xf32>,
        %parallel_loop3A_785 = arith.constant 1 : i32
        %parallel_loop3A_786 = arith.constant 0 : i32
        %parallel_loop3A_787 = tpu.memref_slice %arg13[%parallel_loop3A_785, %parallel_loop3A_786] : memref<8x5120xf32, #tpu.memory_space<vmem>> -> memref<1x5120xf32, #tpu.memory_space<vmem>>
        %parallel_loop3A_788 = tpu.memref_squeeze %parallel_loop3A_787 : memref<1x5120xf32, #tpu.memory_space<vmem>> -> memref<5120xf32, #tpu.memory_space<vmem>>
        %parallel_loop3A_789 = tpu.vector_load_idx %parallel_loop3A_788[%parallel_loop3A_774] : memref<5120xf32, #tpu.memory_space<vmem>>[vector<16xi32>], vector<16xf32>,
        %parallel_loop3A_790 = arith.constant 1 : i32
        %parallel_loop3A_791 = arith.index_cast %parallel_loop3A_150 : i32 to index
        %parallel_loop3A_792 = arith.index_cast %parallel_loop3A_790 : i32 to index
        %parallel_loop3A_793 = arith.constant 112 : index
        %parallel_loop3A_794 = tpu.vector_load %arg17[%parallel_loop3A_791, %parallel_loop3A_792, %parallel_loop3A_793] {strides = array<i32>} : memref<16x8x128xf32, #tpu.memory_space<vmem>>, vector<16xf32>,
        tpu.vector_store %arg17[%parallel_loop3A_791, %parallel_loop3A_792, %parallel_loop3A_793], %parallel_loop3A_789 {strides = array<i32>} : memref<16x8x128xf32, #tpu.memory_space<vmem>>, vector<16xf32>,
        %parallel_loop3A_795 = arith.constant 2 : i32
        %parallel_loop3A_796 = arith.constant 0 : i32
        %parallel_loop3A_797 = tpu.memref_slice %arg13[%parallel_loop3A_795, %parallel_loop3A_796] : memref<8x5120xf32, #tpu.memory_space<vmem>> -> memref<1x5120xf32, #tpu.memory_space<vmem>>
        %parallel_loop3A_798 = tpu.memref_squeeze %parallel_loop3A_797 : memref<1x5120xf32, #tpu.memory_space<vmem>> -> memref<5120xf32, #tpu.memory_space<vmem>>
        %parallel_loop3A_799 = tpu.vector_load_idx %parallel_loop3A_798[%parallel_loop3A_774] : memref<5120xf32, #tpu.memory_space<vmem>>[vector<16xi32>], vector<16xf32>,
        %parallel_loop3A_800 = arith.constant 2 : i32
        %parallel_loop3A_801 = arith.index_cast %parallel_loop3A_150 : i32 to index
        %parallel_loop3A_802 = arith.index_cast %parallel_loop3A_800 : i32 to index
        %parallel_loop3A_803 = arith.constant 112 : index
        %parallel_loop3A_804 = tpu.vector_load %arg17[%parallel_loop3A_801, %parallel_loop3A_802, %parallel_loop3A_803] {strides = array<i32>} : memref<16x8x128xf32, #tpu.memory_space<vmem>>, vector<16xf32>,
        tpu.vector_store %arg17[%parallel_loop3A_801, %parallel_loop3A_802, %parallel_loop3A_803], %parallel_loop3A_799 {strides = array<i32>} : memref<16x8x128xf32, #tpu.memory_space<vmem>>, vector<16xf32>,
        %parallel_loop3A_805 = arith.constant 3 : i32
        %parallel_loop3A_806 = arith.constant 0 : i32
        %parallel_loop3A_807 = tpu.memref_slice %arg13[%parallel_loop3A_805, %parallel_loop3A_806] : memref<8x5120xf32, #tpu.memory_space<vmem>> -> memref<1x5120xf32, #tpu.memory_space<vmem>>
        %parallel_loop3A_808 = tpu.memref_squeeze %parallel_loop3A_807 : memref<1x5120xf32, #tpu.memory_space<vmem>> -> memref<5120xf32, #tpu.memory_space<vmem>>
        %parallel_loop3A_809 = tpu.vector_load_idx %parallel_loop3A_808[%parallel_loop3A_774] : memref<5120xf32, #tpu.memory_space<vmem>>[vector<16xi32>], vector<16xf32>,
        %parallel_loop3A_810 = arith.constant 3 : i32
        %parallel_loop3A_811 = arith.index_cast %parallel_loop3A_150 : i32 to index
        %parallel_loop3A_812 = arith.index_cast %parallel_loop3A_810 : i32 to index
        %parallel_loop3A_813 = arith.constant 112 : index
        %parallel_loop3A_814 = tpu.vector_load %arg17[%parallel_loop3A_811, %parallel_loop3A_812, %parallel_loop3A_813] {strides = array<i32>} : memref<16x8x128xf32, #tpu.memory_space<vmem>>, vector<16xf32>,
        tpu.vector_store %arg17[%parallel_loop3A_811, %parallel_loop3A_812, %parallel_loop3A_813], %parallel_loop3A_809 {strides = array<i32>} : memref<16x8x128xf32, #tpu.memory_space<vmem>>, vector<16xf32>,
        %parallel_loop3A_815 = arith.constant 4 : i32
        %parallel_loop3A_816 = arith.constant 0 : i32
        %parallel_loop3A_817 = tpu.memref_slice %arg13[%parallel_loop3A_815, %parallel_loop3A_816] : memref<8x5120xf32, #tpu.memory_space<vmem>> -> memref<1x5120xf32, #tpu.memory_space<vmem>>
        %parallel_loop3A_818 = tpu.memref_squeeze %parallel_loop3A_817 : memref<1x5120xf32, #tpu.memory_space<vmem>> -> memref<5120xf32, #tpu.memory_space<vmem>>
        %parallel_loop3A_819 = tpu.vector_load_idx %parallel_loop3A_818[%parallel_loop3A_774] : memref<5120xf32, #tpu.memory_space<vmem>>[vector<16xi32>], vector<16xf32>,
        %parallel_loop3A_820 = arith.constant 4 : i32
        %parallel_loop3A_821 = arith.index_cast %parallel_loop3A_150 : i32 to index
        %parallel_loop3A_822 = arith.index_cast %parallel_loop3A_820 : i32 to index
        %parallel_loop3A_823 = arith.constant 112 : index
        %parallel_loop3A_824 = tpu.vector_load %arg17[%parallel_loop3A_821, %parallel_loop3A_822, %parallel_loop3A_823] {strides = array<i32>} : memref<16x8x128xf32, #tpu.memory_space<vmem>>, vector<16xf32>,
        tpu.vector_store %arg17[%parallel_loop3A_821, %parallel_loop3A_822, %parallel_loop3A_823], %parallel_loop3A_819 {strides = array<i32>} : memref<16x8x128xf32, #tpu.memory_space<vmem>>, vector<16xf32>,
        %parallel_loop3A_825 = arith.constant 5 : i32
        %parallel_loop3A_826 = arith.constant 0 : i32
        %parallel_loop3A_827 = tpu.memref_slice %arg13[%parallel_loop3A_825, %parallel_loop3A_826] : memref<8x5120xf32, #tpu.memory_space<vmem>> -> memref<1x5120xf32, #tpu.memory_space<vmem>>
        %parallel_loop3A_828 = tpu.memref_squeeze %parallel_loop3A_827 : memref<1x5120xf32, #tpu.memory_space<vmem>> -> memref<5120xf32, #tpu.memory_space<vmem>>
        %parallel_loop3A_829 = tpu.vector_load_idx %parallel_loop3A_828[%parallel_loop3A_774] : memref<5120xf32, #tpu.memory_space<vmem>>[vector<16xi32>], vector<16xf32>,
        %parallel_loop3A_830 = arith.constant 5 : i32
        %parallel_loop3A_831 = arith.index_cast %parallel_loop3A_150 : i32 to index
        %parallel_loop3A_832 = arith.index_cast %parallel_loop3A_830 : i32 to index
        %parallel_loop3A_833 = arith.constant 112 : index
        %parallel_loop3A_834 = tpu.vector_load %arg17[%parallel_loop3A_831, %parallel_loop3A_832, %parallel_loop3A_833] {strides = array<i32>} : memref<16x8x128xf32, #tpu.memory_space<vmem>>, vector<16xf32>,
        tpu.vector_store %arg17[%parallel_loop3A_831, %parallel_loop3A_832, %parallel_loop3A_833], %parallel_loop3A_829 {strides = array<i32>} : memref<16x8x128xf32, #tpu.memory_space<vmem>>, vector<16xf32>,
        %parallel_loop3A_835 = arith.constant 6 : i32
        %parallel_loop3A_836 = arith.constant 0 : i32
        %parallel_loop3A_837 = tpu.memref_slice %arg13[%parallel_loop3A_835, %parallel_loop3A_836] : memref<8x5120xf32, #tpu.memory_space<vmem>> -> memref<1x5120xf32, #tpu.memory_space<vmem>>
        %parallel_loop3A_838 = tpu.memref_squeeze %parallel_loop3A_837 : memref<1x5120xf32, #tpu.memory_space<vmem>> -> memref<5120xf32, #tpu.memory_space<vmem>>
        %parallel_loop3A_839 = tpu.vector_load_idx %parallel_loop3A_838[%parallel_loop3A_774] : memref<5120xf32, #tpu.memory_space<vmem>>[vector<16xi32>], vector<16xf32>,
        %parallel_loop3A_840 = arith.constant 6 : i32
        %parallel_loop3A_841 = arith.index_cast %parallel_loop3A_150 : i32 to index
        %parallel_loop3A_842 = arith.index_cast %parallel_loop3A_840 : i32 to index
        %parallel_loop3A_843 = arith.constant 112 : index
        %parallel_loop3A_844 = tpu.vector_load %arg17[%parallel_loop3A_841, %parallel_loop3A_842, %parallel_loop3A_843] {strides = array<i32>} : memref<16x8x128xf32, #tpu.memory_space<vmem>>, vector<16xf32>,
        tpu.vector_store %arg17[%parallel_loop3A_841, %parallel_loop3A_842, %parallel_loop3A_843], %parallel_loop3A_839 {strides = array<i32>} : memref<16x8x128xf32, #tpu.memory_space<vmem>>, vector<16xf32>,
        %parallel_loop3A_845 = arith.constant 7 : i32
        %parallel_loop3A_846 = arith.constant 0 : i32
        %parallel_loop3A_847 = tpu.memref_slice %arg13[%parallel_loop3A_845, %parallel_loop3A_846] : memref<8x5120xf32, #tpu.memory_space<vmem>> -> memref<1x5120xf32, #tpu.memory_space<vmem>>
        %parallel_loop3A_848 = tpu.memref_squeeze %parallel_loop3A_847 : memref<1x5120xf32, #tpu.memory_space<vmem>> -> memref<5120xf32, #tpu.memory_space<vmem>>
        %parallel_loop3A_849 = tpu.vector_load_idx %parallel_loop3A_848[%parallel_loop3A_774] : memref<5120xf32, #tpu.memory_space<vmem>>[vector<16xi32>], vector<16xf32>,
        %parallel_loop3A_850 = arith.constant 7 : i32
        %parallel_loop3A_851 = arith.index_cast %parallel_loop3A_150 : i32 to index
        %parallel_loop3A_852 = arith.index_cast %parallel_loop3A_850 : i32 to index
        %parallel_loop3A_853 = arith.constant 112 : index
        %parallel_loop3A_854 = tpu.vector_load %arg17[%parallel_loop3A_851, %parallel_loop3A_852, %parallel_loop3A_853] {strides = array<i32>} : memref<16x8x128xf32, #tpu.memory_space<vmem>>, vector<16xf32>,
        tpu.vector_store %arg17[%parallel_loop3A_851, %parallel_loop3A_852, %parallel_loop3A_853], %parallel_loop3A_849 {strides = array<i32>} : memref<16x8x128xf32, #tpu.memory_space<vmem>>, vector<16xf32>,
      } {sc.loop_unroll_factor = 2 : i64, sc.parallel_access}
      %mul3A_139 = arith.constant 16 : i32
      %mul3A_140 = arith.muli %add3A_117, %mul3A_139 : i32
      %add3A_141 = arith.addi %min3A_47, %mul3A_140 : i32
      %dma_start3A_142 = arith.constant 0 : i32
      %dma_start3A_143 = arith.constant 0 : i32
      %dma_start3A_144 = tpu.memref_slice %arg7[%arg0, %add3A_141, %dma_start3A_142, %dma_start3A_143] : memref<2x25000x8x128xf32, #tpu.memory_space<hbm>> -> memref<1x16x8x128xf32, #tpu.memory_space<hbm>>
      %dma_start3A_145 = tpu.memref_squeeze %dma_start3A_144 : memref<1x16x8x128xf32, #tpu.memory_space<hbm>> -> memref<16x8x128xf32, #tpu.memory_space<hbm>>
      %dma_start3A_146 = arith.constant 0 : i32
      %dma_start3A_147 = arith.constant 0 : i32
      %dma_start3A_148 = tpu.memref_slice %arg7[%arg0, %add3A_141, %dma_start3A_146, %dma_start3A_147] : memref<2x25000x8x128xf32, #tpu.memory_space<hbm>> -> memref<1x16x8x128xf32, #tpu.memory_space<hbm>>
      %dma_start3A_149 = tpu.memref_squeeze %dma_start3A_148 : memref<1x16x8x128xf32, #tpu.memory_space<hbm>> -> memref<16x8x128xf32, #tpu.memory_space<hbm>>
      tpu.enqueue_dma source(%arg17 : memref<16x8x128xf32, #tpu.memory_space<vmem>>) target(%dma_start3A_149 : memref<16x8x128xf32, #tpu.memory_space<hbm>>) target_semaphore(%arg29 : memref<!tpu.dma_semaphore, #tpu.memory_space<semaphore_mem>>)
    }
    %scan3A_61 = arith.constant 49 : i32
    %add3A_62 = arith.constant 0 : i32
    %add3A_63 = arith.addi %min3A_47, %add3A_62 : i32
    %dma_wait3A_64 = arith.constant 0 : i32
    %dma_wait3A_65 = arith.constant 0 : i32
    %dma_wait3A_66 = tpu.memref_slice %arg7[%arg0, %add3A_63, %dma_wait3A_64, %dma_wait3A_65] : memref<2x25000x8x128xf32, #tpu.memory_space<hbm>> -> memref<1x16x8x128xf32, #tpu.memory_space<hbm>>
    %dma_wait3A_67 = tpu.memref_squeeze %dma_wait3A_66 : memref<1x16x8x128xf32, #tpu.memory_space<hbm>> -> memref<16x8x128xf32, #tpu.memory_space<hbm>>
    %dma_wait3A_68 = arith.constant 0 : i32
    %dma_wait3A_69 = arith.constant 0 : i32
    %dma_wait3A_70 = tpu.memref_slice %arg7[%arg0, %add3A_63, %dma_wait3A_68, %dma_wait3A_69] : memref<2x25000x8x128xf32, #tpu.memory_space<hbm>> -> memref<1x16x8x128xf32, #tpu.memory_space<hbm>>
    %dma_wait3A_71 = tpu.memref_squeeze %dma_wait3A_70 : memref<1x16x8x128xf32, #tpu.memory_space<hbm>> -> memref<16x8x128xf32, #tpu.memory_space<hbm>>
    tpu.wait_dma2 semaphore(%arg28 : memref<!tpu.dma_semaphore, #tpu.memory_space<semaphore_mem>>) src(%arg16 : memref<16x8x128xf32, #tpu.memory_space<vmem>>) dst(%dma_wait3A_71 : memref<16x8x128xf32, #tpu.memory_space<hbm>>)
    %add3A_72 = arith.constant 16 : i32
    %add3A_73 = arith.addi %min3A_47, %add3A_72 : i32
    %dma_wait3A_74 = arith.constant 0 : i32
    %dma_wait3A_75 = arith.constant 0 : i32
    %dma_wait3A_76 = tpu.memref_slice %arg7[%arg0, %add3A_73, %dma_wait3A_74, %dma_wait3A_75] : memref<2x25000x8x128xf32, #tpu.memory_space<hbm>> -> memref<1x16x8x128xf32, #tpu.memory_space<hbm>>
    %dma_wait3A_77 = tpu.memref_squeeze %dma_wait3A_76 : memref<1x16x8x128xf32, #tpu.memory_space<hbm>> -> memref<16x8x128xf32, #tpu.memory_space<hbm>>
    %dma_wait3A_78 = arith.constant 0 : i32
    %dma_wait3A_79 = arith.constant 0 : i32
    %dma_wait3A_80 = tpu.memref_slice %arg7[%arg0, %add3A_73, %dma_wait3A_78, %dma_wait3A_79] : memref<2x25000x8x128xf32, #tpu.memory_space<hbm>> -> memref<1x16x8x128xf32, #tpu.memory_space<hbm>>
    %dma_wait3A_81 = tpu.memref_squeeze %dma_wait3A_80 : memref<1x16x8x128xf32, #tpu.memory_space<hbm>> -> memref<16x8x128xf32, #tpu.memory_space<hbm>>
    tpu.wait_dma2 semaphore(%arg29 : memref<!tpu.dma_semaphore, #tpu.memory_space<semaphore_mem>>) src(%arg17 : memref<16x8x128xf32, #tpu.memory_space<vmem>>) dst(%dma_wait3A_81 : memref<16x8x128xf32, #tpu.memory_space<hbm>>)
    return
  }
}

module attributes {stable_mosaic.version = 14 : i64} {
  func.func @_nnorm_body(%arg0: i32, %arg1: memref<2x128xf32, #tpu.memory_space<vmem>>, %arg2: memref<1x128xf32, #tpu.memory_space<vmem>>, %arg3: memref<1x128xf32, #tpu.memory_space<vmem>>, %arg4: memref<2000x128xf32, #tpu.memory_space<vmem>>, %arg5: memref<2000x128xf32, #tpu.memory_space<vmem>>) attributes {dimension_semantics = [#tpu.dimension_semantics<arbitrary>], iteration_bounds = array<i64: 25>, scalar_prefetch = 0 : i64, scratch_operands = 0 : i64, tpu.core_type = #tpu.core_type<tc>, window_params = [{pipeline_mode = #tpu.pipeline_mode<synchronous>, transform_indices = @transform_0, window_bounds = array<i64: 2, 128>}, {pipeline_mode = #tpu.pipeline_mode<synchronous>, transform_indices = @transform_1, window_bounds = array<i64: 1, 128>}, {pipeline_mode = #tpu.pipeline_mode<synchronous>, transform_indices = @transform_2, window_bounds = array<i64: 1, 128>}, {transform_indices = @transform_3, window_bounds = array<i64: 2000, 128>}, {transform_indices = @transform_4, window_bounds = array<i64: 2000, 128>}]} {
    %get3A = arith.constant 0 : index
    %get3A_0 = arith.constant 0 : index
    %get3A_1 = vector.load %arg1[%get3A, %get3A_0] : memref<2x128xf32, #tpu.memory_space<vmem>>, vector<1x128xf32>
    %get3A_2 = arith.constant 1 : index
    %get3A_3 = arith.constant 0 : index
    %get3A_4 = vector.load %arg1[%get3A_2, %get3A_3] : memref<2x128xf32, #tpu.memory_space<vmem>>, vector<1x128xf32>
    %div3A = arith.constant 1.000000e+05 : f32
    %div3A_5 = vector.broadcast %div3A : f32 to vector<1x128xf32>
    %div3A_6 = arith.divf %get3A_1, %div3A_5 : vector<1x128xf32>
    %div3A_7 = arith.constant 1.000000e+05 : f32
    %div3A_8 = vector.broadcast %div3A_7 : f32 to vector<1x128xf32>
    %div3A_9 = arith.divf %get3A_4, %div3A_8 : vector<1x128xf32>
    %mul3A = arith.mulf %div3A_6, %div3A_6 : vector<1x128xf32>
    %sub3A = arith.subf %div3A_9, %mul3A : vector<1x128xf32>
    %get3A_10 = arith.constant 0 : index
    %get3A_11 = arith.constant 0 : index
    %get3A_12 = vector.load %arg2[%get3A_10, %get3A_11] : memref<1x128xf32, #tpu.memory_space<vmem>>, vector<1x128xf32>
    %add3A = arith.constant 9.99999974E-6 : f32
    %add3A_13 = vector.broadcast %add3A : f32 to vector<1x128xf32>
    %add3A_14 = arith.addf %sub3A, %add3A_13 : vector<1x128xf32>
    %rsqrt3A = math.rsqrt %add3A_14 : vector<1x128xf32>
    %mul3A_15 = arith.mulf %get3A_12, %rsqrt3A : vector<1x128xf32>
    %get3A_16 = arith.constant 0 : index
    %get3A_17 = arith.constant 0 : index
    %get3A_18 = vector.load %arg3[%get3A_16, %get3A_17] : memref<1x128xf32, #tpu.memory_space<vmem>>, vector<1x128xf32>
    %mul3A_19 = arith.mulf %div3A_6, %mul3A_15 : vector<1x128xf32>
    %sub3A_20 = arith.subf %get3A_18, %mul3A_19 : vector<1x128xf32>
    %get3A_21 = arith.constant 0 : index
    %get3A_22 = arith.constant 0 : index
    %get3A_23 = vector.load %arg4[%get3A_21, %get3A_22] : memref<2000x128xf32, #tpu.memory_space<vmem>>, vector<2000x128xf32>
    %mul3A_24 = vector.broadcast %mul3A_15 : vector<1x128xf32> to vector<2000x128xf32>
    %mul3A_25 = arith.mulf %get3A_23, %mul3A_24 : vector<2000x128xf32>
    %add3A_26 = vector.broadcast %sub3A_20 : vector<1x128xf32> to vector<2000x128xf32>
    %add3A_27 = arith.addf %mul3A_25, %add3A_26 : vector<2000x128xf32>
    %swap3A = arith.constant 0 : index
    %swap3A_28 = arith.constant 0 : index
    %swap3A_29 = vector.load %arg5[%swap3A, %swap3A_28] : memref<2000x128xf32, #tpu.memory_space<vmem>>, vector<2000x128xf32>
    tpu.vector_store %arg5[%swap3A, %swap3A_28], %add3A_27 {strides = array<i32>} : memref<2000x128xf32, #tpu.memory_space<vmem>>, vector<2000x128xf32>,
    return
  }
  func.func @transform_0(%arg0: i32) -> (i32, i32) {
    %c0_i32 = arith.constant 0 : i32
    %c0_i32_0 = arith.constant 0 : i32
    %c0_i32_1 = arith.constant 0 : i32
    return %c0_i32, %c0_i32_0 : i32, i32
  }
  func.func @transform_1(%arg0: i32) -> (i32, i32) {
    %c0_i32 = arith.constant 0 : i32
    %c0_i32_0 = arith.constant 0 : i32
    %c0_i32_1 = arith.constant 0 : i32
    return %c0_i32, %c0_i32_0 : i32, i32
  }
  func.func @transform_2(%arg0: i32) -> (i32, i32) {
    %c0_i32 = arith.constant 0 : i32
    %c0_i32_0 = arith.constant 0 : i32
    %c0_i32_1 = arith.constant 0 : i32
    return %c0_i32, %c0_i32_0 : i32, i32
  }
  func.func @transform_3(%arg0: i32) -> (i32, i32) {
    %c0_i32 = arith.constant 0 : i32
    %c0_i32_0 = arith.constant 0 : i32
    return %arg0, %c0_i32 : i32, i32
  }
  func.func @transform_4(%arg0: i32) -> (i32, i32) {
    %c0_i32 = arith.constant 0 : i32
    %c0_i32_0 = arith.constant 0 : i32
    return %arg0, %c0_i32 : i32, i32
  }
}

module attributes {stable_mosaic.version = 14 : i64} {
  func.func @_enorm_body(%arg0: memref<2x5120xf32, #tpu.memory_space<vmem>>, %arg1: memref<16x1xf32, #tpu.memory_space<vmem>>, %arg2: memref<16x1xf32, #tpu.memory_space<vmem>>, %arg3: memref<16x5120xf32, #tpu.memory_space<vmem>>, %arg4: memref<16x5120xf32, #tpu.memory_space<vmem>>) attributes {dimension_semantics = [], scalar_prefetch = 0 : i64, scratch_operands = 0 : i64, tpu.core_type = #tpu.core_type<tc>} {
    %get3A = arith.constant 0 : index
    %get3A_0 = arith.constant 0 : index
    %get3A_1 = vector.load %arg0[%get3A, %get3A_0] : memref<2x5120xf32, #tpu.memory_space<vmem>>, vector<2x5120xf32>
    %slice3A = vector.extract_strided_slice %get3A_1 {offsets = [0, 0], sizes = [1, 5120], strides = [1, 1]} : vector<2x5120xf32> to vector<1x5120xf32>
    %slice3A_2 = vector.extract_strided_slice %get3A_1 {offsets = [1, 0], sizes = [1, 5120], strides = [1, 1]} : vector<2x5120xf32> to vector<1x5120xf32>
    %add3A = arith.addf %slice3A, %slice3A_2 : vector<1x5120xf32>
    %get3A_3 = arith.constant 0 : index
    %get3A_4 = arith.constant 0 : index
    %get3A_5 = vector.load %arg3[%get3A_3, %get3A_4] : memref<16x5120xf32, #tpu.memory_space<vmem>>, vector<16x5120xf32>
    %dot_general3A = arith.constant dense<0.000000e+00> : vector<16x1xf32>
    %dot_general3A_6 = tpu.matmul %get3A_5, %add3A, %dot_general3A {dimension_numbers = #tpu.dot_dimension_numbers<[1], [1], [0], [0], [0, 0, 1, 0], [], []>, transpose_lhs_hint = false} : vector<16x5120xf32>, vector<1x5120xf32>, vector<16x1xf32> -> vector<16x1xf32>
    %mul3A = arith.mulf %get3A_5, %get3A_5 : vector<16x5120xf32>
    %dot_general3A_7 = arith.constant dense<0.000000e+00> : vector<16x1xf32>
    %dot_general3A_8 = tpu.matmul %mul3A, %add3A, %dot_general3A_7 {dimension_numbers = #tpu.dot_dimension_numbers<[1], [1], [0], [0], [0, 0, 1, 0], [], []>, transpose_lhs_hint = false} : vector<16x5120xf32>, vector<1x5120xf32>, vector<16x1xf32> -> vector<16x1xf32>
    %div3A = arith.constant 3.200000e+06 : f32
    %div3A_9 = vector.broadcast %div3A : f32 to vector<16x1xf32>
    %div3A_10 = arith.divf %dot_general3A_6, %div3A_9 : vector<16x1xf32>
    %div3A_11 = arith.constant 3.200000e+06 : f32
    %div3A_12 = vector.broadcast %div3A_11 : f32 to vector<16x1xf32>
    %div3A_13 = arith.divf %dot_general3A_8, %div3A_12 : vector<16x1xf32>
    %mul3A_14 = arith.mulf %div3A_10, %div3A_10 : vector<16x1xf32>
    %sub3A = arith.subf %div3A_13, %mul3A_14 : vector<16x1xf32>
    %get3A_15 = arith.constant 0 : index
    %get3A_16 = arith.constant 0 : index
    %get3A_17 = vector.load %arg1[%get3A_15, %get3A_16] : memref<16x1xf32, #tpu.memory_space<vmem>>, vector<16x1xf32>
    %add3A_18 = arith.constant 9.99999974E-6 : f32
    %add3A_19 = vector.broadcast %add3A_18 : f32 to vector<16x1xf32>
    %add3A_20 = arith.addf %sub3A, %add3A_19 : vector<16x1xf32>
    %rsqrt3A = math.rsqrt %add3A_20 : vector<16x1xf32>
    %mul3A_21 = arith.mulf %get3A_17, %rsqrt3A : vector<16x1xf32>
    %get3A_22 = arith.constant 0 : index
    %get3A_23 = arith.constant 0 : index
    %get3A_24 = vector.load %arg2[%get3A_22, %get3A_23] : memref<16x1xf32, #tpu.memory_space<vmem>>, vector<16x1xf32>
    %mul3A_25 = arith.mulf %div3A_10, %mul3A_21 : vector<16x1xf32>
    %sub3A_26 = arith.subf %get3A_24, %mul3A_25 : vector<16x1xf32>
    %mul3A_27 = vector.broadcast %mul3A_21 : vector<16x1xf32> to vector<16x5120xf32>
    %mul3A_28 = arith.mulf %get3A_5, %mul3A_27 : vector<16x5120xf32>
    %add3A_29 = vector.broadcast %sub3A_26 : vector<16x1xf32> to vector<16x5120xf32>
    %add3A_30 = arith.addf %mul3A_28, %add3A_29 : vector<16x5120xf32>
    %swap3A = arith.constant 0 : index
    %swap3A_31 = arith.constant 0 : index
    %swap3A_32 = vector.load %arg4[%swap3A, %swap3A_31] : memref<16x5120xf32, #tpu.memory_space<vmem>>, vector<16x5120xf32>
    tpu.vector_store %arg4[%swap3A, %swap3A_31], %add3A_30 {strides = array<i32>} : memref<16x5120xf32, #tpu.memory_space<vmem>>, vector<16x5120xf32>,
    return
  }
}

module attributes {stable_mosaic.version = 14 : i64} {
  func.func @_nstats_body(%arg0: i32, %arg1: memref<1x2x2000xf32, #tpu.memory_space<vmem>>, %arg2: memref<2000x128xf32, #tpu.memory_space<vmem>>, %arg3: memref<2x128xf32, #tpu.memory_space<vmem>>, %arg4: memref<2x128xf32, #tpu.memory_space<vmem>>) attributes {dimension_semantics = [#tpu.dimension_semantics<arbitrary>], iteration_bounds = array<i64: 25>, scalar_prefetch = 0 : i64, scratch_operands = 1 : i64, tpu.core_type = #tpu.core_type<tc>, window_params = [{transform_indices = @transform_0, window_bounds = array<i64: 1, 2, 2000>}, {transform_indices = @transform_1, window_bounds = array<i64: 2000, 128>}, {pipeline_mode = #tpu.pipeline_mode<synchronous>, transform_indices = @transform_2, window_bounds = array<i64: 2, 128>}]} {
    %eq3A = arith.constant 0 : i32
    %eq3A_0 = arith.cmpi eq, %arg0, %eq3A : i32
    %convert_element_type3A = arith.extui %eq3A_0 : i1 to i32
    %cond3A = arith.constant 0 : i32
    %cond3A_1 = arith.cmpi ne, %convert_element_type3A, %cond3A : i32
    scf.if %cond3A_1 {
      %broadcast_in_dim3A = arith.constant 0.000000e+00 : f32
      %broadcast_in_dim3A_32 = vector.broadcast %broadcast_in_dim3A : f32 to vector<2x128xf32>
      %swap3A_33 = arith.constant 0 : index
      %swap3A_34 = arith.constant 0 : index
      %swap3A_35 = vector.load %arg4[%swap3A_33, %swap3A_34] : memref<2x128xf32, #tpu.memory_space<vmem>>, vector<2x128xf32>
      tpu.vector_store %arg4[%swap3A_33, %swap3A_34], %broadcast_in_dim3A_32 {strides = array<i32>} : memref<2x128xf32, #tpu.memory_space<vmem>>, vector<2x128xf32>,
    } else {
    }
    %get3A = arith.constant 0 : index
    %get3A_2 = arith.constant 0 : index
    %get3A_3 = arith.constant 0 : index
    %get3A_4 = vector.load %arg1[%get3A, %get3A_2, %get3A_3] : memref<1x2x2000xf32, #tpu.memory_space<vmem>>, vector<1x2x2000xf32>
    %get3A_5 = vector.shape_cast %get3A_4 : vector<1x2x2000xf32> to vector<2x2000xf32>
    %slice3A = vector.extract_strided_slice %get3A_5 {offsets = [0, 0], sizes = [1, 2000], strides = [1, 1]} : vector<2x2000xf32> to vector<1x2000xf32>
    %slice3A_6 = vector.extract_strided_slice %get3A_5 {offsets = [1, 0], sizes = [1, 2000], strides = [1, 1]} : vector<2x2000xf32> to vector<1x2000xf32>
    %add3A = arith.addf %slice3A, %slice3A_6 : vector<1x2000xf32>
    %get3A_7 = arith.constant 0 : index
    %get3A_8 = arith.constant 0 : index
    %get3A_9 = vector.load %arg2[%get3A_7, %get3A_8] : memref<2000x128xf32, #tpu.memory_space<vmem>>, vector<2000x128xf32>
    %dot_general3A = arith.constant dense<0.000000e+00> : vector<1x128xf32>
    %dot_general3A_10 = tpu.matmul %add3A, %get3A_9, %dot_general3A {dimension_numbers = #tpu.dot_dimension_numbers<[1], [0], [0], [1], [0, 0, 1, 1], [], []>, transpose_lhs_hint = false} : vector<1x2000xf32>, vector<2000x128xf32>, vector<1x128xf32> -> vector<1x128xf32>
    %mul3A = arith.mulf %get3A_9, %get3A_9 : vector<2000x128xf32>
    %dot_general3A_11 = arith.constant dense<0.000000e+00> : vector<1x128xf32>
    %dot_general3A_12 = tpu.matmul %add3A, %mul3A, %dot_general3A_11 {dimension_numbers = #tpu.dot_dimension_numbers<[1], [0], [0], [1], [0, 0, 1, 1], [], []>, transpose_lhs_hint = false} : vector<1x2000xf32>, vector<2000x128xf32>, vector<1x128xf32> -> vector<1x128xf32>
    %get3A_13 = arith.constant 0 : index
    %get3A_14 = arith.constant 0 : index
    %get3A_15 = vector.load %arg4[%get3A_13, %get3A_14] : memref<2x128xf32, #tpu.memory_space<vmem>>, vector<1x128xf32>
    %add3A_16 = arith.addf %get3A_15, %dot_general3A_10 : vector<1x128xf32>
    %swap3A = arith.constant 0 : index
    %swap3A_17 = arith.constant 0 : index
    %swap3A_18 = vector.load %arg4[%swap3A, %swap3A_17] : memref<2x128xf32, #tpu.memory_space<vmem>>, vector<1x128xf32>
    tpu.vector_store %arg4[%swap3A, %swap3A_17], %add3A_16 {strides = array<i32>} : memref<2x128xf32, #tpu.memory_space<vmem>>, vector<1x128xf32>,
    %get3A_19 = arith.constant 1 : index
    %get3A_20 = arith.constant 0 : index
    %get3A_21 = vector.load %arg4[%get3A_19, %get3A_20] : memref<2x128xf32, #tpu.memory_space<vmem>>, vector<1x128xf32>
    %add3A_22 = arith.addf %get3A_21, %dot_general3A_12 : vector<1x128xf32>
    %swap3A_23 = arith.constant 1 : index
    %swap3A_24 = arith.constant 0 : index
    %swap3A_25 = vector.load %arg4[%swap3A_23, %swap3A_24] : memref<2x128xf32, #tpu.memory_space<vmem>>, vector<1x128xf32>
    tpu.vector_store %arg4[%swap3A_23, %swap3A_24], %add3A_22 {strides = array<i32>} : memref<2x128xf32, #tpu.memory_space<vmem>>, vector<1x128xf32>,
    %get3A_26 = arith.constant 0 : index
    %get3A_27 = arith.constant 0 : index
    %get3A_28 = vector.load %arg4[%get3A_26, %get3A_27] : memref<2x128xf32, #tpu.memory_space<vmem>>, vector<2x128xf32>
    %swap3A_29 = arith.constant 0 : index
    %swap3A_30 = arith.constant 0 : index
    %swap3A_31 = vector.load %arg3[%swap3A_29, %swap3A_30] : memref<2x128xf32, #tpu.memory_space<vmem>>, vector<2x128xf32>
    tpu.vector_store %arg3[%swap3A_29, %swap3A_30], %get3A_28 {strides = array<i32>} : memref<2x128xf32, #tpu.memory_space<vmem>>, vector<2x128xf32>,
    return
  }
  func.func @transform_0(%arg0: i32) -> (i32, i32, i32) {
    %c0_i32 = arith.constant 0 : i32
    %c0_i32_0 = arith.constant 0 : i32
    %c0_i32_1 = arith.constant 0 : i32
    return %arg0, %c0_i32, %c0_i32_0 : i32, i32, i32
  }
  func.func @transform_1(%arg0: i32) -> (i32, i32) {
    %c0_i32 = arith.constant 0 : i32
    %c0_i32_0 = arith.constant 0 : i32
    return %arg0, %c0_i32 : i32, i32
  }
  func.func @transform_2(%arg0: i32) -> (i32, i32) {
    %c0_i32 = arith.constant 0 : i32
    %c0_i32_0 = arith.constant 0 : i32
    %c0_i32_1 = arith.constant 0 : i32
    return %c0_i32, %c0_i32_0 : i32, i32
  }
}

</mosaic_0001>

<sc_bundles>
// kernel: kernel.11.cloned.1.call-start
scs
__scs_entry_jumppad:
0x0: {  	(pc) =	sbr.rel $0x88, $3  }
0x1: {  	(tag) =	ssettag $0x0;
	lr =	simm.s32 $0x1  }
0x2: {  	[smem:$0x3F98] =	sst lr;
	_ =	strace $0xD0000000  }
0x3: {  	_ = 	snop  }
0x4: {  	_ = 	snop  }
0x5: {  	_ = 	snop  }
0x6: {  	_ = 	snop  }
0x7: {  	_ = 	snop  }
__scs_overlays_trampoline_lowered:
0x8: {  	[smem:$0x3FA7] =	sst s0  }
0x9: {  	[smem:$0x3FA8] =	sst s1  }
0xa: {  	[smem:$0x3FA9] =	sst s2  }
0xb: {  	[smem:$0x3FAA] =	sst s3  }
0xc: {  	[smem:$0x3FAB] =	sst s4  }
0xd: {  	[smem:$0x3FAC] =	sst s5  }
0xe: {  	[smem:$0x3FAD] =	sst s6  }
0xf: {  	[smem:$0x3FAE] =	sst s7  }
0x10: {  	[smem:$0x3FAF] =	sst s8  }
0x11: {  	[smem:$0x3FB0] =	sst s9;
	s0 =	simm.s32 @!p0 $0x0  }
0x12: {  	s1 =	sld [smem:$0x3F96];
	s0 =	simm.s32 @p0 $0x1  }
0x13: {  	[smem:$0x3FB1] =	sst s0;
	s0 =	simm.s32 @!p1 $0x0  }
0x14: {  	s2 =	sld [smem:$0x3F95];
	s0 =	simm.s32 @p1 $0x1  }
0x15: {  	[smem:$0x3FB2] =	sst s0;
	s0 =	simm.s32 @!p2 $0x0  }
0x16: {  	s3 =	sld [smem:$0x3FDB];
	s0 =	simm.s32 @p2 $0x1  }
0x17: {  	s4 =	simm.s32 $0x1BF5;
	[smem:$0x3FB4] =	sst s0  }
0x18: {  	s0 =	sld [smem:$0x3F97];
	_ =	swait.ge [sflag:s4], $0x0  }
0x19: {  	s7 =	sld [smem:$0x3F98]  }
0x1a: {  	s8 =	sadd.s32 $0xFFFFE003, lr  }
0x1b: {  	s9 =	sadd.s32 $0xFFFFFEF7, lr;
	s5 =	simm.s32 $0xFFFFFFFF;
	p2 =	slt.u32 s8, $0xFFFFF086  }
0x1c: {  	p1 =	slt.u32 s9, $0xF7A;
	s5 =	simm.s32 @!p2 $0x0  }
0x1d: {  	s5 =	simm.s32 @p1 $0x1;
	p0 =	seq.s32 s7, s2  }
0x1e: {  	s7 =	smul.u32 @!p0 $0xF7A, s2;
	p2 =	seq.s32 @!p0 s5, $0x0  }
0x1f: {  	s9 =	smul.u32 $0xF7A, s1;
	s8 =	simm.s32 @!p0 $0x1BF5;
	p2 =	por !p2, p0  }
0x20: {  	[sflag:s8] =	ssyncset.s32 @!p0 $0xFFFFF086;
	s6 =	sadd.s32 @!p0 s3, s7;
	s7 =	simm.s32 @!p0 $0x108  }
0x21: {  	s3 =	sadd.s32 s3, s9;
	s6 =	sadd.s32 @!p0 $0x88, s6;
	s7 =	simm.s32 @p2 $0x1082  }
0x22: {  	[simem:s7], [sflag:s8] =	dma.local @!p0 [hbm:s6], $0xF7A  }
0x23: {  	s9 =	sor.u32 $0xD0000000, s2;
	s6 =	simm.s32 $0x108;
	_ =	swait.ge @!p0 [sflag:s8], $0x0  }
0x24: {  	s3 =	sadd.s32 $0x88, s3;
	s6 =	simm.s32 @!p1 $0x1082;
	[sflag:s4] =	ssyncset.s32 $0xFFFFF086  }
0x25: {  	[simem:s6], [sflag:s4] =	dma.local [hbm:s3], $0xF7A  }
0x26: {  	[smem:$0x3F98] =	sst s1;
	(tag) =	ssettag s2;
	_ =	strace s9  }
0x27: {  	s1 =	sld [smem:$0x3FA8]  }
0x28: {  	s2 =	sld [smem:$0x3FA9]  }
0x29: {  	s4 =	sld [smem:$0x3FAB]  }
0x2a: {  	p0 =	seq.s32 s5, $0x0;
	s5 =	sld [smem:$0x3FAC]  }
0x2b: {  	s6 =	sld [smem:$0x3FAD]  }
0x2c: {  	s7 =	sld [smem:$0x3FAE]  }
0x2d: {  	s3 =	simm.s32 $0x108;
	s8 =	sld [smem:$0x3FAF]  }
0x2e: {  	s3 =	simm.s32 @!p0 $0x1082;
	s9 =	sld [smem:$0x3FB0]  }
0x2f: {  	lr =	sadd.s32 s0, s3;
	s0 =	sld [smem:$0x3FA7]  }
0x30: {  	s3 =	sld [smem:$0x3FAA]  }
0x31: {  	[smem:$0x3FB3] =	sst s10  }
0x32: {  	s10 =	sld [smem:$0x3FB1];
	_ =	sdelay $0x3  }
0x33: {  	p0 =	seq.s32 s10, $0x1;
	s10 =	sld [smem:$0x3FB3];
	_ =	sdelay $0x3  }
0x34: {  	[smem:$0x3FB3] =	sst s10  }
0x35: {  	s10 =	sld [smem:$0x3FB2];
	_ =	sdelay $0x3  }
0x36: {  	p1 =	seq.s32 s10, $0x1;
	s10 =	sld [smem:$0x3FB3];
	_ =	sdelay $0x3  }
0x37: {  	[smem:$0x3FB3] =	sst s10  }
0x38: {  	s10 =	sld [smem:$0x3FB4]  }
0x39: {  	_ = 	snop;
	(pc) =	sbr.ind lr, $3  }
0x3a: {  	_ = 	snop  }
0x3b: {  	_ = 	snop  }
0x3c: {  	p2 =	seq.s32 s10, $0x1;
	s10 =	sld [smem:$0x3FB3]  }
0x3d: {  	_ =	shalt  }
0x3e: {  	_ =	shalt  }
0x3f: {  	_ =	shalt  }
0x40: {  	_ =	shalt  }
0x41: {  	_ =	shalt  }
0x42: {  	_ =	shalt  }
0x43: {  	_ =	shalt  }
0x44: {  	_ =	shalt  }
0x45: {  	_ =	shalt  }
0x46: {  	_ =	shalt  }
0x47: {  	_ =	shalt  }
0x48: {  	_ =	shalt  }
0x49: {  	_ =	shalt  }
0x4a: {  	_ =	shalt  }
0x4b: {  	_ =	shalt  }
0x4c: {  	_ =	shalt  }
0x4d: {  	_ =	shalt  }
0x4e: {  	_ =	shalt  }
0x4f: {  	_ =	shalt  }
0x50: {  	_ =	shalt  }
0x51: {  	_ =	shalt  }
0x52: {  	_ =	shalt  }
0x53: {  	_ =	shalt  }
0x54: {  	_ =	shalt  }
0x55: {  	_ =	shalt  }
0x56: {  	_ =	shalt  }
0x57: {  	_ =	shalt  }
0x58: {  	_ =	shalt  }
0x59: {  	_ =	shalt  }
0x5a: {  	_ =	shalt  }
0x5b: {  	_ =	shalt  }
0x5c: {  	_ =	shalt  }
0x5d: {  	_ =	shalt  }
0x5e: {  	_ =	shalt  }
0x5f: {  	_ =	shalt  }
0x60: {  	_ =	shalt  }
0x61: {  	_ =	shalt  }
0x62: {  	_ =	shalt  }
0x63: {  	_ =	shalt  }
0x64: {  	_ =	shalt  }
0x65: {  	_ =	shalt  }
0x66: {  	_ =	shalt  }
0x67: {  	_ =	shalt  }
0x68: {  	_ =	shalt  }
0x69: {  	_ =	shalt  }
0x6a: {  	_ =	shalt  }
0x6b: {  	_ =	shalt  }
0x6c: {  	_ =	shalt  }
0x6d: {  	_ =	shalt  }
0x6e: {  	_ =	shalt  }
0x6f: {  	_ =	shalt  }
0x70: {  	_ =	shalt  }
0x71: {  	_ =	shalt  }
0x72: {  	_ =	shalt  }
0x73: {  	_ =	shalt  }
0x74: {  	_ =	shalt  }
0x75: {  	_ =	shalt  }
0x76: {  	_ =	shalt  }
0x77: {  	_ =	shalt  }
0x78: {  	_ =	shalt  }
0x79: {  	_ =	shalt  }
0x7a: {  	_ =	shalt  }
0x7b: {  	_ =	shalt  }
0x7c: {  	_ =	shalt  }
0x7d: {  	_ =	shalt  }
0x7e: {  	_ =	shalt  }
0x7f: {  	_ =	shalt  }
0x80: {  	_ =	shalt  }
0x81: {  	_ =	shalt  }
0x82: {  	_ =	shalt  }
0x83: {  	_ =	shalt  }
0x84: {  	_ =	shalt  }
0x85: {  	_ =	shalt  }
0x86: {  	_ =	shalt  }
0x87: {  	_ =	shalt  }
.Lfunc_end0:
.L_simem_size_0:
called_computation.1_lowered:
.L_overlay_start_0:
0x88: {  	s2 =	sld [smem:$0x3FD9]  }
0x89: {  	s3 =	sld [smem:$0x3FFE];
	_ =	sdelay $0x1  }
0x8a: {  	s1 =	srdreg.scid  }
0x8b: {  	s0 =	sand.u32 $0x1, s1  }
0x8c: {  	s16 =	sshll.u32 s0, $0xA;
	s2 =	sadd.s32 s3, s2  }
0x8d: {  	s2 =	sadd.s32 s2, s16  }
0x8e: {  	[smem:$0x3FBF] =	sst s2  }
0x8f: {  	_ = 	snop  }
0x90: {  	s17 =	sld [smem:$0x3FD0];
	_ =	sdelay $0x2  }
0x91: {  	s4 =	simm.s32 $0xB;
	s5 =	simm.s32 $0x10;
	s2 =	sld [smem:$0x3FC7]  }
0x92: {  	[smem:s5], [sflag:s4] =	dma.local [hbm:s17], $0x1  }
0x93: {  	_ =	swait.eq [sflag:s4], $0x1  }
0x94: {  	[sflag:s4] =	ssyncset.done $0x0  }
0x95: {  	[sflag:s4] =	ssyncadd.s32 $0xFFFFFFFF  }
0x96: {  	s18 =	sld [smem:$0x10];
	(tm) =	ssettm $0x1  }
0x97: {  	s19 =	sld [smem:$0x3FFB];
	_ =	sdelay $0x3  }
0x98: {  	_ =	strace s19  }
0x99: {  	s3 =	sld [smem:$0x3FFC];
	_ =	sdelay $0x3  }
0x9a: {  	_ =	strace s3  }
0x9b: {  	s3 =	sld [smem:$0x3FFD];
	_ =	sdelay $0x3  }
0x9c: {  	_ =	strace s3  }
0x9d: {  	_ =	strace $0x8FFFFFFF  }
0x9e: {  	s20 =	sld [smem:$0x3FDB];
	_ =	sdelay $0x1  }
0x9f: {  	s21 =	simm.s32 $_scs_section_size  }
0xa0: {  	s6 =	simm.s32 $_size__tile_overlayer_lowered;
	s7 =	simm.s32 $_tile_overlayer_lowered  }
0xa1: {  	s8 =	simm.s32 $0x1BFF;
	s22 =	sshll.u32 s7, $0x1;
	s5 =	sadd.s32 s21, s20  }
0xa2: {  	s23 =	simm.s32 $0x0;
	s6 =	sshll.u32 s6, $0x1;
	s7 =	sadd.s32 s22, s5  }
0xa3: {  	[timem:s23], [sflag:s8] =	dma.local [hbm:s7], s6  }
0xa4: {  	_ =	swait.ge [sflag:s8], s6  }
0xa5: {  	s6 =	ssub.s32 $0x0, s6;
	[sflag:s8] =	ssyncset.done $0x0  }
0xa6: {  	[sflag:s8] =	ssyncadd.s32 s6;
	_ =	sdelay $0x1  }
0xa7: {  	s24 =	simm.s32 $0x1B8B  }
0xa8: {  	_ =	swait.ge [sflag:s24], $0x1  }
0xa9: {  	[sflag:s24] =	ssyncset.done $0x0  }
0xaa: {  	[sflag:s24] =	ssyncadd.s32 $0xFFFFFFFF  }
0xab: {  	s6 =	sld [smem:$0x0]  }
0xac: {  	s7 =	sand.u32 $0xFFFFFFFE, s1  }
0xad: {  	p0 =	sne.s32 s1, s7  }
0xae: {  	s7 =	sshll.u32 @p0 s7, $0xE  }
0xaf: {  	s7 =	sadd.s32 @p0 $0x11B8D, s7;
	s8 =	sshll.u32 @p0 s6, $0x11  }
0xb0: {  	s7 =	sor.u32 @p0 s8, s7  }
0xb1: {  	[sflag:s7] =	ssyncadd.remote.s32 @p0 $0x1;
	_ =	sdelay $0x1  }
0xb2: {  	s7 =	simm.s32 @p0 $0x1B8D  }
0xb3: {  	_ =	swait.eq @p0 [sflag:s7], $0x1  }
0xb4: {  	[sflag:s7] =	ssyncadd.s32 @p0 $0xFFFFFFFF  }
0xb5: {  	s8 =	sshll.u32 @!p0 s1, $0xE  }
0xb6: {  	s8 =	sor.u32 @!p0 $0x4000, s8;
	s7 =	simm.s32 @!p0 $0x1B8D  }
0xb7: {  	s6 =	sshll.u32 @!p0 s6, $0x11;
	s8 =	sadd.s32 @!p0 $0x11B8D, s8;
	_ =	swait.eq @!p0 [sflag:s7], $0x1  }
0xb8: {  	s6 =	sor.u32 @!p0 s6, s8;
	[sflag:s7] =	ssyncadd.s32 @!p0 $0xFFFFFFFF  }
0xb9: {  	s25 =	simm.s32 $0x1B8E;
	[sflag:s6] =	ssyncadd.remote.s32 @!p0 $0x1  }
0xba: {  	s26 =	simm.s32 $execute0_lowered;
	[smem:$0x3FD2] =	sst s25  }
0xbb: {  	s6 =	sshll.u32 s26, $0x1;
	_ =	strace $0x80000049;
	[dreg:$0x1] =	wrdreg $0xFFFFFFFF  }
0xbc: {  	s28 =	simm.s32 $_size_execute0_lowered;
	s5 =	sadd.s32 s5, s6;
	[dreg:$0x0] =	wrdreg $0x0  }
0xbd: {  	s6 =	sshll.u32 s28, $0x1;
	[dreg:$0x2] =	wrdreg s5  }
0xbe: {  	[dreg:$0x3] =	wrdreg s6  }
0xbf: {  	[dreg:$0x4] =	wrdreg $0xC0  }
0xc0: {  	_ =	task [dreg:s23], $0x5FFFF  }
0xc1: {  	[dreg:$0x1] =	wrdreg $0xFFFFFFFF  }
0xc2: {  	[dreg:$0x0] =	wrdreg $0x60  }
0xc3: {  	[dreg:$0x2] =	wrdreg s2  }
0xc4: {  	[dreg:$0x3] =	wrdreg s18  }
0xc5: {  	[dreg:$0x4] =	wrdreg $0x3E800  }
0xc6: {  	[dreg:$0x5] =	wrdreg $0xA  }
0xc7: {  	_ =	task.clear_ibuf [dreg:s23], $0x6FFFF;
	_ =	strace $0x90000049  }
0xc8: {  	s29 =	simm.s32 $0xA;
	_ =	strace $0x8000004B  }
0xc9: {  	_ =	swait.ge [sflag:s29], $0x1  }
0xca: {  	[sflag:s29] =	ssyncadd.s32 $0xFFFFFFFF  }
0xcb: {  	_ =	strace $0x9000004B  }
0xcc: {  	_ =	sfence  }
0xcd: {  	s30 =	sld [smem:$0x0];
	_ =	sdelay $0x2  }
0xce: {  	s31 =	sshll.u32 s1, $0xD;
	s1 =	sshrl.u32 s1, $0x2  }
0xcf: {  	s4 =	sand.u32 $0x4000, s31;
	s1 =	sadd.s32 s1, s30  }
0xd0: {  	s0 =	sor.u32 s4, s0;
	s1 =	sshll.u32 s1, $0x11  }
0xd1: {  	s0 =	sor.u32 s1, s0  }
0xd2: {  	s0 =	sadd.s32 $0x8F2B, s0  }
0xd3: {  	[sflag:s0] =	ssyncadd.remote.s32 $0x1  }
0xd4: {  	_ =	sfence.sel $0xFFFF  }
0xd5: {  	[dreg:$0x0] =	wrdreg $0xFFFFFFFF;
	(pc) =	sbr.abs _section_cstart, $3  }
0xd6: {  	[dreg:$0x1] =	wrdreg $0xFFFFFFFF  }
0xd7: {  	_ =	task.clear_ibuf [dreg:s23], $0x2FFFF;
	_ =	strace $0x9FFFFFFF  }
0xd8: {  	(tm) =	ssettm $0x7FFFFFFF  }
0xd9: {  	_ =	shalt  }
tec
execute0_lowered:
.L_overlay_start_1:
0x0: {  	(tag) =	ssettag $0x1  }
0x1: {  	s1 =	rddreg [dreg:$0x0]  }
0x2: {  	s7 =	rddreg [dreg:$0x1]  }
0x3: {  	s6 =	rddreg [dreg:$0x2]  }
0x4: {  	s0 =	rddreg [dreg:$0x3];
	s4 =	srdreg.scid  }
0x5: {  	s3 =	simm.s32 $0x0;
	s2 =	stileid.u32;
	s12 =	simm.s32 $0x3B80  }
0x6: {  	s13 =	simm.s32 $0x0;
	s4 =	sand.u32 $0x1, s4;
	s8 =	smul.u32 $0x140, s2  }
0x7: {  	[smem:$0x7FF] =	sst s3;
	s11 =	smul.u32 $0x5000, s2;
	s5 =	ssub.s32 $0x2, s4  }
0x8: {  	_ =	strace $0x8000004A;
	s10 =	smul.u32 $0x1388, s4;
	s4 =	sshll.u32 s4, $0x4  }
0x9: {  	s9 =	sshrl.u32 s5, $0x1;
	s8 =	smin.u32 s8, $0x1248;
	s4 =	sor.u32 s2, s4  }
0xa: {  	s30 =	sshrl.u32 s11, $0x2;
	s11 =	simm.s32 $0x3D00;
	s9 =	ssub.s32 s5, s9  }
0xb: {  	s29 =	sadd.s32 s10, s8;
	s4 =	smul.u32 $0x186A0, s4;
	s5 =	sadd.s32 s30, s6  }
0xc: {  	s6 =	sadd.s32 s8, s6;
	s10 =	simm.s32 $0x1;
	s31 =	sshrl.u32 s29, $0x3  }
0xd: {  	v0 =	vimm.f32 $0.0e+00;
	v1 =	vimm.f32 $1.000000000e+00;
	s8 =	smax.u32 s9, $0x1;
	s9 =	simm.s32 $0x1400;
	s7 =	sadd.s32 s7, s31  }
.LBB2_1:
0xe: {  	s14 =	simm.s32 $0x0  }
.LBB2_2:
0xf: {  	p0 =	sne.s32 s14, $0x4FC0  }
.Ltmp0:
0x10: {  	_ = 	snop;
	(pc) =	sbr.rel @p0 .LBB2_2-.Ltmp0, $3  }
0x11: {  	_ =	sdelay $0x1  }
0x12: {  	s15 =	sshra.s32 s14, $0x2  }
0x13: {  	s14 =	sadd.s32 $0x40, s14;
	[tilespmem:s15+$0x0] =	vst v0  }
0x14: {  	s14 =	simm.s32 $0x0  }
.LBB2_4:
0x15: {  	s15 =	smul.u32 $0x2710, s14;
	_ =	sdelay $0x1  }
0x16: {  	s15 =	sadd.s32 s4, s15  }
0x17: {  	s15 =	sshrl.u32 s15, $0x3  }
0x18: {  	s15 =	sadd.s32 s1, s15  }
0x19: {  	[tilespmem:s9], [sflag:$0x1] =	stream.linear.gather [hbm4b:s15+s3], $0x2710, $0x38;
	[tilespmem:$0x5280] =	vst v63  }
0x1a: {  	_ =	swait.ge [sflag:s10], $0x2710  }
0x1b: {  	[sflag:s10] =	ssyncset.done $0x0  }
0x1c: {  	s16 =	simm.s32 $0x1420;
	s15 =	simm.s32 $0xFFFFFFFC;
	[sflag:s10] =	ssyncadd.s32 $0xFFFFD8F0  }
.LBB2_5:
0x1d: {  	v2 =	vld [tilespmem:s16+$0xFFFFFFE0];
	_ =	sdelay $0x7  }
0x1e: {  	[tilespmem:v2+s3+$0x0] =	vst.idx.add.f32.msk $0xffff, v1  }
0x1f: {  	v2 =	vld [tilespmem:s16+$0xFFFFFFF0];
	_ =	sdelay $0x7  }
0x20: {  	[tilespmem:v2+s3+$0x0] =	vst.idx.add.f32.msk $0xffff, v1  }
0x21: {  	v2 =	vld [tilespmem:s16+$0x0];
	_ =	sdelay $0x7  }
0x22: {  	[tilespmem:v2+s3+$0x0] =	vst.idx.add.f32.msk $0xffff, v1  }
0x23: {  	v2 =	vld [tilespmem:s16+$0x10];
	_ =	sdelay $0x1  }
0x24: {  	s15 =	sadd.s32 $0x4, s15  }
0x25: {  	p0 =	slt.u32 s15, $0x26C  }
.Ltmp1:
0x26: {  	_ = 	snop;
	(pc) =	sbr.rel @p0 .LBB2_5-.Ltmp1, $2  }
0x27: {  	_ =	sdelay $0x2  }
0x28: {  	s16 =	sadd.s32 $0x40, s16;
	[tilespmem:v2+s3+$0x0] =	vst.idx.add.f32.msk $0xffff, v1  }
0x29: {  	v2 =	vld [tilespmem:$0x3B00];
	_ =	sdelay $0x1  }
0x2a: {  	s14 =	sadd.s32 $0x1, s14  }
0x2b: {  	p0 =	sne.s32 s14, $0xA  }
.Ltmp2:
0x2c: {  	_ = 	snop;
	(pc) =	sbr.rel @p0 .LBB2_4-.Ltmp2, $2  }
0x2d: {  	_ =	sdelay $0x2  }
0x2e: {  	[tilespmem:v2+s3+$0x0] =	vst.idx.add.f32.msk $0xffff, v1  }
0x2f: {  	s14 =	simm.s32 $0x0  }
0x30: {  	[spmem:s5] =	stream.linear.scatter [tilespmem:s14], [sflag:$0x1], $0x1400, $0x38;
	[tilespmem:$0x5280] =	vst v63  }
0x31: {  	_ =	swait.ge [sflag:s10], $0x1400  }
0x32: {  	[sflag:s10] =	ssyncset.done $0x0  }
0x33: {  	[sflag:s10] =	ssyncadd.s32 $0xFFFFEC00  }
0x34: {  	[bflag:$0x0] =	sbarrier.arrive $0xFFFF  }
0x35: {  	[tilespmem:$0x3B80] =	vst v0  }
0x36: {  	[tilespmem:$0x3B90] =	vst v0  }
0x37: {  	[tilespmem:$0x3BA0] =	vst v0  }
0x38: {  	[tilespmem:$0x3BB0] =	vst v0  }
0x39: {  	[tilespmem:$0x3BC0] =	vst v0  }
0x3a: {  	[tilespmem:$0x3BD0] =	vst v0  }
0x3b: {  	[tilespmem:$0x3BE0] =	vst v0  }
0x3c: {  	[tilespmem:$0x3BF0] =	vst v0  }
0x3d: {  	[tilespmem:$0x3C00] =	vst v0  }
0x3e: {  	[tilespmem:$0x3C10] =	vst v0  }
0x3f: {  	[tilespmem:$0x3C20] =	vst v0  }
0x40: {  	[tilespmem:$0x3C30] =	vst v0  }
0x41: {  	[tilespmem:$0x3C40] =	vst v0  }
0x42: {  	[tilespmem:$0x3C50] =	vst v0  }
0x43: {  	[tilespmem:$0x3C60] =	vst v0  }
0x44: {  	[tilespmem:$0x3C70] =	vst v0  }
0x45: {  	[tilespmem:$0x3C80] =	vst v0  }
0x46: {  	[tilespmem:$0x3C90] =	vst v0  }
0x47: {  	[tilespmem:$0x3CA0] =	vst v0  }
0x48: {  	[tilespmem:$0x3CB0] =	vst v0  }
.LBB2_8:
0x49: {  	s15 =	smul.u32 $0x5000, s14;
	_ =	sdelay $0x1  }
0x4a: {  	s15 =	sshra.s32 s15, $0x2  }
0x4b: {  	s15 =	sadd.s32 s15, s6  }
0x4c: {  	[tilespmem:s11], [sflag:$0x1] =	stream.linear.gather [spmem:s15], $0x140, $0x38;
	[tilespmem:$0x5280] =	vst v63  }
0x4d: {  	_ =	swait.ge [sflag:s10], $0x140  }
0x4e: {  	[sflag:s10] =	ssyncset.done $0x0  }
0x4f: {  	s15 =	simm.s32 $0x0;
	[sflag:s10] =	ssyncadd.s32 $0xFFFFFEC0  }
0x50: {  	s16 =	simm.s32 $0x40;
	v2 =	vld [tilespmem:s15+$0x3D00]  }
.LBB2_9:
0x51: {  	p0 =	sne.s32 s16, $0x4C0;
	v3 =	vld [tilespmem:s15+$0x3B80];
	_ =	sdelay $0x2  }
.Ltmp3:
0x52: {  	(pc) =	sbr.rel @p0 .LBB2_9-.Ltmp3, $4  }
0x53: {  	_ = 	snop  }
0x54: {  	v3 =	vadd.f32 v2, v3  }
0x55: {  	s17 =	sshra.s32 s16, $0x2  }
0x56: {  	s16 =	sadd.s32 $0x40, s16;
	v2 =	vld [tilespmem:s17+$0x3D00];
	[tilespmem:s15+$0x3B80] =	vst v3;
	s15 =	smov.u32 s17  }
0x57: {  	v3 =	vld [tilespmem:s15+$0x3B80]  }
0x58: {  	s14 =	sadd.s32 $0x1, s14  }
0x59: {  	p0 =	sne.s32 s14, $0x10  }
.Ltmp4:
0x5a: {  	_ = 	snop;
	(pc) =	sbr.rel @p0 .LBB2_8-.Ltmp4, $3  }
0x5b: {  	_ = 	snop  }
0x5c: {  	v2 =	vadd.f32 v2, v3;
	_ =	sdelay $0x1  }
0x5d: {  	[tilespmem:s15+$0x3B80] =	vst v2  }
0x5e: {  	s13 =	sadd.s32 $0x1, s13  }
0x5f: {  	p0 =	sne.s32 s13, s8  }
.Ltmp5:
0x60: {  	_ = 	snop;
	(pc) =	sbr.rel @p0 .LBB2_1-.Ltmp5, $4  }
0x61: {  	[hbm4b:s7+s3] =	stream.linear.scatter [tilespmem:s12], [sflag:$0x1], $0x140, $0x38;
	[tilespmem:$0x5280] =	vst v63  }
0x62: {  	_ =	swait.ge [sflag:s10], $0x140  }
0x63: {  	[sflag:s10] =	ssyncset.done $0x0  }
0x64: {  	[sflag:s10] =	ssyncadd.s32 $0xFFFFFEC0  }
0x65: {  	_ =	sfence.sel $0x180000  }
0x66: {  	[bflag:$0x0] =	sbarrier.arrive $0xFFFF  }
0x67: {  	p0 =	sne.s32 s2, $0x0;
	_ =	strace $0x9000004A  }
0x68: {  	s0 =	sadd.s32 @!p0 $0x100000, s0;
	[bflag:$0x2] =	sbarrier.arrive $0xFFFF  }
0x69: {  	[sflag:s0] =	ssyncadd.tile.s32 @!p0 $0x1;
	_ =	shalt  }
.Lfunc_end2:
_tile_overlayer_lowered:
.L_overlay_start_2:
0x6a: {  	(tag) =	ssettag $0x2  }
0x6b: {  	s0 =	rddreg [dreg:$0x0];
	s2 =	stileid.u32  }
0x6c: {  	s1 =	rddreg [dreg:$0x1];
	p0 =	sne.s32 s2, $0x0  }
0x6d: {  	s3 =	rddreg [dreg:$0x2];
	[bflag:$0x3] =	sbarrier.arrive $0xFFFF;
	s2 =	simm.s32 @!p0 $0x1C01  }
0x6e: {  	[timem:s3], [sflag:s2] =	dma.local @!p0 [hbm:s0], s1  }
0x6f: {  	s0 =	simm.s32 @!p0 $0x1  }
0x70: {  	_ =	swait.ge @!p0 [sflag:s0], s1  }
0x71: {  	s1 =	ssub.s32 @!p0 $0x0, s1;
	[sflag:s0] =	ssyncset.done @!p0 $0x0  }
0x72: {  	[sflag:s0] =	ssyncadd.s32 @!p0 s1  }
0x73: {  	[bflag:$0x3] =	sbarrier.arrive $0xFFFF  }
0x74: {  	_ =	shalt  }

// kernel: kernel.14.cloned.1.call-start
scs
__scs_entry_jumppad:
0x0: {  	(pc) =	sbr.rel $0x88, $3  }
0x1: {  	(tag) =	ssettag $0x0;
	lr =	simm.s32 $0x1  }
0x2: {  	[smem:$0x3F98] =	sst lr;
	_ =	strace $0xD0000000  }
0x3: {  	_ = 	snop  }
0x4: {  	_ = 	snop  }
0x5: {  	_ = 	snop  }
0x6: {  	_ = 	snop  }
0x7: {  	_ = 	snop  }
__scs_overlays_trampoline_lowered:
0x8: {  	[smem:$0x3FA7] =	sst s0  }
0x9: {  	[smem:$0x3FA8] =	sst s1  }
0xa: {  	[smem:$0x3FA9] =	sst s2  }
0xb: {  	[smem:$0x3FAA] =	sst s3  }
0xc: {  	[smem:$0x3FAB] =	sst s4  }
0xd: {  	[smem:$0x3FAC] =	sst s5  }
0xe: {  	[smem:$0x3FAD] =	sst s6  }
0xf: {  	[smem:$0x3FAE] =	sst s7  }
0x10: {  	[smem:$0x3FAF] =	sst s8  }
0x11: {  	[smem:$0x3FB0] =	sst s9;
	s0 =	simm.s32 @!p0 $0x0  }
0x12: {  	s1 =	sld [smem:$0x3F96];
	s0 =	simm.s32 @p0 $0x1  }
0x13: {  	[smem:$0x3FB1] =	sst s0;
	s0 =	simm.s32 @!p1 $0x0  }
0x14: {  	s2 =	sld [smem:$0x3F95];
	s0 =	simm.s32 @p1 $0x1  }
0x15: {  	[smem:$0x3FB2] =	sst s0;
	s0 =	simm.s32 @!p2 $0x0  }
0x16: {  	s3 =	sld [smem:$0x3FDB];
	s0 =	simm.s32 @p2 $0x1  }
0x17: {  	s4 =	simm.s32 $0x1BF5;
	[smem:$0x3FB4] =	sst s0  }
0x18: {  	s0 =	sld [smem:$0x3F97];
	_ =	swait.ge [sflag:s4], $0x0  }
0x19: {  	s7 =	sld [smem:$0x3F98]  }
0x1a: {  	s8 =	sadd.s32 $0xFFFFE003, lr  }
0x1b: {  	s9 =	sadd.s32 $0xFFFFFEF7, lr;
	s5 =	simm.s32 $0xFFFFFFFF;
	p2 =	slt.u32 s8, $0xFFFFF086  }
0x1c: {  	p1 =	slt.u32 s9, $0xF7A;
	s5 =	simm.s32 @!p2 $0x0  }
0x1d: {  	s5 =	simm.s32 @p1 $0x1;
	p0 =	seq.s32 s7, s2  }
0x1e: {  	s7 =	smul.u32 @!p0 $0xF7A, s2;
	p2 =	seq.s32 @!p0 s5, $0x0  }
0x1f: {  	s9 =	smul.u32 $0xF7A, s1;
	s8 =	simm.s32 @!p0 $0x1BF5;
	p2 =	por !p2, p0  }
0x20: {  	[sflag:s8] =	ssyncset.s32 @!p0 $0xFFFFF086;
	s6 =	sadd.s32 @!p0 s3, s7;
	s7 =	simm.s32 @!p0 $0x108  }
0x21: {  	s3 =	sadd.s32 s3, s9;
	s6 =	sadd.s32 @!p0 $0x88, s6;
	s7 =	simm.s32 @p2 $0x1082  }
0x22: {  	[simem:s7], [sflag:s8] =	dma.local @!p0 [hbm:s6], $0xF7A  }
0x23: {  	s9 =	sor.u32 $0xD0000000, s2;
	s6 =	simm.s32 $0x108;
	_ =	swait.ge @!p0 [sflag:s8], $0x0  }
0x24: {  	s3 =	sadd.s32 $0x88, s3;
	s6 =	simm.s32 @!p1 $0x1082;
	[sflag:s4] =	ssyncset.s32 $0xFFFFF086  }
0x25: {  	[simem:s6], [sflag:s4] =	dma.local [hbm:s3], $0xF7A  }
0x26: {  	[smem:$0x3F98] =	sst s1;
	(tag) =	ssettag s2;
	_ =	strace s9  }
0x27: {  	s1 =	sld [smem:$0x3FA8]  }
0x28: {  	s2 =	sld [smem:$0x3FA9]  }
0x29: {  	s4 =	sld [smem:$0x3FAB]  }
0x2a: {  	p0 =	seq.s32 s5, $0x0;
	s5 =	sld [smem:$0x3FAC]  }
0x2b: {  	s6 =	sld [smem:$0x3FAD]  }
0x2c: {  	s7 =	sld [smem:$0x3FAE]  }
0x2d: {  	s3 =	simm.s32 $0x108;
	s8 =	sld [smem:$0x3FAF]  }
0x2e: {  	s3 =	simm.s32 @!p0 $0x1082;
	s9 =	sld [smem:$0x3FB0]  }
0x2f: {  	lr =	sadd.s32 s0, s3;
	s0 =	sld [smem:$0x3FA7]  }
0x30: {  	s3 =	sld [smem:$0x3FAA]  }
0x31: {  	[smem:$0x3FB3] =	sst s10  }
0x32: {  	s10 =	sld [smem:$0x3FB1];
	_ =	sdelay $0x3  }
0x33: {  	p0 =	seq.s32 s10, $0x1;
	s10 =	sld [smem:$0x3FB3];
	_ =	sdelay $0x3  }
0x34: {  	[smem:$0x3FB3] =	sst s10  }
0x35: {  	s10 =	sld [smem:$0x3FB2];
	_ =	sdelay $0x3  }
0x36: {  	p1 =	seq.s32 s10, $0x1;
	s10 =	sld [smem:$0x3FB3];
	_ =	sdelay $0x3  }
0x37: {  	[smem:$0x3FB3] =	sst s10  }
0x38: {  	s10 =	sld [smem:$0x3FB4]  }
0x39: {  	_ = 	snop;
	(pc) =	sbr.ind lr, $3  }
0x3a: {  	_ = 	snop  }
0x3b: {  	_ = 	snop  }
0x3c: {  	p2 =	seq.s32 s10, $0x1;
	s10 =	sld [smem:$0x3FB3]  }
0x3d: {  	_ =	shalt  }
0x3e: {  	_ =	shalt  }
0x3f: {  	_ =	shalt  }
0x40: {  	_ =	shalt  }
0x41: {  	_ =	shalt  }
0x42: {  	_ =	shalt  }
0x43: {  	_ =	shalt  }
0x44: {  	_ =	shalt  }
0x45: {  	_ =	shalt  }
0x46: {  	_ =	shalt  }
0x47: {  	_ =	shalt  }
0x48: {  	_ =	shalt  }
0x49: {  	_ =	shalt  }
0x4a: {  	_ =	shalt  }
0x4b: {  	_ =	shalt  }
0x4c: {  	_ =	shalt  }
0x4d: {  	_ =	shalt  }
0x4e: {  	_ =	shalt  }
0x4f: {  	_ =	shalt  }
0x50: {  	_ =	shalt  }
0x51: {  	_ =	shalt  }
0x52: {  	_ =	shalt  }
0x53: {  	_ =	shalt  }
0x54: {  	_ =	shalt  }
0x55: {  	_ =	shalt  }
0x56: {  	_ =	shalt  }
0x57: {  	_ =	shalt  }
0x58: {  	_ =	shalt  }
0x59: {  	_ =	shalt  }
0x5a: {  	_ =	shalt  }
0x5b: {  	_ =	shalt  }
0x5c: {  	_ =	shalt  }
0x5d: {  	_ =	shalt  }
0x5e: {  	_ =	shalt  }
0x5f: {  	_ =	shalt  }
0x60: {  	_ =	shalt  }
0x61: {  	_ =	shalt  }
0x62: {  	_ =	shalt  }
0x63: {  	_ =	shalt  }
0x64: {  	_ =	shalt  }
0x65: {  	_ =	shalt  }
0x66: {  	_ =	shalt  }
0x67: {  	_ =	shalt  }
0x68: {  	_ =	shalt  }
0x69: {  	_ =	shalt  }
0x6a: {  	_ =	shalt  }
0x6b: {  	_ =	shalt  }
0x6c: {  	_ =	shalt  }
0x6d: {  	_ =	shalt  }
0x6e: {  	_ =	shalt  }
0x6f: {  	_ =	shalt  }
0x70: {  	_ =	shalt  }
0x71: {  	_ =	shalt  }
0x72: {  	_ =	shalt  }
0x73: {  	_ =	shalt  }
0x74: {  	_ =	shalt  }
0x75: {  	_ =	shalt  }
0x76: {  	_ =	shalt  }
0x77: {  	_ =	shalt  }
0x78: {  	_ =	shalt  }
0x79: {  	_ =	shalt  }
0x7a: {  	_ =	shalt  }
0x7b: {  	_ =	shalt  }
0x7c: {  	_ =	shalt  }
0x7d: {  	_ =	shalt  }
0x7e: {  	_ =	shalt  }
0x7f: {  	_ =	shalt  }
0x80: {  	_ =	shalt  }
0x81: {  	_ =	shalt  }
0x82: {  	_ =	shalt  }
0x83: {  	_ =	shalt  }
0x84: {  	_ =	shalt  }
0x85: {  	_ =	shalt  }
0x86: {  	_ =	shalt  }
0x87: {  	_ =	shalt  }
.Lfunc_end0:
.L_simem_size_0:
called_computation.2_lowered:
.L_overlay_start_0:
0x88: {  	s2 =	sld [smem:$0x3FD9]  }
0x89: {  	s3 =	sld [smem:$0x3FFE];
	_ =	sdelay $0x1  }
0x8a: {  	s1 =	srdreg.scid  }
0x8b: {  	s0 =	sand.u32 $0x1, s1  }
0x8c: {  	s14 =	sshll.u32 s0, $0xA;
	s2 =	sadd.s32 s3, s2  }
0x8d: {  	s2 =	sadd.s32 s2, s14  }
0x8e: {  	[smem:$0x3FBF] =	sst s2  }
0x8f: {  	_ = 	snop  }
0x90: {  	s2 =	sld [smem:$0x3FD0];
	_ =	sdelay $0x1  }
0x91: {  	s15 =	sld [smem:$0x3FC9]  }
0x92: {  	s5 =	simm.s32 $0xB;
	s6 =	simm.s32 $0x10;
	s4 =	sld [smem:$0x3FC7]  }
0x93: {  	[smem:s6], [sflag:s5] =	dma.local [hbm:s2], $0x1  }
0x94: {  	_ =	swait.eq [sflag:s5], $0x1  }
0x95: {  	s16 =	sld [smem:$0x10];
	[sflag:s5] =	ssyncset.done $0x0  }
0x96: {  	s17 =	sld [smem:$0x11];
	[sflag:s5] =	ssyncadd.s32 $0xFFFFFFFF  }
0x97: {  	s18 =	sld [smem:$0x12];
	(tm) =	ssettm $0x1  }
0x98: {  	s7 =	sld [smem:$0x3FFB];
	_ =	sdelay $0x3  }
0x99: {  	_ =	strace s7  }
0x9a: {  	s7 =	sld [smem:$0x3FFC];
	_ =	sdelay $0x3  }
0x9b: {  	_ =	strace s7  }
0x9c: {  	s7 =	sld [smem:$0x3FFD];
	_ =	sdelay $0x3  }
0x9d: {  	_ =	strace s7  }
0x9e: {  	_ =	strace $0x8FFFFFFF  }
0x9f: {  	s19 =	sld [smem:$0x3FDB];
	_ =	sdelay $0x1  }
0xa0: {  	s8 =	simm.s32 $_scs_section_size  }
0xa1: {  	s9 =	simm.s32 $_size__tile_overlayer_lowered;
	s10 =	simm.s32 $_tile_overlayer_lowered  }
0xa2: {  	s22 =	simm.s32 $0x1BFF;
	s21 =	sshll.u32 s10, $0x1;
	s7 =	sadd.s32 s8, s19  }
0xa3: {  	s11 =	simm.s32 $0x0;
	s20 =	sshll.u32 s9, $0x1;
	s9 =	sadd.s32 s21, s7  }
0xa4: {  	[timem:s11], [sflag:s22] =	dma.local [hbm:s9], s20  }
0xa5: {  	_ =	swait.ge [sflag:s22], s20  }
0xa6: {  	s8 =	ssub.s32 $0x0, s20;
	[sflag:s22] =	ssyncset.done $0x0  }
0xa7: {  	[sflag:s22] =	ssyncadd.s32 s8;
	_ =	sdelay $0x1  }
0xa8: {  	s23 =	simm.s32 $0x1B8B  }
0xa9: {  	_ =	swait.ge [sflag:s23], $0x1  }
0xaa: {  	[sflag:s23] =	ssyncset.done $0x0  }
0xab: {  	s25 =	simm.s32 $0x1B8E;
	s24 =	sld [smem:$0x3FFE];
	[sflag:s23] =	ssyncadd.s32 $0xFFFFFFFF  }
0xac: {  	s26 =	simm.s32 $execute0_lowered;
	[smem:$0x3FD2] =	sst s25  }
0xad: {  	s9 =	sshll.u32 s26, $0x1;
	_ =	strace $0x8000004C;
	[dreg:$0x1] =	wrdreg $0xFFFFFFFF  }
0xae: {  	s28 =	simm.s32 $_size_execute0_lowered;
	s7 =	sadd.s32 s7, s9;
	[dreg:$0x0] =	wrdreg $0x0  }
0xaf: {  	s9 =	sshll.u32 s28, $0x1;
	[dreg:$0x2] =	wrdreg s7  }
0xb0: {  	[dreg:$0x3] =	wrdreg s9  }
0xb1: {  	[dreg:$0x4] =	wrdreg $0xC0  }
0xb2: {  	_ =	task [dreg:s11], $0x5FFFF  }
0xb3: {  	[dreg:$0x1] =	wrdreg $0xFFFFFFFF  }
0xb4: {  	[dreg:$0x0] =	wrdreg $0x60  }
0xb5: {  	[dreg:$0x2] =	wrdreg s17  }
0xb6: {  	[dreg:$0x3] =	wrdreg s15  }
0xb7: {  	[dreg:$0x4] =	wrdreg s24  }
0xb8: {  	[dreg:$0x5] =	wrdreg s4  }
0xb9: {  	[dreg:$0x6] =	wrdreg s16  }
0xba: {  	[dreg:$0x7] =	wrdreg s18  }
0xbb: {  	[dreg:$0x8] =	wrdreg $0x9  }
0xbc: {  	_ =	task.clear_ibuf [dreg:s11], $0x9FFFF;
	_ =	strace $0x9000004C  }
0xbd: {  	s29 =	simm.s32 $0x9;
	_ =	strace $0x8000004E  }
0xbe: {  	_ =	swait.ge [sflag:s29], $0x1  }
0xbf: {  	[sflag:s29] =	ssyncadd.s32 $0xFFFFFFFF  }
0xc0: {  	_ =	strace $0x9000004E  }
0xc1: {  	_ =	sfence  }
0xc2: {  	s30 =	sld [smem:$0x0];
	_ =	sdelay $0x2  }
0xc3: {  	s31 =	sshll.u32 s1, $0xD;
	s1 =	sshrl.u32 s1, $0x2  }
0xc4: {  	s3 =	sand.u32 $0x4000, s31;
	s1 =	sadd.s32 s1, s30  }
0xc5: {  	s0 =	sor.u32 s3, s0;
	s1 =	sshll.u32 s1, $0x11  }
0xc6: {  	s0 =	sor.u32 s1, s0  }
0xc7: {  	s0 =	sadd.s32 $0x8F2B, s0  }
0xc8: {  	[sflag:s0] =	ssyncadd.remote.s32 $0x1  }
0xc9: {  	_ =	sfence.sel $0xFFFF  }
0xca: {  	[dreg:$0x0] =	wrdreg $0xFFFFFFFF;
	(pc) =	sbr.abs _section_cstart, $3  }
0xcb: {  	[dreg:$0x1] =	wrdreg $0xFFFFFFFF  }
0xcc: {  	_ =	task.clear_ibuf [dreg:s11], $0x2FFFF;
	_ =	strace $0x9FFFFFFF  }
0xcd: {  	(tm) =	ssettm $0x7FFFFFFF  }
tec
execute0_lowered:
.L_overlay_start_1:
0x0: {  	(tag) =	ssettag $0x1  }
0x1: {  	s0 =	rddreg [dreg:$0x0]  }
0x2: {  	s1 =	rddreg [dreg:$0x1]  }
0x3: {  	s2 =	rddreg [dreg:$0x2]  }
0x4: {  	s3 =	rddreg [dreg:$0x3];
	s4 =	srdreg.scid  }
0x5: {  	s11 =	stileid.u32;
	s5 =	rddreg [dreg:$0x4];
	s15 =	simm.s32 $0xD  }
0x6: {  	s17 =	simm.s32 $0xC40;
	s19 =	simm.s32 $0x2840;
	s16 =	simm.s32 $0x1  }
0x7: {  	s18 =	simm.s32 $0x2;
	s20 =	simm.s32 $0x3;
	s9 =	smul.u32 $0x61B, s11  }
0x8: {  	s6 =	sand.u32 $0x1, s4;
	s21 =	sshll.u32 s11, $0x1;
	s11 =	smul.u32 $0x186A, s11  }
0x9: {  	s29 =	simm.s32 $0x9;
	s31 =	simm.s32 $0x9040;
	s8 =	smul.u32 $0x1400, s6  }
0xa: {  	s28 =	simm.s32 $0xCC40;
	s4 =	simm.s32 $0x0;
	s13 =	smul.u32 $0xC35, s6  }
0xb: {  	s7 =	sor.u32 s6, s21;
	s10 =	ssub.s32 $0x2, s6;
	s6 =	smul.u32 $0x186A000, s6  }
0xc: {  	[smem:$0x7FF] =	sst s4;
	s21 =	simm.s32 $0x4;
	s7 =	smul.u32 $0xC35, s7  }
0xd: {  	_ =	strace $0x8000004D;
	s12 =	sshrl.u32 s10, $0x1;
	s22 =	smin.u32 s9, $0x5B88  }
0xe: {  	s9 =	simm.s32 $0x0;
	s2 =	sadd.s32 s8, s2;
	s10 =	ssub.s32 s10, s12  }
0xf: {  	s23 =	sadd.s32 s13, s11;
	s24 =	sshll.u32 s22, $0x4;
	s13 =	simm.s32 $0x38  }
0x10: {  	s7 =	sand.u32 $0x1FFF8, s7;
	s2 =	sadd.s32 $0x3600, s2;
	s3 =	sadd.s32 s3, s24  }
0x11: {  	s30 =	smax.u32 s10, $0x1;
	s24 =	simm.s32 $0x4440;
	[dreg:$0x8] =	wrdreg s2  }
0x12: {  	s10 =	simm.s32 $0x10840;
	s7 =	smin.u32 s7, $0x17A60;
	[dreg:$0x9] =	wrdreg s3  }
0x13: {  	s2 =	sand.u32 $0x3FFF8, s23;
	s25 =	sadd.s32 $0x200, s3;
	[dreg:$0xb] =	wrdreg s30  }
0x14: {  	s23 =	simm.s32 $0x6;
	s7 =	sshrl.u32 s7, $0x3;
	s2 =	smin.u32 s2, $0x17A60  }
0x15: {  	[dreg:$0xa] =	wrdreg s25;
	s25 =	simm.s32 $0x6040;
	s1 =	sadd.s32 s1, s7  }
0x16: {  	s26 =	sshll.u32 s2, $0x4;
	[dreg:$0x7] =	wrdreg s1;
	s1 =	sshll.u32 s22, $0xA  }
0x17: {  	s2 =	simm.s32 $0xA440;
	s22 =	simm.s32 $0xA;
	s8 =	sadd.s32 s6, s1  }
0x18: {  	s1 =	sadd.s32 s26, s5;
	s26 =	simm.s32 $0x7C40;
	s5 =	simm.s32 $0xE040  }
0x19: {  	s6 =	simm.s32 $0xF440;
	[dreg:$0xc] =	wrdreg s1;
	s1 =	simm.s32 $0xB840  }
.LBB2_1:
0x1a: {  	[dreg:$0xd] =	wrdreg s9  }
0x1b: {  	s3 =	rddreg [dreg:$0x7]  }
0x1c: {  	[tilespmem:s4], [sflag:$0xD] =	stream.linear.gather [hbm4b:s3+s4], $0xC40, $0x38;
	[tilespmem:$0x1AC40] =	vst v63  }
0x1d: {  	_ =	swait.ge [sflag:s15], $0xC40  }
0x1e: {  	[sflag:s15] =	ssyncset.done $0x0  }
0x1f: {  	[sflag:s15] =	ssyncadd.s32 $0xFFFFF3C0  }
0x20: {  	[tilespmem:s17], [sflag:$0x1] =	stream.indirect.gather [hbm4b:s0+s13], $0x80, s4, s13, $0xb8;
	[tilespmem:$0x1AC40] =	vst v63  }
0x21: {  	s7 =	simm.s32 $0x0;
	s3 =	rddreg [dreg:$0xc]  }
0x22: {  	[tilespmem:s19], [sflag:$0x2] =	stream.indirect.gather [hbm4b:s0+s13], $0x80, s13, s13, $0xb8;
	[tilespmem:$0x1AC40] =	vst v63  }
.LBB2_2:
0x23: {  	_ =	swait.ge [sflag:s16], $0x1C00  }
0x24: {  	p0 =	seq.s32 s7, $0x0;
	[sflag:s16] =	ssyncset.done $0x0  }
0x25: {  	s11 =	simm.s32 @!p0 $0x7;
	[sflag:s16] =	ssyncadd.s32 $0xFFFFE400  }
0x26: {  	[hbm4b:s3+s4] =	stream.linear.scatter [tilespmem:s17], [sflag:$0x5], $0x1C00, $0x38;
	[tilespmem:$0x1AC40] =	vst v63  }
0x27: {  	_ =	swait.ge @!p0 [sflag:s11], $0x1C00  }
0x28: {  	s9 =	sshra.s32 s7, $0x2;
	[sflag:s11] =	ssyncset.done @!p0 $0x0  }
0x29: {  	s14 =	sadd.s32 $0x70, s9;
	[sflag:s11] =	ssyncadd.s32 @!p0 $0xFFFFE400  }
0x2a: {  	[tilespmem:s24], [sflag:$0x3] =	stream.indirect.gather [hbm4b:s0+s13], $0x80, s14, s13, $0xb8;
	[tilespmem:$0x1AC40] =	vst v63  }
0x2b: {  	_ =	swait.ge [sflag:s18], $0x1C00  }
0x2c: {  	[sflag:s18] =	ssyncset.done $0x0  }
0x2d: {  	s30 =	sadd.s32 $0x380, s3;
	s11 =	simm.s32 @!p0 $0x8;
	[sflag:s18] =	ssyncadd.s32 $0xFFFFE400  }
0x2e: {  	[hbm4b:s30+s4] =	stream.linear.scatter [tilespmem:s19], [sflag:$0x6], $0x1C00, $0x38;
	[tilespmem:$0x1AC40] =	vst v63  }
0x2f: {  	_ =	swait.ge @!p0 [sflag:s11], $0x1C00  }
0x30: {  	[sflag:s11] =	ssyncset.done @!p0 $0x0  }
0x31: {  	s12 =	sadd.s32 $0xA8, s9;
	[sflag:s11] =	ssyncadd.s32 @!p0 $0xFFFFE400  }
0x32: {  	[tilespmem:s25], [sflag:$0x4] =	stream.indirect.gather [hbm4b:s0+s13], $0x80, s12, s13, $0xb8;
	[tilespmem:$0x1AC40] =	vst v63  }
0x33: {  	_ =	swait.ge [sflag:s20], $0x1C00  }
0x34: {  	p0 =	seq.s32 s7, $0x2D80;
	[sflag:s20] =	ssyncset.done $0x0  }
0x35: {  	s14 =	sadd.s32 $0x700, s3;
	s11 =	simm.s32 @!p0 $0x5;
	[sflag:s20] =	ssyncadd.s32 $0xFFFFE400  }
0x36: {  	[hbm4b:s14+s4] =	stream.linear.scatter [tilespmem:s24], [sflag:$0x7], $0x1C00, $0x38;
	[tilespmem:$0x1AC40] =	vst v63  }
0x37: {  	_ =	swait.ge @!p0 [sflag:s11], $0x1C00  }
0x38: {  	[sflag:s11] =	ssyncset.done @!p0 $0x0  }
0x39: {  	[sflag:s11] =	ssyncadd.s32 @!p0 $0xFFFFE400;
	s11 =	sshra.s32 @!p0 s7, $0x2  }
0x3a: {  	s12 =	simm.s32 @!p0 $0x38;
	s14 =	simm.s32 @!p0 $0xC40;
	s11 =	sadd.s32 @!p0 $0xE0, s11  }
0x3b: {  	[tilespmem:s14], [sflag:$0x1] =	stream.indirect.gather @!p0 [hbm4b:s0+s12], $0x80, s11, s12, $0xb8;
	[tilespmem:$0x1AC40] =	vst v63  }
.Ltmp0:
0x3c: {  	_ = 	snop;
	(pc) =	sbr.rel @p0 .LBB2_4-.Ltmp0, $4  }
0x3d: {  	_ =	swait.ge [sflag:s21], $0x1C00  }
0x3e: {  	[sflag:s21] =	ssyncset.done $0x0  }
0x3f: {  	s30 =	sadd.s32 $0xA80, s3;
	[sflag:s21] =	ssyncadd.s32 $0xFFFFE400  }
0x40: {  	[hbm4b:s30+s4] =	stream.linear.scatter [tilespmem:s25], [sflag:$0x8], $0x1C00, $0x38;
	[tilespmem:$0x1AC40] =	vst v63  }
.Ltmp1:
0x41: {  	(pc) =	sbr.rel .LBB2_2-.Ltmp1, $4  }
0x42: {  	_ =	swait.ge [sflag:s23], $0x1C00  }
0x43: {  	s9 =	sadd.s32 $0x118, s9;
	[sflag:s23] =	ssyncset.done $0x0  }
0x44: {  	s7 =	sadd.s32 $0x380, s7;
	s3 =	sadd.s32 $0xE00, s3;
	[sflag:s23] =	ssyncadd.s32 $0xFFFFE400  }
0x45: {  	[tilespmem:s19], [sflag:$0x2] =	stream.indirect.gather [hbm4b:s0+s13], $0x80, s9, s13, $0xb8;
	[tilespmem:$0x1AC40] =	vst v63  }
.LBB2_4:
0x46: {  	s3 =	simm.s32 $0x5  }
0x47: {  	_ =	swait.ge [sflag:s3], $0x1C00  }
0x48: {  	[sflag:s3] =	ssyncset.done $0x0  }
0x49: {  	[sflag:s3] =	ssyncadd.s32 $0xFFFFE400  }
0x4a: {  	_ =	swait.ge [sflag:s23], $0x1C00  }
0x4b: {  	[sflag:s23] =	ssyncset.done $0x0  }
0x4c: {  	s19 =	simm.s32 $0x7;
	[sflag:s23] =	ssyncadd.s32 $0xFFFFE400  }
0x4d: {  	_ =	swait.ge [sflag:s19], $0x1C00  }
0x4e: {  	[sflag:s19] =	ssyncset.done $0x0  }
0x4f: {  	s24 =	simm.s32 $0x8;
	[sflag:s19] =	ssyncadd.s32 $0xFFFFE400  }
0x50: {  	_ =	swait.ge [sflag:s24], $0x1C00  }
0x51: {  	[sflag:s24] =	ssyncset.done $0x0  }
0x52: {  	s12 =	simm.s32 $0x0;
	s25 =	rddreg [dreg:$0x8];
	[sflag:s24] =	ssyncadd.s32 $0xFFFFE400  }
0x53: {  	[tilespmem:s26], [sflag:$0xD] =	stream.linear.gather [hbm4b:s25+s12], $0xA000, $0x38;
	[tilespmem:$0x1AC40] =	vst v63  }
0x54: {  	_ =	swait.ge [sflag:s15], $0xA000  }
0x55: {  	[sflag:s15] =	ssyncset.done $0x0  }
0x56: {  	s7 =	simm.s32 $0x11C40;
	s30 =	rddreg [dreg:$0x9];
	[sflag:s15] =	ssyncadd.s32 $0xFFFF6000  }
0x57: {  	[tilespmem:s7], [sflag:$0x9] =	stream.linear.gather [hbm4b:s30+s12], $0x800, $0x38;
	[tilespmem:$0x1AC40] =	vst v63  }
.LBB2_5:
0x58: {  	_ =	swait.ge [sflag:s29], $0x800;
	s30 =	sshllo.u32 s12, $0x1;
	s25 =	simm.s32 $0x12440  }
0x59: {  	[sflag:s29] =	ssyncset.done $0x0;
	s3 =	sshll.u32 s30, $0x8;
	s7 =	rddreg [dreg:$0x9]  }
0x5a: {  	p0 =	seq.s32 s12, $0x0;
	[sflag:s29] =	ssyncadd.s32 $0xFFFFF800;
	s3 =	sadd.s32 s3, s7  }
0x5b: {  	[tilespmem:s25], [sflag:$0xA] =	stream.linear.gather [hbm4b:s3+s4], $0x800, $0x38;
	[tilespmem:$0x1AC40] =	vst v63  }
0x5c: {  	s3 =	simm.s32 @!p0 $0xB  }
0x5d: {  	_ =	swait.ge @!p0 [sflag:s3], $0x4000  }
0x5e: {  	[sflag:s3] =	ssyncset.done @!p0 $0x0  }
0x5f: {  	s15 =	simm.s32 $0x11CC0;
	[sflag:s3] =	ssyncadd.s32 @!p0 $0xFFFFC000  }
0x60: {  	v0 =	vld [tilespmem:s15+$0x0];
	_ =	sdelay $0x7  }
0x61: {  	v1 =	vld.idx.msk [tilespmem:v0+s26+$0x0], $0xffff;
	_ =	sdelay $0x3  }
0x62: {  	s11 =	simm.s32 $0x13040  }
0x63: {  	[tilespmem:s11+$0x0] =	vst v1  }
0x64: {  	v1 =	vld.idx.msk [tilespmem:v0+s31+$0x0], $0xffff;
	_ =	sdelay $0x4  }
0x65: {  	[tilespmem:s11+$0x80] =	vst v1  }
0x66: {  	v1 =	vld.idx.msk [tilespmem:v0+s2+$0x0], $0xffff;
	_ =	sdelay $0x4  }
0x67: {  	v2 =	vld [tilespmem:s15+$0xFFFFFF80];
	[tilespmem:s11+$0x100] =	vst v1  }
0x68: {  	v1 =	vld.idx.msk [tilespmem:v0+s1+$0x0], $0xffff;
	_ =	sdelay $0x4  }
0x69: {  	[tilespmem:s11+$0x180] =	vst v1  }
0x6a: {  	v1 =	vld.idx.msk [tilespmem:v0+s28+$0x0], $0xffff  }
0x6b: {  	v3 =	vld.idx.msk [tilespmem:v2+s26+$0x0], $0xffff;
	_ =	sdelay $0x3  }
0x6c: {  	[tilespmem:s11+$0x200] =	vst v1  }
0x6d: {  	[tilespmem:s11+$0xFFFFFC00] =	vst v3;
	v1 =	vld.idx.msk [tilespmem:v0+s5+$0x0], $0xffff  }
0x6e: {  	v3 =	vld.idx.msk [tilespmem:v2+s31+$0x0], $0xffff;
	_ =	sdelay $0x3  }
0x6f: {  	[tilespmem:s11+$0x280] =	vst v1  }
0x70: {  	[tilespmem:s11+$0xFFFFFC80] =	vst v3;
	v1 =	vld.idx.msk [tilespmem:v0+s6+$0x0], $0xffff  }
0x71: {  	v3 =	vld.idx.msk [tilespmem:v2+s2+$0x0], $0xffff;
	_ =	sdelay $0x3  }
0x72: {  	[tilespmem:s11+$0x300] =	vst v1  }
0x73: {  	[tilespmem:s11+$0xFFFFFD00] =	vst v3;
	v0 =	vld.idx.msk [tilespmem:v0+s10+$0x0], $0xffff  }
0x74: {  	v1 =	vld.idx.msk [tilespmem:v2+s1+$0x0], $0xffff;
	_ =	sdelay $0x3  }
0x75: {  	[tilespmem:s11+$0x380] =	vst v0  }
0x76: {  	[tilespmem:s11+$0xFFFFFD80] =	vst v1;
	v0 =	vld [tilespmem:s15+$0x10]  }
0x77: {  	v1 =	vld.idx.msk [tilespmem:v2+s28+$0x0], $0xffff;
	_ =	sdelay $0x4  }
0x78: {  	[tilespmem:s11+$0xFFFFFE00] =	vst v1  }
0x79: {  	v1 =	vld.idx.msk [tilespmem:v2+s5+$0x0], $0xffff  }
0x7a: {  	v3 =	vld.idx.msk [tilespmem:v0+s26+$0x0], $0xffff;
	_ =	sdelay $0x3  }
0x7b: {  	[tilespmem:s11+$0xFFFFFE80] =	vst v1  }
0x7c: {  	v1 =	vld.idx.msk [tilespmem:v2+s6+$0x0], $0xffff;
	[tilespmem:s11+$0x10] =	vst v3  }
0x7d: {  	v3 =	vld.idx.msk [tilespmem:v0+s31+$0x0], $0xffff;
	_ =	sdelay $0x3  }
0x7e: {  	[tilespmem:s11+$0xFFFFFF00] =	vst v1  }
0x7f: {  	v1 =	vld.idx.msk [tilespmem:v2+s10+$0x0], $0xffff;
	[tilespmem:s11+$0x90] =	vst v3  }
0x80: {  	v3 =	vld.idx.msk [tilespmem:v0+s2+$0x0], $0xffff;
	_ =	sdelay $0x3  }
0x81: {  	[tilespmem:s11+$0xFFFFFF80] =	vst v1  }
0x82: {  	v1 =	vld [tilespmem:s15+$0xFFFFFF90];
	[tilespmem:s11+$0x110] =	vst v3  }
0x83: {  	v2 =	vld.idx.msk [tilespmem:v0+s1+$0x0], $0xffff;
	_ =	sdelay $0x4  }
0x84: {  	[tilespmem:s11+$0x190] =	vst v2  }
0x85: {  	v2 =	vld.idx.msk [tilespmem:v0+s28+$0x0], $0xffff  }
0x86: {  	v3 =	vld.idx.msk [tilespmem:v1+s26+$0x0], $0xffff;
	_ =	sdelay $0x3  }
0x87: {  	[tilespmem:s11+$0x210] =	vst v2  }
0x88: {  	[tilespmem:s11+$0xFFFFFC10] =	vst v3;
	v2 =	vld.idx.msk [tilespmem:v0+s5+$0x0], $0xffff  }
0x89: {  	v3 =	vld.idx.msk [tilespmem:v1+s31+$0x0], $0xffff;
	_ =	sdelay $0x3  }
0x8a: {  	[tilespmem:s11+$0x290] =	vst v2  }
0x8b: {  	[tilespmem:s11+$0xFFFFFC90] =	vst v3;
	v2 =	vld.idx.msk [tilespmem:v0+s6+$0x0], $0xffff  }
0x8c: {  	v3 =	vld.idx.msk [tilespmem:v1+s2+$0x0], $0xffff;
	_ =	sdelay $0x3  }
0x8d: {  	[tilespmem:s11+$0x310] =	vst v2  }
0x8e: {  	[tilespmem:s11+$0xFFFFFD10] =	vst v3;
	v0 =	vld.idx.msk [tilespmem:v0+s10+$0x0], $0xffff  }
0x8f: {  	v2 =	vld.idx.msk [tilespmem:v1+s1+$0x0], $0xffff;
	_ =	sdelay $0x3  }
0x90: {  	[tilespmem:s11+$0x390] =	vst v0  }
0x91: {  	[tilespmem:s11+$0xFFFFFD90] =	vst v2;
	v0 =	vld [tilespmem:s15+$0x20]  }
0x92: {  	v2 =	vld.idx.msk [tilespmem:v1+s28+$0x0], $0xffff;
	_ =	sdelay $0x4  }
0x93: {  	[tilespmem:s11+$0xFFFFFE10] =	vst v2  }
0x94: {  	v2 =	vld.idx.msk [tilespmem:v1+s5+$0x0], $0xffff  }
0x95: {  	v3 =	vld.idx.msk [tilespmem:v0+s26+$0x0], $0xffff;
	_ =	sdelay $0x3  }
0x96: {  	s14 =	simm.s32 $0x11DC0;
	[tilespmem:s11+$0xFFFFFE90] =	vst v2  }
0x97: {  	v2 =	vld [tilespmem:s14+$0x0];
	[tilespmem:s11+$0x20] =	vst v3  }
0x98: {  	v3 =	vld.idx.msk [tilespmem:v0+s31+$0x0], $0xffff;
	_ =	sdelay $0x1  }
0x99: {  	v4 =	vld.idx.msk [tilespmem:v1+s6+$0x0], $0xffff;
	_ =	sdelay $0x2  }
0x9a: {  	[tilespmem:s11+$0xA0] =	vst v3  }
0x9b: {  	v3 =	vld.idx.msk [tilespmem:v0+s2+$0x0], $0xffff  }
0x9c: {  	[tilespmem:s11+$0xFFFFFF10] =	vst v4;
	v4 =	vld.idx.msk [tilespmem:v2+s26+$0x0], $0xffff  }
0x9d: {  	v1 =	vld.idx.msk [tilespmem:v1+s10+$0x0], $0xffff  }
0x9e: {  	v5 =	vld [tilespmem:s14+$0xFFFFFF80];
	_ =	sdelay $0x1  }
0x9f: {  	s24 =	simm.s32 $0x13840;
	[tilespmem:s11+$0x120] =	vst v3  }
0xa0: {  	[tilespmem:s24+$0x0] =	vst v4;
	v3 =	vld.idx.msk [tilespmem:v0+s1+$0x0], $0xffff  }
0xa1: {  	[tilespmem:s11+$0xFFFFFF90] =	vst v1;
	v4 =	vld.idx.msk [tilespmem:v2+s31+$0x0], $0xffff  }
0xa2: {  	v1 =	vld [tilespmem:s15+$0xFFFFFFA0];
	_ =	sdelay $0x2  }
0xa3: {  	v6 =	vld.idx.msk [tilespmem:v5+s26+$0x0], $0xffff;
	[tilespmem:s11+$0x1A0] =	vst v3  }
0xa4: {  	[tilespmem:s24+$0x80] =	vst v4;
	v3 =	vld.idx.msk [tilespmem:v0+s28+$0x0], $0xffff  }
0xa5: {  	v4 =	vld.idx.msk [tilespmem:v2+s2+$0x0], $0xffff;
	_ =	sdelay $0x2  }
0xa6: {  	[tilespmem:s24+$0xFFFFFC00] =	vst v6;
	v7 =	vld.idx.msk [tilespmem:v1+s26+$0x0], $0xffff  }
0xa7: {  	v6 =	vld.idx.msk [tilespmem:v5+s31+$0x0], $0xffff;
	[tilespmem:s11+$0x220] =	vst v3  }
0xa8: {  	[tilespmem:s24+$0x100] =	vst v4;
	v3 =	vld.idx.msk [tilespmem:v0+s5+$0x0], $0xffff  }
0xa9: {  	v4 =	vld.idx.msk [tilespmem:v2+s1+$0x0], $0xffff;
	_ =	sdelay $0x1  }
0xaa: {  	[tilespmem:s11+$0xFFFFFC20] =	vst v7  }
0xab: {  	[tilespmem:s24+$0xFFFFFC80] =	vst v6;
	v7 =	vld.idx.msk [tilespmem:v1+s31+$0x0], $0xffff  }
0xac: {  	v6 =	vld.idx.msk [tilespmem:v5+s2+$0x0], $0xffff;
	[tilespmem:s11+$0x2A0] =	vst v3  }
0xad: {  	[tilespmem:s24+$0x180] =	vst v4;
	v3 =	vld.idx.msk [tilespmem:v0+s6+$0x0], $0xffff  }
0xae: {  	v4 =	vld.idx.msk [tilespmem:v2+s28+$0x0], $0xffff;
	_ =	sdelay $0x1  }
0xaf: {  	[tilespmem:s11+$0xFFFFFCA0] =	vst v7  }
0xb0: {  	[tilespmem:s24+$0xFFFFFD00] =	vst v6;
	v7 =	vld.idx.msk [tilespmem:v1+s2+$0x0], $0xffff  }
0xb1: {  	[tilespmem:s11+$0x320] =	vst v3;
	v3 =	vld.idx.msk [tilespmem:v5+s1+$0x0], $0xffff  }
0xb2: {  	[tilespmem:s24+$0x200] =	vst v4;
	v0 =	vld.idx.msk [tilespmem:v0+s10+$0x0], $0xffff  }
0xb3: {  	v4 =	vld.idx.msk [tilespmem:v2+s5+$0x0], $0xffff;
	_ =	sdelay $0x1  }
0xb4: {  	[tilespmem:s11+$0xFFFFFD20] =	vst v7  }
0xb5: {  	v6 =	vld.idx.msk [tilespmem:v1+s1+$0x0], $0xffff;
	[tilespmem:s24+$0xFFFFFD80] =	vst v3  }
0xb6: {  	[tilespmem:s11+$0x3A0] =	vst v0;
	v3 =	vld.idx.msk [tilespmem:v5+s28+$0x0], $0xffff  }
0xb7: {  	[tilespmem:s24+$0x280] =	vst v4;
	v0 =	vld [tilespmem:s15+$0x30]  }
0xb8: {  	v4 =	vld.idx.msk [tilespmem:v2+s6+$0x0], $0xffff;
	_ =	sdelay $0x1  }
0xb9: {  	[tilespmem:s11+$0xFFFFFDA0] =	vst v6  }
0xba: {  	v6 =	vld.idx.msk [tilespmem:v1+s28+$0x0], $0xffff  }
0xbb: {  	[tilespmem:s24+$0xFFFFFE00] =	vst v3  }
0xbc: {  	[tilespmem:s24+$0x300] =	vst v4;
	v3 =	vld.idx.msk [tilespmem:v5+s5+$0x0], $0xffff  }
0xbd: {  	v2 =	vld.idx.msk [tilespmem:v2+s10+$0x0], $0xffff  }
0xbe: {  	v4 =	vld.idx.msk [tilespmem:v0+s26+$0x0], $0xffff  }
0xbf: {  	[tilespmem:s11+$0xFFFFFE20] =	vst v6  }
0xc0: {  	v6 =	vld.idx.msk [tilespmem:v1+s5+$0x0], $0xffff  }
0xc1: {  	[tilespmem:s24+$0xFFFFFE80] =	vst v3  }
0xc2: {  	[tilespmem:s24+$0x380] =	vst v2;
	v3 =	vld.idx.msk [tilespmem:v5+s6+$0x0], $0xffff  }
0xc3: {  	[tilespmem:s11+$0x30] =	vst v4;
	v4 =	vld [tilespmem:s14+$0x10]  }
0xc4: {  	v2 =	vld.idx.msk [tilespmem:v0+s31+$0x0], $0xffff  }
0xc5: {  	[tilespmem:s11+$0xFFFFFEA0] =	vst v6  }
0xc6: {  	v6 =	vld.idx.msk [tilespmem:v1+s6+$0x0], $0xffff;
	_ =	sdelay $0x1  }
0xc7: {  	[tilespmem:s24+$0xFFFFFF00] =	vst v3  }
0xc8: {  	v3 =	vld.idx.msk [tilespmem:v5+s10+$0x0], $0xffff;
	[tilespmem:s11+$0xB0] =	vst v2  }
0xc9: {  	v2 =	vld.idx.msk [tilespmem:v0+s2+$0x0], $0xffff  }
0xca: {  	[tilespmem:s11+$0xFFFFFF20] =	vst v6;
	v5 =	vld.idx.msk [tilespmem:v4+s26+$0x0], $0xffff  }
0xcb: {  	v1 =	vld.idx.msk [tilespmem:v1+s10+$0x0], $0xffff;
	_ =	sdelay $0x2  }
0xcc: {  	[tilespmem:s11+$0x130] =	vst v2  }
0xcd: {  	v2 =	vld.idx.msk [tilespmem:v0+s1+$0x0], $0xffff;
	[tilespmem:s24+$0x10] =	vst v5  }
0xce: {  	[tilespmem:s11+$0xFFFFFFA0] =	vst v1;
	v5 =	vld.idx.msk [tilespmem:v4+s31+$0x0], $0xffff  }
0xcf: {  	[tilespmem:s24+$0xFFFFFF80] =	vst v3;
	v3 =	vld [tilespmem:s15+$0xFFFFFFB0]  }
0xd0: {  	v1 =	vld [tilespmem:s14+$0xFFFFFF90];
	_ =	sdelay $0x1  }
0xd1: {  	[tilespmem:s11+$0x1B0] =	vst v2  }
0xd2: {  	v2 =	vld.idx.msk [tilespmem:v0+s28+$0x0], $0xffff;
	[tilespmem:s24+$0x90] =	vst v5  }
0xd3: {  	v5 =	vld.idx.msk [tilespmem:v4+s2+$0x0], $0xffff;
	_ =	sdelay $0x2  }
0xd4: {  	v7 =	vld.idx.msk [tilespmem:v3+s26+$0x0], $0xffff  }
0xd5: {  	v6 =	vld.idx.msk [tilespmem:v1+s26+$0x0], $0xffff;
	[tilespmem:s11+$0x230] =	vst v2  }
0xd6: {  	v2 =	vld.idx.msk [tilespmem:v0+s5+$0x0], $0xffff;
	[tilespmem:s24+$0x110] =	vst v5  }
0xd7: {  	v5 =	vld.idx.msk [tilespmem:v4+s1+$0x0], $0xffff;
	_ =	sdelay $0x1  }
0xd8: {  	[tilespmem:s11+$0xFFFFFC30] =	vst v7  }
0xd9: {  	[tilespmem:s24+$0xFFFFFC10] =	vst v6;
	v7 =	vld.idx.msk [tilespmem:v3+s31+$0x0], $0xffff  }
0xda: {  	v6 =	vld.idx.msk [tilespmem:v1+s31+$0x0], $0xffff;
	[tilespmem:s11+$0x2B0] =	vst v2  }
0xdb: {  	v2 =	vld.idx.msk [tilespmem:v0+s6+$0x0], $0xffff;
	[tilespmem:s24+$0x190] =	vst v5  }
0xdc: {  	v5 =	vld.idx.msk [tilespmem:v4+s28+$0x0], $0xffff;
	_ =	sdelay $0x1  }
0xdd: {  	[tilespmem:s11+$0xFFFFFCB0] =	vst v7  }
0xde: {  	[tilespmem:s24+$0xFFFFFC90] =	vst v6;
	v7 =	vld.idx.msk [tilespmem:v3+s2+$0x0], $0xffff  }
0xdf: {  	v6 =	vld.idx.msk [tilespmem:v1+s2+$0x0], $0xffff;
	[tilespmem:s11+$0x330] =	vst v2  }
0xe0: {  	v0 =	vld.idx.msk [tilespmem:v0+s10+$0x0], $0xffff;
	[tilespmem:s24+$0x210] =	vst v5  }
0xe1: {  	v2 =	vld.idx.msk [tilespmem:v4+s5+$0x0], $0xffff;
	_ =	sdelay $0x1  }
0xe2: {  	[tilespmem:s11+$0xFFFFFD30] =	vst v7  }
0xe3: {  	[tilespmem:s24+$0xFFFFFD10] =	vst v6;
	v6 =	vld.idx.msk [tilespmem:v3+s1+$0x0], $0xffff  }
0xe4: {  	v5 =	vld.idx.msk [tilespmem:v1+s1+$0x0], $0xffff;
	[tilespmem:s11+$0x3B0] =	vst v0  }
0xe5: {  	v0 =	vld [tilespmem:s15+$0x40];
	[tilespmem:s24+$0x290] =	vst v2  }
0xe6: {  	v2 =	vld.idx.msk [tilespmem:v4+s6+$0x0], $0xffff;
	_ =	sdelay $0x1  }
0xe7: {  	[tilespmem:s11+$0xFFFFFDB0] =	vst v6  }
0xe8: {  	[tilespmem:s24+$0xFFFFFD90] =	vst v5;
	v6 =	vld.idx.msk [tilespmem:v3+s28+$0x0], $0xffff  }
0xe9: {  	v5 =	vld.idx.msk [tilespmem:v1+s28+$0x0], $0xffff  }
0xea: {  	[tilespmem:s24+$0x310] =	vst v2  }
0xeb: {  	v4 =	vld.idx.msk [tilespmem:v4+s10+$0x0], $0xffff  }
0xec: {  	v2 =	vld.idx.msk [tilespmem:v0+s26+$0x0], $0xffff  }
0xed: {  	[tilespmem:s11+$0xFFFFFE30] =	vst v6  }
0xee: {  	[tilespmem:s24+$0xFFFFFE10] =	vst v5  }
0xef: {  	v5 =	vld.idx.msk [tilespmem:v1+s5+$0x0], $0xffff  }
0xf0: {  	v6 =	vld.idx.msk [tilespmem:v3+s5+$0x0], $0xffff;
	[tilespmem:s24+$0x390] =	vst v4  }
0xf1: {  	[tilespmem:s11+$0x40] =	vst v2;
	v4 =	vld [tilespmem:s14+$0x20]  }
0xf2: {  	v2 =	vld.idx.msk [tilespmem:v0+s31+$0x0], $0xffff;
	_ =	sdelay $0x1  }
0xf3: {  	[tilespmem:s24+$0xFFFFFE90] =	vst v5  }
0xf4: {  	v5 =	vld.idx.msk [tilespmem:v1+s6+$0x0], $0xffff  }
0xf5: {  	[tilespmem:s11+$0xFFFFFEB0] =	vst v6  }
0xf6: {  	v7 =	vld.idx.msk [tilespmem:v3+s6+$0x0], $0xffff;
	[tilespmem:s11+$0xC0] =	vst v2  }
0xf7: {  	v2 =	vld.idx.msk [tilespmem:v0+s2+$0x0], $0xffff  }
0xf8: {  	s25 =	simm.s32 $0x11EC0;
	v6 =	vld.idx.msk [tilespmem:v4+s26+$0x0], $0xffff  }
0xf9: {  	[tilespmem:s24+$0xFFFFFF10] =	vst v5;
	v5 =	vld [tilespmem:s25+$0x0];
	_ =	sdelay $0x1  }
0xfa: {  	[tilespmem:s11+$0xFFFFFF30] =	vst v7;
	v1 =	vld.idx.msk [tilespmem:v1+s10+$0x0], $0xffff  }
0xfb: {  	v3 =	vld.idx.msk [tilespmem:v3+s10+$0x0], $0xffff;
	[tilespmem:s11+$0x140] =	vst v2  }
0xfc: {  	v2 =	vld.idx.msk [tilespmem:v0+s1+$0x0], $0xffff;
	[tilespmem:s24+$0x20] =	vst v6  }
0xfd: {  	v6 =	vld.idx.msk [tilespmem:v4+s31+$0x0], $0xffff;
	_ =	sdelay $0x1  }
0xfe: {  	v7 =	vld [tilespmem:s25+$0xFFFFFF80];
	[tilespmem:s24+$0xFFFFFF90] =	vst v1  }
0xff: {  	[tilespmem:s11+$0xFFFFFFB0] =	vst v3;
	v3 =	vld.idx.msk [tilespmem:v5+s26+$0x0], $0xffff  }
0x100: {  	v1 =	vld [tilespmem:s14+$0xFFFFFFA0];
	[tilespmem:s11+$0x1C0] =	vst v2  }
0x101: {  	v2 =	vld.idx.msk [tilespmem:v0+s28+$0x0], $0xffff;
	[tilespmem:s24+$0xA0] =	vst v6  }
0x102: {  	v6 =	vld.idx.msk [tilespmem:v4+s2+$0x0], $0xffff  }
0x103: {  	s3 =	simm.s32 $0x14040  }
0x104: {  	v8 =	vld [tilespmem:s15+$0xFFFFFFC0];
	[tilespmem:s3+$0x0] =	vst v3  }
0x105: {  	v3 =	vld.idx.msk [tilespmem:v5+s31+$0x0], $0xffff  }
0x106: {  	[tilespmem:s11+$0x240] =	vst v2  }
0x107: {  	v2 =	vld.idx.msk [tilespmem:v0+s5+$0x0], $0xffff;
	[tilespmem:s24+$0x120] =	vst v6  }
0x108: {  	v6 =	vld.idx.msk [tilespmem:v4+s1+$0x0], $0xffff  }
0x109: {  	v9 =	vld.idx.msk [tilespmem:v7+s26+$0x0], $0xffff  }
0x10a: {  	v10 =	vld.idx.msk [tilespmem:v1+s26+$0x0], $0xffff;
	[tilespmem:s3+$0x80] =	vst v3  }
0x10b: {  	v3 =	vld.idx.msk [tilespmem:v5+s2+$0x0], $0xffff  }
0x10c: {  	v11 =	vld.idx.msk [tilespmem:v8+s26+$0x0], $0xffff;
	[tilespmem:s11+$0x2C0] =	vst v2  }
0x10d: {  	v2 =	vld.idx.msk [tilespmem:v0+s6+$0x0], $0xffff;
	[tilespmem:s24+$0x1A0] =	vst v6  }
0x10e: {  	[tilespmem:s3+$0xFFFFFC00] =	vst v9;
	v6 =	vld.idx.msk [tilespmem:v4+s28+$0x0], $0xffff  }
0x10f: {  	v9 =	vld.idx.msk [tilespmem:v7+s31+$0x0], $0xffff;
	[tilespmem:s24+$0xFFFFFC20] =	vst v10  }
0x110: {  	v10 =	vld.idx.msk [tilespmem:v1+s31+$0x0], $0xffff;
	[tilespmem:s3+$0x100] =	vst v3  }
0x111: {  	[tilespmem:s11+$0xFFFFFC40] =	vst v11;
	v3 =	vld.idx.msk [tilespmem:v5+s1+$0x0], $0xffff  }
0x112: {  	[tilespmem:s11+$0x340] =	vst v2;
	v2 =	vld.idx.msk [tilespmem:v8+s31+$0x0], $0xffff  }
0x113: {  	v0 =	vld.idx.msk [tilespmem:v0+s10+$0x0], $0xffff;
	[tilespmem:s24+$0x220] =	vst v6  }
0x114: {  	[tilespmem:s3+$0xFFFFFC80] =	vst v9;
	v6 =	vld.idx.msk [tilespmem:v4+s5+$0x0], $0xffff  }
0x115: {  	v9 =	vld.idx.msk [tilespmem:v7+s2+$0x0], $0xffff;
	[tilespmem:s24+$0xFFFFFCA0] =	vst v10  }
0x116: {  	v10 =	vld.idx.msk [tilespmem:v1+s2+$0x0], $0xffff;
	[tilespmem:s3+$0x180] =	vst v3  }
0x117: {  	v3 =	vld.idx.msk [tilespmem:v5+s28+$0x0], $0xffff;
	[tilespmem:s11+$0xFFFFFCC0] =	vst v2  }
0x118: {  	[tilespmem:s11+$0x3C0] =	vst v0;
	v2 =	vld.idx.msk [tilespmem:v8+s2+$0x0], $0xffff  }
0x119: {  	v0 =	vld [tilespmem:s15+$0x50];
	[tilespmem:s24+$0x2A0] =	vst v6  }
0x11a: {  	v6 =	vld.idx.msk [tilespmem:v4+s6+$0x0], $0xffff  }
0x11b: {  	[tilespmem:s3+$0xFFFFFD00] =	vst v9  }
0x11c: {  	v9 =	vld.idx.msk [tilespmem:v7+s1+$0x0], $0xffff;
	[tilespmem:s24+$0xFFFFFD20] =	vst v10  }
0x11d: {  	v10 =	vld.idx.msk [tilespmem:v1+s1+$0x0], $0xffff;
	[tilespmem:s3+$0x200] =	vst v3  }
0x11e: {  	v3 =	vld.idx.msk [tilespmem:v5+s5+$0x0], $0xffff;
	[tilespmem:s11+$0xFFFFFD40] =	vst v2  }
0x11f: {  	v2 =	vld.idx.msk [tilespmem:v8+s1+$0x0], $0xffff;
	[tilespmem:s24+$0x320] =	vst v6  }
0x120: {  	v4 =	vld.idx.msk [tilespmem:v4+s10+$0x0], $0xffff  }
0x121: {  	[tilespmem:s3+$0xFFFFFD80] =	vst v9;
	v6 =	vld.idx.msk [tilespmem:v0+s26+$0x0], $0xffff  }
0x122: {  	v9 =	vld.idx.msk [tilespmem:v7+s28+$0x0], $0xffff;
	[tilespmem:s24+$0xFFFFFDA0] =	vst v10  }
0x123: {  	[tilespmem:s3+$0x280] =	vst v3  }
0x124: {  	[tilespmem:s11+$0xFFFFFDC0] =	vst v2;
	v2 =	vld.idx.msk [tilespmem:v1+s28+$0x0], $0xffff  }
0x125: {  	v3 =	vld.idx.msk [tilespmem:v5+s6+$0x0], $0xffff;
	[tilespmem:s24+$0x3A0] =	vst v4  }
0x126: {  	[tilespmem:s11+$0x50] =	vst v6;
	v6 =	vld [tilespmem:s14+$0x30]  }
0x127: {  	[tilespmem:s3+$0xFFFFFE00] =	vst v9;
	v4 =	vld.idx.msk [tilespmem:v0+s31+$0x0], $0xffff  }
0x128: {  	v9 =	vld.idx.msk [tilespmem:v7+s5+$0x0], $0xffff  }
0x129: {  	v10 =	vld.idx.msk [tilespmem:v8+s28+$0x0], $0xffff;
	[tilespmem:s24+$0xFFFFFE20] =	vst v2  }
0x12a: {  	[tilespmem:s3+$0x300] =	vst v3;
	v2 =	vld.idx.msk [tilespmem:v1+s5+$0x0], $0xffff  }
0x12b: {  	v3 =	vld.idx.msk [tilespmem:v5+s10+$0x0], $0xffff  }
0x12c: {  	[tilespmem:s11+$0xD0] =	vst v4  }
0x12d: {  	[tilespmem:s3+$0xFFFFFE80] =	vst v9;
	v4 =	vld.idx.msk [tilespmem:v0+s2+$0x0], $0xffff  }
0x12e: {  	[tilespmem:s11+$0xFFFFFE40] =	vst v10;
	v5 =	vld.idx.msk [tilespmem:v6+s26+$0x0], $0xffff  }
0x12f: {  	[tilespmem:s24+$0xFFFFFEA0] =	vst v2;
	v2 =	vld.idx.msk [tilespmem:v7+s6+$0x0], $0xffff  }
0x130: {  	v10 =	vld.idx.msk [tilespmem:v8+s5+$0x0], $0xffff;
	[tilespmem:s3+$0x380] =	vst v3  }
0x131: {  	v3 =	vld [tilespmem:s25+$0x10]  }
0x132: {  	v9 =	vld.idx.msk [tilespmem:v1+s6+$0x0], $0xffff;
	[tilespmem:s11+$0x150] =	vst v4  }
0x133: {  	v4 =	vld.idx.msk [tilespmem:v0+s1+$0x0], $0xffff;
	[tilespmem:s24+$0x30] =	vst v5  }
0x134: {  	[tilespmem:s3+$0xFFFFFF00] =	vst v2;
	v5 =	vld.idx.msk [tilespmem:v6+s31+$0x0], $0xffff  }
0x135: {  	[tilespmem:s11+$0xFFFFFEC0] =	vst v10;
	v2 =	vld.idx.msk [tilespmem:v7+s10+$0x0], $0xffff  }
0x136: {  	v10 =	vld.idx.msk [tilespmem:v8+s6+$0x0], $0xffff  }
0x137: {  	[tilespmem:s24+$0xFFFFFF20] =	vst v9  }
0x138: {  	v1 =	vld.idx.msk [tilespmem:v1+s10+$0x0], $0xffff;
	[tilespmem:s11+$0x1D0] =	vst v4  }
0x139: {  	v4 =	vld.idx.msk [tilespmem:v0+s28+$0x0], $0xffff;
	[tilespmem:s24+$0xB0] =	vst v5  }
0x13a: {  	[tilespmem:s3+$0xFFFFFF80] =	vst v2;
	v2 =	vld.idx.msk [tilespmem:v3+s26+$0x0], $0xffff  }
0x13b: {  	[tilespmem:s11+$0xFFFFFF40] =	vst v10;
	v7 =	vld.idx.msk [tilespmem:v6+s2+$0x0], $0xffff  }
0x13c: {  	v5 =	vld.idx.msk [tilespmem:v8+s10+$0x0], $0xffff  }
0x13d: {  	v8 =	vld [tilespmem:s25+$0xFFFFFF90];
	[tilespmem:s24+$0xFFFFFFA0] =	vst v1  }
0x13e: {  	v1 =	vld [tilespmem:s14+$0xFFFFFFB0];
	[tilespmem:s11+$0x250] =	vst v4  }
0x13f: {  	[tilespmem:s3+$0x10] =	vst v2;
	v4 =	vld.idx.msk [tilespmem:v0+s5+$0x0], $0xffff  }
0x140: {  	[tilespmem:s24+$0x130] =	vst v7;
	v2 =	vld.idx.msk [tilespmem:v3+s31+$0x0], $0xffff  }
0x141: {  	[tilespmem:s11+$0xFFFFFFC0] =	vst v5;
	v7 =	vld.idx.msk [tilespmem:v6+s1+$0x0], $0xffff  }
0x142: {  	v5 =	vld [tilespmem:s15+$0xFFFFFFD0];
	_ =	sdelay $0x1  }
0x143: {  	[tilespmem:s11+$0x2D0] =	vst v4  }
0x144: {  	[tilespmem:s3+$0x90] =	vst v2;
	v4 =	vld.idx.msk [tilespmem:v0+s6+$0x0], $0xffff  }
0x145: {  	[tilespmem:s24+$0x1B0] =	vst v7;
	v2 =	vld.idx.msk [tilespmem:v3+s2+$0x0], $0xffff  }
0x146: {  	v7 =	vld.idx.msk [tilespmem:v6+s28+$0x0], $0xffff  }
0x147: {  	v9 =	vld.idx.msk [tilespmem:v8+s26+$0x0], $0xffff  }
0x148: {  	v10 =	vld.idx.msk [tilespmem:v1+s26+$0x0], $0xffff  }
0x149: {  	[tilespmem:s11+$0x350] =	vst v4;
	v4 =	vld.idx.msk [tilespmem:v5+s26+$0x0], $0xffff  }
0x14a: {  	[tilespmem:s3+$0x110] =	vst v2;
	v0 =	vld.idx.msk [tilespmem:v0+s10+$0x0], $0xffff  }
0x14b: {  	[tilespmem:s24+$0x230] =	vst v7;
	v2 =	vld.idx.msk [tilespmem:v3+s1+$0x0], $0xffff  }
0x14c: {  	[tilespmem:s3+$0xFFFFFC10] =	vst v9;
	v7 =	vld.idx.msk [tilespmem:v6+s5+$0x0], $0xffff  }
0x14d: {  	v9 =	vld.idx.msk [tilespmem:v8+s31+$0x0], $0xffff;
	[tilespmem:s24+$0xFFFFFC30] =	vst v10  }
0x14e: {  	v10 =	vld.idx.msk [tilespmem:v1+s31+$0x0], $0xffff;
	[tilespmem:s11+$0xFFFFFC50] =	vst v4  }
0x14f: {  	[tilespmem:s11+$0x3D0] =	vst v0;
	v0 =	vld.idx.msk [tilespmem:v5+s31+$0x0], $0xffff  }
0x150: {  	[tilespmem:s3+$0x190] =	vst v2;
	v4 =	vld [tilespmem:s15+$0x60]  }
0x151: {  	[tilespmem:s24+$0x2B0] =	vst v7;
	v2 =	vld.idx.msk [tilespmem:v3+s28+$0x0], $0xffff  }
0x152: {  	v7 =	vld.idx.msk [tilespmem:v6+s6+$0x0], $0xffff  }
0x153: {  	[tilespmem:s3+$0xFFFFFC90] =	vst v9  }
0x154: {  	v9 =	vld.idx.msk [tilespmem:v8+s2+$0x0], $0xffff;
	[tilespmem:s24+$0xFFFFFCB0] =	vst v10  }
0x155: {  	v10 =	vld.idx.msk [tilespmem:v1+s2+$0x0], $0xffff;
	[tilespmem:s11+$0xFFFFFCD0] =	vst v0  }
0x156: {  	v0 =	vld.idx.msk [tilespmem:v5+s2+$0x0], $0xffff;
	[tilespmem:s3+$0x210] =	vst v2  }
0x157: {  	[tilespmem:s24+$0x330] =	vst v7;
	v2 =	vld.idx.msk [tilespmem:v3+s5+$0x0], $0xffff  }
0x158: {  	v6 =	vld.idx.msk [tilespmem:v6+s10+$0x0], $0xffff  }
0x159: {  	[tilespmem:s3+$0xFFFFFD10] =	vst v9;
	v7 =	vld.idx.msk [tilespmem:v4+s26+$0x0], $0xffff  }
0x15a: {  	[tilespmem:s24+$0xFFFFFD30] =	vst v10;
	v9 =	vld.idx.msk [tilespmem:v8+s1+$0x0], $0xffff  }
0x15b: {  	[tilespmem:s11+$0xFFFFFD50] =	vst v0;
	v0 =	vld.idx.msk [tilespmem:v1+s1+$0x0], $0xffff  }
0x15c: {  	v10 =	vld.idx.msk [tilespmem:v5+s1+$0x0], $0xffff;
	[tilespmem:s3+$0x290] =	vst v2  }
0x15d: {  	[tilespmem:s24+$0x3B0] =	vst v6;
	v2 =	vld.idx.msk [tilespmem:v3+s6+$0x0], $0xffff  }
0x15e: {  	[tilespmem:s11+$0x60] =	vst v7;
	v7 =	vld [tilespmem:s14+$0x40]  }
0x15f: {  	v6 =	vld.idx.msk [tilespmem:v4+s31+$0x0], $0xffff  }
0x160: {  	[tilespmem:s3+$0xFFFFFD90] =	vst v9  }
0x161: {  	v9 =	vld.idx.msk [tilespmem:v8+s28+$0x0], $0xffff;
	[tilespmem:s24+$0xFFFFFDB0] =	vst v0  }
0x162: {  	v0 =	vld.idx.msk [tilespmem:v1+s28+$0x0], $0xffff;
	[tilespmem:s11+$0xFFFFFDD0] =	vst v10  }
0x163: {  	v10 =	vld.idx.msk [tilespmem:v5+s28+$0x0], $0xffff;
	[tilespmem:s3+$0x310] =	vst v2  }
0x164: {  	v2 =	vld.idx.msk [tilespmem:v3+s10+$0x0], $0xffff;
	[tilespmem:s11+$0xE0] =	vst v6  }
0x165: {  	v6 =	vld.idx.msk [tilespmem:v4+s2+$0x0], $0xffff  }
0x166: {  	[tilespmem:s3+$0xFFFFFE10] =	vst v9;
	v3 =	vld.idx.msk [tilespmem:v7+s26+$0x0], $0xffff  }
0x167: {  	[tilespmem:s24+$0xFFFFFE30] =	vst v0;
	v0 =	vld.idx.msk [tilespmem:v8+s5+$0x0], $0xffff  }
0x168: {  	[tilespmem:s11+$0xFFFFFE50] =	vst v10;
	v9 =	vld.idx.msk [tilespmem:v1+s5+$0x0], $0xffff  }
0x169: {  	v10 =	vld.idx.msk [tilespmem:v5+s5+$0x0], $0xffff;
	[tilespmem:s3+$0x390] =	vst v2  }
0x16a: {  	v2 =	vld [tilespmem:s25+$0x20];
	[tilespmem:s11+$0x160] =	vst v6  }
0x16b: {  	v6 =	vld.idx.msk [tilespmem:v4+s1+$0x0], $0xffff;
	[tilespmem:s24+$0x40] =	vst v3  }
0x16c: {  	[tilespmem:s3+$0xFFFFFE90] =	vst v0;
	v3 =	vld.idx.msk [tilespmem:v7+s31+$0x0], $0xffff  }
0x16d: {  	v0 =	vld.idx.msk [tilespmem:v8+s6+$0x0], $0xffff  }
0x16e: {  	[tilespmem:s24+$0xFFFFFEB0] =	vst v9  }
0x16f: {  	v9 =	vld.idx.msk [tilespmem:v1+s6+$0x0], $0xffff;
	[tilespmem:s11+$0xFFFFFED0] =	vst v10  }
0x170: {  	v10 =	vld.idx.msk [tilespmem:v5+s6+$0x0], $0xffff;
	[tilespmem:s11+$0x1E0] =	vst v6  }
0x171: {  	v6 =	vld.idx.msk [tilespmem:v4+s28+$0x0], $0xffff;
	[tilespmem:s24+$0xC0] =	vst v3  }
0x172: {  	[tilespmem:s3+$0xFFFFFF10] =	vst v0;
	v0 =	vld.idx.msk [tilespmem:v2+s26+$0x0], $0xffff  }
0x173: {  	v3 =	vld.idx.msk [tilespmem:v7+s2+$0x0], $0xffff  }
0x174: {  	s9 =	simm.s32 $0x11FC0;
	[tilespmem:s24+$0xFFFFFF30] =	vst v9;
	v8 =	vld.idx.msk [tilespmem:v8+s10+$0x0], $0xffff  }
0x175: {  	v9 =	vld [tilespmem:s9+$0x0];
	[tilespmem:s11+$0xFFFFFF50] =	vst v10  }
0x176: {  	v1 =	vld.idx.msk [tilespmem:v1+s10+$0x0], $0xffff;
	[tilespmem:s11+$0x260] =	vst v6  }
0x177: {  	[tilespmem:s3+$0x20] =	vst v0;
	v6 =	vld.idx.msk [tilespmem:v4+s5+$0x0], $0xffff  }
0x178: {  	[tilespmem:s24+$0x140] =	vst v3;
	v3 =	vld.idx.msk [tilespmem:v5+s10+$0x0], $0xffff  }
0x179: {  	v0 =	vld.idx.msk [tilespmem:v2+s31+$0x0], $0xffff  }
0x17a: {  	[tilespmem:s3+$0xFFFFFF90] =	vst v8;
	v5 =	vld.idx.msk [tilespmem:v7+s1+$0x0], $0xffff  }
0x17b: {  	v8 =	vld [tilespmem:s25+$0xFFFFFFA0]  }
0x17c: {  	v10 =	vld [tilespmem:s9+$0xFFFFFF80];
	[tilespmem:s24+$0xFFFFFFB0] =	vst v1  }
0x17d: {  	v11 =	vld.idx.msk [tilespmem:v9+s26+$0x0], $0xffff;
	[tilespmem:s11+$0x2E0] =	vst v6  }
0x17e: {  	[tilespmem:s3+$0xA0] =	vst v0;
	v6 =	vld.idx.msk [tilespmem:v4+s6+$0x0], $0xffff  }
0x17f: {  	[tilespmem:s24+$0x1C0] =	vst v5;
	v5 =	vld [tilespmem:s14+$0xFFFFFFC0]  }
0x180: {  	[tilespmem:s11+$0xFFFFFFD0] =	vst v3;
	v3 =	vld.idx.msk [tilespmem:v2+s2+$0x0], $0xffff  }
0x181: {  	v1 =	vld.idx.msk [tilespmem:v7+s28+$0x0], $0xffff  }
0x182: {  	s17 =	simm.s32 $0x14840;
	v0 =	vld [tilespmem:s15+$0xFFFFFFE0]  }
0x183: {  	[tilespmem:s17+$0x0] =	vst v11;
	v12 =	vld.idx.msk [tilespmem:v8+s26+$0x0], $0xffff  }
0x184: {  	v14 =	vld.idx.msk [tilespmem:v9+s31+$0x0], $0xffff  }
0x185: {  	[tilespmem:s11+$0x360] =	vst v6;
	v6 =	vld.idx.msk [tilespmem:v10+s26+$0x0], $0xffff  }
0x186: {  	v4 =	vld.idx.msk [tilespmem:v4+s10+$0x0], $0xffff;
	[tilespmem:s24+$0x240] =	vst v1  }
0x187: {  	[tilespmem:s3+$0x120] =	vst v3;
	v1 =	vld.idx.msk [tilespmem:v7+s5+$0x0], $0xffff  }
0x188: {  	v13 =	vld.idx.msk [tilespmem:v2+s1+$0x0], $0xffff;
	[tilespmem:s3+$0xFFFFFC20] =	vst v12  }
0x189: {  	v11 =	vld.idx.msk [tilespmem:v5+s26+$0x0], $0xffff;
	[tilespmem:s17+$0x80] =	vst v14  }
0x18a: {  	v52 =	vld.idx.msk [tilespmem:v9+s2+$0x0], $0xffff;
	[tilespmem:s17+$0xFFFFFC00] =	vst v6  }
0x18b: {  	v6 =	vld.idx.msk [tilespmem:v8+s31+$0x0], $0xffff;
	[tilespmem:s11+$0x3E0] =	vst v4  }
0x18c: {  	v4 =	vld.idx.msk [tilespmem:v10+s31+$0x0], $0xffff;
	[tilespmem:s24+$0x2C0] =	vst v1  }
0x18d: {  	v1 =	vld.idx.msk [tilespmem:v7+s6+$0x0], $0xffff  }
0x18e: {  	v3 =	vld [tilespmem:s15+$0x70];
	[tilespmem:s24+$0xFFFFFC40] =	vst v11  }
0x18f: {  	[tilespmem:s3+$0x1A0] =	vst v13;
	v11 =	vld.idx.msk [tilespmem:v5+s31+$0x0], $0xffff  }
0x190: {  	v51 =	vld.idx.msk [tilespmem:v2+s28+$0x0], $0xffff;
	[tilespmem:s17+$0x100] =	vst v52  }
0x191: {  	v53 =	vld.idx.msk [tilespmem:v0+s26+$0x0], $0xffff;
	[tilespmem:s3+$0xFFFFFCA0] =	vst v6  }
0x192: {  	v54 =	vld.idx.msk [tilespmem:v8+s2+$0x0], $0xffff;
	[tilespmem:s24+$0x340] =	vst v1  }
0x193: {  	[tilespmem:s17+$0xFFFFFC80] =	vst v4;
	v4 =	vld.idx.msk [tilespmem:v7+s10+$0x0], $0xffff  }
0x194: {  	[tilespmem:s24+$0xFFFFFCC0] =	vst v11;
	v11 =	vld.idx.msk [tilespmem:v9+s1+$0x0], $0xffff  }
0x195: {  	[tilespmem:s3+$0x220] =	vst v51;
	v7 =	vld.idx.msk [tilespmem:v10+s2+$0x0], $0xffff  }
0x196: {  	v6 =	vld.idx.msk [tilespmem:v2+s5+$0x0], $0xffff  }
0x197: {  	v1 =	vld.idx.msk [tilespmem:v3+s26+$0x0], $0xffff;
	[tilespmem:s3+$0xFFFFFD20] =	vst v54  }
0x198: {  	v55 =	vld.idx.msk [tilespmem:v5+s2+$0x0], $0xffff;
	[tilespmem:s24+$0x3C0] =	vst v4  }
0x199: {  	[tilespmem:s17+$0x180] =	vst v11;
	v11 =	vld.idx.msk [tilespmem:v8+s1+$0x0], $0xffff  }
0x19a: {  	[tilespmem:s17+$0xFFFFFD00] =	vst v7;
	v4 =	vld [tilespmem:s14+$0x50]  }
0x19b: {  	[tilespmem:s11+$0xFFFFFC60] =	vst v53;
	v7 =	vld.idx.msk [tilespmem:v10+s1+$0x0], $0xffff  }
0x19c: {  	[tilespmem:s11+$0x70] =	vst v1;
	v56 =	vld.idx.msk [tilespmem:v9+s28+$0x0], $0xffff  }
0x19d: {  	[tilespmem:s3+$0x2A0] =	vst v6;
	v1 =	vld.idx.msk [tilespmem:v3+s31+$0x0], $0xffff  }
0x19e: {  	v6 =	vld.idx.msk [tilespmem:v2+s6+$0x0], $0xffff;
	[tilespmem:s24+$0xFFFFFD40] =	vst v55  }
0x19f: {  	v14 =	vld.idx.msk [tilespmem:v0+s31+$0x0], $0xffff;
	[tilespmem:s3+$0xFFFFFDA0] =	vst v11  }
0x1a0: {  	v13 =	vld.idx.msk [tilespmem:v5+s1+$0x0], $0xffff;
	[tilespmem:s17+$0xFFFFFD80] =	vst v7  }
0x1a1: {  	[tilespmem:s17+$0x200] =	vst v56;
	v7 =	vld.idx.msk [tilespmem:v10+s28+$0x0], $0xffff  }
0x1a2: {  	[tilespmem:s11+$0xF0] =	vst v1;
	v11 =	vld.idx.msk [tilespmem:v9+s5+$0x0], $0xffff  }
0x1a3: {  	[tilespmem:s3+$0x320] =	vst v6;
	v1 =	vld.idx.msk [tilespmem:v3+s2+$0x0], $0xffff  }
0x1a4: {  	v2 =	vld.idx.msk [tilespmem:v2+s10+$0x0], $0xffff  }
0x1a5: {  	v6 =	vld.idx.msk [tilespmem:v4+s26+$0x0], $0xffff  }
0x1a6: {  	v57 =	vld.idx.msk [tilespmem:v8+s28+$0x0], $0xffff;
	[tilespmem:s17+$0xFFFFFE00] =	vst v7  }
0x1a7: {  	[tilespmem:s17+$0x280] =	vst v11;
	v7 =	vld.idx.msk [tilespmem:v10+s5+$0x0], $0xffff  }
0x1a8: {  	[tilespmem:s11+$0x170] =	vst v1;
	v11 =	vld.idx.msk [tilespmem:v9+s6+$0x0], $0xffff  }
0x1a9: {  	[tilespmem:s3+$0x3A0] =	vst v2;
	v1 =	vld.idx.msk [tilespmem:v3+s1+$0x0], $0xffff  }
0x1aa: {  	[tilespmem:s24+$0x50] =	vst v6;
	v6 =	vld [tilespmem:s25+$0x30]  }
0x1ab: {  	[tilespmem:s24+$0xFFFFFDC0] =	vst v13;
	v2 =	vld.idx.msk [tilespmem:v4+s31+$0x0], $0xffff  }
0x1ac: {  	v13 =	vld.idx.msk [tilespmem:v5+s28+$0x0], $0xffff;
	[tilespmem:s3+$0xFFFFFE20] =	vst v57  }
0x1ad: {  	v12 =	vld.idx.msk [tilespmem:v8+s5+$0x0], $0xffff;
	[tilespmem:s17+$0x300] =	vst v11  }
0x1ae: {  	[tilespmem:s17+$0xFFFFFE80] =	vst v7;
	v7 =	vld.idx.msk [tilespmem:v9+s10+$0x0], $0xffff  }
0x1af: {  	[tilespmem:s11+$0x1F0] =	vst v1;
	v9 =	vld.idx.msk [tilespmem:v10+s6+$0x0], $0xffff  }
0x1b0: {  	v1 =	vld.idx.msk [tilespmem:v3+s28+$0x0], $0xffff;
	[tilespmem:s24+$0xD0] =	vst v2  }
0x1b1: {  	[tilespmem:s24+$0xFFFFFE40] =	vst v13;
	v2 =	vld.idx.msk [tilespmem:v4+s2+$0x0], $0xffff  }
0x1b2: {  	v13 =	vld.idx.msk [tilespmem:v5+s5+$0x0], $0xffff;
	[tilespmem:s3+$0xFFFFFEA0] =	vst v12  }
0x1b3: {  	v11 =	vld.idx.msk [tilespmem:v6+s26+$0x0], $0xffff;
	[tilespmem:s17+$0x380] =	vst v7  }
0x1b4: {  	v12 =	vld.idx.msk [tilespmem:v8+s6+$0x0], $0xffff;
	[tilespmem:s17+$0xFFFFFF00] =	vst v9  }
0x1b5: {  	[tilespmem:s11+$0x270] =	vst v1;
	v9 =	vld [tilespmem:s9+$0x10]  }
0x1b6: {  	v1 =	vld.idx.msk [tilespmem:v3+s5+$0x0], $0xffff;
	[tilespmem:s24+$0x150] =	vst v2  }
0x1b7: {  	[tilespmem:s24+$0xFFFFFEC0] =	vst v13;
	v2 =	vld.idx.msk [tilespmem:v4+s1+$0x0], $0xffff  }
0x1b8: {  	[tilespmem:s3+$0x30] =	vst v11;
	v11 =	vld.idx.msk [tilespmem:v5+s6+$0x0], $0xffff  }
0x1b9: {  	[tilespmem:s11+$0xFFFFFCE0] =	vst v14;
	v10 =	vld.idx.msk [tilespmem:v10+s10+$0x0], $0xffff  }
0x1ba: {  	[tilespmem:s3+$0xFFFFFF20] =	vst v12;
	v7 =	vld.idx.msk [tilespmem:v6+s31+$0x0], $0xffff  }
0x1bb: {  	v14 =	vld.idx.msk [tilespmem:v0+s2+$0x0], $0xffff;
	[tilespmem:s11+$0x2F0] =	vst v1  }
0x1bc: {  	v1 =	vld.idx.msk [tilespmem:v8+s10+$0x0], $0xffff;
	[tilespmem:s24+$0x1D0] =	vst v2  }
0x1bd: {  	[tilespmem:s24+$0xFFFFFF40] =	vst v11;
	v2 =	vld.idx.msk [tilespmem:v4+s28+$0x0], $0xffff  }
0x1be: {  	[tilespmem:s17+$0xFFFFFF80] =	vst v10;
	v5 =	vld.idx.msk [tilespmem:v5+s10+$0x0], $0xffff  }
0x1bf: {  	[tilespmem:s3+$0xB0] =	vst v7;
	v10 =	vld.idx.msk [tilespmem:v9+s26+$0x0], $0xffff  }
0x1c0: {  	[tilespmem:s11+$0xFFFFFD60] =	vst v14;
	v7 =	vld.idx.msk [tilespmem:v6+s2+$0x0], $0xffff  }
0x1c1: {  	v8 =	vld.idx.msk [tilespmem:v0+s1+$0x0], $0xffff;
	[tilespmem:s3+$0xFFFFFFA0] =	vst v1  }
0x1c2: {  	v11 =	vld [tilespmem:s9+$0xFFFFFF90];
	[tilespmem:s24+$0x250] =	vst v2  }
0x1c3: {  	v59 =	vld [tilespmem:s25+$0xFFFFFFB0];
	[tilespmem:s24+$0xFFFFFFC0] =	vst v5  }
0x1c4: {  	[tilespmem:s17+$0x10] =	vst v10;
	v1 =	vld.idx.msk [tilespmem:v4+s5+$0x0], $0xffff  }
0x1c5: {  	[tilespmem:s3+$0x130] =	vst v7;
	v7 =	vld [tilespmem:s14+$0xFFFFFFD0]  }
0x1c6: {  	v5 =	vld.idx.msk [tilespmem:v9+s31+$0x0], $0xffff  }
0x1c7: {  	v2 =	vld.idx.msk [tilespmem:v6+s1+$0x0], $0xffff  }
0x1c8: {  	[tilespmem:s11+$0xFFFFFDE0] =	vst v8  }
0x1c9: {  	v8 =	vld.idx.msk [tilespmem:v0+s28+$0x0], $0xffff  }
0x1ca: {  	v10 =	vld.idx.msk [tilespmem:v11+s26+$0x0], $0xffff;
	[tilespmem:s24+$0x2D0] =	vst v1  }
0x1cb: {  	[tilespmem:s17+$0x90] =	vst v5;
	v1 =	vld.idx.msk [tilespmem:v4+s6+$0x0], $0xffff  }
0x1cc: {  	[tilespmem:s3+$0x1B0] =	vst v2;
	v5 =	vld.idx.msk [tilespmem:v59+s26+$0x0], $0xffff  }
0x1cd: {  	v2 =	vld.idx.msk [tilespmem:v6+s28+$0x0], $0xffff  }
0x1ce: {  	[tilespmem:s11+$0xFFFFFE60] =	vst v8;
	v60 =	vld.idx.msk [tilespmem:v9+s2+$0x0], $0xffff  }
0x1cf: {  	[tilespmem:s17+$0xFFFFFC10] =	vst v10;
	v8 =	vld.idx.msk [tilespmem:v7+s26+$0x0], $0xffff  }
0x1d0: {  	[tilespmem:s24+$0x350] =	vst v1;
	v1 =	vld.idx.msk [tilespmem:v0+s5+$0x0], $0xffff  }
0x1d1: {  	[tilespmem:s3+$0xFFFFFC30] =	vst v5;
	v4 =	vld.idx.msk [tilespmem:v4+s10+$0x0], $0xffff  }
0x1d2: {  	[tilespmem:s3+$0x230] =	vst v2;
	v2 =	vld.idx.msk [tilespmem:v11+s31+$0x0], $0xffff  }
0x1d3: {  	[tilespmem:s17+$0x110] =	vst v60;
	v10 =	vld.idx.msk [tilespmem:v59+s31+$0x0], $0xffff  }
0x1d4: {  	v5 =	vld.idx.msk [tilespmem:v6+s5+$0x0], $0xffff;
	[tilespmem:s24+$0xFFFFFC50] =	vst v8  }
0x1d5: {  	v8 =	vld.idx.msk [tilespmem:v9+s1+$0x0], $0xffff;
	[tilespmem:s11+$0xFFFFFEE0] =	vst v1  }
0x1d6: {  	v58 =	vld.idx.msk [tilespmem:v3+s6+$0x0], $0xffff;
	[tilespmem:s24+$0x3D0] =	vst v4  }
0x1d7: {  	v4 =	vld.idx.msk [tilespmem:v7+s31+$0x0], $0xffff;
	[tilespmem:s17+$0xFFFFFC90] =	vst v2  }
0x1d8: {  	v2 =	vld.idx.msk [tilespmem:v0+s6+$0x0], $0xffff;
	[tilespmem:s3+$0xFFFFFCB0] =	vst v10  }
0x1d9: {  	v1 =	vld [tilespmem:s14+$0x60];
	[tilespmem:s3+$0x2B0] =	vst v5  }
0x1da: {  	[tilespmem:s17+$0x190] =	vst v8;
	v8 =	vld.idx.msk [tilespmem:v59+s2+$0x0], $0xffff  }
0x1db: {  	v10 =	vld.idx.msk [tilespmem:v6+s6+$0x0], $0xffff  }
0x1dc: {  	v5 =	vld.idx.msk [tilespmem:v11+s2+$0x0], $0xffff  }
0x1dd: {  	[tilespmem:s24+$0xFFFFFCD0] =	vst v4;
	v4 =	vld.idx.msk [tilespmem:v9+s28+$0x0], $0xffff  }
0x1de: {  	[tilespmem:s11+$0xFFFFFF60] =	vst v2;
	v2 =	vld.idx.msk [tilespmem:v7+s2+$0x0], $0xffff  }
0x1df: {  	v0 =	vld.idx.msk [tilespmem:v0+s10+$0x0], $0xffff;
	[tilespmem:s3+$0xFFFFFD30] =	vst v8  }
0x1e0: {  	[tilespmem:s3+$0x330] =	vst v10;
	v8 =	vld.idx.msk [tilespmem:v59+s1+$0x0], $0xffff  }
0x1e1: {  	[tilespmem:s17+$0xFFFFFD10] =	vst v5;
	v5 =	vld.idx.msk [tilespmem:v6+s10+$0x0], $0xffff  }
0x1e2: {  	v6 =	vld.idx.msk [tilespmem:v11+s1+$0x0], $0xffff  }
0x1e3: {  	v10 =	vld.idx.msk [tilespmem:v1+s26+$0x0], $0xffff;
	[tilespmem:s17+$0x210] =	vst v4  }
0x1e4: {  	v4 =	vld.idx.msk [tilespmem:v9+s5+$0x0], $0xffff;
	[tilespmem:s24+$0xFFFFFD50] =	vst v2  }
0x1e5: {  	[tilespmem:s11+$0xFFFFFFE0] =	vst v0;
	v61 =	vld.idx.msk [tilespmem:v7+s1+$0x0], $0xffff  }
0x1e6: {  	v0 =	vld [tilespmem:s15+$0xFFFFFFF0];
	[tilespmem:s3+$0xFFFFFDB0] =	vst v8  }
0x1e7: {  	[tilespmem:s3+$0x3B0] =	vst v5;
	v8 =	vld.idx.msk [tilespmem:v59+s28+$0x0], $0xffff  }
0x1e8: {  	[tilespmem:s17+$0xFFFFFD90] =	vst v6;
	v2 =	vld [tilespmem:s25+$0x40]  }
0x1e9: {  	[tilespmem:s24+$0x60] =	vst v10;
	v6 =	vld.idx.msk [tilespmem:v11+s28+$0x0], $0xffff  }
0x1ea: {  	[tilespmem:s11+$0x370] =	vst v58;
	v5 =	vld.idx.msk [tilespmem:v1+s31+$0x0], $0xffff  }
0x1eb: {  	v3 =	vld.idx.msk [tilespmem:v3+s10+$0x0], $0xffff;
	[tilespmem:s17+$0x290] =	vst v4  }
0x1ec: {  	v4 =	vld.idx.msk [tilespmem:v9+s6+$0x0], $0xffff;
	[tilespmem:s24+$0xFFFFFDD0] =	vst v61  }
0x1ed: {  	v10 =	vld.idx.msk [tilespmem:v7+s28+$0x0], $0xffff;
	[tilespmem:s3+$0xFFFFFE30] =	vst v8  }
0x1ee: {  	[tilespmem:s17+$0xFFFFFE10] =	vst v6;
	v62 =	vld.idx.msk [tilespmem:v0+s26+$0x0], $0xffff  }
0x1ef: {  	[tilespmem:s24+$0xE0] =	vst v5;
	v8 =	vld.idx.msk [tilespmem:v11+s5+$0x0], $0xffff  }
0x1f0: {  	v5 =	vld.idx.msk [tilespmem:v1+s2+$0x0], $0xffff  }
0x1f1: {  	[tilespmem:s17+$0x310] =	vst v4;
	v4 =	vld.idx.msk [tilespmem:v2+s26+$0x0], $0xffff  }
0x1f2: {  	[tilespmem:s11+$0x3F0] =	vst v3;
	v6 =	vld.idx.msk [tilespmem:v9+s10+$0x0], $0xffff  }
0x1f3: {  	[tilespmem:s24+$0xFFFFFE50] =	vst v10;
	v9 =	vld.idx.msk [tilespmem:v59+s5+$0x0], $0xffff  }
0x1f4: {  	v10 =	vld.idx.msk [tilespmem:v7+s5+$0x0], $0xffff;
	[tilespmem:s11+$0xFFFFFC70] =	vst v62  }
0x1f5: {  	[tilespmem:s24+$0x160] =	vst v5;
	v12 =	vld.idx.msk [tilespmem:v0+s31+$0x0], $0xffff  }
0x1f6: {  	v63 =	vld.idx.msk [tilespmem:v1+s1+$0x0], $0xffff;
	[tilespmem:s3+$0x40] =	vst v4  }
0x1f7: {  	[tilespmem:s17+$0x390] =	vst v6;
	v4 =	vld.idx.msk [tilespmem:v2+s31+$0x0], $0xffff  }
0x1f8: {  	[tilespmem:s17+$0xFFFFFE90] =	vst v8;
	v5 =	vld [tilespmem:s9+$0x20]  }
0x1f9: {  	v6 =	vld.idx.msk [tilespmem:v11+s6+$0x0], $0xffff;
	[tilespmem:s3+$0xFFFFFEB0] =	vst v9  }
0x1fa: {  	v8 =	vld.idx.msk [tilespmem:v59+s6+$0x0], $0xffff;
	[tilespmem:s24+$0xFFFFFED0] =	vst v10  }
0x1fb: {  	v9 =	vld.idx.msk [tilespmem:v7+s6+$0x0], $0xffff;
	[tilespmem:s11+$0xFFFFFCF0] =	vst v12  }
0x1fc: {  	[tilespmem:s24+$0x1E0] =	vst v63;
	v12 =	vld.idx.msk [tilespmem:v0+s2+$0x0], $0xffff  }
0x1fd: {  	v14 =	vld.idx.msk [tilespmem:v1+s28+$0x0], $0xffff;
	[tilespmem:s3+$0xC0] =	vst v4  }
0x1fe: {  	[tilespmem:s17+$0xFFFFFF10] =	vst v6;
	v3 =	vld.idx.msk [tilespmem:v2+s2+$0x0], $0xffff  }
0x1ff: {  	[tilespmem:s3+$0xFFFFFF30] =	vst v8;
	v8 =	vld.idx.msk [tilespmem:v11+s10+$0x0], $0xffff  }
0x200: {  	v15 =	vld.idx.msk [tilespmem:v5+s26+$0x0], $0xffff  }
0x201: {  	v10 =	vld.idx.msk [tilespmem:v59+s10+$0x0], $0xffff;
	[tilespmem:s24+$0xFFFFFF50] =	vst v9  }
0x202: {  	v6 =	vld.idx.msk [tilespmem:v7+s10+$0x0], $0xffff;
	[tilespmem:s24+$0x260] =	vst v14  }
0x203: {  	[tilespmem:s11+$0xFFFFFD70] =	vst v12;
	v4 =	vld.idx.msk [tilespmem:v1+s5+$0x0], $0xffff  }
0x204: {  	[tilespmem:s3+$0x140] =	vst v3;
	v3 =	vld.idx.msk [tilespmem:v0+s1+$0x0], $0xffff  }
0x205: {  	v9 =	vld.idx.msk [tilespmem:v2+s1+$0x0], $0xffff;
	[tilespmem:s17+$0x20] =	vst v15  }
0x206: {  	s19 =	simm.s32 $0x6;
	s7 =	simm.s32 $0x120C0;
	s15 =	simm.s32 $0x14840;
	[tilespmem:s17+$0xFFFFFF90] =	vst v8;
	v11 =	vld.idx.msk [tilespmem:v5+s31+$0x0], $0xffff  }
.LBB2_6:
0x207: {  	v8 =	vld [tilespmem:s7+$0x0];
	s19 =	sadd.s32 $0x2, s19;
	[tilespmem:s3+$0xFFFFFFB0] =	vst v10  }
0x208: {  	v7 =	vld [tilespmem:s7+$0xFFFFFF80];
	p0 =	slt.u32 s19, $0xE;
	[tilespmem:s24+$0x2E0] =	vst v4  }
0x209: {  	[tilespmem:s24+$0xFFFFFFD0] =	vst v6;
	v10 =	vld.idx.msk [tilespmem:v1+s6+$0x0], $0xffff  }
0x20a: {  	v4 =	vld [tilespmem:s9+$0xFFFFFFA0];
	[tilespmem:s3+$0x1C0] =	vst v9  }
0x20b: {  	v9 =	vld.idx.msk [tilespmem:v2+s28+$0x0], $0xffff;
	[tilespmem:s11+$0xFFFFFDF0] =	vst v3  }
0x20c: {  	[tilespmem:s17+$0xA0] =	vst v11;
	v6 =	vld [tilespmem:s25+$0xFFFFFFC0]  }
0x20d: {  	v11 =	vld.idx.msk [tilespmem:v5+s2+$0x0], $0xffff  }
0x20e: {  	v3 =	vld [tilespmem:s14+$0xFFFFFFE0]  }
0x20f: {  	v12 =	vld.idx.msk [tilespmem:v8+s26+$0x0], $0xffff;
	[tilespmem:s24+$0x360] =	vst v10  }
0x210: {  	v1 =	vld.idx.msk [tilespmem:v1+s10+$0x0], $0xffff  }
0x211: {  	v10 =	vld.idx.msk [tilespmem:v7+s26+$0x0], $0xffff;
	[tilespmem:s3+$0x240] =	vst v9  }
0x212: {  	v9 =	vld.idx.msk [tilespmem:v2+s5+$0x0], $0xffff  }
0x213: {  	v13 =	vld.idx.msk [tilespmem:v4+s26+$0x0], $0xffff;
	[tilespmem:s17+$0x120] =	vst v11  }
0x214: {  	s17 =	sadd.s32 $0x800, s17;
	v11 =	vld.idx.msk [tilespmem:v5+s1+$0x0], $0xffff  }
0x215: {  	[tilespmem:s17+$0x0] =	vst v12;
	v12 =	vld.idx.msk [tilespmem:v6+s26+$0x0], $0xffff  }
0x216: {  	v14 =	vld.idx.msk [tilespmem:v8+s31+$0x0], $0xffff;
	[tilespmem:s24+$0x3E0] =	vst v1  }
0x217: {  	[tilespmem:s17+$0xFFFFFC00] =	vst v10;
	v1 =	vld [tilespmem:s14+$0x70]  }
0x218: {  	v10 =	vld.idx.msk [tilespmem:v7+s31+$0x0], $0xffff;
	[tilespmem:s3+$0x2C0] =	vst v9  }
0x219: {  	[tilespmem:s15+$0xFFFFFC20] =	vst v13;
	v9 =	vld.idx.msk [tilespmem:v2+s6+$0x0], $0xffff  }
0x21a: {  	v13 =	vld.idx.msk [tilespmem:v4+s31+$0x0], $0xffff;
	[tilespmem:s15+$0x1A0] =	vst v11  }
0x21b: {  	v11 =	vld.idx.msk [tilespmem:v5+s28+$0x0], $0xffff;
	[tilespmem:s3+$0xFFFFFC40] =	vst v12  }
0x21c: {  	[tilespmem:s17+$0x80] =	vst v14;
	v12 =	vld.idx.msk [tilespmem:v6+s31+$0x0], $0xffff  }
0x21d: {  	v14 =	vld.idx.msk [tilespmem:v8+s2+$0x0], $0xffff  }
0x21e: {  	[tilespmem:s17+$0xFFFFFC80] =	vst v10;
	v10 =	vld.idx.msk [tilespmem:v3+s26+$0x0], $0xffff  }
0x21f: {  	[tilespmem:s3+$0x340] =	vst v9;
	v9 =	vld.idx.msk [tilespmem:v1+s26+$0x0], $0xffff  }
0x220: {  	[tilespmem:s15+$0xFFFFFCA0] =	vst v13;
	v2 =	vld.idx.msk [tilespmem:v2+s10+$0x0], $0xffff  }
0x221: {  	v13 =	vld.idx.msk [tilespmem:v7+s2+$0x0], $0xffff;
	[tilespmem:s15+$0x220] =	vst v11  }
0x222: {  	v11 =	vld.idx.msk [tilespmem:v5+s5+$0x0], $0xffff;
	[tilespmem:s3+$0xFFFFFCC0] =	vst v12  }
0x223: {  	[tilespmem:s17+$0x100] =	vst v14;
	v12 =	vld.idx.msk [tilespmem:v4+s2+$0x0], $0xffff  }
0x224: {  	v14 =	vld.idx.msk [tilespmem:v8+s1+$0x0], $0xffff;
	[tilespmem:s24+$0xFFFFFC60] =	vst v10  }
0x225: {  	v10 =	vld.idx.msk [tilespmem:v6+s2+$0x0], $0xffff;
	[tilespmem:s24+$0x70] =	vst v9  }
0x226: {  	[tilespmem:s3+$0x3C0] =	vst v2;
	v2 =	vld.idx.msk [tilespmem:v1+s31+$0x0], $0xffff  }
0x227: {  	[tilespmem:s17+$0xFFFFFD00] =	vst v13;
	v9 =	vld [tilespmem:s25+$0x50]  }
0x228: {  	v13 =	vld.idx.msk [tilespmem:v7+s1+$0x0], $0xffff;
	[tilespmem:s15+$0x2A0] =	vst v11  }
0x229: {  	[tilespmem:s15+$0xFFFFFD20] =	vst v12;
	v11 =	vld.idx.msk [tilespmem:v5+s6+$0x0], $0xffff  }
0x22a: {  	[tilespmem:s17+$0x180] =	vst v14;
	v12 =	vld.idx.msk [tilespmem:v4+s1+$0x0], $0xffff  }
0x22b: {  	v14 =	vld.idx.msk [tilespmem:v8+s28+$0x0], $0xffff;
	[tilespmem:s3+$0xFFFFFD40] =	vst v10  }
0x22c: {  	v10 =	vld.idx.msk [tilespmem:v6+s1+$0x0], $0xffff;
	[tilespmem:s24+$0xF0] =	vst v2  }
0x22d: {  	v2 =	vld.idx.msk [tilespmem:v1+s2+$0x0], $0xffff  }
0x22e: {  	[tilespmem:s17+$0xFFFFFD80] =	vst v13;
	v13 =	vld.idx.msk [tilespmem:v3+s31+$0x0], $0xffff  }
0x22f: {  	[tilespmem:s15+$0x320] =	vst v11;
	v11 =	vld.idx.msk [tilespmem:v9+s26+$0x0], $0xffff  }
0x230: {  	[tilespmem:s15+$0xFFFFFDA0] =	vst v12;
	v5 =	vld.idx.msk [tilespmem:v5+s10+$0x0], $0xffff  }
0x231: {  	v12 =	vld.idx.msk [tilespmem:v7+s28+$0x0], $0xffff;
	[tilespmem:s17+$0x200] =	vst v14  }
0x232: {  	v14 =	vld.idx.msk [tilespmem:v8+s5+$0x0], $0xffff;
	[tilespmem:s3+$0xFFFFFDC0] =	vst v10  }
0x233: {  	v10 =	vld.idx.msk [tilespmem:v4+s28+$0x0], $0xffff;
	[tilespmem:s24+$0x170] =	vst v2  }
0x234: {  	[tilespmem:s24+$0xFFFFFCE0] =	vst v13;
	v13 =	vld.idx.msk [tilespmem:v1+s1+$0x0], $0xffff  }
0x235: {  	v15 =	vld.idx.msk [tilespmem:v6+s28+$0x0], $0xffff;
	[tilespmem:s3+$0x50] =	vst v11  }
0x236: {  	[tilespmem:s15+$0x3A0] =	vst v5;
	v5 =	vld.idx.msk [tilespmem:v9+s31+$0x0], $0xffff  }
0x237: {  	[tilespmem:s17+$0xFFFFFE00] =	vst v12;
	v2 =	vld [tilespmem:s9+$0x30]  }
0x238: {  	v11 =	vld.idx.msk [tilespmem:v7+s5+$0x0], $0xffff;
	[tilespmem:s17+$0x280] =	vst v14  }
0x239: {  	v12 =	vld.idx.msk [tilespmem:v8+s6+$0x0], $0xffff;
	[tilespmem:s15+$0xFFFFFE20] =	vst v10  }
0x23a: {  	v10 =	vld.idx.msk [tilespmem:v4+s5+$0x0], $0xffff;
	[tilespmem:s24+$0x1F0] =	vst v13  }
0x23b: {  	[tilespmem:s3+$0xFFFFFE40] =	vst v15;
	v13 =	vld.idx.msk [tilespmem:v1+s28+$0x0], $0xffff  }
0x23c: {  	v14 =	vld.idx.msk [tilespmem:v6+s5+$0x0], $0xffff;
	[tilespmem:s3+$0xD0] =	vst v5  }
0x23d: {  	v5 =	vld.idx.msk [tilespmem:v9+s2+$0x0], $0xffff  }
0x23e: {  	[tilespmem:s17+$0xFFFFFE80] =	vst v11;
	v11 =	vld.idx.msk [tilespmem:v3+s2+$0x0], $0xffff  }
0x23f: {  	[tilespmem:s17+$0x300] =	vst v12;
	v12 =	vld.idx.msk [tilespmem:v2+s26+$0x0], $0xffff  }
0x240: {  	v8 =	vld.idx.msk [tilespmem:v8+s10+$0x0], $0xffff;
	[tilespmem:s15+$0xFFFFFEA0] =	vst v10  }
0x241: {  	v10 =	vld.idx.msk [tilespmem:v7+s6+$0x0], $0xffff;
	[tilespmem:s24+$0x270] =	vst v13  }
0x242: {  	[tilespmem:s3+$0xFFFFFEC0] =	vst v14;
	v13 =	vld.idx.msk [tilespmem:v1+s5+$0x0], $0xffff  }
0x243: {  	v14 =	vld.idx.msk [tilespmem:v4+s6+$0x0], $0xffff;
	[tilespmem:s3+$0x150] =	vst v5  }
0x244: {  	v15 =	vld.idx.msk [tilespmem:v9+s1+$0x0], $0xffff;
	[tilespmem:s24+$0xFFFFFD60] =	vst v11  }
0x245: {  	[tilespmem:s15+$0x30] =	vst v12;
	v11 =	vld.idx.msk [tilespmem:v6+s6+$0x0], $0xffff  }
0x246: {  	[tilespmem:s17+$0x380] =	vst v8;
	v8 =	vld.idx.msk [tilespmem:v2+s31+$0x0], $0xffff  }
0x247: {  	[tilespmem:s17+$0xFFFFFF00] =	vst v10;
	v5 =	vld [tilespmem:s7+$0x10]  }
0x248: {  	v7 =	vld.idx.msk [tilespmem:v7+s10+$0x0], $0xffff;
	[tilespmem:s24+$0x2F0] =	vst v13  }
0x249: {  	[tilespmem:s15+$0xFFFFFF20] =	vst v14;
	v10 =	vld.idx.msk [tilespmem:v1+s6+$0x0], $0xffff  }
0x24a: {  	v4 =	vld.idx.msk [tilespmem:v4+s10+$0x0], $0xffff;
	[tilespmem:s3+$0x1D0] =	vst v15  }
0x24b: {  	[tilespmem:s3+$0xFFFFFF40] =	vst v11;
	v11 =	vld.idx.msk [tilespmem:v9+s28+$0x0], $0xffff  }
0x24c: {  	[tilespmem:s15+$0xB0] =	vst v8;
	v6 =	vld.idx.msk [tilespmem:v6+s10+$0x0], $0xffff  }
0x24d: {  	v8 =	vld.idx.msk [tilespmem:v2+s2+$0x0], $0xffff  }
0x24e: {  	[tilespmem:s17+$0xFFFFFF80] =	vst v7;
	v7 =	vld.idx.msk [tilespmem:v3+s1+$0x0], $0xffff  }
0x24f: {  	v12 =	vld.idx.msk [tilespmem:v5+s26+$0x0], $0xffff;
	[tilespmem:s24+$0x370] =	vst v10  }
0x250: {  	[tilespmem:s15+$0xFFFFFFA0] =	vst v4;
	v1 =	vld.idx.msk [tilespmem:v1+s10+$0x0], $0xffff  }
0x251: {  	v4 =	vld [tilespmem:s7+$0xFFFFFF90];
	[tilespmem:s3+$0x250] =	vst v11  }
0x252: {  	[tilespmem:s3+$0xFFFFFFC0] =	vst v6;
	v10 =	vld.idx.msk [tilespmem:v9+s5+$0x0], $0xffff  }
0x253: {  	v6 =	vld [tilespmem:s9+$0xFFFFFFB0];
	[tilespmem:s15+$0x130] =	vst v8  }
0x254: {  	v8 =	vld.idx.msk [tilespmem:v2+s1+$0x0], $0xffff;
	[tilespmem:s24+$0xFFFFFDE0] =	vst v7  }
0x255: {  	[tilespmem:s17+$0x10] =	vst v12;
	v7 =	vld [tilespmem:s25+$0xFFFFFFD0]  }
0x256: {  	v11 =	vld.idx.msk [tilespmem:v5+s31+$0x0], $0xffff;
	[tilespmem:s24+$0x3F0] =	vst v1  }
0x257: {  	v1 =	vld.idx.msk [tilespmem:v3+s28+$0x0], $0xffff  }
0x258: {  	[tilespmem:s3+$0x2D0] =	vst v10;
	v10 =	vld.idx.msk [tilespmem:v0+s28+$0x0], $0xffff  }
0x259: {  	v12 =	vld.idx.msk [tilespmem:v9+s6+$0x0], $0xffff  }
0x25a: {  	v13 =	vld.idx.msk [tilespmem:v4+s26+$0x0], $0xffff;
	[tilespmem:s15+$0x1B0] =	vst v8  }
0x25b: {  	v8 =	vld.idx.msk [tilespmem:v2+s28+$0x0], $0xffff  }
0x25c: {  	[tilespmem:s17+$0x90] =	vst v11;
	v11 =	vld.idx.msk [tilespmem:v6+s26+$0x0], $0xffff  }
0x25d: {  	v14 =	vld.idx.msk [tilespmem:v5+s2+$0x0], $0xffff;
	[tilespmem:s24+$0xFFFFFE60] =	vst v1  }
0x25e: {  	v1 =	vld.idx.msk [tilespmem:v7+s26+$0x0], $0xffff;
	[tilespmem:s11+$0xFFFFFE70] =	vst v10  }
0x25f: {  	[tilespmem:s3+$0x350] =	vst v12;
	v10 =	vld.idx.msk [tilespmem:v3+s5+$0x0], $0xffff  }
0x260: {  	[tilespmem:s17+$0xFFFFFC10] =	vst v13;
	v9 =	vld.idx.msk [tilespmem:v9+s10+$0x0], $0xffff  }
0x261: {  	v12 =	vld.idx.msk [tilespmem:v4+s31+$0x0], $0xffff;
	[tilespmem:s15+$0x230] =	vst v8  }
0x262: {  	[tilespmem:s15+$0xFFFFFC30] =	vst v11;
	v8 =	vld.idx.msk [tilespmem:v2+s5+$0x0], $0xffff  }
0x263: {  	[tilespmem:s17+$0x110] =	vst v14;
	v11 =	vld.idx.msk [tilespmem:v6+s31+$0x0], $0xffff  }
0x264: {  	v13 =	vld.idx.msk [tilespmem:v5+s1+$0x0], $0xffff;
	[tilespmem:s3+$0xFFFFFC50] =	vst v1  }
0x265: {  	v14 =	vld.idx.msk [tilespmem:v7+s31+$0x0], $0xffff;
	[tilespmem:s24+$0xFFFFFEE0] =	vst v10  }
0x266: {  	[tilespmem:s3+$0x3D0] =	vst v9;
	v9 =	vld.idx.msk [tilespmem:v3+s6+$0x0], $0xffff  }
0x267: {  	[tilespmem:s17+$0xFFFFFC90] =	vst v12;
	v1 =	vld [tilespmem:s25+$0x60]  }
0x268: {  	v10 =	vld.idx.msk [tilespmem:v4+s2+$0x0], $0xffff;
	[tilespmem:s15+$0x2B0] =	vst v8  }
0x269: {  	[tilespmem:s15+$0xFFFFFCB0] =	vst v11;
	v8 =	vld.idx.msk [tilespmem:v2+s6+$0x0], $0xffff  }
0x26a: {  	[tilespmem:s17+$0x190] =	vst v13;
	v11 =	vld.idx.msk [tilespmem:v6+s2+$0x0], $0xffff  }
0x26b: {  	v12 =	vld.idx.msk [tilespmem:v5+s28+$0x0], $0xffff;
	[tilespmem:s3+$0xFFFFFCD0] =	vst v14  }
0x26c: {  	v13 =	vld.idx.msk [tilespmem:v7+s2+$0x0], $0xffff;
	[tilespmem:s24+$0xFFFFFF60] =	vst v9  }
0x26d: {  	v3 =	vld.idx.msk [tilespmem:v3+s10+$0x0], $0xffff  }
0x26e: {  	[tilespmem:s17+$0xFFFFFD10] =	vst v10;
	v9 =	vld.idx.msk [tilespmem:v0+s5+$0x0], $0xffff  }
0x26f: {  	[tilespmem:s15+$0x330] =	vst v8;
	v8 =	vld.idx.msk [tilespmem:v1+s26+$0x0], $0xffff  }
0x270: {  	[tilespmem:s15+$0xFFFFFD30] =	vst v11;
	v2 =	vld.idx.msk [tilespmem:v2+s10+$0x0], $0xffff  }
0x271: {  	v10 =	vld.idx.msk [tilespmem:v4+s1+$0x0], $0xffff;
	[tilespmem:s17+$0x210] =	vst v12  }
0x272: {  	v11 =	vld.idx.msk [tilespmem:v5+s5+$0x0], $0xffff;
	[tilespmem:s3+$0xFFFFFD50] =	vst v13  }
0x273: {  	v12 =	vld.idx.msk [tilespmem:v6+s1+$0x0], $0xffff;
	[tilespmem:s24+$0xFFFFFFE0] =	vst v3  }
0x274: {  	v3 =	vld.idx.msk [tilespmem:v7+s1+$0x0], $0xffff;
	[tilespmem:s11+$0xFFFFFEF0] =	vst v9  }
0x275: {  	[tilespmem:s3+$0x60] =	vst v8;
	v8 =	vld [tilespmem:s14+$0xFFFFFFF0];
	s14 =	smov.u32 s25;
	s25 =	smov.u32 s9;
	s9 =	smov.u32 s7  }
0x276: {  	[tilespmem:s15+$0x3B0] =	vst v2;
	v9 =	vld.idx.msk [tilespmem:v1+s31+$0x0], $0xffff  }
0x277: {  	[tilespmem:s17+$0xFFFFFD90] =	vst v10;
	v2 =	vld [tilespmem:s25+$0x40]  }
0x278: {  	v10 =	vld.idx.msk [tilespmem:v4+s28+$0x0], $0xffff;
	[tilespmem:s17+$0x290] =	vst v11  }
0x279: {  	v11 =	vld.idx.msk [tilespmem:v5+s6+$0x0], $0xffff;
	[tilespmem:s15+$0xFFFFFDB0] =	vst v12  }
0x27a: {  	v12 =	vld.idx.msk [tilespmem:v6+s28+$0x0], $0xffff;
	[tilespmem:s3+$0xFFFFFDD0] =	vst v3  }
0x27b: {  	v3 =	vld.idx.msk [tilespmem:v7+s28+$0x0], $0xffff  }
0x27c: {  	[tilespmem:s3+$0xE0] =	vst v9;
	v9 =	vld.idx.msk [tilespmem:v0+s6+$0x0], $0xffff  }
0x27d: {  	v13 =	vld.idx.msk [tilespmem:v1+s2+$0x0], $0xffff  }
0x27e: {  	[tilespmem:s17+$0xFFFFFE10] =	vst v10;
	v10 =	vld.idx.msk [tilespmem:v8+s26+$0x0], $0xffff  }
0x27f: {  	[tilespmem:s17+$0x310] =	vst v11;
	v11 =	vld.idx.msk [tilespmem:v2+s26+$0x0], $0xffff  }
0x280: {  	v5 =	vld.idx.msk [tilespmem:v5+s10+$0x0], $0xffff;
	[tilespmem:s15+$0xFFFFFE30] =	vst v12  }
0x281: {  	v12 =	vld.idx.msk [tilespmem:v4+s5+$0x0], $0xffff;
	[tilespmem:s3+$0xFFFFFE50] =	vst v3  }
0x282: {  	v3 =	vld.idx.msk [tilespmem:v6+s5+$0x0], $0xffff;
	[tilespmem:s11+$0xFFFFFF70] =	vst v9  }
0x283: {  	v9 =	vld.idx.msk [tilespmem:v7+s5+$0x0], $0xffff;
	[tilespmem:s3+$0x160] =	vst v13  }
0x284: {  	v13 =	vld.idx.msk [tilespmem:v1+s1+$0x0], $0xffff;
	[tilespmem:s24+$0xFFFFFC70] =	vst v10  }
0x285: {  	[tilespmem:s15+$0x40] =	vst v11;
	v10 =	vld.idx.msk [tilespmem:v8+s31+$0x0], $0xffff  }
0x286: {  	[tilespmem:s17+$0x390] =	vst v5;
	v11 =	vld.idx.msk [tilespmem:v2+s31+$0x0], $0xffff  }
0x287: {  	[tilespmem:s17+$0xFFFFFE90] =	vst v12;
	v5 =	vld [tilespmem:s7+$0x20]  }
0x288: {  	v12 =	vld.idx.msk [tilespmem:v4+s6+$0x0], $0xffff;
	[tilespmem:s15+$0xFFFFFEB0] =	vst v3  }
0x289: {  	v3 =	vld.idx.msk [tilespmem:v6+s6+$0x0], $0xffff;
	[tilespmem:s3+$0xFFFFFED0] =	vst v9  }
0x28a: {  	v9 =	vld.idx.msk [tilespmem:v7+s6+$0x0], $0xffff;
	[tilespmem:s3+$0x1E0] =	vst v13  }
0x28b: {  	v13 =	vld.idx.msk [tilespmem:v1+s28+$0x0], $0xffff;
	[tilespmem:s24+$0xFFFFFCF0] =	vst v10  }
0x28c: {  	[tilespmem:s15+$0xC0] =	vst v11;
	v11 =	vld.idx.msk [tilespmem:v8+s2+$0x0], $0xffff  }
0x28d: {  	v14 =	vld.idx.msk [tilespmem:v2+s2+$0x0], $0xffff  }
0x28e: {  	[tilespmem:s17+$0xFFFFFF10] =	vst v12;
	v12 =	vld.idx.msk [tilespmem:v0+s10+$0x0], $0xffff;
	v0 =	vmov v8  }
0x28f: {  	v8 =	vld.idx.msk [tilespmem:v5+s26+$0x0], $0xffff;
	[tilespmem:s15+$0xFFFFFF30] =	vst v3  }
0x290: {  	v15 =	vld.idx.msk [tilespmem:v4+s10+$0x0], $0xffff;
	[tilespmem:s3+$0xFFFFFF50] =	vst v9  }
0x291: {  	v10 =	vld.idx.msk [tilespmem:v6+s10+$0x0], $0xffff;
	[tilespmem:s3+$0x260] =	vst v13  }
.Ltmp2:
0x292: {  	v4 =	vld.idx.msk [tilespmem:v1+s5+$0x0], $0xffff;
	[tilespmem:s24+$0xFFFFFD70] =	vst v11;
	(pc) =	sbr.rel @p0 .LBB2_6-.Ltmp2, $4  }
0x293: {  	[tilespmem:s15+$0x140] =	vst v14;
	v6 =	vld.idx.msk [tilespmem:v7+s10+$0x0], $0xffff  }
0x294: {  	v9 =	vld.idx.msk [tilespmem:v2+s1+$0x0], $0xffff;
	[tilespmem:s11+$0xFFFFFFF0] =	vst v12;
	s11 =	smov.u32 s24;
	s24 =	smov.u32 s3;
	s3 =	smov.u32 s15  }
0x295: {  	s15 =	smov.u32 s17;
	[tilespmem:s17+$0x20] =	vst v8;
	v3 =	vld.idx.msk [tilespmem:v0+s1+$0x0], $0xffff  }
0x296: {  	s7 =	sadd.s32 $0x100, s7;
	[tilespmem:s17+$0xFFFFFF90] =	vst v15;
	v11 =	vld.idx.msk [tilespmem:v5+s31+$0x0], $0xffff  }
0x297: {  	v7 =	vld [tilespmem:s9+$0xFFFFFFA0];
	_ =	sdelay $0x7  }
0x298: {  	v8 =	vld.idx.msk [tilespmem:v7+s26+$0x0], $0xffff;
	_ =	sdelay $0x4  }
0x299: {  	[tilespmem:s15+$0xFFFFFC20] =	vst v8  }
0x29a: {  	v8 =	vld.idx.msk [tilespmem:v7+s31+$0x0], $0xffff;
	_ =	sdelay $0x2  }
0x29b: {  	[tilespmem:s17+$0xA0] =	vst v11  }
0x29c: {  	v11 =	vld.idx.msk [tilespmem:v5+s2+$0x0], $0xffff  }
0x29d: {  	[tilespmem:s15+$0xFFFFFCA0] =	vst v8  }
0x29e: {  	v8 =	vld.idx.msk [tilespmem:v7+s2+$0x0], $0xffff;
	_ =	sdelay $0x2  }
0x29f: {  	[tilespmem:s17+$0x120] =	vst v11  }
0x2a0: {  	v11 =	vld.idx.msk [tilespmem:v5+s1+$0x0], $0xffff  }
0x2a1: {  	[tilespmem:s15+$0xFFFFFD20] =	vst v8  }
0x2a2: {  	v8 =	vld.idx.msk [tilespmem:v7+s1+$0x0], $0xffff;
	_ =	sdelay $0x2  }
0x2a3: {  	[tilespmem:s15+$0x1A0] =	vst v11  }
0x2a4: {  	v11 =	vld.idx.msk [tilespmem:v5+s28+$0x0], $0xffff  }
0x2a5: {  	[tilespmem:s15+$0xFFFFFDA0] =	vst v8  }
0x2a6: {  	v8 =	vld.idx.msk [tilespmem:v7+s28+$0x0], $0xffff;
	_ =	sdelay $0x2  }
0x2a7: {  	[tilespmem:s15+$0x220] =	vst v11  }
0x2a8: {  	v11 =	vld.idx.msk [tilespmem:v5+s5+$0x0], $0xffff  }
0x2a9: {  	[tilespmem:s15+$0xFFFFFE20] =	vst v8  }
0x2aa: {  	v8 =	vld.idx.msk [tilespmem:v7+s5+$0x0], $0xffff;
	_ =	sdelay $0x2  }
0x2ab: {  	[tilespmem:s15+$0x2A0] =	vst v11  }
0x2ac: {  	v11 =	vld.idx.msk [tilespmem:v5+s6+$0x0], $0xffff  }
0x2ad: {  	[tilespmem:s15+$0xFFFFFEA0] =	vst v8  }
0x2ae: {  	v8 =	vld.idx.msk [tilespmem:v7+s6+$0x0], $0xffff;
	_ =	sdelay $0x2  }
0x2af: {  	[tilespmem:s15+$0x320] =	vst v11  }
0x2b0: {  	v5 =	vld.idx.msk [tilespmem:v5+s10+$0x0], $0xffff  }
0x2b1: {  	[tilespmem:s15+$0xFFFFFF20] =	vst v8  }
0x2b2: {  	v7 =	vld.idx.msk [tilespmem:v7+s10+$0x0], $0xffff;
	_ =	sdelay $0x2  }
0x2b3: {  	[tilespmem:s15+$0x3A0] =	vst v5  }
0x2b4: {  	v5 =	vld [tilespmem:s9+$0x30]  }
0x2b5: {  	[tilespmem:s15+$0xFFFFFFA0] =	vst v7  }
0x2b6: {  	v7 =	vld [tilespmem:s9+$0xFFFFFFB0];
	_ =	sdelay $0x5  }
0x2b7: {  	v8 =	vld.idx.msk [tilespmem:v5+s26+$0x0], $0xffff;
	_ =	sdelay $0x1  }
0x2b8: {  	v11 =	vld.idx.msk [tilespmem:v7+s26+$0x0], $0xffff;
	_ =	sdelay $0x2  }
0x2b9: {  	[tilespmem:s15+$0x30] =	vst v8  }
0x2ba: {  	v8 =	vld.idx.msk [tilespmem:v5+s31+$0x0], $0xffff  }
0x2bb: {  	[tilespmem:s15+$0xFFFFFC30] =	vst v11  }
0x2bc: {  	v11 =	vld.idx.msk [tilespmem:v7+s31+$0x0], $0xffff;
	_ =	sdelay $0x2  }
0x2bd: {  	[tilespmem:s15+$0xB0] =	vst v8  }
0x2be: {  	v8 =	vld.idx.msk [tilespmem:v5+s2+$0x0], $0xffff  }
0x2bf: {  	[tilespmem:s15+$0xFFFFFCB0] =	vst v11  }
0x2c0: {  	v11 =	vld.idx.msk [tilespmem:v7+s2+$0x0], $0xffff;
	_ =	sdelay $0x2  }
0x2c1: {  	[tilespmem:s15+$0x130] =	vst v8  }
0x2c2: {  	v8 =	vld.idx.msk [tilespmem:v5+s1+$0x0], $0xffff  }
0x2c3: {  	[tilespmem:s15+$0xFFFFFD30] =	vst v11  }
0x2c4: {  	v11 =	vld.idx.msk [tilespmem:v7+s1+$0x0], $0xffff;
	_ =	sdelay $0x2  }
0x2c5: {  	[tilespmem:s15+$0x1B0] =	vst v8  }
0x2c6: {  	v8 =	vld.idx.msk [tilespmem:v5+s28+$0x0], $0xffff  }
0x2c7: {  	[tilespmem:s15+$0xFFFFFDB0] =	vst v11  }
0x2c8: {  	v11 =	vld.idx.msk [tilespmem:v7+s28+$0x0], $0xffff;
	_ =	sdelay $0x2  }
0x2c9: {  	[tilespmem:s15+$0x230] =	vst v8  }
0x2ca: {  	v8 =	vld.idx.msk [tilespmem:v5+s5+$0x0], $0xffff  }
0x2cb: {  	[tilespmem:s15+$0xFFFFFE30] =	vst v11  }
0x2cc: {  	v11 =	vld.idx.msk [tilespmem:v7+s5+$0x0], $0xffff;
	_ =	sdelay $0x2  }
0x2cd: {  	[tilespmem:s15+$0x2B0] =	vst v8  }
0x2ce: {  	v8 =	vld.idx.msk [tilespmem:v5+s6+$0x0], $0xffff  }
0x2cf: {  	[tilespmem:s15+$0xFFFFFEB0] =	vst v11  }
0x2d0: {  	v11 =	vld.idx.msk [tilespmem:v7+s6+$0x0], $0xffff;
	_ =	sdelay $0x2  }
0x2d1: {  	[tilespmem:s15+$0x330] =	vst v8  }
0x2d2: {  	v5 =	vld.idx.msk [tilespmem:v5+s10+$0x0], $0xffff  }
0x2d3: {  	[tilespmem:s15+$0xFFFFFF30] =	vst v11  }
0x2d4: {  	v7 =	vld.idx.msk [tilespmem:v7+s10+$0x0], $0xffff;
	_ =	sdelay $0x2  }
0x2d5: {  	[tilespmem:s15+$0x3B0] =	vst v5  }
0x2d6: {  	[tilespmem:s3+$0xFFFFFFB0] =	vst v10;
	v5 =	vld [tilespmem:s9+$0x40]  }
0x2d7: {  	v8 =	vld [tilespmem:s25+$0xFFFFFFC0];
	[tilespmem:s15+$0xFFFFFFB0] =	vst v7  }
0x2d8: {  	v7 =	vld [tilespmem:s9+$0xFFFFFFC0];
	_ =	sdelay $0x5  }
0x2d9: {  	v10 =	vld.idx.msk [tilespmem:v5+s26+$0x0], $0xffff  }
0x2da: {  	v11 =	vld.idx.msk [tilespmem:v8+s26+$0x0], $0xffff  }
0x2db: {  	v12 =	vld.idx.msk [tilespmem:v7+s26+$0x0], $0xffff;
	_ =	sdelay $0x2  }
0x2dc: {  	[tilespmem:s15+$0x40] =	vst v10  }
0x2dd: {  	[tilespmem:s3+$0xFFFFFC40] =	vst v11;
	v10 =	vld.idx.msk [tilespmem:v5+s31+$0x0], $0xffff  }
0x2de: {  	v11 =	vld.idx.msk [tilespmem:v8+s31+$0x0], $0xffff;
	[tilespmem:s15+$0xFFFFFC40] =	vst v12  }
0x2df: {  	v12 =	vld.idx.msk [tilespmem:v7+s31+$0x0], $0xffff;
	_ =	sdelay $0x2  }
0x2e0: {  	[tilespmem:s15+$0xC0] =	vst v10  }
0x2e1: {  	[tilespmem:s3+$0xFFFFFCC0] =	vst v11;
	v10 =	vld.idx.msk [tilespmem:v5+s2+$0x0], $0xffff  }
0x2e2: {  	v11 =	vld.idx.msk [tilespmem:v8+s2+$0x0], $0xffff;
	[tilespmem:s15+$0xFFFFFCC0] =	vst v12  }
0x2e3: {  	v12 =	vld.idx.msk [tilespmem:v7+s2+$0x0], $0xffff;
	_ =	sdelay $0x2  }
0x2e4: {  	[tilespmem:s15+$0x140] =	vst v10  }
0x2e5: {  	[tilespmem:s3+$0xFFFFFD40] =	vst v11;
	v10 =	vld.idx.msk [tilespmem:v5+s1+$0x0], $0xffff  }
0x2e6: {  	v11 =	vld.idx.msk [tilespmem:v8+s1+$0x0], $0xffff;
	[tilespmem:s15+$0xFFFFFD40] =	vst v12  }
0x2e7: {  	v12 =	vld.idx.msk [tilespmem:v7+s1+$0x0], $0xffff  }
0x2e8: {  	[tilespmem:s3+$0x1C0] =	vst v9  }
0x2e9: {  	v9 =	vld.idx.msk [tilespmem:v2+s28+$0x0], $0xffff  }
0x2ea: {  	[tilespmem:s15+$0x1C0] =	vst v10  }
0x2eb: {  	[tilespmem:s3+$0xFFFFFDC0] =	vst v11;
	v10 =	vld.idx.msk [tilespmem:v5+s28+$0x0], $0xffff  }
0x2ec: {  	v11 =	vld.idx.msk [tilespmem:v8+s28+$0x0], $0xffff;
	[tilespmem:s15+$0xFFFFFDC0] =	vst v12  }
0x2ed: {  	v12 =	vld.idx.msk [tilespmem:v7+s28+$0x0], $0xffff  }
0x2ee: {  	[tilespmem:s3+$0x240] =	vst v9  }
0x2ef: {  	v9 =	vld.idx.msk [tilespmem:v2+s5+$0x0], $0xffff  }
0x2f0: {  	[tilespmem:s15+$0x240] =	vst v10  }
0x2f1: {  	[tilespmem:s3+$0xFFFFFE40] =	vst v11;
	v10 =	vld.idx.msk [tilespmem:v5+s5+$0x0], $0xffff  }
0x2f2: {  	v11 =	vld.idx.msk [tilespmem:v8+s5+$0x0], $0xffff;
	[tilespmem:s15+$0xFFFFFE40] =	vst v12  }
0x2f3: {  	v12 =	vld.idx.msk [tilespmem:v7+s5+$0x0], $0xffff  }
0x2f4: {  	[tilespmem:s3+$0x2C0] =	vst v9  }
0x2f5: {  	v9 =	vld.idx.msk [tilespmem:v2+s6+$0x0], $0xffff  }
0x2f6: {  	[tilespmem:s15+$0x2C0] =	vst v10  }
0x2f7: {  	[tilespmem:s3+$0xFFFFFEC0] =	vst v11;
	v10 =	vld.idx.msk [tilespmem:v5+s6+$0x0], $0xffff  }
0x2f8: {  	v11 =	vld.idx.msk [tilespmem:v8+s6+$0x0], $0xffff;
	[tilespmem:s15+$0xFFFFFEC0] =	vst v12  }
0x2f9: {  	v12 =	vld.idx.msk [tilespmem:v7+s6+$0x0], $0xffff  }
0x2fa: {  	[tilespmem:s3+$0x340] =	vst v9  }
0x2fb: {  	v2 =	vld.idx.msk [tilespmem:v2+s10+$0x0], $0xffff  }
0x2fc: {  	[tilespmem:s15+$0x340] =	vst v10  }
0x2fd: {  	[tilespmem:s3+$0xFFFFFF40] =	vst v11;
	v5 =	vld.idx.msk [tilespmem:v5+s10+$0x0], $0xffff  }
0x2fe: {  	v8 =	vld.idx.msk [tilespmem:v8+s10+$0x0], $0xffff;
	[tilespmem:s15+$0xFFFFFF40] =	vst v12  }
0x2ff: {  	v7 =	vld.idx.msk [tilespmem:v7+s10+$0x0], $0xffff  }
0x300: {  	[tilespmem:s3+$0x3C0] =	vst v2  }
0x301: {  	v2 =	vld [tilespmem:s25+$0x50]  }
0x302: {  	[tilespmem:s15+$0x3C0] =	vst v5  }
0x303: {  	[tilespmem:s3+$0xFFFFFFC0] =	vst v8;
	v5 =	vld [tilespmem:s9+$0x50]  }
0x304: {  	v8 =	vld [tilespmem:s25+$0xFFFFFFD0];
	[tilespmem:s15+$0xFFFFFFC0] =	vst v7  }
0x305: {  	v7 =	vld [tilespmem:s9+$0xFFFFFFD0];
	_ =	sdelay $0x3  }
0x306: {  	v9 =	vld.idx.msk [tilespmem:v2+s26+$0x0], $0xffff;
	_ =	sdelay $0x1  }
0x307: {  	v10 =	vld.idx.msk [tilespmem:v5+s26+$0x0], $0xffff  }
0x308: {  	v11 =	vld.idx.msk [tilespmem:v8+s26+$0x0], $0xffff  }
0x309: {  	v12 =	vld.idx.msk [tilespmem:v7+s26+$0x0], $0xffff  }
0x30a: {  	[tilespmem:s3+$0x50] =	vst v9  }
0x30b: {  	v9 =	vld.idx.msk [tilespmem:v2+s31+$0x0], $0xffff  }
0x30c: {  	[tilespmem:s15+$0x50] =	vst v10  }
0x30d: {  	[tilespmem:s3+$0xFFFFFC50] =	vst v11;
	v10 =	vld.idx.msk [tilespmem:v5+s31+$0x0], $0xffff  }
0x30e: {  	v11 =	vld.idx.msk [tilespmem:v8+s31+$0x0], $0xffff;
	[tilespmem:s15+$0xFFFFFC50] =	vst v12  }
0x30f: {  	v12 =	vld.idx.msk [tilespmem:v7+s31+$0x0], $0xffff  }
0x310: {  	[tilespmem:s3+$0xD0] =	vst v9  }
0x311: {  	v9 =	vld.idx.msk [tilespmem:v2+s2+$0x0], $0xffff  }
0x312: {  	[tilespmem:s15+$0xD0] =	vst v10  }
0x313: {  	[tilespmem:s3+$0xFFFFFCD0] =	vst v11;
	v10 =	vld.idx.msk [tilespmem:v5+s2+$0x0], $0xffff  }
0x314: {  	v11 =	vld.idx.msk [tilespmem:v8+s2+$0x0], $0xffff;
	[tilespmem:s15+$0xFFFFFCD0] =	vst v12  }
0x315: {  	v12 =	vld.idx.msk [tilespmem:v7+s2+$0x0], $0xffff  }
0x316: {  	[tilespmem:s3+$0x150] =	vst v9  }
0x317: {  	v9 =	vld.idx.msk [tilespmem:v2+s1+$0x0], $0xffff  }
0x318: {  	[tilespmem:s15+$0x150] =	vst v10  }
0x319: {  	[tilespmem:s3+$0xFFFFFD50] =	vst v11;
	v10 =	vld.idx.msk [tilespmem:v5+s1+$0x0], $0xffff  }
0x31a: {  	v11 =	vld.idx.msk [tilespmem:v8+s1+$0x0], $0xffff;
	[tilespmem:s15+$0xFFFFFD50] =	vst v12  }
0x31b: {  	v12 =	vld.idx.msk [tilespmem:v7+s1+$0x0], $0xffff  }
0x31c: {  	[tilespmem:s3+$0x1D0] =	vst v9  }
0x31d: {  	v9 =	vld.idx.msk [tilespmem:v2+s28+$0x0], $0xffff  }
0x31e: {  	[tilespmem:s15+$0x1D0] =	vst v10  }
0x31f: {  	[tilespmem:s3+$0xFFFFFDD0] =	vst v11;
	v10 =	vld.idx.msk [tilespmem:v5+s28+$0x0], $0xffff  }
0x320: {  	v11 =	vld.idx.msk [tilespmem:v8+s28+$0x0], $0xffff;
	[tilespmem:s15+$0xFFFFFDD0] =	vst v12  }
0x321: {  	v12 =	vld.idx.msk [tilespmem:v7+s28+$0x0], $0xffff  }
0x322: {  	[tilespmem:s3+$0x250] =	vst v9  }
0x323: {  	v9 =	vld.idx.msk [tilespmem:v2+s5+$0x0], $0xffff  }
0x324: {  	[tilespmem:s15+$0x250] =	vst v10  }
0x325: {  	[tilespmem:s3+$0xFFFFFE50] =	vst v11;
	v10 =	vld.idx.msk [tilespmem:v5+s5+$0x0], $0xffff  }
0x326: {  	v11 =	vld.idx.msk [tilespmem:v8+s5+$0x0], $0xffff;
	[tilespmem:s15+$0xFFFFFE50] =	vst v12  }
0x327: {  	v12 =	vld.idx.msk [tilespmem:v7+s5+$0x0], $0xffff  }
0x328: {  	[tilespmem:s3+$0x2D0] =	vst v9  }
0x329: {  	v9 =	vld.idx.msk [tilespmem:v2+s6+$0x0], $0xffff  }
0x32a: {  	[tilespmem:s15+$0x2D0] =	vst v10  }
0x32b: {  	[tilespmem:s3+$0xFFFFFED0] =	vst v11;
	v10 =	vld.idx.msk [tilespmem:v5+s6+$0x0], $0xffff  }
0x32c: {  	v11 =	vld.idx.msk [tilespmem:v8+s6+$0x0], $0xffff;
	[tilespmem:s15+$0xFFFFFED0] =	vst v12  }
0x32d: {  	v12 =	vld.idx.msk [tilespmem:v7+s6+$0x0], $0xffff  }
0x32e: {  	[tilespmem:s3+$0x350] =	vst v9  }
0x32f: {  	v2 =	vld.idx.msk [tilespmem:v2+s10+$0x0], $0xffff  }
0x330: {  	[tilespmem:s15+$0x350] =	vst v10  }
0x331: {  	[tilespmem:s3+$0xFFFFFF50] =	vst v11;
	v5 =	vld.idx.msk [tilespmem:v5+s10+$0x0], $0xffff  }
0x332: {  	v8 =	vld.idx.msk [tilespmem:v8+s10+$0x0], $0xffff;
	[tilespmem:s15+$0xFFFFFF50] =	vst v12  }
0x333: {  	v7 =	vld.idx.msk [tilespmem:v7+s10+$0x0], $0xffff  }
0x334: {  	[tilespmem:s3+$0x3D0] =	vst v2  }
0x335: {  	[tilespmem:s24+$0xFFFFFFD0] =	vst v6;
	v2 =	vld [tilespmem:s25+$0x60]  }
0x336: {  	v6 =	vld [tilespmem:s14+$0xFFFFFFE0];
	[tilespmem:s15+$0x3D0] =	vst v5  }
0x337: {  	[tilespmem:s3+$0xFFFFFFD0] =	vst v8;
	v5 =	vld [tilespmem:s9+$0x60]  }
0x338: {  	v8 =	vld [tilespmem:s25+$0xFFFFFFE0];
	[tilespmem:s15+$0xFFFFFFD0] =	vst v7  }
0x339: {  	v7 =	vld [tilespmem:s9+$0xFFFFFFE0];
	_ =	sdelay $0x3  }
0x33a: {  	v9 =	vld.idx.msk [tilespmem:v2+s26+$0x0], $0xffff  }
0x33b: {  	v10 =	vld.idx.msk [tilespmem:v6+s26+$0x0], $0xffff  }
0x33c: {  	v11 =	vld.idx.msk [tilespmem:v5+s26+$0x0], $0xffff  }
0x33d: {  	v44 =	vld.idx.msk [tilespmem:v8+s26+$0x0], $0xffff  }
0x33e: {  	[tilespmem:s24+$0x2E0] =	vst v4;
	v4 =	vld.idx.msk [tilespmem:v7+s26+$0x0], $0xffff  }
0x33f: {  	[tilespmem:s3+$0x60] =	vst v9;
	v9 =	vld.idx.msk [tilespmem:v1+s6+$0x0], $0xffff  }
0x340: {  	[tilespmem:s24+$0xFFFFFC60] =	vst v10;
	v10 =	vld.idx.msk [tilespmem:v2+s31+$0x0], $0xffff  }
0x341: {  	[tilespmem:s15+$0x60] =	vst v11;
	v11 =	vld.idx.msk [tilespmem:v6+s31+$0x0], $0xffff  }
0x342: {  	[tilespmem:s3+$0xFFFFFC60] =	vst v44;
	v45 =	vld.idx.msk [tilespmem:v5+s31+$0x0], $0xffff  }
0x343: {  	[tilespmem:s15+$0xFFFFFC60] =	vst v4;
	v4 =	vld.idx.msk [tilespmem:v8+s31+$0x0], $0xffff  }
0x344: {  	[tilespmem:s24+$0x360] =	vst v9;
	v9 =	vld.idx.msk [tilespmem:v7+s31+$0x0], $0xffff  }
0x345: {  	v1 =	vld.idx.msk [tilespmem:v1+s10+$0x0], $0xffff;
	[tilespmem:s3+$0xE0] =	vst v10  }
0x346: {  	[tilespmem:s24+$0xFFFFFCE0] =	vst v11;
	v10 =	vld.idx.msk [tilespmem:v2+s2+$0x0], $0xffff  }
0x347: {  	v11 =	vld.idx.msk [tilespmem:v6+s2+$0x0], $0xffff;
	[tilespmem:s15+$0xE0] =	vst v45  }
0x348: {  	[tilespmem:s3+$0xFFFFFCE0] =	vst v4;
	v4 =	vld.idx.msk [tilespmem:v5+s2+$0x0], $0xffff  }
0x349: {  	v46 =	vld.idx.msk [tilespmem:v8+s2+$0x0], $0xffff;
	[tilespmem:s15+$0xFFFFFCE0] =	vst v9  }
0x34a: {  	[tilespmem:s24+$0x3E0] =	vst v1;
	v1 =	vld.idx.msk [tilespmem:v7+s2+$0x0], $0xffff  }
0x34b: {  	v9 =	vld [tilespmem:s14+$0x70];
	[tilespmem:s3+$0x160] =	vst v10  }
0x34c: {  	[tilespmem:s24+$0xFFFFFD60] =	vst v11;
	v10 =	vld.idx.msk [tilespmem:v2+s1+$0x0], $0xffff  }
0x34d: {  	v11 =	vld.idx.msk [tilespmem:v6+s1+$0x0], $0xffff;
	[tilespmem:s15+$0x160] =	vst v4  }
0x34e: {  	[tilespmem:s3+$0xFFFFFD60] =	vst v46;
	v4 =	vld.idx.msk [tilespmem:v5+s1+$0x0], $0xffff  }
0x34f: {  	v12 =	vld.idx.msk [tilespmem:v8+s1+$0x0], $0xffff;
	[tilespmem:s15+$0xFFFFFD60] =	vst v1  }
0x350: {  	v1 =	vld.idx.msk [tilespmem:v7+s1+$0x0], $0xffff  }
0x351: {  	[tilespmem:s3+$0x1E0] =	vst v10  }
0x352: {  	[tilespmem:s24+$0xFFFFFDE0] =	vst v11;
	v10 =	vld.idx.msk [tilespmem:v2+s28+$0x0], $0xffff  }
0x353: {  	v11 =	vld.idx.msk [tilespmem:v6+s28+$0x0], $0xffff;
	[tilespmem:s15+$0x1E0] =	vst v4  }
0x354: {  	[tilespmem:s3+$0xFFFFFDE0] =	vst v12;
	v4 =	vld.idx.msk [tilespmem:v5+s28+$0x0], $0xffff  }
0x355: {  	v12 =	vld.idx.msk [tilespmem:v8+s28+$0x0], $0xffff;
	[tilespmem:s15+$0xFFFFFDE0] =	vst v1  }
0x356: {  	v1 =	vld.idx.msk [tilespmem:v7+s28+$0x0], $0xffff  }
0x357: {  	[tilespmem:s3+$0x260] =	vst v10;
	v10 =	vld.idx.msk [tilespmem:v9+s26+$0x0], $0xffff  }
0x358: {  	[tilespmem:s24+$0xFFFFFE60] =	vst v11;
	v11 =	vld.idx.msk [tilespmem:v2+s5+$0x0], $0xffff  }
0x359: {  	[tilespmem:s15+$0x260] =	vst v4;
	v4 =	vld.idx.msk [tilespmem:v6+s5+$0x0], $0xffff  }
0x35a: {  	[tilespmem:s3+$0xFFFFFE60] =	vst v12;
	v47 =	vld.idx.msk [tilespmem:v5+s5+$0x0], $0xffff  }
0x35b: {  	[tilespmem:s15+$0xFFFFFE60] =	vst v1;
	v1 =	vld.idx.msk [tilespmem:v8+s5+$0x0], $0xffff  }
0x35c: {  	[tilespmem:s24+$0x70] =	vst v10;
	v10 =	vld.idx.msk [tilespmem:v7+s5+$0x0], $0xffff  }
0x35d: {  	[tilespmem:s3+$0x2E0] =	vst v11;
	v11 =	vld.idx.msk [tilespmem:v9+s31+$0x0], $0xffff  }
0x35e: {  	[tilespmem:s24+$0xFFFFFEE0] =	vst v4;
	v4 =	vld.idx.msk [tilespmem:v2+s6+$0x0], $0xffff  }
0x35f: {  	[tilespmem:s15+$0x2E0] =	vst v47;
	v48 =	vld.idx.msk [tilespmem:v6+s6+$0x0], $0xffff  }
0x360: {  	[tilespmem:s3+$0xFFFFFEE0] =	vst v1;
	v1 =	vld.idx.msk [tilespmem:v5+s6+$0x0], $0xffff  }
0x361: {  	[tilespmem:s15+$0xFFFFFEE0] =	vst v10;
	v10 =	vld.idx.msk [tilespmem:v8+s6+$0x0], $0xffff  }
0x362: {  	[tilespmem:s24+$0xF0] =	vst v11;
	v11 =	vld.idx.msk [tilespmem:v7+s6+$0x0], $0xffff  }
0x363: {  	[tilespmem:s3+$0x360] =	vst v4;
	v4 =	vld.idx.msk [tilespmem:v9+s2+$0x0], $0xffff  }
0x364: {  	[tilespmem:s24+$0xFFFFFF60] =	vst v48;
	v2 =	vld.idx.msk [tilespmem:v2+s10+$0x0], $0xffff  }
0x365: {  	v6 =	vld.idx.msk [tilespmem:v6+s10+$0x0], $0xffff;
	[tilespmem:s15+$0x360] =	vst v1  }
0x366: {  	[tilespmem:s3+$0xFFFFFF60] =	vst v10;
	v1 =	vld.idx.msk [tilespmem:v5+s10+$0x0], $0xffff  }
0x367: {  	v5 =	vld.idx.msk [tilespmem:v8+s10+$0x0], $0xffff;
	[tilespmem:s15+$0xFFFFFF60] =	vst v11  }
0x368: {  	[tilespmem:s24+$0x170] =	vst v4;
	v4 =	vld.idx.msk [tilespmem:v7+s10+$0x0], $0xffff  }
0x369: {  	v7 =	vld.idx.msk [tilespmem:v9+s1+$0x0], $0xffff;
	[tilespmem:s3+$0x3E0] =	vst v2  }
0x36a: {  	[tilespmem:s24+$0xFFFFFFE0] =	vst v6;
	v2 =	vld [tilespmem:s25+$0x70]  }
0x36b: {  	v6 =	vld [tilespmem:s14+$0xFFFFFFF0];
	[tilespmem:s15+$0x3E0] =	vst v1  }
0x36c: {  	[tilespmem:s3+$0xFFFFFFE0] =	vst v5;
	v1 =	vld [tilespmem:s9+$0x70]  }
0x36d: {  	v5 =	vld [tilespmem:s25+$0xFFFFFFF0]  }
0x36e: {  	[tilespmem:s15+$0xFFFFFFE0] =	vst v4  }
0x36f: {  	v4 =	vld [tilespmem:s9+$0xFFFFFFF0];
	[tilespmem:s24+$0x1F0] =	vst v7  }
0x370: {  	v7 =	vld.idx.msk [tilespmem:v9+s28+$0x0], $0xffff;
	_ =	sdelay $0x1  }
0x371: {  	v8 =	vld.idx.msk [tilespmem:v2+s26+$0x0], $0xffff  }
0x372: {  	v10 =	vld.idx.msk [tilespmem:v6+s26+$0x0], $0xffff  }
0x373: {  	[tilespmem:s11+$0xFFFFFDF0] =	vst v3;
	v11 =	vld.idx.msk [tilespmem:v1+s26+$0x0], $0xffff  }
0x374: {  	[tilespmem:s24+$0x270] =	vst v7;
	v3 =	vld.idx.msk [tilespmem:v5+s26+$0x0], $0xffff  }
0x375: {  	v49 =	vld.idx.msk [tilespmem:v9+s5+$0x0], $0xffff  }
0x376: {  	v7 =	vld.idx.msk [tilespmem:v4+s26+$0x0], $0xffff;
	[tilespmem:s3+$0x70] =	vst v8  }
0x377: {  	[tilespmem:s24+$0xFFFFFC70] =	vst v10  }
0x378: {  	v8 =	vld.idx.msk [tilespmem:v2+s31+$0x0], $0xffff;
	[tilespmem:s15+$0x70] =	vst v11  }
0x379: {  	v10 =	vld.idx.msk [tilespmem:v6+s31+$0x0], $0xffff;
	[tilespmem:s3+$0xFFFFFC70] =	vst v3  }
0x37a: {  	v3 =	vld.idx.msk [tilespmem:v1+s31+$0x0], $0xffff;
	[tilespmem:s24+$0x2F0] =	vst v49  }
0x37b: {  	[tilespmem:s15+$0xFFFFFC70] =	vst v7;
	v12 =	vld.idx.msk [tilespmem:v9+s6+$0x0], $0xffff  }
0x37c: {  	v7 =	vld.idx.msk [tilespmem:v4+s31+$0x0], $0xffff  }
0x37d: {  	v11 =	vld.idx.msk [tilespmem:v5+s31+$0x0], $0xffff;
	[tilespmem:s3+$0xF0] =	vst v8  }
0x37e: {  	[tilespmem:s24+$0xFFFFFCF0] =	vst v10;
	v8 =	vld.idx.msk [tilespmem:v2+s2+$0x0], $0xffff  }
0x37f: {  	v10 =	vld.idx.msk [tilespmem:v6+s2+$0x0], $0xffff;
	[tilespmem:s15+$0xF0] =	vst v3  }
0x380: {  	v3 =	vld.idx.msk [tilespmem:v1+s2+$0x0], $0xffff;
	[tilespmem:s24+$0x370] =	vst v12  }
0x381: {  	[tilespmem:s15+$0xFFFFFCF0] =	vst v7;
	v9 =	vld.idx.msk [tilespmem:v9+s10+$0x0], $0xffff  }
0x382: {  	[tilespmem:s3+$0xFFFFFCF0] =	vst v11;
	v7 =	vld.idx.msk [tilespmem:v4+s2+$0x0], $0xffff  }
0x383: {  	v11 =	vld.idx.msk [tilespmem:v5+s2+$0x0], $0xffff;
	[tilespmem:s3+$0x170] =	vst v8  }
0x384: {  	[tilespmem:s24+$0xFFFFFD70] =	vst v10;
	v8 =	vld.idx.msk [tilespmem:v2+s1+$0x0], $0xffff  }
0x385: {  	v10 =	vld.idx.msk [tilespmem:v6+s1+$0x0], $0xffff;
	[tilespmem:s15+$0x170] =	vst v3  }
0x386: {  	v3 =	vld.idx.msk [tilespmem:v1+s1+$0x0], $0xffff;
	[tilespmem:s24+$0x3F0] =	vst v9  }
0x387: {  	v9 =	vld.idx.msk [tilespmem:v0+s28+$0x0], $0xffff;
	[tilespmem:s15+$0xFFFFFD70] =	vst v7  }
0x388: {  	[tilespmem:s3+$0xFFFFFD70] =	vst v11;
	v7 =	vld.idx.msk [tilespmem:v4+s1+$0x0], $0xffff  }
0x389: {  	v11 =	vld.idx.msk [tilespmem:v5+s1+$0x0], $0xffff;
	[tilespmem:s3+$0x1F0] =	vst v8  }
0x38a: {  	[tilespmem:s24+$0xFFFFFDF0] =	vst v10;
	v8 =	vld.idx.msk [tilespmem:v2+s28+$0x0], $0xffff  }
0x38b: {  	v10 =	vld.idx.msk [tilespmem:v6+s28+$0x0], $0xffff;
	[tilespmem:s15+$0x1F0] =	vst v3  }
0x38c: {  	[tilespmem:s11+$0xFFFFFE70] =	vst v9;
	v3 =	vld.idx.msk [tilespmem:v1+s28+$0x0], $0xffff  }
0x38d: {  	v9 =	vld.idx.msk [tilespmem:v0+s5+$0x0], $0xffff;
	[tilespmem:s15+$0xFFFFFDF0] =	vst v7  }
0x38e: {  	[tilespmem:s3+$0xFFFFFDF0] =	vst v11;
	v7 =	vld.idx.msk [tilespmem:v4+s28+$0x0], $0xffff  }
0x38f: {  	v11 =	vld.idx.msk [tilespmem:v5+s28+$0x0], $0xffff;
	[tilespmem:s3+$0x270] =	vst v8  }
0x390: {  	v8 =	vld.idx.msk [tilespmem:v2+s5+$0x0], $0xffff;
	[tilespmem:s24+$0xFFFFFE70] =	vst v10  }
0x391: {  	v10 =	vld.idx.msk [tilespmem:v6+s5+$0x0], $0xffff;
	[tilespmem:s15+$0x270] =	vst v3  }
0x392: {  	[tilespmem:s11+$0xFFFFFEF0] =	vst v9;
	v3 =	vld.idx.msk [tilespmem:v1+s5+$0x0], $0xffff  }
0x393: {  	v9 =	vld.idx.msk [tilespmem:v0+s6+$0x0], $0xffff;
	[tilespmem:s15+$0xFFFFFE70] =	vst v7  }
0x394: {  	[tilespmem:s3+$0xFFFFFE70] =	vst v11;
	v7 =	vld.idx.msk [tilespmem:v4+s5+$0x0], $0xffff  }
0x395: {  	v11 =	vld.idx.msk [tilespmem:v5+s5+$0x0], $0xffff;
	[tilespmem:s3+$0x2F0] =	vst v8  }
0x396: {  	v8 =	vld.idx.msk [tilespmem:v2+s6+$0x0], $0xffff;
	[tilespmem:s24+$0xFFFFFEF0] =	vst v10  }
0x397: {  	v10 =	vld.idx.msk [tilespmem:v6+s6+$0x0], $0xffff;
	[tilespmem:s15+$0x2F0] =	vst v3  }
0x398: {  	[tilespmem:s11+$0xFFFFFF70] =	vst v9;
	v3 =	vld.idx.msk [tilespmem:v1+s6+$0x0], $0xffff  }
0x399: {  	v0 =	vld.idx.msk [tilespmem:v0+s10+$0x0], $0xffff;
	[tilespmem:s15+$0xFFFFFEF0] =	vst v7  }
0x39a: {  	[tilespmem:s3+$0xFFFFFEF0] =	vst v11;
	v7 =	vld.idx.msk [tilespmem:v4+s6+$0x0], $0xffff  }
0x39b: {  	v11 =	vld.idx.msk [tilespmem:v5+s6+$0x0], $0xffff;
	[tilespmem:s3+$0x370] =	vst v8  }
0x39c: {  	[tilespmem:s24+$0xFFFFFF70] =	vst v10  }
0x39d: {  	v2 =	vld.idx.msk [tilespmem:v2+s10+$0x0], $0xffff;
	[tilespmem:s15+$0x370] =	vst v3  }
0x39e: {  	v6 =	vld.idx.msk [tilespmem:v6+s10+$0x0], $0xffff;
	[tilespmem:s11+$0xFFFFFFF0] =	vst v0  }
0x39f: {  	v1 =	vld.idx.msk [tilespmem:v1+s10+$0x0], $0xffff;
	[tilespmem:s15+$0xFFFFFF70] =	vst v7  }
0x3a0: {  	[tilespmem:s3+$0xFFFFFF70] =	vst v11;
	v0 =	vld.idx.msk [tilespmem:v4+s10+$0x0], $0xffff  }
0x3a1: {  	v3 =	vld.idx.msk [tilespmem:v5+s10+$0x0], $0xffff  }
0x3a2: {  	[tilespmem:s3+$0x3F0] =	vst v2  }
0x3a3: {  	s7 =	sshll.u32 s12, $0xF;
	[tilespmem:s24+$0xFFFFFFF0] =	vst v6  }
0x3a4: {  	s7 =	sadd.s32 s7, s8;
	[tilespmem:s15+$0x3F0] =	vst v1  }
0x3a5: {  	s14 =	sshrl.u32 s7, $0x3;
	[tilespmem:s15+$0xFFFFFFF0] =	vst v0;
	s15 =	rddreg [dreg:$0x5]  }
0x3a6: {  	p0 =	seq.s32 s12, $0x30;
	s17 =	simm.s32 $0x12C40;
	[tilespmem:s3+$0xFFFFFFF0] =	vst v3;
	s3 =	sadd.s32 s15, s14  }
0x3a7: {  	[hbm4b:s3+s4] =	stream.linear.scatter [tilespmem:s17], [sflag:$0xB], $0x4000, $0x38;
	[tilespmem:$0x1AC40] =	vst v63  }
0x3a8: {  	p1 =	seq.s32 @!p0 s12, $0x0;
	s9 =	simm.s32 @!p0 $0x11C40;
	_ =	swait.ge [sflag:s22], $0x800  }
0x3a9: {  	s3 =	sshll.u32 @!p0 s12, $0x9;
	[sflag:s22] =	ssyncset.done $0x0;
	s7 =	rddreg [dreg:$0xa]  }
0x3aa: {  	[sflag:s22] =	ssyncadd.s32 $0xFFFFF800;
	s3 =	sadd.s32 @!p0 s3, s7;
	s7 =	simm.s32 @!p0 $0x0  }
0x3ab: {  	[tilespmem:s9], [sflag:$0x9] =	stream.linear.gather @!p0 [hbm4b:s3+s7], $0x800, $0x38;
	[tilespmem:$0x1AC40] =	vst v63  }
0x3ac: {  	p0 =	por p0, !p1  }
0x3ad: {  	s3 =	simm.s32 @p0 $0xC  }
0x3ae: {  	_ =	swait.ge @p0 [sflag:s3], $0x4000  }
0x3af: {  	[sflag:s3] =	ssyncset.done @p0 $0x0  }
0x3b0: {  	s19 =	simm.s32 $0x124C0;
	[sflag:s3] =	ssyncadd.s32 @p0 $0xFFFFC000  }
0x3b1: {  	v0 =	vld [tilespmem:s19+$0x0];
	_ =	sdelay $0x7  }
0x3b2: {  	v1 =	vld.idx.msk [tilespmem:v0+s26+$0x0], $0xffff;
	_ =	sdelay $0x3  }
0x3b3: {  	s11 =	simm.s32 $0x17040  }
0x3b4: {  	[tilespmem:s11+$0x0] =	vst v1  }
0x3b5: {  	v1 =	vld.idx.msk [tilespmem:v0+s31+$0x0], $0xffff;
	_ =	sdelay $0x4  }
0x3b6: {  	[tilespmem:s11+$0x80] =	vst v1  }
0x3b7: {  	v1 =	vld.idx.msk [tilespmem:v0+s2+$0x0], $0xffff;
	_ =	sdelay $0x4  }
0x3b8: {  	v2 =	vld [tilespmem:s19+$0xFFFFFF80];
	[tilespmem:s11+$0x100] =	vst v1  }
0x3b9: {  	v1 =	vld.idx.msk [tilespmem:v0+s1+$0x0], $0xffff;
	_ =	sdelay $0x4  }
0x3ba: {  	[tilespmem:s11+$0x180] =	vst v1  }
0x3bb: {  	v1 =	vld.idx.msk [tilespmem:v0+s28+$0x0], $0xffff  }
0x3bc: {  	v3 =	vld.idx.msk [tilespmem:v2+s26+$0x0], $0xffff;
	_ =	sdelay $0x3  }
0x3bd: {  	[tilespmem:s11+$0x200] =	vst v1  }
0x3be: {  	[tilespmem:s11+$0xFFFFFC00] =	vst v3;
	v1 =	vld.idx.msk [tilespmem:v0+s5+$0x0], $0xffff  }
0x3bf: {  	v3 =	vld.idx.msk [tilespmem:v2+s31+$0x0], $0xffff;
	_ =	sdelay $0x3  }
0x3c0: {  	[tilespmem:s11+$0x280] =	vst v1  }
0x3c1: {  	[tilespmem:s11+$0xFFFFFC80] =	vst v3;
	v1 =	vld.idx.msk [tilespmem:v0+s6+$0x0], $0xffff  }
0x3c2: {  	v3 =	vld.idx.msk [tilespmem:v2+s2+$0x0], $0xffff;
	_ =	sdelay $0x3  }
0x3c3: {  	[tilespmem:s11+$0x300] =	vst v1  }
0x3c4: {  	[tilespmem:s11+$0xFFFFFD00] =	vst v3;
	v0 =	vld.idx.msk [tilespmem:v0+s10+$0x0], $0xffff  }
0x3c5: {  	v1 =	vld.idx.msk [tilespmem:v2+s1+$0x0], $0xffff;
	_ =	sdelay $0x3  }
0x3c6: {  	[tilespmem:s11+$0x380] =	vst v0  }
0x3c7: {  	[tilespmem:s11+$0xFFFFFD80] =	vst v1;
	v0 =	vld [tilespmem:s19+$0x10]  }
0x3c8: {  	v1 =	vld.idx.msk [tilespmem:v2+s28+$0x0], $0xffff;
	_ =	sdelay $0x4  }
0x3c9: {  	[tilespmem:s11+$0xFFFFFE00] =	vst v1  }
0x3ca: {  	v1 =	vld.idx.msk [tilespmem:v2+s5+$0x0], $0xffff  }
0x3cb: {  	v3 =	vld.idx.msk [tilespmem:v0+s26+$0x0], $0xffff;
	_ =	sdelay $0x3  }
0x3cc: {  	[tilespmem:s11+$0xFFFFFE80] =	vst v1  }
0x3cd: {  	v1 =	vld.idx.msk [tilespmem:v2+s6+$0x0], $0xffff;
	[tilespmem:s11+$0x10] =	vst v3  }
0x3ce: {  	v3 =	vld.idx.msk [tilespmem:v0+s31+$0x0], $0xffff;
	_ =	sdelay $0x3  }
0x3cf: {  	[tilespmem:s11+$0xFFFFFF00] =	vst v1  }
0x3d0: {  	v1 =	vld.idx.msk [tilespmem:v2+s10+$0x0], $0xffff;
	[tilespmem:s11+$0x90] =	vst v3  }
0x3d1: {  	v3 =	vld.idx.msk [tilespmem:v0+s2+$0x0], $0xffff;
	_ =	sdelay $0x3  }
0x3d2: {  	[tilespmem:s11+$0xFFFFFF80] =	vst v1  }
0x3d3: {  	v1 =	vld [tilespmem:s19+$0xFFFFFF90];
	[tilespmem:s11+$0x110] =	vst v3  }
0x3d4: {  	v2 =	vld.idx.msk [tilespmem:v0+s1+$0x0], $0xffff;
	_ =	sdelay $0x4  }
0x3d5: {  	[tilespmem:s11+$0x190] =	vst v2  }
0x3d6: {  	v2 =	vld.idx.msk [tilespmem:v0+s28+$0x0], $0xffff  }
0x3d7: {  	v3 =	vld.idx.msk [tilespmem:v1+s26+$0x0], $0xffff;
	_ =	sdelay $0x3  }
0x3d8: {  	[tilespmem:s11+$0x210] =	vst v2  }
0x3d9: {  	[tilespmem:s11+$0xFFFFFC10] =	vst v3;
	v2 =	vld.idx.msk [tilespmem:v0+s5+$0x0], $0xffff  }
0x3da: {  	v3 =	vld.idx.msk [tilespmem:v1+s31+$0x0], $0xffff;
	_ =	sdelay $0x3  }
0x3db: {  	[tilespmem:s11+$0x290] =	vst v2  }
0x3dc: {  	[tilespmem:s11+$0xFFFFFC90] =	vst v3;
	v2 =	vld.idx.msk [tilespmem:v0+s6+$0x0], $0xffff  }
0x3dd: {  	v3 =	vld.idx.msk [tilespmem:v1+s2+$0x0], $0xffff;
	_ =	sdelay $0x3  }
0x3de: {  	[tilespmem:s11+$0x310] =	vst v2  }
0x3df: {  	[tilespmem:s11+$0xFFFFFD10] =	vst v3;
	v0 =	vld.idx.msk [tilespmem:v0+s10+$0x0], $0xffff  }
0x3e0: {  	v2 =	vld.idx.msk [tilespmem:v1+s1+$0x0], $0xffff;
	_ =	sdelay $0x3  }
0x3e1: {  	[tilespmem:s11+$0x390] =	vst v0  }
0x3e2: {  	[tilespmem:s11+$0xFFFFFD90] =	vst v2;
	v0 =	vld [tilespmem:s19+$0x20]  }
0x3e3: {  	v2 =	vld.idx.msk [tilespmem:v1+s28+$0x0], $0xffff;
	_ =	sdelay $0x4  }
0x3e4: {  	[tilespmem:s11+$0xFFFFFE10] =	vst v2  }
0x3e5: {  	v2 =	vld.idx.msk [tilespmem:v1+s5+$0x0], $0xffff  }
0x3e6: {  	v3 =	vld.idx.msk [tilespmem:v0+s26+$0x0], $0xffff;
	_ =	sdelay $0x3  }
0x3e7: {  	s14 =	simm.s32 $0x125C0;
	[tilespmem:s11+$0xFFFFFE90] =	vst v2  }
0x3e8: {  	v2 =	vld [tilespmem:s14+$0x0];
	[tilespmem:s11+$0x20] =	vst v3  }
0x3e9: {  	v3 =	vld.idx.msk [tilespmem:v0+s31+$0x0], $0xffff;
	_ =	sdelay $0x1  }
0x3ea: {  	v4 =	vld.idx.msk [tilespmem:v1+s6+$0x0], $0xffff;
	_ =	sdelay $0x2  }
0x3eb: {  	[tilespmem:s11+$0xA0] =	vst v3  }
0x3ec: {  	v3 =	vld.idx.msk [tilespmem:v0+s2+$0x0], $0xffff  }
0x3ed: {  	[tilespmem:s11+$0xFFFFFF10] =	vst v4;
	v4 =	vld.idx.msk [tilespmem:v2+s26+$0x0], $0xffff  }
0x3ee: {  	v1 =	vld.idx.msk [tilespmem:v1+s10+$0x0], $0xffff  }
0x3ef: {  	v5 =	vld [tilespmem:s14+$0xFFFFFF80];
	_ =	sdelay $0x1  }
0x3f0: {  	s24 =	simm.s32 $0x17840;
	[tilespmem:s11+$0x120] =	vst v3  }
0x3f1: {  	[tilespmem:s24+$0x0] =	vst v4;
	v3 =	vld.idx.msk [tilespmem:v0+s1+$0x0], $0xffff  }
0x3f2: {  	[tilespmem:s11+$0xFFFFFF90] =	vst v1;
	v4 =	vld.idx.msk [tilespmem:v2+s31+$0x0], $0xffff  }
0x3f3: {  	v1 =	vld [tilespmem:s19+$0xFFFFFFA0];
	_ =	sdelay $0x2  }
0x3f4: {  	v6 =	vld.idx.msk [tilespmem:v5+s26+$0x0], $0xffff;
	[tilespmem:s11+$0x1A0] =	vst v3  }
0x3f5: {  	[tilespmem:s24+$0x80] =	vst v4;
	v3 =	vld.idx.msk [tilespmem:v0+s28+$0x0], $0xffff  }
0x3f6: {  	v4 =	vld.idx.msk [tilespmem:v2+s2+$0x0], $0xffff;
	_ =	sdelay $0x2  }
0x3f7: {  	[tilespmem:s24+$0xFFFFFC00] =	vst v6;
	v7 =	vld.idx.msk [tilespmem:v1+s26+$0x0], $0xffff  }
0x3f8: {  	v6 =	vld.idx.msk [tilespmem:v5+s31+$0x0], $0xffff;
	[tilespmem:s11+$0x220] =	vst v3  }
0x3f9: {  	[tilespmem:s24+$0x100] =	vst v4;
	v3 =	vld.idx.msk [tilespmem:v0+s5+$0x0], $0xffff  }
0x3fa: {  	v4 =	vld.idx.msk [tilespmem:v2+s1+$0x0], $0xffff;
	_ =	sdelay $0x1  }
0x3fb: {  	[tilespmem:s11+$0xFFFFFC20] =	vst v7  }
0x3fc: {  	[tilespmem:s24+$0xFFFFFC80] =	vst v6;
	v7 =	vld.idx.msk [tilespmem:v1+s31+$0x0], $0xffff  }
0x3fd: {  	v6 =	vld.idx.msk [tilespmem:v5+s2+$0x0], $0xffff;
	[tilespmem:s11+$0x2A0] =	vst v3  }
0x3fe: {  	[tilespmem:s24+$0x180] =	vst v4;
	v3 =	vld.idx.msk [tilespmem:v0+s6+$0x0], $0xffff  }
0x3ff: {  	v4 =	vld.idx.msk [tilespmem:v2+s28+$0x0], $0xffff;
	_ =	sdelay $0x1  }
0x400: {  	[tilespmem:s11+$0xFFFFFCA0] =	vst v7  }
0x401: {  	[tilespmem:s24+$0xFFFFFD00] =	vst v6;
	v7 =	vld.idx.msk [tilespmem:v1+s2+$0x0], $0xffff  }
0x402: {  	[tilespmem:s11+$0x320] =	vst v3;
	v3 =	vld.idx.msk [tilespmem:v5+s1+$0x0], $0xffff  }
0x403: {  	[tilespmem:s24+$0x200] =	vst v4;
	v0 =	vld.idx.msk [tilespmem:v0+s10+$0x0], $0xffff  }
0x404: {  	v4 =	vld.idx.msk [tilespmem:v2+s5+$0x0], $0xffff;
	_ =	sdelay $0x1  }
0x405: {  	[tilespmem:s11+$0xFFFFFD20] =	vst v7  }
0x406: {  	v6 =	vld.idx.msk [tilespmem:v1+s1+$0x0], $0xffff;
	[tilespmem:s24+$0xFFFFFD80] =	vst v3  }
0x407: {  	[tilespmem:s11+$0x3A0] =	vst v0;
	v3 =	vld.idx.msk [tilespmem:v5+s28+$0x0], $0xffff  }
0x408: {  	[tilespmem:s24+$0x280] =	vst v4;
	v0 =	vld [tilespmem:s19+$0x30]  }
0x409: {  	v4 =	vld.idx.msk [tilespmem:v2+s6+$0x0], $0xffff;
	_ =	sdelay $0x1  }
0x40a: {  	[tilespmem:s11+$0xFFFFFDA0] =	vst v6  }
0x40b: {  	v6 =	vld.idx.msk [tilespmem:v1+s28+$0x0], $0xffff  }
0x40c: {  	[tilespmem:s24+$0xFFFFFE00] =	vst v3  }
0x40d: {  	[tilespmem:s24+$0x300] =	vst v4;
	v3 =	vld.idx.msk [tilespmem:v5+s5+$0x0], $0xffff  }
0x40e: {  	v2 =	vld.idx.msk [tilespmem:v2+s10+$0x0], $0xffff  }
0x40f: {  	v4 =	vld.idx.msk [tilespmem:v0+s26+$0x0], $0xffff  }
0x410: {  	[tilespmem:s11+$0xFFFFFE20] =	vst v6  }
0x411: {  	v6 =	vld.idx.msk [tilespmem:v1+s5+$0x0], $0xffff  }
0x412: {  	[tilespmem:s24+$0xFFFFFE80] =	vst v3  }
0x413: {  	[tilespmem:s24+$0x380] =	vst v2;
	v3 =	vld.idx.msk [tilespmem:v5+s6+$0x0], $0xffff  }
0x414: {  	[tilespmem:s11+$0x30] =	vst v4;
	v4 =	vld [tilespmem:s14+$0x10]  }
0x415: {  	v2 =	vld.idx.msk [tilespmem:v0+s31+$0x0], $0xffff  }
0x416: {  	[tilespmem:s11+$0xFFFFFEA0] =	vst v6  }
0x417: {  	v6 =	vld.idx.msk [tilespmem:v1+s6+$0x0], $0xffff;
	_ =	sdelay $0x1  }
0x418: {  	[tilespmem:s24+$0xFFFFFF00] =	vst v3  }
0x419: {  	v3 =	vld.idx.msk [tilespmem:v5+s10+$0x0], $0xffff;
	[tilespmem:s11+$0xB0] =	vst v2  }
0x41a: {  	v2 =	vld.idx.msk [tilespmem:v0+s2+$0x0], $0xffff  }
0x41b: {  	[tilespmem:s11+$0xFFFFFF20] =	vst v6;
	v5 =	vld.idx.msk [tilespmem:v4+s26+$0x0], $0xffff  }
0x41c: {  	v1 =	vld.idx.msk [tilespmem:v1+s10+$0x0], $0xffff;
	_ =	sdelay $0x2  }
0x41d: {  	[tilespmem:s11+$0x130] =	vst v2  }
0x41e: {  	v2 =	vld.idx.msk [tilespmem:v0+s1+$0x0], $0xffff;
	[tilespmem:s24+$0x10] =	vst v5  }
0x41f: {  	[tilespmem:s11+$0xFFFFFFA0] =	vst v1;
	v5 =	vld.idx.msk [tilespmem:v4+s31+$0x0], $0xffff  }
0x420: {  	[tilespmem:s24+$0xFFFFFF80] =	vst v3;
	v3 =	vld [tilespmem:s19+$0xFFFFFFB0]  }
0x421: {  	v1 =	vld [tilespmem:s14+$0xFFFFFF90];
	_ =	sdelay $0x1  }
0x422: {  	[tilespmem:s11+$0x1B0] =	vst v2  }
0x423: {  	v2 =	vld.idx.msk [tilespmem:v0+s28+$0x0], $0xffff;
	[tilespmem:s24+$0x90] =	vst v5  }
0x424: {  	v5 =	vld.idx.msk [tilespmem:v4+s2+$0x0], $0xffff;
	_ =	sdelay $0x2  }
0x425: {  	v7 =	vld.idx.msk [tilespmem:v3+s26+$0x0], $0xffff  }
0x426: {  	v6 =	vld.idx.msk [tilespmem:v1+s26+$0x0], $0xffff;
	[tilespmem:s11+$0x230] =	vst v2  }
0x427: {  	v2 =	vld.idx.msk [tilespmem:v0+s5+$0x0], $0xffff;
	[tilespmem:s24+$0x110] =	vst v5  }
0x428: {  	v5 =	vld.idx.msk [tilespmem:v4+s1+$0x0], $0xffff;
	_ =	sdelay $0x1  }
0x429: {  	[tilespmem:s11+$0xFFFFFC30] =	vst v7  }
0x42a: {  	[tilespmem:s24+$0xFFFFFC10] =	vst v6;
	v7 =	vld.idx.msk [tilespmem:v3+s31+$0x0], $0xffff  }
0x42b: {  	v6 =	vld.idx.msk [tilespmem:v1+s31+$0x0], $0xffff;
	[tilespmem:s11+$0x2B0] =	vst v2  }
0x42c: {  	v2 =	vld.idx.msk [tilespmem:v0+s6+$0x0], $0xffff;
	[tilespmem:s24+$0x190] =	vst v5  }
0x42d: {  	v5 =	vld.idx.msk [tilespmem:v4+s28+$0x0], $0xffff;
	_ =	sdelay $0x1  }
0x42e: {  	[tilespmem:s11+$0xFFFFFCB0] =	vst v7  }
0x42f: {  	[tilespmem:s24+$0xFFFFFC90] =	vst v6;
	v7 =	vld.idx.msk [tilespmem:v3+s2+$0x0], $0xffff  }
0x430: {  	v6 =	vld.idx.msk [tilespmem:v1+s2+$0x0], $0xffff;
	[tilespmem:s11+$0x330] =	vst v2  }
0x431: {  	v0 =	vld.idx.msk [tilespmem:v0+s10+$0x0], $0xffff;
	[tilespmem:s24+$0x210] =	vst v5  }
0x432: {  	v2 =	vld.idx.msk [tilespmem:v4+s5+$0x0], $0xffff;
	_ =	sdelay $0x1  }
0x433: {  	[tilespmem:s11+$0xFFFFFD30] =	vst v7  }
0x434: {  	[tilespmem:s24+$0xFFFFFD10] =	vst v6;
	v6 =	vld.idx.msk [tilespmem:v3+s1+$0x0], $0xffff  }
0x435: {  	v5 =	vld.idx.msk [tilespmem:v1+s1+$0x0], $0xffff;
	[tilespmem:s11+$0x3B0] =	vst v0  }
0x436: {  	v0 =	vld [tilespmem:s19+$0x40];
	[tilespmem:s24+$0x290] =	vst v2  }
0x437: {  	v2 =	vld.idx.msk [tilespmem:v4+s6+$0x0], $0xffff;
	_ =	sdelay $0x1  }
0x438: {  	[tilespmem:s11+$0xFFFFFDB0] =	vst v6  }
0x439: {  	[tilespmem:s24+$0xFFFFFD90] =	vst v5;
	v6 =	vld.idx.msk [tilespmem:v3+s28+$0x0], $0xffff  }
0x43a: {  	v5 =	vld.idx.msk [tilespmem:v1+s28+$0x0], $0xffff  }
0x43b: {  	[tilespmem:s24+$0x310] =	vst v2  }
0x43c: {  	v4 =	vld.idx.msk [tilespmem:v4+s10+$0x0], $0xffff  }
0x43d: {  	v2 =	vld.idx.msk [tilespmem:v0+s26+$0x0], $0xffff  }
0x43e: {  	[tilespmem:s11+$0xFFFFFE30] =	vst v6  }
0x43f: {  	[tilespmem:s24+$0xFFFFFE10] =	vst v5  }
0x440: {  	v5 =	vld.idx.msk [tilespmem:v1+s5+$0x0], $0xffff  }
0x441: {  	v6 =	vld.idx.msk [tilespmem:v3+s5+$0x0], $0xffff;
	[tilespmem:s24+$0x390] =	vst v4  }
0x442: {  	[tilespmem:s11+$0x40] =	vst v2;
	v4 =	vld [tilespmem:s14+$0x20]  }
0x443: {  	v2 =	vld.idx.msk [tilespmem:v0+s31+$0x0], $0xffff;
	_ =	sdelay $0x1  }
0x444: {  	[tilespmem:s24+$0xFFFFFE90] =	vst v5  }
0x445: {  	v5 =	vld.idx.msk [tilespmem:v1+s6+$0x0], $0xffff  }
0x446: {  	[tilespmem:s11+$0xFFFFFEB0] =	vst v6  }
0x447: {  	v7 =	vld.idx.msk [tilespmem:v3+s6+$0x0], $0xffff;
	[tilespmem:s11+$0xC0] =	vst v2  }
0x448: {  	v2 =	vld.idx.msk [tilespmem:v0+s2+$0x0], $0xffff  }
0x449: {  	s25 =	simm.s32 $0x126C0;
	v6 =	vld.idx.msk [tilespmem:v4+s26+$0x0], $0xffff  }
0x44a: {  	[tilespmem:s24+$0xFFFFFF10] =	vst v5;
	v5 =	vld [tilespmem:s25+$0x0];
	_ =	sdelay $0x1  }
0x44b: {  	[tilespmem:s11+$0xFFFFFF30] =	vst v7;
	v1 =	vld.idx.msk [tilespmem:v1+s10+$0x0], $0xffff  }
0x44c: {  	v3 =	vld.idx.msk [tilespmem:v3+s10+$0x0], $0xffff;
	[tilespmem:s11+$0x140] =	vst v2  }
0x44d: {  	v2 =	vld.idx.msk [tilespmem:v0+s1+$0x0], $0xffff;
	[tilespmem:s24+$0x20] =	vst v6  }
0x44e: {  	v6 =	vld.idx.msk [tilespmem:v4+s31+$0x0], $0xffff;
	_ =	sdelay $0x1  }
0x44f: {  	v7 =	vld [tilespmem:s25+$0xFFFFFF80];
	[tilespmem:s24+$0xFFFFFF90] =	vst v1  }
0x450: {  	[tilespmem:s11+$0xFFFFFFB0] =	vst v3;
	v3 =	vld.idx.msk [tilespmem:v5+s26+$0x0], $0xffff  }
0x451: {  	v1 =	vld [tilespmem:s14+$0xFFFFFFA0];
	[tilespmem:s11+$0x1C0] =	vst v2  }
0x452: {  	v2 =	vld.idx.msk [tilespmem:v0+s28+$0x0], $0xffff;
	[tilespmem:s24+$0xA0] =	vst v6  }
0x453: {  	v6 =	vld.idx.msk [tilespmem:v4+s2+$0x0], $0xffff  }
0x454: {  	s3 =	simm.s32 $0x18040  }
0x455: {  	v8 =	vld [tilespmem:s19+$0xFFFFFFC0];
	[tilespmem:s3+$0x0] =	vst v3  }
0x456: {  	v3 =	vld.idx.msk [tilespmem:v5+s31+$0x0], $0xffff  }
0x457: {  	[tilespmem:s11+$0x240] =	vst v2  }
0x458: {  	v2 =	vld.idx.msk [tilespmem:v0+s5+$0x0], $0xffff;
	[tilespmem:s24+$0x120] =	vst v6  }
0x459: {  	v6 =	vld.idx.msk [tilespmem:v4+s1+$0x0], $0xffff  }
0x45a: {  	v9 =	vld.idx.msk [tilespmem:v7+s26+$0x0], $0xffff  }
0x45b: {  	v10 =	vld.idx.msk [tilespmem:v1+s26+$0x0], $0xffff;
	[tilespmem:s3+$0x80] =	vst v3  }
0x45c: {  	v3 =	vld.idx.msk [tilespmem:v5+s2+$0x0], $0xffff  }
0x45d: {  	v11 =	vld.idx.msk [tilespmem:v8+s26+$0x0], $0xffff;
	[tilespmem:s11+$0x2C0] =	vst v2  }
0x45e: {  	v2 =	vld.idx.msk [tilespmem:v0+s6+$0x0], $0xffff;
	[tilespmem:s24+$0x1A0] =	vst v6  }
0x45f: {  	[tilespmem:s3+$0xFFFFFC00] =	vst v9;
	v6 =	vld.idx.msk [tilespmem:v4+s28+$0x0], $0xffff  }
0x460: {  	v9 =	vld.idx.msk [tilespmem:v7+s31+$0x0], $0xffff;
	[tilespmem:s24+$0xFFFFFC20] =	vst v10  }
0x461: {  	v10 =	vld.idx.msk [tilespmem:v1+s31+$0x0], $0xffff;
	[tilespmem:s3+$0x100] =	vst v3  }
0x462: {  	[tilespmem:s11+$0xFFFFFC40] =	vst v11;
	v3 =	vld.idx.msk [tilespmem:v5+s1+$0x0], $0xffff  }
0x463: {  	[tilespmem:s11+$0x340] =	vst v2;
	v2 =	vld.idx.msk [tilespmem:v8+s31+$0x0], $0xffff  }
0x464: {  	v0 =	vld.idx.msk [tilespmem:v0+s10+$0x0], $0xffff;
	[tilespmem:s24+$0x220] =	vst v6  }
0x465: {  	[tilespmem:s3+$0xFFFFFC80] =	vst v9;
	v6 =	vld.idx.msk [tilespmem:v4+s5+$0x0], $0xffff  }
0x466: {  	v9 =	vld.idx.msk [tilespmem:v7+s2+$0x0], $0xffff;
	[tilespmem:s24+$0xFFFFFCA0] =	vst v10  }
0x467: {  	v10 =	vld.idx.msk [tilespmem:v1+s2+$0x0], $0xffff;
	[tilespmem:s3+$0x180] =	vst v3  }
0x468: {  	v3 =	vld.idx.msk [tilespmem:v5+s28+$0x0], $0xffff;
	[tilespmem:s11+$0xFFFFFCC0] =	vst v2  }
0x469: {  	[tilespmem:s11+$0x3C0] =	vst v0;
	v2 =	vld.idx.msk [tilespmem:v8+s2+$0x0], $0xffff  }
0x46a: {  	v0 =	vld [tilespmem:s19+$0x50];
	[tilespmem:s24+$0x2A0] =	vst v6  }
0x46b: {  	v6 =	vld.idx.msk [tilespmem:v4+s6+$0x0], $0xffff  }
0x46c: {  	[tilespmem:s3+$0xFFFFFD00] =	vst v9  }
0x46d: {  	v9 =	vld.idx.msk [tilespmem:v7+s1+$0x0], $0xffff;
	[tilespmem:s24+$0xFFFFFD20] =	vst v10  }
0x46e: {  	v10 =	vld.idx.msk [tilespmem:v1+s1+$0x0], $0xffff;
	[tilespmem:s3+$0x200] =	vst v3  }
0x46f: {  	v3 =	vld.idx.msk [tilespmem:v5+s5+$0x0], $0xffff;
	[tilespmem:s11+$0xFFFFFD40] =	vst v2  }
0x470: {  	v2 =	vld.idx.msk [tilespmem:v8+s1+$0x0], $0xffff;
	[tilespmem:s24+$0x320] =	vst v6  }
0x471: {  	v4 =	vld.idx.msk [tilespmem:v4+s10+$0x0], $0xffff  }
0x472: {  	[tilespmem:s3+$0xFFFFFD80] =	vst v9;
	v6 =	vld.idx.msk [tilespmem:v0+s26+$0x0], $0xffff  }
0x473: {  	v9 =	vld.idx.msk [tilespmem:v7+s28+$0x0], $0xffff;
	[tilespmem:s24+$0xFFFFFDA0] =	vst v10  }
0x474: {  	[tilespmem:s3+$0x280] =	vst v3  }
0x475: {  	[tilespmem:s11+$0xFFFFFDC0] =	vst v2;
	v2 =	vld.idx.msk [tilespmem:v1+s28+$0x0], $0xffff  }
0x476: {  	v3 =	vld.idx.msk [tilespmem:v5+s6+$0x0], $0xffff;
	[tilespmem:s24+$0x3A0] =	vst v4  }
0x477: {  	[tilespmem:s11+$0x50] =	vst v6;
	v6 =	vld [tilespmem:s14+$0x30]  }
0x478: {  	[tilespmem:s3+$0xFFFFFE00] =	vst v9;
	v4 =	vld.idx.msk [tilespmem:v0+s31+$0x0], $0xffff  }
0x479: {  	v9 =	vld.idx.msk [tilespmem:v7+s5+$0x0], $0xffff  }
0x47a: {  	v10 =	vld.idx.msk [tilespmem:v8+s28+$0x0], $0xffff;
	[tilespmem:s24+$0xFFFFFE20] =	vst v2  }
0x47b: {  	[tilespmem:s3+$0x300] =	vst v3;
	v2 =	vld.idx.msk [tilespmem:v1+s5+$0x0], $0xffff  }
0x47c: {  	v3 =	vld.idx.msk [tilespmem:v5+s10+$0x0], $0xffff  }
0x47d: {  	[tilespmem:s11+$0xD0] =	vst v4  }
0x47e: {  	[tilespmem:s3+$0xFFFFFE80] =	vst v9;
	v4 =	vld.idx.msk [tilespmem:v0+s2+$0x0], $0xffff  }
0x47f: {  	[tilespmem:s11+$0xFFFFFE40] =	vst v10;
	v5 =	vld.idx.msk [tilespmem:v6+s26+$0x0], $0xffff  }
0x480: {  	[tilespmem:s24+$0xFFFFFEA0] =	vst v2;
	v2 =	vld.idx.msk [tilespmem:v7+s6+$0x0], $0xffff  }
0x481: {  	v10 =	vld.idx.msk [tilespmem:v8+s5+$0x0], $0xffff;
	[tilespmem:s3+$0x380] =	vst v3  }
0x482: {  	v3 =	vld [tilespmem:s25+$0x10]  }
0x483: {  	v9 =	vld.idx.msk [tilespmem:v1+s6+$0x0], $0xffff;
	[tilespmem:s11+$0x150] =	vst v4  }
0x484: {  	v4 =	vld.idx.msk [tilespmem:v0+s1+$0x0], $0xffff;
	[tilespmem:s24+$0x30] =	vst v5  }
0x485: {  	[tilespmem:s3+$0xFFFFFF00] =	vst v2;
	v5 =	vld.idx.msk [tilespmem:v6+s31+$0x0], $0xffff  }
0x486: {  	[tilespmem:s11+$0xFFFFFEC0] =	vst v10;
	v2 =	vld.idx.msk [tilespmem:v7+s10+$0x0], $0xffff  }
0x487: {  	v10 =	vld.idx.msk [tilespmem:v8+s6+$0x0], $0xffff  }
0x488: {  	[tilespmem:s24+$0xFFFFFF20] =	vst v9  }
0x489: {  	v1 =	vld.idx.msk [tilespmem:v1+s10+$0x0], $0xffff;
	[tilespmem:s11+$0x1D0] =	vst v4  }
0x48a: {  	v4 =	vld.idx.msk [tilespmem:v0+s28+$0x0], $0xffff;
	[tilespmem:s24+$0xB0] =	vst v5  }
0x48b: {  	[tilespmem:s3+$0xFFFFFF80] =	vst v2;
	v2 =	vld.idx.msk [tilespmem:v3+s26+$0x0], $0xffff  }
0x48c: {  	[tilespmem:s11+$0xFFFFFF40] =	vst v10;
	v7 =	vld.idx.msk [tilespmem:v6+s2+$0x0], $0xffff  }
0x48d: {  	v5 =	vld.idx.msk [tilespmem:v8+s10+$0x0], $0xffff  }
0x48e: {  	v8 =	vld [tilespmem:s25+$0xFFFFFF90];
	[tilespmem:s24+$0xFFFFFFA0] =	vst v1  }
0x48f: {  	v1 =	vld [tilespmem:s14+$0xFFFFFFB0];
	[tilespmem:s11+$0x250] =	vst v4  }
0x490: {  	[tilespmem:s3+$0x10] =	vst v2;
	v4 =	vld.idx.msk [tilespmem:v0+s5+$0x0], $0xffff  }
0x491: {  	[tilespmem:s24+$0x130] =	vst v7;
	v2 =	vld.idx.msk [tilespmem:v3+s31+$0x0], $0xffff  }
0x492: {  	[tilespmem:s11+$0xFFFFFFC0] =	vst v5;
	v7 =	vld.idx.msk [tilespmem:v6+s1+$0x0], $0xffff  }
0x493: {  	v5 =	vld [tilespmem:s19+$0xFFFFFFD0];
	_ =	sdelay $0x1  }
0x494: {  	[tilespmem:s11+$0x2D0] =	vst v4  }
0x495: {  	[tilespmem:s3+$0x90] =	vst v2;
	v4 =	vld.idx.msk [tilespmem:v0+s6+$0x0], $0xffff  }
0x496: {  	[tilespmem:s24+$0x1B0] =	vst v7;
	v2 =	vld.idx.msk [tilespmem:v3+s2+$0x0], $0xffff  }
0x497: {  	v7 =	vld.idx.msk [tilespmem:v6+s28+$0x0], $0xffff  }
0x498: {  	v9 =	vld.idx.msk [tilespmem:v8+s26+$0x0], $0xffff  }
0x499: {  	v10 =	vld.idx.msk [tilespmem:v1+s26+$0x0], $0xffff  }
0x49a: {  	[tilespmem:s11+$0x350] =	vst v4;
	v4 =	vld.idx.msk [tilespmem:v5+s26+$0x0], $0xffff  }
0x49b: {  	[tilespmem:s3+$0x110] =	vst v2;
	v0 =	vld.idx.msk [tilespmem:v0+s10+$0x0], $0xffff  }
0x49c: {  	[tilespmem:s24+$0x230] =	vst v7;
	v2 =	vld.idx.msk [tilespmem:v3+s1+$0x0], $0xffff  }
0x49d: {  	[tilespmem:s3+$0xFFFFFC10] =	vst v9;
	v7 =	vld.idx.msk [tilespmem:v6+s5+$0x0], $0xffff  }
0x49e: {  	v9 =	vld.idx.msk [tilespmem:v8+s31+$0x0], $0xffff;
	[tilespmem:s24+$0xFFFFFC30] =	vst v10  }
0x49f: {  	v10 =	vld.idx.msk [tilespmem:v1+s31+$0x0], $0xffff;
	[tilespmem:s11+$0xFFFFFC50] =	vst v4  }
0x4a0: {  	[tilespmem:s11+$0x3D0] =	vst v0;
	v0 =	vld.idx.msk [tilespmem:v5+s31+$0x0], $0xffff  }
0x4a1: {  	[tilespmem:s3+$0x190] =	vst v2;
	v4 =	vld [tilespmem:s19+$0x60]  }
0x4a2: {  	[tilespmem:s24+$0x2B0] =	vst v7;
	v2 =	vld.idx.msk [tilespmem:v3+s28+$0x0], $0xffff  }
0x4a3: {  	v7 =	vld.idx.msk [tilespmem:v6+s6+$0x0], $0xffff  }
0x4a4: {  	[tilespmem:s3+$0xFFFFFC90] =	vst v9  }
0x4a5: {  	v9 =	vld.idx.msk [tilespmem:v8+s2+$0x0], $0xffff;
	[tilespmem:s24+$0xFFFFFCB0] =	vst v10  }
0x4a6: {  	v10 =	vld.idx.msk [tilespmem:v1+s2+$0x0], $0xffff;
	[tilespmem:s11+$0xFFFFFCD0] =	vst v0  }
0x4a7: {  	v0 =	vld.idx.msk [tilespmem:v5+s2+$0x0], $0xffff;
	[tilespmem:s3+$0x210] =	vst v2  }
0x4a8: {  	[tilespmem:s24+$0x330] =	vst v7;
	v2 =	vld.idx.msk [tilespmem:v3+s5+$0x0], $0xffff  }
0x4a9: {  	v6 =	vld.idx.msk [tilespmem:v6+s10+$0x0], $0xffff  }
0x4aa: {  	[tilespmem:s3+$0xFFFFFD10] =	vst v9;
	v7 =	vld.idx.msk [tilespmem:v4+s26+$0x0], $0xffff  }
0x4ab: {  	[tilespmem:s24+$0xFFFFFD30] =	vst v10;
	v9 =	vld.idx.msk [tilespmem:v8+s1+$0x0], $0xffff  }
0x4ac: {  	[tilespmem:s11+$0xFFFFFD50] =	vst v0;
	v0 =	vld.idx.msk [tilespmem:v1+s1+$0x0], $0xffff  }
0x4ad: {  	v10 =	vld.idx.msk [tilespmem:v5+s1+$0x0], $0xffff;
	[tilespmem:s3+$0x290] =	vst v2  }
0x4ae: {  	[tilespmem:s24+$0x3B0] =	vst v6;
	v2 =	vld.idx.msk [tilespmem:v3+s6+$0x0], $0xffff  }
0x4af: {  	[tilespmem:s11+$0x60] =	vst v7;
	v7 =	vld [tilespmem:s14+$0x40]  }
0x4b0: {  	v6 =	vld.idx.msk [tilespmem:v4+s31+$0x0], $0xffff  }
0x4b1: {  	[tilespmem:s3+$0xFFFFFD90] =	vst v9  }
0x4b2: {  	v9 =	vld.idx.msk [tilespmem:v8+s28+$0x0], $0xffff;
	[tilespmem:s24+$0xFFFFFDB0] =	vst v0  }
0x4b3: {  	v0 =	vld.idx.msk [tilespmem:v1+s28+$0x0], $0xffff;
	[tilespmem:s11+$0xFFFFFDD0] =	vst v10  }
0x4b4: {  	v10 =	vld.idx.msk [tilespmem:v5+s28+$0x0], $0xffff;
	[tilespmem:s3+$0x310] =	vst v2  }
0x4b5: {  	v2 =	vld.idx.msk [tilespmem:v3+s10+$0x0], $0xffff;
	[tilespmem:s11+$0xE0] =	vst v6  }
0x4b6: {  	v6 =	vld.idx.msk [tilespmem:v4+s2+$0x0], $0xffff  }
0x4b7: {  	[tilespmem:s3+$0xFFFFFE10] =	vst v9;
	v3 =	vld.idx.msk [tilespmem:v7+s26+$0x0], $0xffff  }
0x4b8: {  	[tilespmem:s24+$0xFFFFFE30] =	vst v0;
	v0 =	vld.idx.msk [tilespmem:v8+s5+$0x0], $0xffff  }
0x4b9: {  	[tilespmem:s11+$0xFFFFFE50] =	vst v10;
	v9 =	vld.idx.msk [tilespmem:v1+s5+$0x0], $0xffff  }
0x4ba: {  	v10 =	vld.idx.msk [tilespmem:v5+s5+$0x0], $0xffff;
	[tilespmem:s3+$0x390] =	vst v2  }
0x4bb: {  	v2 =	vld [tilespmem:s25+$0x20];
	[tilespmem:s11+$0x160] =	vst v6  }
0x4bc: {  	v6 =	vld.idx.msk [tilespmem:v4+s1+$0x0], $0xffff;
	[tilespmem:s24+$0x40] =	vst v3  }
0x4bd: {  	[tilespmem:s3+$0xFFFFFE90] =	vst v0;
	v3 =	vld.idx.msk [tilespmem:v7+s31+$0x0], $0xffff  }
0x4be: {  	v0 =	vld.idx.msk [tilespmem:v8+s6+$0x0], $0xffff  }
0x4bf: {  	[tilespmem:s24+$0xFFFFFEB0] =	vst v9  }
0x4c0: {  	v9 =	vld.idx.msk [tilespmem:v1+s6+$0x0], $0xffff;
	[tilespmem:s11+$0xFFFFFED0] =	vst v10  }
0x4c1: {  	v10 =	vld.idx.msk [tilespmem:v5+s6+$0x0], $0xffff;
	[tilespmem:s11+$0x1E0] =	vst v6  }
0x4c2: {  	v6 =	vld.idx.msk [tilespmem:v4+s28+$0x0], $0xffff;
	[tilespmem:s24+$0xC0] =	vst v3  }
0x4c3: {  	[tilespmem:s3+$0xFFFFFF10] =	vst v0;
	v0 =	vld.idx.msk [tilespmem:v2+s26+$0x0], $0xffff  }
0x4c4: {  	v3 =	vld.idx.msk [tilespmem:v7+s2+$0x0], $0xffff  }
0x4c5: {  	s9 =	simm.s32 $0x127C0;
	[tilespmem:s24+$0xFFFFFF30] =	vst v9;
	v8 =	vld.idx.msk [tilespmem:v8+s10+$0x0], $0xffff  }
0x4c6: {  	v9 =	vld [tilespmem:s9+$0x0];
	[tilespmem:s11+$0xFFFFFF50] =	vst v10  }
0x4c7: {  	v1 =	vld.idx.msk [tilespmem:v1+s10+$0x0], $0xffff;
	[tilespmem:s11+$0x260] =	vst v6  }
0x4c8: {  	[tilespmem:s3+$0x20] =	vst v0;
	v6 =	vld.idx.msk [tilespmem:v4+s5+$0x0], $0xffff  }
0x4c9: {  	[tilespmem:s24+$0x140] =	vst v3;
	v3 =	vld.idx.msk [tilespmem:v5+s10+$0x0], $0xffff  }
0x4ca: {  	v0 =	vld.idx.msk [tilespmem:v2+s31+$0x0], $0xffff  }
0x4cb: {  	[tilespmem:s3+$0xFFFFFF90] =	vst v8;
	v5 =	vld.idx.msk [tilespmem:v7+s1+$0x0], $0xffff  }
0x4cc: {  	v8 =	vld [tilespmem:s25+$0xFFFFFFA0]  }
0x4cd: {  	v10 =	vld [tilespmem:s9+$0xFFFFFF80];
	[tilespmem:s24+$0xFFFFFFB0] =	vst v1  }
0x4ce: {  	v11 =	vld.idx.msk [tilespmem:v9+s26+$0x0], $0xffff;
	[tilespmem:s11+$0x2E0] =	vst v6  }
0x4cf: {  	[tilespmem:s3+$0xA0] =	vst v0;
	v6 =	vld.idx.msk [tilespmem:v4+s6+$0x0], $0xffff  }
0x4d0: {  	[tilespmem:s24+$0x1C0] =	vst v5;
	v5 =	vld [tilespmem:s14+$0xFFFFFFC0]  }
0x4d1: {  	[tilespmem:s11+$0xFFFFFFD0] =	vst v3;
	v3 =	vld.idx.msk [tilespmem:v2+s2+$0x0], $0xffff  }
0x4d2: {  	v1 =	vld.idx.msk [tilespmem:v7+s28+$0x0], $0xffff  }
0x4d3: {  	s17 =	simm.s32 $0x18840;
	v0 =	vld [tilespmem:s19+$0xFFFFFFE0]  }
0x4d4: {  	[tilespmem:s17+$0x0] =	vst v11;
	v50 =	vld.idx.msk [tilespmem:v8+s26+$0x0], $0xffff  }
0x4d5: {  	v14 =	vld.idx.msk [tilespmem:v9+s31+$0x0], $0xffff  }
0x4d6: {  	[tilespmem:s11+$0x360] =	vst v6;
	v6 =	vld.idx.msk [tilespmem:v10+s26+$0x0], $0xffff  }
0x4d7: {  	v4 =	vld.idx.msk [tilespmem:v4+s10+$0x0], $0xffff;
	[tilespmem:s24+$0x240] =	vst v1  }
0x4d8: {  	[tilespmem:s3+$0x120] =	vst v3;
	v1 =	vld.idx.msk [tilespmem:v7+s5+$0x0], $0xffff  }
0x4d9: {  	v13 =	vld.idx.msk [tilespmem:v2+s1+$0x0], $0xffff;
	[tilespmem:s3+$0xFFFFFC20] =	vst v50  }
0x4da: {  	v11 =	vld.idx.msk [tilespmem:v5+s26+$0x0], $0xffff;
	[tilespmem:s17+$0x80] =	vst v14  }
0x4db: {  	v52 =	vld.idx.msk [tilespmem:v9+s2+$0x0], $0xffff;
	[tilespmem:s17+$0xFFFFFC00] =	vst v6  }
0x4dc: {  	v6 =	vld.idx.msk [tilespmem:v8+s31+$0x0], $0xffff;
	[tilespmem:s11+$0x3E0] =	vst v4  }
0x4dd: {  	v4 =	vld.idx.msk [tilespmem:v10+s31+$0x0], $0xffff;
	[tilespmem:s24+$0x2C0] =	vst v1  }
0x4de: {  	v1 =	vld.idx.msk [tilespmem:v7+s6+$0x0], $0xffff  }
0x4df: {  	v3 =	vld [tilespmem:s19+$0x70];
	[tilespmem:s24+$0xFFFFFC40] =	vst v11  }
0x4e0: {  	[tilespmem:s3+$0x1A0] =	vst v13;
	v11 =	vld.idx.msk [tilespmem:v5+s31+$0x0], $0xffff  }
0x4e1: {  	v51 =	vld.idx.msk [tilespmem:v2+s28+$0x0], $0xffff;
	[tilespmem:s17+$0x100] =	vst v52  }
0x4e2: {  	v53 =	vld.idx.msk [tilespmem:v0+s26+$0x0], $0xffff;
	[tilespmem:s3+$0xFFFFFCA0] =	vst v6  }
0x4e3: {  	v54 =	vld.idx.msk [tilespmem:v8+s2+$0x0], $0xffff;
	[tilespmem:s24+$0x340] =	vst v1  }
0x4e4: {  	[tilespmem:s17+$0xFFFFFC80] =	vst v4;
	v4 =	vld.idx.msk [tilespmem:v7+s10+$0x0], $0xffff  }
0x4e5: {  	[tilespmem:s24+$0xFFFFFCC0] =	vst v11;
	v11 =	vld.idx.msk [tilespmem:v9+s1+$0x0], $0xffff  }
0x4e6: {  	[tilespmem:s3+$0x220] =	vst v51;
	v7 =	vld.idx.msk [tilespmem:v10+s2+$0x0], $0xffff  }
0x4e7: {  	v6 =	vld.idx.msk [tilespmem:v2+s5+$0x0], $0xffff  }
0x4e8: {  	v1 =	vld.idx.msk [tilespmem:v3+s26+$0x0], $0xffff;
	[tilespmem:s3+$0xFFFFFD20] =	vst v54  }
0x4e9: {  	v55 =	vld.idx.msk [tilespmem:v5+s2+$0x0], $0xffff;
	[tilespmem:s24+$0x3C0] =	vst v4  }
0x4ea: {  	[tilespmem:s17+$0x180] =	vst v11;
	v11 =	vld.idx.msk [tilespmem:v8+s1+$0x0], $0xffff  }
0x4eb: {  	[tilespmem:s17+$0xFFFFFD00] =	vst v7;
	v4 =	vld [tilespmem:s14+$0x50]  }
0x4ec: {  	[tilespmem:s11+$0xFFFFFC60] =	vst v53;
	v7 =	vld.idx.msk [tilespmem:v10+s1+$0x0], $0xffff  }
0x4ed: {  	[tilespmem:s11+$0x70] =	vst v1;
	v56 =	vld.idx.msk [tilespmem:v9+s28+$0x0], $0xffff  }
0x4ee: {  	[tilespmem:s3+$0x2A0] =	vst v6;
	v1 =	vld.idx.msk [tilespmem:v3+s31+$0x0], $0xffff  }
0x4ef: {  	v6 =	vld.idx.msk [tilespmem:v2+s6+$0x0], $0xffff;
	[tilespmem:s24+$0xFFFFFD40] =	vst v55  }
0x4f0: {  	v14 =	vld.idx.msk [tilespmem:v0+s31+$0x0], $0xffff;
	[tilespmem:s3+$0xFFFFFDA0] =	vst v11  }
0x4f1: {  	v13 =	vld.idx.msk [tilespmem:v5+s1+$0x0], $0xffff;
	[tilespmem:s17+$0xFFFFFD80] =	vst v7  }
0x4f2: {  	[tilespmem:s17+$0x200] =	vst v56;
	v7 =	vld.idx.msk [tilespmem:v10+s28+$0x0], $0xffff  }
0x4f3: {  	[tilespmem:s11+$0xF0] =	vst v1;
	v11 =	vld.idx.msk [tilespmem:v9+s5+$0x0], $0xffff  }
0x4f4: {  	[tilespmem:s3+$0x320] =	vst v6;
	v1 =	vld.idx.msk [tilespmem:v3+s2+$0x0], $0xffff  }
0x4f5: {  	v2 =	vld.idx.msk [tilespmem:v2+s10+$0x0], $0xffff  }
0x4f6: {  	v6 =	vld.idx.msk [tilespmem:v4+s26+$0x0], $0xffff  }
0x4f7: {  	v57 =	vld.idx.msk [tilespmem:v8+s28+$0x0], $0xffff;
	[tilespmem:s17+$0xFFFFFE00] =	vst v7  }
0x4f8: {  	[tilespmem:s17+$0x280] =	vst v11;
	v7 =	vld.idx.msk [tilespmem:v10+s5+$0x0], $0xffff  }
0x4f9: {  	[tilespmem:s11+$0x170] =	vst v1;
	v11 =	vld.idx.msk [tilespmem:v9+s6+$0x0], $0xffff  }
0x4fa: {  	[tilespmem:s3+$0x3A0] =	vst v2;
	v1 =	vld.idx.msk [tilespmem:v3+s1+$0x0], $0xffff  }
0x4fb: {  	[tilespmem:s24+$0x50] =	vst v6;
	v6 =	vld [tilespmem:s25+$0x30]  }
0x4fc: {  	[tilespmem:s24+$0xFFFFFDC0] =	vst v13;
	v2 =	vld.idx.msk [tilespmem:v4+s31+$0x0], $0xffff  }
0x4fd: {  	v13 =	vld.idx.msk [tilespmem:v5+s28+$0x0], $0xffff;
	[tilespmem:s3+$0xFFFFFE20] =	vst v57  }
0x4fe: {  	v12 =	vld.idx.msk [tilespmem:v8+s5+$0x0], $0xffff;
	[tilespmem:s17+$0x300] =	vst v11  }
0x4ff: {  	[tilespmem:s17+$0xFFFFFE80] =	vst v7;
	v7 =	vld.idx.msk [tilespmem:v9+s10+$0x0], $0xffff  }
0x500: {  	[tilespmem:s11+$0x1F0] =	vst v1;
	v9 =	vld.idx.msk [tilespmem:v10+s6+$0x0], $0xffff  }
0x501: {  	v1 =	vld.idx.msk [tilespmem:v3+s28+$0x0], $0xffff;
	[tilespmem:s24+$0xD0] =	vst v2  }
0x502: {  	[tilespmem:s24+$0xFFFFFE40] =	vst v13;
	v2 =	vld.idx.msk [tilespmem:v4+s2+$0x0], $0xffff  }
0x503: {  	v13 =	vld.idx.msk [tilespmem:v5+s5+$0x0], $0xffff;
	[tilespmem:s3+$0xFFFFFEA0] =	vst v12  }
0x504: {  	v11 =	vld.idx.msk [tilespmem:v6+s26+$0x0], $0xffff;
	[tilespmem:s17+$0x380] =	vst v7  }
0x505: {  	v12 =	vld.idx.msk [tilespmem:v8+s6+$0x0], $0xffff;
	[tilespmem:s17+$0xFFFFFF00] =	vst v9  }
0x506: {  	[tilespmem:s11+$0x270] =	vst v1;
	v9 =	vld [tilespmem:s9+$0x10]  }
0x507: {  	v1 =	vld.idx.msk [tilespmem:v3+s5+$0x0], $0xffff;
	[tilespmem:s24+$0x150] =	vst v2  }
0x508: {  	[tilespmem:s24+$0xFFFFFEC0] =	vst v13;
	v2 =	vld.idx.msk [tilespmem:v4+s1+$0x0], $0xffff  }
0x509: {  	[tilespmem:s3+$0x30] =	vst v11;
	v11 =	vld.idx.msk [tilespmem:v5+s6+$0x0], $0xffff  }
0x50a: {  	[tilespmem:s11+$0xFFFFFCE0] =	vst v14;
	v10 =	vld.idx.msk [tilespmem:v10+s10+$0x0], $0xffff  }
0x50b: {  	[tilespmem:s3+$0xFFFFFF20] =	vst v12;
	v7 =	vld.idx.msk [tilespmem:v6+s31+$0x0], $0xffff  }
0x50c: {  	v14 =	vld.idx.msk [tilespmem:v0+s2+$0x0], $0xffff;
	[tilespmem:s11+$0x2F0] =	vst v1  }
0x50d: {  	v1 =	vld.idx.msk [tilespmem:v8+s10+$0x0], $0xffff;
	[tilespmem:s24+$0x1D0] =	vst v2  }
0x50e: {  	[tilespmem:s24+$0xFFFFFF40] =	vst v11;
	v2 =	vld.idx.msk [tilespmem:v4+s28+$0x0], $0xffff  }
0x50f: {  	[tilespmem:s17+$0xFFFFFF80] =	vst v10;
	v5 =	vld.idx.msk [tilespmem:v5+s10+$0x0], $0xffff  }
0x510: {  	[tilespmem:s3+$0xB0] =	vst v7;
	v10 =	vld.idx.msk [tilespmem:v9+s26+$0x0], $0xffff  }
0x511: {  	[tilespmem:s11+$0xFFFFFD60] =	vst v14;
	v7 =	vld.idx.msk [tilespmem:v6+s2+$0x0], $0xffff  }
0x512: {  	v8 =	vld.idx.msk [tilespmem:v0+s1+$0x0], $0xffff;
	[tilespmem:s3+$0xFFFFFFA0] =	vst v1  }
0x513: {  	v11 =	vld [tilespmem:s9+$0xFFFFFF90];
	[tilespmem:s24+$0x250] =	vst v2  }
0x514: {  	v59 =	vld [tilespmem:s25+$0xFFFFFFB0];
	[tilespmem:s24+$0xFFFFFFC0] =	vst v5  }
0x515: {  	[tilespmem:s17+$0x10] =	vst v10;
	v1 =	vld.idx.msk [tilespmem:v4+s5+$0x0], $0xffff  }
0x516: {  	[tilespmem:s3+$0x130] =	vst v7;
	v7 =	vld [tilespmem:s14+$0xFFFFFFD0]  }
0x517: {  	v5 =	vld.idx.msk [tilespmem:v9+s31+$0x0], $0xffff  }
0x518: {  	v2 =	vld.idx.msk [tilespmem:v6+s1+$0x0], $0xffff  }
0x519: {  	[tilespmem:s11+$0xFFFFFDE0] =	vst v8  }
0x51a: {  	v8 =	vld.idx.msk [tilespmem:v0+s28+$0x0], $0xffff  }
0x51b: {  	v10 =	vld.idx.msk [tilespmem:v11+s26+$0x0], $0xffff;
	[tilespmem:s24+$0x2D0] =	vst v1  }
0x51c: {  	[tilespmem:s17+$0x90] =	vst v5;
	v1 =	vld.idx.msk [tilespmem:v4+s6+$0x0], $0xffff  }
0x51d: {  	[tilespmem:s3+$0x1B0] =	vst v2;
	v5 =	vld.idx.msk [tilespmem:v59+s26+$0x0], $0xffff  }
0x51e: {  	v2 =	vld.idx.msk [tilespmem:v6+s28+$0x0], $0xffff  }
0x51f: {  	[tilespmem:s11+$0xFFFFFE60] =	vst v8;
	v60 =	vld.idx.msk [tilespmem:v9+s2+$0x0], $0xffff  }
0x520: {  	[tilespmem:s17+$0xFFFFFC10] =	vst v10;
	v8 =	vld.idx.msk [tilespmem:v7+s26+$0x0], $0xffff  }
0x521: {  	[tilespmem:s24+$0x350] =	vst v1;
	v1 =	vld.idx.msk [tilespmem:v0+s5+$0x0], $0xffff  }
0x522: {  	[tilespmem:s3+$0xFFFFFC30] =	vst v5;
	v4 =	vld.idx.msk [tilespmem:v4+s10+$0x0], $0xffff  }
0x523: {  	[tilespmem:s3+$0x230] =	vst v2;
	v2 =	vld.idx.msk [tilespmem:v11+s31+$0x0], $0xffff  }
0x524: {  	[tilespmem:s17+$0x110] =	vst v60;
	v10 =	vld.idx.msk [tilespmem:v59+s31+$0x0], $0xffff  }
0x525: {  	v5 =	vld.idx.msk [tilespmem:v6+s5+$0x0], $0xffff;
	[tilespmem:s24+$0xFFFFFC50] =	vst v8  }
0x526: {  	v8 =	vld.idx.msk [tilespmem:v9+s1+$0x0], $0xffff;
	[tilespmem:s11+$0xFFFFFEE0] =	vst v1  }
0x527: {  	v58 =	vld.idx.msk [tilespmem:v3+s6+$0x0], $0xffff;
	[tilespmem:s24+$0x3D0] =	vst v4  }
0x528: {  	v4 =	vld.idx.msk [tilespmem:v7+s31+$0x0], $0xffff;
	[tilespmem:s17+$0xFFFFFC90] =	vst v2  }
0x529: {  	v2 =	vld.idx.msk [tilespmem:v0+s6+$0x0], $0xffff;
	[tilespmem:s3+$0xFFFFFCB0] =	vst v10  }
0x52a: {  	v1 =	vld [tilespmem:s14+$0x60];
	[tilespmem:s3+$0x2B0] =	vst v5  }
0x52b: {  	[tilespmem:s17+$0x190] =	vst v8;
	v8 =	vld.idx.msk [tilespmem:v59+s2+$0x0], $0xffff  }
0x52c: {  	v10 =	vld.idx.msk [tilespmem:v6+s6+$0x0], $0xffff  }
0x52d: {  	v5 =	vld.idx.msk [tilespmem:v11+s2+$0x0], $0xffff  }
0x52e: {  	[tilespmem:s24+$0xFFFFFCD0] =	vst v4;
	v4 =	vld.idx.msk [tilespmem:v9+s28+$0x0], $0xffff  }
0x52f: {  	[tilespmem:s11+$0xFFFFFF60] =	vst v2;
	v2 =	vld.idx.msk [tilespmem:v7+s2+$0x0], $0xffff  }
0x530: {  	v0 =	vld.idx.msk [tilespmem:v0+s10+$0x0], $0xffff;
	[tilespmem:s3+$0xFFFFFD30] =	vst v8  }
0x531: {  	[tilespmem:s3+$0x330] =	vst v10;
	v8 =	vld.idx.msk [tilespmem:v59+s1+$0x0], $0xffff  }
0x532: {  	[tilespmem:s17+$0xFFFFFD10] =	vst v5;
	v5 =	vld.idx.msk [tilespmem:v6+s10+$0x0], $0xffff  }
0x533: {  	v6 =	vld.idx.msk [tilespmem:v11+s1+$0x0], $0xffff  }
0x534: {  	v10 =	vld.idx.msk [tilespmem:v1+s26+$0x0], $0xffff;
	[tilespmem:s17+$0x210] =	vst v4  }
0x535: {  	v4 =	vld.idx.msk [tilespmem:v9+s5+$0x0], $0xffff;
	[tilespmem:s24+$0xFFFFFD50] =	vst v2  }
0x536: {  	[tilespmem:s11+$0xFFFFFFE0] =	vst v0;
	v61 =	vld.idx.msk [tilespmem:v7+s1+$0x0], $0xffff  }
0x537: {  	v0 =	vld [tilespmem:s19+$0xFFFFFFF0];
	[tilespmem:s3+$0xFFFFFDB0] =	vst v8  }
0x538: {  	[tilespmem:s3+$0x3B0] =	vst v5;
	v8 =	vld.idx.msk [tilespmem:v59+s28+$0x0], $0xffff  }
0x539: {  	[tilespmem:s17+$0xFFFFFD90] =	vst v6;
	v2 =	vld [tilespmem:s25+$0x40]  }
0x53a: {  	[tilespmem:s24+$0x60] =	vst v10;
	v6 =	vld.idx.msk [tilespmem:v11+s28+$0x0], $0xffff  }
0x53b: {  	[tilespmem:s11+$0x370] =	vst v58;
	v5 =	vld.idx.msk [tilespmem:v1+s31+$0x0], $0xffff  }
0x53c: {  	v3 =	vld.idx.msk [tilespmem:v3+s10+$0x0], $0xffff;
	[tilespmem:s17+$0x290] =	vst v4  }
0x53d: {  	v4 =	vld.idx.msk [tilespmem:v9+s6+$0x0], $0xffff;
	[tilespmem:s24+$0xFFFFFDD0] =	vst v61  }
0x53e: {  	v10 =	vld.idx.msk [tilespmem:v7+s28+$0x0], $0xffff;
	[tilespmem:s3+$0xFFFFFE30] =	vst v8  }
0x53f: {  	[tilespmem:s17+$0xFFFFFE10] =	vst v6;
	v62 =	vld.idx.msk [tilespmem:v0+s26+$0x0], $0xffff  }
0x540: {  	[tilespmem:s24+$0xE0] =	vst v5;
	v8 =	vld.idx.msk [tilespmem:v11+s5+$0x0], $0xffff  }
0x541: {  	v5 =	vld.idx.msk [tilespmem:v1+s2+$0x0], $0xffff  }
0x542: {  	[tilespmem:s17+$0x310] =	vst v4;
	v4 =	vld.idx.msk [tilespmem:v2+s26+$0x0], $0xffff  }
0x543: {  	[tilespmem:s11+$0x3F0] =	vst v3;
	v6 =	vld.idx.msk [tilespmem:v9+s10+$0x0], $0xffff  }
0x544: {  	[tilespmem:s24+$0xFFFFFE50] =	vst v10;
	v9 =	vld.idx.msk [tilespmem:v59+s5+$0x0], $0xffff  }
0x545: {  	v10 =	vld.idx.msk [tilespmem:v7+s5+$0x0], $0xffff;
	[tilespmem:s11+$0xFFFFFC70] =	vst v62  }
0x546: {  	[tilespmem:s24+$0x160] =	vst v5;
	v12 =	vld.idx.msk [tilespmem:v0+s31+$0x0], $0xffff  }
0x547: {  	v63 =	vld.idx.msk [tilespmem:v1+s1+$0x0], $0xffff;
	[tilespmem:s3+$0x40] =	vst v4  }
0x548: {  	[tilespmem:s17+$0x390] =	vst v6;
	v4 =	vld.idx.msk [tilespmem:v2+s31+$0x0], $0xffff  }
0x549: {  	[tilespmem:s17+$0xFFFFFE90] =	vst v8;
	v5 =	vld [tilespmem:s9+$0x20]  }
0x54a: {  	v6 =	vld.idx.msk [tilespmem:v11+s6+$0x0], $0xffff;
	[tilespmem:s3+$0xFFFFFEB0] =	vst v9  }
0x54b: {  	v8 =	vld.idx.msk [tilespmem:v59+s6+$0x0], $0xffff;
	[tilespmem:s24+$0xFFFFFED0] =	vst v10  }
0x54c: {  	v9 =	vld.idx.msk [tilespmem:v7+s6+$0x0], $0xffff;
	[tilespmem:s11+$0xFFFFFCF0] =	vst v12  }
0x54d: {  	[tilespmem:s24+$0x1E0] =	vst v63;
	v12 =	vld.idx.msk [tilespmem:v0+s2+$0x0], $0xffff  }
0x54e: {  	v14 =	vld.idx.msk [tilespmem:v1+s28+$0x0], $0xffff;
	[tilespmem:s3+$0xC0] =	vst v4  }
0x54f: {  	[tilespmem:s17+$0xFFFFFF10] =	vst v6;
	v3 =	vld.idx.msk [tilespmem:v2+s2+$0x0], $0xffff  }
0x550: {  	[tilespmem:s3+$0xFFFFFF30] =	vst v8;
	v8 =	vld.idx.msk [tilespmem:v11+s10+$0x0], $0xffff  }
0x551: {  	v15 =	vld.idx.msk [tilespmem:v5+s26+$0x0], $0xffff  }
0x552: {  	v10 =	vld.idx.msk [tilespmem:v59+s10+$0x0], $0xffff;
	[tilespmem:s24+$0xFFFFFF50] =	vst v9  }
0x553: {  	v6 =	vld.idx.msk [tilespmem:v7+s10+$0x0], $0xffff;
	[tilespmem:s24+$0x260] =	vst v14  }
0x554: {  	[tilespmem:s11+$0xFFFFFD70] =	vst v12;
	v4 =	vld.idx.msk [tilespmem:v1+s5+$0x0], $0xffff  }
0x555: {  	[tilespmem:s3+$0x140] =	vst v3;
	v3 =	vld.idx.msk [tilespmem:v0+s1+$0x0], $0xffff  }
0x556: {  	v9 =	vld.idx.msk [tilespmem:v2+s1+$0x0], $0xffff;
	[tilespmem:s17+$0x20] =	vst v15  }
0x557: {  	s15 =	simm.s32 $0x18840;
	s7 =	simm.s32 $0x128C0;
	s19 =	simm.s32 $0x6;
	[tilespmem:s17+$0xFFFFFF90] =	vst v8;
	v11 =	vld.idx.msk [tilespmem:v5+s31+$0x0], $0xffff  }
.LBB2_8:
0x558: {  	v8 =	vld [tilespmem:s7+$0x0];
	s19 =	sadd.s32 $0x2, s19;
	[tilespmem:s3+$0xFFFFFFB0] =	vst v10  }
0x559: {  	v7 =	vld [tilespmem:s7+$0xFFFFFF80];
	p0 =	slt.u32 s19, $0xE;
	[tilespmem:s24+$0x2E0] =	vst v4  }
0x55a: {  	[tilespmem:s24+$0xFFFFFFD0] =	vst v6;
	v10 =	vld.idx.msk [tilespmem:v1+s6+$0x0], $0xffff  }
0x55b: {  	v4 =	vld [tilespmem:s9+$0xFFFFFFA0];
	[tilespmem:s3+$0x1C0] =	vst v9  }
0x55c: {  	v9 =	vld.idx.msk [tilespmem:v2+s28+$0x0], $0xffff;
	[tilespmem:s11+$0xFFFFFDF0] =	vst v3  }
0x55d: {  	[tilespmem:s17+$0xA0] =	vst v11;
	v6 =	vld [tilespmem:s25+$0xFFFFFFC0]  }
0x55e: {  	v11 =	vld.idx.msk [tilespmem:v5+s2+$0x0], $0xffff  }
0x55f: {  	v3 =	vld [tilespmem:s14+$0xFFFFFFE0]  }
0x560: {  	v12 =	vld.idx.msk [tilespmem:v8+s26+$0x0], $0xffff;
	[tilespmem:s24+$0x360] =	vst v10  }
0x561: {  	v1 =	vld.idx.msk [tilespmem:v1+s10+$0x0], $0xffff  }
0x562: {  	v10 =	vld.idx.msk [tilespmem:v7+s26+$0x0], $0xffff;
	[tilespmem:s3+$0x240] =	vst v9  }
0x563: {  	v9 =	vld.idx.msk [tilespmem:v2+s5+$0x0], $0xffff  }
0x564: {  	v13 =	vld.idx.msk [tilespmem:v4+s26+$0x0], $0xffff;
	[tilespmem:s17+$0x120] =	vst v11  }
0x565: {  	s17 =	sadd.s32 $0x800, s17;
	v11 =	vld.idx.msk [tilespmem:v5+s1+$0x0], $0xffff  }
0x566: {  	[tilespmem:s17+$0x0] =	vst v12;
	v12 =	vld.idx.msk [tilespmem:v6+s26+$0x0], $0xffff  }
0x567: {  	v14 =	vld.idx.msk [tilespmem:v8+s31+$0x0], $0xffff;
	[tilespmem:s24+$0x3E0] =	vst v1  }
0x568: {  	[tilespmem:s17+$0xFFFFFC00] =	vst v10;
	v1 =	vld [tilespmem:s14+$0x70]  }
0x569: {  	v10 =	vld.idx.msk [tilespmem:v7+s31+$0x0], $0xffff;
	[tilespmem:s3+$0x2C0] =	vst v9  }
0x56a: {  	[tilespmem:s15+$0xFFFFFC20] =	vst v13;
	v9 =	vld.idx.msk [tilespmem:v2+s6+$0x0], $0xffff  }
0x56b: {  	v13 =	vld.idx.msk [tilespmem:v4+s31+$0x0], $0xffff;
	[tilespmem:s15+$0x1A0] =	vst v11  }
0x56c: {  	v11 =	vld.idx.msk [tilespmem:v5+s28+$0x0], $0xffff;
	[tilespmem:s3+$0xFFFFFC40] =	vst v12  }
0x56d: {  	[tilespmem:s17+$0x80] =	vst v14;
	v12 =	vld.idx.msk [tilespmem:v6+s31+$0x0], $0xffff  }
0x56e: {  	v14 =	vld.idx.msk [tilespmem:v8+s2+$0x0], $0xffff  }
0x56f: {  	[tilespmem:s17+$0xFFFFFC80] =	vst v10;
	v10 =	vld.idx.msk [tilespmem:v3+s26+$0x0], $0xffff  }
0x570: {  	[tilespmem:s3+$0x340] =	vst v9;
	v9 =	vld.idx.msk [tilespmem:v1+s26+$0x0], $0xffff  }
0x571: {  	[tilespmem:s15+$0xFFFFFCA0] =	vst v13;
	v2 =	vld.idx.msk [tilespmem:v2+s10+$0x0], $0xffff  }
0x572: {  	v13 =	vld.idx.msk [tilespmem:v7+s2+$0x0], $0xffff;
	[tilespmem:s15+$0x220] =	vst v11  }
0x573: {  	v11 =	vld.idx.msk [tilespmem:v5+s5+$0x0], $0xffff;
	[tilespmem:s3+$0xFFFFFCC0] =	vst v12  }
0x574: {  	[tilespmem:s17+$0x100] =	vst v14;
	v12 =	vld.idx.msk [tilespmem:v4+s2+$0x0], $0xffff  }
0x575: {  	v14 =	vld.idx.msk [tilespmem:v8+s1+$0x0], $0xffff;
	[tilespmem:s24+$0xFFFFFC60] =	vst v10  }
0x576: {  	v10 =	vld.idx.msk [tilespmem:v6+s2+$0x0], $0xffff;
	[tilespmem:s24+$0x70] =	vst v9  }
0x577: {  	[tilespmem:s3+$0x3C0] =	vst v2;
	v2 =	vld.idx.msk [tilespmem:v1+s31+$0x0], $0xffff  }
0x578: {  	[tilespmem:s17+$0xFFFFFD00] =	vst v13;
	v9 =	vld [tilespmem:s25+$0x50]  }
0x579: {  	v13 =	vld.idx.msk [tilespmem:v7+s1+$0x0], $0xffff;
	[tilespmem:s15+$0x2A0] =	vst v11  }
0x57a: {  	[tilespmem:s15+$0xFFFFFD20] =	vst v12;
	v11 =	vld.idx.msk [tilespmem:v5+s6+$0x0], $0xffff  }
0x57b: {  	[tilespmem:s17+$0x180] =	vst v14;
	v12 =	vld.idx.msk [tilespmem:v4+s1+$0x0], $0xffff  }
0x57c: {  	v14 =	vld.idx.msk [tilespmem:v8+s28+$0x0], $0xffff;
	[tilespmem:s3+$0xFFFFFD40] =	vst v10  }
0x57d: {  	v10 =	vld.idx.msk [tilespmem:v6+s1+$0x0], $0xffff;
	[tilespmem:s24+$0xF0] =	vst v2  }
0x57e: {  	v2 =	vld.idx.msk [tilespmem:v1+s2+$0x0], $0xffff  }
0x57f: {  	[tilespmem:s17+$0xFFFFFD80] =	vst v13;
	v13 =	vld.idx.msk [tilespmem:v3+s31+$0x0], $0xffff  }
0x580: {  	[tilespmem:s15+$0x320] =	vst v11;
	v11 =	vld.idx.msk [tilespmem:v9+s26+$0x0], $0xffff  }
0x581: {  	[tilespmem:s15+$0xFFFFFDA0] =	vst v12;
	v5 =	vld.idx.msk [tilespmem:v5+s10+$0x0], $0xffff  }
0x582: {  	v12 =	vld.idx.msk [tilespmem:v7+s28+$0x0], $0xffff;
	[tilespmem:s17+$0x200] =	vst v14  }
0x583: {  	v14 =	vld.idx.msk [tilespmem:v8+s5+$0x0], $0xffff;
	[tilespmem:s3+$0xFFFFFDC0] =	vst v10  }
0x584: {  	v10 =	vld.idx.msk [tilespmem:v4+s28+$0x0], $0xffff;
	[tilespmem:s24+$0x170] =	vst v2  }
0x585: {  	[tilespmem:s24+$0xFFFFFCE0] =	vst v13;
	v13 =	vld.idx.msk [tilespmem:v1+s1+$0x0], $0xffff  }
0x586: {  	v15 =	vld.idx.msk [tilespmem:v6+s28+$0x0], $0xffff;
	[tilespmem:s3+$0x50] =	vst v11  }
0x587: {  	[tilespmem:s15+$0x3A0] =	vst v5;
	v5 =	vld.idx.msk [tilespmem:v9+s31+$0x0], $0xffff  }
0x588: {  	[tilespmem:s17+$0xFFFFFE00] =	vst v12;
	v2 =	vld [tilespmem:s9+$0x30]  }
0x589: {  	v11 =	vld.idx.msk [tilespmem:v7+s5+$0x0], $0xffff;
	[tilespmem:s17+$0x280] =	vst v14  }
0x58a: {  	v12 =	vld.idx.msk [tilespmem:v8+s6+$0x0], $0xffff;
	[tilespmem:s15+$0xFFFFFE20] =	vst v10  }
0x58b: {  	v10 =	vld.idx.msk [tilespmem:v4+s5+$0x0], $0xffff;
	[tilespmem:s24+$0x1F0] =	vst v13  }
0x58c: {  	[tilespmem:s3+$0xFFFFFE40] =	vst v15;
	v13 =	vld.idx.msk [tilespmem:v1+s28+$0x0], $0xffff  }
0x58d: {  	v14 =	vld.idx.msk [tilespmem:v6+s5+$0x0], $0xffff;
	[tilespmem:s3+$0xD0] =	vst v5  }
0x58e: {  	v5 =	vld.idx.msk [tilespmem:v9+s2+$0x0], $0xffff  }
0x58f: {  	[tilespmem:s17+$0xFFFFFE80] =	vst v11;
	v11 =	vld.idx.msk [tilespmem:v3+s2+$0x0], $0xffff  }
0x590: {  	[tilespmem:s17+$0x300] =	vst v12;
	v12 =	vld.idx.msk [tilespmem:v2+s26+$0x0], $0xffff  }
0x591: {  	v8 =	vld.idx.msk [tilespmem:v8+s10+$0x0], $0xffff;
	[tilespmem:s15+$0xFFFFFEA0] =	vst v10  }
0x592: {  	v10 =	vld.idx.msk [tilespmem:v7+s6+$0x0], $0xffff;
	[tilespmem:s24+$0x270] =	vst v13  }
0x593: {  	[tilespmem:s3+$0xFFFFFEC0] =	vst v14;
	v13 =	vld.idx.msk [tilespmem:v1+s5+$0x0], $0xffff  }
0x594: {  	v14 =	vld.idx.msk [tilespmem:v4+s6+$0x0], $0xffff;
	[tilespmem:s3+$0x150] =	vst v5  }
0x595: {  	v15 =	vld.idx.msk [tilespmem:v9+s1+$0x0], $0xffff;
	[tilespmem:s24+$0xFFFFFD60] =	vst v11  }
0x596: {  	[tilespmem:s15+$0x30] =	vst v12;
	v11 =	vld.idx.msk [tilespmem:v6+s6+$0x0], $0xffff  }
0x597: {  	[tilespmem:s17+$0x380] =	vst v8;
	v8 =	vld.idx.msk [tilespmem:v2+s31+$0x0], $0xffff  }
0x598: {  	[tilespmem:s17+$0xFFFFFF00] =	vst v10;
	v5 =	vld [tilespmem:s7+$0x10]  }
0x599: {  	v7 =	vld.idx.msk [tilespmem:v7+s10+$0x0], $0xffff;
	[tilespmem:s24+$0x2F0] =	vst v13  }
0x59a: {  	[tilespmem:s15+$0xFFFFFF20] =	vst v14;
	v10 =	vld.idx.msk [tilespmem:v1+s6+$0x0], $0xffff  }
0x59b: {  	v4 =	vld.idx.msk [tilespmem:v4+s10+$0x0], $0xffff;
	[tilespmem:s3+$0x1D0] =	vst v15  }
0x59c: {  	[tilespmem:s3+$0xFFFFFF40] =	vst v11;
	v11 =	vld.idx.msk [tilespmem:v9+s28+$0x0], $0xffff  }
0x59d: {  	[tilespmem:s15+$0xB0] =	vst v8;
	v6 =	vld.idx.msk [tilespmem:v6+s10+$0x0], $0xffff  }
0x59e: {  	v8 =	vld.idx.msk [tilespmem:v2+s2+$0x0], $0xffff  }
0x59f: {  	[tilespmem:s17+$0xFFFFFF80] =	vst v7;
	v7 =	vld.idx.msk [tilespmem:v3+s1+$0x0], $0xffff  }
0x5a0: {  	v12 =	vld.idx.msk [tilespmem:v5+s26+$0x0], $0xffff;
	[tilespmem:s24+$0x370] =	vst v10  }
0x5a1: {  	[tilespmem:s15+$0xFFFFFFA0] =	vst v4;
	v1 =	vld.idx.msk [tilespmem:v1+s10+$0x0], $0xffff  }
0x5a2: {  	v4 =	vld [tilespmem:s7+$0xFFFFFF90];
	[tilespmem:s3+$0x250] =	vst v11  }
0x5a3: {  	[tilespmem:s3+$0xFFFFFFC0] =	vst v6;
	v10 =	vld.idx.msk [tilespmem:v9+s5+$0x0], $0xffff  }
0x5a4: {  	v6 =	vld [tilespmem:s9+$0xFFFFFFB0];
	[tilespmem:s15+$0x130] =	vst v8  }
0x5a5: {  	v8 =	vld.idx.msk [tilespmem:v2+s1+$0x0], $0xffff;
	[tilespmem:s24+$0xFFFFFDE0] =	vst v7  }
0x5a6: {  	[tilespmem:s17+$0x10] =	vst v12;
	v7 =	vld [tilespmem:s25+$0xFFFFFFD0]  }
0x5a7: {  	v11 =	vld.idx.msk [tilespmem:v5+s31+$0x0], $0xffff;
	[tilespmem:s24+$0x3F0] =	vst v1  }
0x5a8: {  	v1 =	vld.idx.msk [tilespmem:v3+s28+$0x0], $0xffff  }
0x5a9: {  	[tilespmem:s3+$0x2D0] =	vst v10;
	v10 =	vld.idx.msk [tilespmem:v0+s28+$0x0], $0xffff  }
0x5aa: {  	v12 =	vld.idx.msk [tilespmem:v9+s6+$0x0], $0xffff  }
0x5ab: {  	v13 =	vld.idx.msk [tilespmem:v4+s26+$0x0], $0xffff;
	[tilespmem:s15+$0x1B0] =	vst v8  }
0x5ac: {  	v8 =	vld.idx.msk [tilespmem:v2+s28+$0x0], $0xffff  }
0x5ad: {  	[tilespmem:s17+$0x90] =	vst v11;
	v11 =	vld.idx.msk [tilespmem:v6+s26+$0x0], $0xffff  }
0x5ae: {  	v14 =	vld.idx.msk [tilespmem:v5+s2+$0x0], $0xffff;
	[tilespmem:s24+$0xFFFFFE60] =	vst v1  }
0x5af: {  	v1 =	vld.idx.msk [tilespmem:v7+s26+$0x0], $0xffff;
	[tilespmem:s11+$0xFFFFFE70] =	vst v10  }
0x5b0: {  	[tilespmem:s3+$0x350] =	vst v12;
	v10 =	vld.idx.msk [tilespmem:v3+s5+$0x0], $0xffff  }
0x5b1: {  	[tilespmem:s17+$0xFFFFFC10] =	vst v13;
	v9 =	vld.idx.msk [tilespmem:v9+s10+$0x0], $0xffff  }
0x5b2: {  	v12 =	vld.idx.msk [tilespmem:v4+s31+$0x0], $0xffff;
	[tilespmem:s15+$0x230] =	vst v8  }
0x5b3: {  	[tilespmem:s15+$0xFFFFFC30] =	vst v11;
	v8 =	vld.idx.msk [tilespmem:v2+s5+$0x0], $0xffff  }
0x5b4: {  	[tilespmem:s17+$0x110] =	vst v14;
	v11 =	vld.idx.msk [tilespmem:v6+s31+$0x0], $0xffff  }
0x5b5: {  	v13 =	vld.idx.msk [tilespmem:v5+s1+$0x0], $0xffff;
	[tilespmem:s3+$0xFFFFFC50] =	vst v1  }
0x5b6: {  	v14 =	vld.idx.msk [tilespmem:v7+s31+$0x0], $0xffff;
	[tilespmem:s24+$0xFFFFFEE0] =	vst v10  }
0x5b7: {  	[tilespmem:s3+$0x3D0] =	vst v9;
	v9 =	vld.idx.msk [tilespmem:v3+s6+$0x0], $0xffff  }
0x5b8: {  	[tilespmem:s17+$0xFFFFFC90] =	vst v12;
	v1 =	vld [tilespmem:s25+$0x60]  }
0x5b9: {  	v10 =	vld.idx.msk [tilespmem:v4+s2+$0x0], $0xffff;
	[tilespmem:s15+$0x2B0] =	vst v8  }
0x5ba: {  	[tilespmem:s15+$0xFFFFFCB0] =	vst v11;
	v8 =	vld.idx.msk [tilespmem:v2+s6+$0x0], $0xffff  }
0x5bb: {  	[tilespmem:s17+$0x190] =	vst v13;
	v11 =	vld.idx.msk [tilespmem:v6+s2+$0x0], $0xffff  }
0x5bc: {  	v12 =	vld.idx.msk [tilespmem:v5+s28+$0x0], $0xffff;
	[tilespmem:s3+$0xFFFFFCD0] =	vst v14  }
0x5bd: {  	v13 =	vld.idx.msk [tilespmem:v7+s2+$0x0], $0xffff;
	[tilespmem:s24+$0xFFFFFF60] =	vst v9  }
0x5be: {  	v3 =	vld.idx.msk [tilespmem:v3+s10+$0x0], $0xffff  }
0x5bf: {  	[tilespmem:s17+$0xFFFFFD10] =	vst v10;
	v9 =	vld.idx.msk [tilespmem:v0+s5+$0x0], $0xffff  }
0x5c0: {  	[tilespmem:s15+$0x330] =	vst v8;
	v8 =	vld.idx.msk [tilespmem:v1+s26+$0x0], $0xffff  }
0x5c1: {  	[tilespmem:s15+$0xFFFFFD30] =	vst v11;
	v2 =	vld.idx.msk [tilespmem:v2+s10+$0x0], $0xffff  }
0x5c2: {  	v10 =	vld.idx.msk [tilespmem:v4+s1+$0x0], $0xffff;
	[tilespmem:s17+$0x210] =	vst v12  }
0x5c3: {  	v11 =	vld.idx.msk [tilespmem:v5+s5+$0x0], $0xffff;
	[tilespmem:s3+$0xFFFFFD50] =	vst v13  }
0x5c4: {  	v12 =	vld.idx.msk [tilespmem:v6+s1+$0x0], $0xffff;
	[tilespmem:s24+$0xFFFFFFE0] =	vst v3  }
0x5c5: {  	v3 =	vld.idx.msk [tilespmem:v7+s1+$0x0], $0xffff;
	[tilespmem:s11+$0xFFFFFEF0] =	vst v9  }
0x5c6: {  	[tilespmem:s3+$0x60] =	vst v8;
	v8 =	vld [tilespmem:s14+$0xFFFFFFF0];
	s14 =	smov.u32 s25;
	s25 =	smov.u32 s9;
	s9 =	smov.u32 s7  }
0x5c7: {  	[tilespmem:s15+$0x3B0] =	vst v2;
	v9 =	vld.idx.msk [tilespmem:v1+s31+$0x0], $0xffff  }
0x5c8: {  	[tilespmem:s17+$0xFFFFFD90] =	vst v10;
	v2 =	vld [tilespmem:s25+$0x40]  }
0x5c9: {  	v10 =	vld.idx.msk [tilespmem:v4+s28+$0x0], $0xffff;
	[tilespmem:s17+$0x290] =	vst v11  }
0x5ca: {  	v11 =	vld.idx.msk [tilespmem:v5+s6+$0x0], $0xffff;
	[tilespmem:s15+$0xFFFFFDB0] =	vst v12  }
0x5cb: {  	v12 =	vld.idx.msk [tilespmem:v6+s28+$0x0], $0xffff;
	[tilespmem:s3+$0xFFFFFDD0] =	vst v3  }
0x5cc: {  	v3 =	vld.idx.msk [tilespmem:v7+s28+$0x0], $0xffff  }
0x5cd: {  	[tilespmem:s3+$0xE0] =	vst v9;
	v9 =	vld.idx.msk [tilespmem:v0+s6+$0x0], $0xffff  }
0x5ce: {  	v13 =	vld.idx.msk [tilespmem:v1+s2+$0x0], $0xffff  }
0x5cf: {  	[tilespmem:s17+$0xFFFFFE10] =	vst v10;
	v10 =	vld.idx.msk [tilespmem:v8+s26+$0x0], $0xffff  }
0x5d0: {  	[tilespmem:s17+$0x310] =	vst v11;
	v11 =	vld.idx.msk [tilespmem:v2+s26+$0x0], $0xffff  }
0x5d1: {  	v5 =	vld.idx.msk [tilespmem:v5+s10+$0x0], $0xffff;
	[tilespmem:s15+$0xFFFFFE30] =	vst v12  }
0x5d2: {  	v12 =	vld.idx.msk [tilespmem:v4+s5+$0x0], $0xffff;
	[tilespmem:s3+$0xFFFFFE50] =	vst v3  }
0x5d3: {  	v3 =	vld.idx.msk [tilespmem:v6+s5+$0x0], $0xffff;
	[tilespmem:s11+$0xFFFFFF70] =	vst v9  }
0x5d4: {  	v9 =	vld.idx.msk [tilespmem:v7+s5+$0x0], $0xffff;
	[tilespmem:s3+$0x160] =	vst v13  }
0x5d5: {  	v13 =	vld.idx.msk [tilespmem:v1+s1+$0x0], $0xffff;
	[tilespmem:s24+$0xFFFFFC70] =	vst v10  }
0x5d6: {  	[tilespmem:s15+$0x40] =	vst v11;
	v10 =	vld.idx.msk [tilespmem:v8+s31+$0x0], $0xffff  }
0x5d7: {  	[tilespmem:s17+$0x390] =	vst v5;
	v11 =	vld.idx.msk [tilespmem:v2+s31+$0x0], $0xffff  }
0x5d8: {  	[tilespmem:s17+$0xFFFFFE90] =	vst v12;
	v5 =	vld [tilespmem:s7+$0x20]  }
0x5d9: {  	v12 =	vld.idx.msk [tilespmem:v4+s6+$0x0], $0xffff;
	[tilespmem:s15+$0xFFFFFEB0] =	vst v3  }
0x5da: {  	v3 =	vld.idx.msk [tilespmem:v6+s6+$0x0], $0xffff;
	[tilespmem:s3+$0xFFFFFED0] =	vst v9  }
0x5db: {  	v9 =	vld.idx.msk [tilespmem:v7+s6+$0x0], $0xffff;
	[tilespmem:s3+$0x1E0] =	vst v13  }
0x5dc: {  	v13 =	vld.idx.msk [tilespmem:v1+s28+$0x0], $0xffff;
	[tilespmem:s24+$0xFFFFFCF0] =	vst v10  }
0x5dd: {  	[tilespmem:s15+$0xC0] =	vst v11;
	v11 =	vld.idx.msk [tilespmem:v8+s2+$0x0], $0xffff  }
0x5de: {  	v14 =	vld.idx.msk [tilespmem:v2+s2+$0x0], $0xffff  }
0x5df: {  	[tilespmem:s17+$0xFFFFFF10] =	vst v12;
	v12 =	vld.idx.msk [tilespmem:v0+s10+$0x0], $0xffff;
	v0 =	vmov v8  }
0x5e0: {  	v8 =	vld.idx.msk [tilespmem:v5+s26+$0x0], $0xffff;
	[tilespmem:s15+$0xFFFFFF30] =	vst v3  }
0x5e1: {  	v15 =	vld.idx.msk [tilespmem:v4+s10+$0x0], $0xffff;
	[tilespmem:s3+$0xFFFFFF50] =	vst v9  }
0x5e2: {  	v10 =	vld.idx.msk [tilespmem:v6+s10+$0x0], $0xffff;
	[tilespmem:s3+$0x260] =	vst v13  }
.Ltmp3:
0x5e3: {  	v4 =	vld.idx.msk [tilespmem:v1+s5+$0x0], $0xffff;
	[tilespmem:s24+$0xFFFFFD70] =	vst v11;
	(pc) =	sbr.rel @p0 .LBB2_8-.Ltmp3, $4  }
0x5e4: {  	[tilespmem:s15+$0x140] =	vst v14;
	v6 =	vld.idx.msk [tilespmem:v7+s10+$0x0], $0xffff  }
0x5e5: {  	v9 =	vld.idx.msk [tilespmem:v2+s1+$0x0], $0xffff;
	[tilespmem:s11+$0xFFFFFFF0] =	vst v12;
	s11 =	smov.u32 s24;
	s24 =	smov.u32 s3;
	s3 =	smov.u32 s15  }
0x5e6: {  	s15 =	smov.u32 s17;
	[tilespmem:s17+$0x20] =	vst v8;
	v3 =	vld.idx.msk [tilespmem:v0+s1+$0x0], $0xffff  }
0x5e7: {  	s7 =	sadd.s32 $0x100, s7;
	[tilespmem:s17+$0xFFFFFF90] =	vst v15;
	v11 =	vld.idx.msk [tilespmem:v5+s31+$0x0], $0xffff  }
0x5e8: {  	v7 =	vld [tilespmem:s9+$0xFFFFFFA0];
	_ =	sdelay $0x7  }
0x5e9: {  	v8 =	vld.idx.msk [tilespmem:v7+s26+$0x0], $0xffff;
	_ =	sdelay $0x4  }
0x5ea: {  	[tilespmem:s15+$0xFFFFFC20] =	vst v8  }
0x5eb: {  	v8 =	vld.idx.msk [tilespmem:v7+s31+$0x0], $0xffff;
	_ =	sdelay $0x3  }
0x5ec: {  	[tilespmem:s17+$0xA0] =	vst v11  }
0x5ed: {  	v11 =	vld.idx.msk [tilespmem:v5+s2+$0x0], $0xffff;
	[tilespmem:s15+$0xFFFFFCA0] =	vst v8  }
0x5ee: {  	v8 =	vld.idx.msk [tilespmem:v7+s2+$0x0], $0xffff;
	_ =	sdelay $0x3  }
0x5ef: {  	[tilespmem:s17+$0x120] =	vst v11  }
0x5f0: {  	v11 =	vld.idx.msk [tilespmem:v5+s1+$0x0], $0xffff;
	[tilespmem:s15+$0xFFFFFD20] =	vst v8  }
0x5f1: {  	v8 =	vld.idx.msk [tilespmem:v7+s1+$0x0], $0xffff;
	_ =	sdelay $0x3  }
0x5f2: {  	[tilespmem:s15+$0x1A0] =	vst v11  }
0x5f3: {  	v11 =	vld.idx.msk [tilespmem:v5+s28+$0x0], $0xffff;
	[tilespmem:s15+$0xFFFFFDA0] =	vst v8  }
0x5f4: {  	v8 =	vld.idx.msk [tilespmem:v7+s28+$0x0], $0xffff;
	_ =	sdelay $0x3  }
0x5f5: {  	[tilespmem:s15+$0x220] =	vst v11  }
0x5f6: {  	v11 =	vld.idx.msk [tilespmem:v5+s5+$0x0], $0xffff;
	[tilespmem:s15+$0xFFFFFE20] =	vst v8  }
0x5f7: {  	v8 =	vld.idx.msk [tilespmem:v7+s5+$0x0], $0xffff;
	_ =	sdelay $0x3  }
0x5f8: {  	[tilespmem:s15+$0x2A0] =	vst v11  }
0x5f9: {  	v11 =	vld.idx.msk [tilespmem:v5+s6+$0x0], $0xffff;
	[tilespmem:s15+$0xFFFFFEA0] =	vst v8  }
0x5fa: {  	v8 =	vld.idx.msk [tilespmem:v7+s6+$0x0], $0xffff;
	_ =	sdelay $0x3  }
0x5fb: {  	[tilespmem:s15+$0x320] =	vst v11  }
0x5fc: {  	v14 =	vld.idx.msk [tilespmem:v5+s10+$0x0], $0xffff;
	[tilespmem:s15+$0xFFFFFF20] =	vst v8  }
0x5fd: {  	v7 =	vld.idx.msk [tilespmem:v7+s10+$0x0], $0xffff;
	_ =	sdelay $0x3  }
0x5fe: {  	[tilespmem:s15+$0x3A0] =	vst v14  }
0x5ff: {  	v5 =	vld [tilespmem:s9+$0x30];
	[tilespmem:s15+$0xFFFFFFA0] =	vst v7  }
0x600: {  	v7 =	vld [tilespmem:s9+$0xFFFFFFB0];
	_ =	sdelay $0x6  }
0x601: {  	v15 =	vld.idx.msk [tilespmem:v5+s26+$0x0], $0xffff  }
0x602: {  	v16 =	vld.idx.msk [tilespmem:v7+s26+$0x0], $0xffff;
	_ =	sdelay $0x3  }
0x603: {  	[tilespmem:s15+$0x30] =	vst v15  }
0x604: {  	v8 =	vld.idx.msk [tilespmem:v5+s31+$0x0], $0xffff;
	[tilespmem:s15+$0xFFFFFC30] =	vst v16  }
0x605: {  	v11 =	vld.idx.msk [tilespmem:v7+s31+$0x0], $0xffff;
	_ =	sdelay $0x3  }
0x606: {  	[tilespmem:s15+$0xB0] =	vst v8  }
0x607: {  	v8 =	vld.idx.msk [tilespmem:v5+s2+$0x0], $0xffff;
	[tilespmem:s15+$0xFFFFFCB0] =	vst v11  }
0x608: {  	v11 =	vld.idx.msk [tilespmem:v7+s2+$0x0], $0xffff;
	_ =	sdelay $0x3  }
0x609: {  	[tilespmem:s15+$0x130] =	vst v8  }
0x60a: {  	v8 =	vld.idx.msk [tilespmem:v5+s1+$0x0], $0xffff;
	[tilespmem:s15+$0xFFFFFD30] =	vst v11  }
0x60b: {  	v11 =	vld.idx.msk [tilespmem:v7+s1+$0x0], $0xffff;
	_ =	sdelay $0x3  }
0x60c: {  	[tilespmem:s15+$0x1B0] =	vst v8  }
0x60d: {  	v8 =	vld.idx.msk [tilespmem:v5+s28+$0x0], $0xffff;
	[tilespmem:s15+$0xFFFFFDB0] =	vst v11  }
0x60e: {  	v11 =	vld.idx.msk [tilespmem:v7+s28+$0x0], $0xffff;
	_ =	sdelay $0x3  }
0x60f: {  	[tilespmem:s15+$0x230] =	vst v8  }
0x610: {  	v8 =	vld.idx.msk [tilespmem:v5+s5+$0x0], $0xffff;
	[tilespmem:s15+$0xFFFFFE30] =	vst v11  }
0x611: {  	v11 =	vld.idx.msk [tilespmem:v7+s5+$0x0], $0xffff;
	_ =	sdelay $0x3  }
0x612: {  	[tilespmem:s15+$0x2B0] =	vst v8  }
0x613: {  	v8 =	vld.idx.msk [tilespmem:v5+s6+$0x0], $0xffff;
	[tilespmem:s15+$0xFFFFFEB0] =	vst v11  }
0x614: {  	v11 =	vld.idx.msk [tilespmem:v7+s6+$0x0], $0xffff;
	_ =	sdelay $0x3  }
0x615: {  	[tilespmem:s15+$0x330] =	vst v8  }
0x616: {  	v5 =	vld.idx.msk [tilespmem:v5+s10+$0x0], $0xffff;
	[tilespmem:s15+$0xFFFFFF30] =	vst v11  }
0x617: {  	v7 =	vld.idx.msk [tilespmem:v7+s10+$0x0], $0xffff;
	_ =	sdelay $0x2  }
0x618: {  	[tilespmem:s3+$0xFFFFFFB0] =	vst v10  }
0x619: {  	v17 =	vld [tilespmem:s25+$0xFFFFFFC0];
	[tilespmem:s15+$0x3B0] =	vst v5  }
0x61a: {  	v5 =	vld [tilespmem:s9+$0x40];
	[tilespmem:s15+$0xFFFFFFB0] =	vst v7  }
0x61b: {  	v7 =	vld [tilespmem:s9+$0xFFFFFFC0];
	_ =	sdelay $0x5  }
0x61c: {  	v19 =	vld.idx.msk [tilespmem:v17+s26+$0x0], $0xffff  }
0x61d: {  	v18 =	vld.idx.msk [tilespmem:v5+s26+$0x0], $0xffff  }
0x61e: {  	v12 =	vld.idx.msk [tilespmem:v7+s26+$0x0], $0xffff;
	_ =	sdelay $0x2  }
0x61f: {  	[tilespmem:s3+$0xFFFFFC40] =	vst v19  }
0x620: {  	v11 =	vld.idx.msk [tilespmem:v17+s31+$0x0], $0xffff;
	[tilespmem:s15+$0x40] =	vst v18  }
0x621: {  	v10 =	vld.idx.msk [tilespmem:v5+s31+$0x0], $0xffff;
	[tilespmem:s15+$0xFFFFFC40] =	vst v12  }
0x622: {  	v12 =	vld.idx.msk [tilespmem:v7+s31+$0x0], $0xffff;
	_ =	sdelay $0x2  }
0x623: {  	[tilespmem:s3+$0xFFFFFCC0] =	vst v11  }
0x624: {  	v11 =	vld.idx.msk [tilespmem:v17+s2+$0x0], $0xffff;
	[tilespmem:s15+$0xC0] =	vst v10  }
0x625: {  	v10 =	vld.idx.msk [tilespmem:v5+s2+$0x0], $0xffff;
	[tilespmem:s15+$0xFFFFFCC0] =	vst v12  }
0x626: {  	v12 =	vld.idx.msk [tilespmem:v7+s2+$0x0], $0xffff;
	_ =	sdelay $0x2  }
0x627: {  	[tilespmem:s3+$0xFFFFFD40] =	vst v11  }
0x628: {  	v11 =	vld.idx.msk [tilespmem:v17+s1+$0x0], $0xffff;
	[tilespmem:s15+$0x140] =	vst v10  }
0x629: {  	v10 =	vld.idx.msk [tilespmem:v5+s1+$0x0], $0xffff;
	[tilespmem:s15+$0xFFFFFD40] =	vst v12  }
0x62a: {  	v12 =	vld.idx.msk [tilespmem:v7+s1+$0x0], $0xffff  }
0x62b: {  	[tilespmem:s3+$0x1C0] =	vst v9  }
0x62c: {  	v9 =	vld.idx.msk [tilespmem:v2+s28+$0x0], $0xffff  }
0x62d: {  	[tilespmem:s3+$0xFFFFFDC0] =	vst v11  }
0x62e: {  	v11 =	vld.idx.msk [tilespmem:v17+s28+$0x0], $0xffff;
	[tilespmem:s15+$0x1C0] =	vst v10  }
0x62f: {  	v10 =	vld.idx.msk [tilespmem:v5+s28+$0x0], $0xffff;
	[tilespmem:s15+$0xFFFFFDC0] =	vst v12  }
0x630: {  	v12 =	vld.idx.msk [tilespmem:v7+s28+$0x0], $0xffff  }
0x631: {  	[tilespmem:s3+$0x240] =	vst v9  }
0x632: {  	v9 =	vld.idx.msk [tilespmem:v2+s5+$0x0], $0xffff  }
0x633: {  	[tilespmem:s3+$0xFFFFFE40] =	vst v11  }
0x634: {  	v11 =	vld.idx.msk [tilespmem:v17+s5+$0x0], $0xffff;
	[tilespmem:s15+$0x240] =	vst v10  }
0x635: {  	v10 =	vld.idx.msk [tilespmem:v5+s5+$0x0], $0xffff;
	[tilespmem:s15+$0xFFFFFE40] =	vst v12  }
0x636: {  	v12 =	vld.idx.msk [tilespmem:v7+s5+$0x0], $0xffff  }
0x637: {  	[tilespmem:s3+$0x2C0] =	vst v9  }
0x638: {  	v9 =	vld.idx.msk [tilespmem:v2+s6+$0x0], $0xffff  }
0x639: {  	[tilespmem:s3+$0xFFFFFEC0] =	vst v11  }
0x63a: {  	v11 =	vld.idx.msk [tilespmem:v17+s6+$0x0], $0xffff;
	[tilespmem:s15+$0x2C0] =	vst v10  }
0x63b: {  	v10 =	vld.idx.msk [tilespmem:v5+s6+$0x0], $0xffff;
	[tilespmem:s15+$0xFFFFFEC0] =	vst v12  }
0x63c: {  	v12 =	vld.idx.msk [tilespmem:v7+s6+$0x0], $0xffff  }
0x63d: {  	[tilespmem:s3+$0x340] =	vst v9  }
0x63e: {  	v20 =	vld.idx.msk [tilespmem:v2+s10+$0x0], $0xffff  }
0x63f: {  	[tilespmem:s3+$0xFFFFFF40] =	vst v11  }
0x640: {  	v8 =	vld.idx.msk [tilespmem:v17+s10+$0x0], $0xffff;
	[tilespmem:s15+$0x340] =	vst v10  }
0x641: {  	v5 =	vld.idx.msk [tilespmem:v5+s10+$0x0], $0xffff;
	[tilespmem:s15+$0xFFFFFF40] =	vst v12  }
0x642: {  	v7 =	vld.idx.msk [tilespmem:v7+s10+$0x0], $0xffff  }
0x643: {  	[tilespmem:s3+$0x3C0] =	vst v20  }
0x644: {  	v2 =	vld [tilespmem:s25+$0x50]  }
0x645: {  	[tilespmem:s3+$0xFFFFFFC0] =	vst v8  }
0x646: {  	v8 =	vld [tilespmem:s25+$0xFFFFFFD0];
	[tilespmem:s15+$0x3C0] =	vst v5  }
0x647: {  	v5 =	vld [tilespmem:s9+$0x50];
	[tilespmem:s15+$0xFFFFFFC0] =	vst v7  }
0x648: {  	v7 =	vld [tilespmem:s9+$0xFFFFFFD0];
	_ =	sdelay $0x3  }
0x649: {  	v9 =	vld.idx.msk [tilespmem:v2+s26+$0x0], $0xffff;
	_ =	sdelay $0x1  }
0x64a: {  	v11 =	vld.idx.msk [tilespmem:v8+s26+$0x0], $0xffff  }
0x64b: {  	v10 =	vld.idx.msk [tilespmem:v5+s26+$0x0], $0xffff  }
0x64c: {  	v12 =	vld.idx.msk [tilespmem:v7+s26+$0x0], $0xffff  }
0x64d: {  	[tilespmem:s3+$0x50] =	vst v9  }
0x64e: {  	v9 =	vld.idx.msk [tilespmem:v2+s31+$0x0], $0xffff  }
0x64f: {  	[tilespmem:s3+$0xFFFFFC50] =	vst v11  }
0x650: {  	v11 =	vld.idx.msk [tilespmem:v8+s31+$0x0], $0xffff;
	[tilespmem:s15+$0x50] =	vst v10  }
0x651: {  	v10 =	vld.idx.msk [tilespmem:v5+s31+$0x0], $0xffff;
	[tilespmem:s15+$0xFFFFFC50] =	vst v12  }
0x652: {  	v12 =	vld.idx.msk [tilespmem:v7+s31+$0x0], $0xffff  }
0x653: {  	[tilespmem:s3+$0xD0] =	vst v9  }
0x654: {  	v9 =	vld.idx.msk [tilespmem:v2+s2+$0x0], $0xffff  }
0x655: {  	[tilespmem:s3+$0xFFFFFCD0] =	vst v11  }
0x656: {  	v11 =	vld.idx.msk [tilespmem:v8+s2+$0x0], $0xffff;
	[tilespmem:s15+$0xD0] =	vst v10  }
0x657: {  	v10 =	vld.idx.msk [tilespmem:v5+s2+$0x0], $0xffff;
	[tilespmem:s15+$0xFFFFFCD0] =	vst v12  }
0x658: {  	v12 =	vld.idx.msk [tilespmem:v7+s2+$0x0], $0xffff  }
0x659: {  	[tilespmem:s3+$0x150] =	vst v9  }
0x65a: {  	v9 =	vld.idx.msk [tilespmem:v2+s1+$0x0], $0xffff  }
0x65b: {  	[tilespmem:s3+$0xFFFFFD50] =	vst v11  }
0x65c: {  	v11 =	vld.idx.msk [tilespmem:v8+s1+$0x0], $0xffff;
	[tilespmem:s15+$0x150] =	vst v10  }
0x65d: {  	v10 =	vld.idx.msk [tilespmem:v5+s1+$0x0], $0xffff;
	[tilespmem:s15+$0xFFFFFD50] =	vst v12  }
0x65e: {  	v12 =	vld.idx.msk [tilespmem:v7+s1+$0x0], $0xffff  }
0x65f: {  	[tilespmem:s3+$0x1D0] =	vst v9  }
0x660: {  	v9 =	vld.idx.msk [tilespmem:v2+s28+$0x0], $0xffff  }
0x661: {  	[tilespmem:s3+$0xFFFFFDD0] =	vst v11  }
0x662: {  	v11 =	vld.idx.msk [tilespmem:v8+s28+$0x0], $0xffff;
	[tilespmem:s15+$0x1D0] =	vst v10  }
0x663: {  	v10 =	vld.idx.msk [tilespmem:v5+s28+$0x0], $0xffff;
	[tilespmem:s15+$0xFFFFFDD0] =	vst v12  }
0x664: {  	v12 =	vld.idx.msk [tilespmem:v7+s28+$0x0], $0xffff  }
0x665: {  	[tilespmem:s3+$0x250] =	vst v9  }
0x666: {  	v9 =	vld.idx.msk [tilespmem:v2+s5+$0x0], $0xffff  }
0x667: {  	[tilespmem:s3+$0xFFFFFE50] =	vst v11  }
0x668: {  	v11 =	vld.idx.msk [tilespmem:v8+s5+$0x0], $0xffff;
	[tilespmem:s15+$0x250] =	vst v10  }
0x669: {  	v10 =	vld.idx.msk [tilespmem:v5+s5+$0x0], $0xffff;
	[tilespmem:s15+$0xFFFFFE50] =	vst v12  }
0x66a: {  	v12 =	vld.idx.msk [tilespmem:v7+s5+$0x0], $0xffff  }
0x66b: {  	[tilespmem:s3+$0x2D0] =	vst v9  }
0x66c: {  	v9 =	vld.idx.msk [tilespmem:v2+s6+$0x0], $0xffff  }
0x66d: {  	[tilespmem:s3+$0xFFFFFED0] =	vst v11  }
0x66e: {  	v11 =	vld.idx.msk [tilespmem:v8+s6+$0x0], $0xffff;
	[tilespmem:s15+$0x2D0] =	vst v10  }
0x66f: {  	v10 =	vld.idx.msk [tilespmem:v5+s6+$0x0], $0xffff;
	[tilespmem:s15+$0xFFFFFED0] =	vst v12  }
0x670: {  	[tilespmem:s24+$0xFFFFFFD0] =	vst v6;
	v12 =	vld.idx.msk [tilespmem:v7+s6+$0x0], $0xffff  }
0x671: {  	v6 =	vld [tilespmem:s14+$0xFFFFFFE0];
	[tilespmem:s3+$0x350] =	vst v9  }
0x672: {  	v2 =	vld.idx.msk [tilespmem:v2+s10+$0x0], $0xffff  }
0x673: {  	[tilespmem:s3+$0xFFFFFF50] =	vst v11  }
0x674: {  	v8 =	vld.idx.msk [tilespmem:v8+s10+$0x0], $0xffff;
	[tilespmem:s15+$0x350] =	vst v10  }
0x675: {  	v5 =	vld.idx.msk [tilespmem:v5+s10+$0x0], $0xffff;
	[tilespmem:s15+$0xFFFFFF50] =	vst v12  }
0x676: {  	v7 =	vld.idx.msk [tilespmem:v7+s10+$0x0], $0xffff  }
0x677: {  	[tilespmem:s3+$0x3D0] =	vst v2  }
0x678: {  	v2 =	vld [tilespmem:s25+$0x60]  }
0x679: {  	v21 =	vld.idx.msk [tilespmem:v6+s26+$0x0], $0xffff;
	[tilespmem:s3+$0xFFFFFFD0] =	vst v8  }
0x67a: {  	v8 =	vld [tilespmem:s25+$0xFFFFFFE0];
	[tilespmem:s15+$0x3D0] =	vst v5  }
0x67b: {  	v5 =	vld [tilespmem:s9+$0x60];
	[tilespmem:s15+$0xFFFFFFD0] =	vst v7  }
0x67c: {  	v7 =	vld [tilespmem:s9+$0xFFFFFFE0];
	_ =	sdelay $0x1  }
0x67d: {  	[tilespmem:s24+$0xFFFFFC60] =	vst v21  }
0x67e: {  	v27 =	vld.idx.msk [tilespmem:v6+s31+$0x0], $0xffff  }
0x67f: {  	v9 =	vld.idx.msk [tilespmem:v2+s26+$0x0], $0xffff;
	_ =	sdelay $0x1  }
0x680: {  	v23 =	vld.idx.msk [tilespmem:v8+s26+$0x0], $0xffff  }
0x681: {  	v22 =	vld.idx.msk [tilespmem:v5+s26+$0x0], $0xffff  }
0x682: {  	[tilespmem:s24+$0xFFFFFCE0] =	vst v27;
	v24 =	vld.idx.msk [tilespmem:v7+s26+$0x0], $0xffff  }
0x683: {  	[tilespmem:s3+$0x60] =	vst v9;
	v11 =	vld.idx.msk [tilespmem:v6+s2+$0x0], $0xffff  }
0x684: {  	[tilespmem:s24+$0x2E0] =	vst v4;
	v26 =	vld.idx.msk [tilespmem:v2+s31+$0x0], $0xffff  }
0x685: {  	v25 =	vld.idx.msk [tilespmem:v1+s6+$0x0], $0xffff;
	[tilespmem:s3+$0xFFFFFC60] =	vst v23  }
0x686: {  	v29 =	vld.idx.msk [tilespmem:v8+s31+$0x0], $0xffff;
	[tilespmem:s15+$0x60] =	vst v22  }
0x687: {  	v28 =	vld.idx.msk [tilespmem:v5+s31+$0x0], $0xffff;
	[tilespmem:s15+$0xFFFFFC60] =	vst v24  }
0x688: {  	[tilespmem:s24+$0xFFFFFD60] =	vst v11;
	v30 =	vld.idx.msk [tilespmem:v7+s31+$0x0], $0xffff  }
0x689: {  	[tilespmem:s3+$0xE0] =	vst v26;
	v11 =	vld.idx.msk [tilespmem:v6+s1+$0x0], $0xffff  }
0x68a: {  	[tilespmem:s24+$0x360] =	vst v25;
	v10 =	vld.idx.msk [tilespmem:v2+s2+$0x0], $0xffff  }
0x68b: {  	v31 =	vld.idx.msk [tilespmem:v1+s10+$0x0], $0xffff;
	[tilespmem:s3+$0xFFFFFCE0] =	vst v29  }
0x68c: {  	v33 =	vld.idx.msk [tilespmem:v8+s2+$0x0], $0xffff;
	[tilespmem:s15+$0xE0] =	vst v28  }
0x68d: {  	v32 =	vld.idx.msk [tilespmem:v5+s2+$0x0], $0xffff;
	[tilespmem:s15+$0xFFFFFCE0] =	vst v30  }
0x68e: {  	[tilespmem:s24+$0xFFFFFDE0] =	vst v11;
	v34 =	vld.idx.msk [tilespmem:v7+s2+$0x0], $0xffff  }
0x68f: {  	[tilespmem:s3+$0x160] =	vst v10;
	v11 =	vld.idx.msk [tilespmem:v6+s28+$0x0], $0xffff  }
0x690: {  	[tilespmem:s24+$0x3E0] =	vst v31;
	v10 =	vld.idx.msk [tilespmem:v2+s1+$0x0], $0xffff  }
0x691: {  	v35 =	vld [tilespmem:s14+$0x70];
	[tilespmem:s3+$0xFFFFFD60] =	vst v33  }
0x692: {  	v12 =	vld.idx.msk [tilespmem:v8+s1+$0x0], $0xffff;
	[tilespmem:s15+$0x160] =	vst v32  }
0x693: {  	v4 =	vld.idx.msk [tilespmem:v5+s1+$0x0], $0xffff;
	[tilespmem:s15+$0xFFFFFD60] =	vst v34  }
0x694: {  	[tilespmem:s24+$0xFFFFFE60] =	vst v11;
	v1 =	vld.idx.msk [tilespmem:v7+s1+$0x0], $0xffff  }
0x695: {  	[tilespmem:s3+$0x1E0] =	vst v10;
	v38 =	vld.idx.msk [tilespmem:v6+s5+$0x0], $0xffff  }
0x696: {  	v10 =	vld.idx.msk [tilespmem:v2+s28+$0x0], $0xffff  }
0x697: {  	[tilespmem:s3+$0xFFFFFDE0] =	vst v12  }
0x698: {  	v12 =	vld.idx.msk [tilespmem:v8+s28+$0x0], $0xffff;
	[tilespmem:s15+$0x1E0] =	vst v4  }
0x699: {  	v4 =	vld.idx.msk [tilespmem:v5+s28+$0x0], $0xffff;
	[tilespmem:s15+$0xFFFFFDE0] =	vst v1  }
0x69a: {  	[tilespmem:s24+$0xFFFFFEE0] =	vst v38;
	v1 =	vld.idx.msk [tilespmem:v7+s28+$0x0], $0xffff  }
0x69b: {  	[tilespmem:s3+$0x260] =	vst v10;
	v44 =	vld.idx.msk [tilespmem:v6+s6+$0x0], $0xffff  }
0x69c: {  	v37 =	vld.idx.msk [tilespmem:v2+s5+$0x0], $0xffff  }
0x69d: {  	v36 =	vld.idx.msk [tilespmem:v35+s26+$0x0], $0xffff;
	[tilespmem:s3+$0xFFFFFE60] =	vst v12  }
0x69e: {  	v40 =	vld.idx.msk [tilespmem:v8+s5+$0x0], $0xffff;
	[tilespmem:s15+$0x260] =	vst v4  }
0x69f: {  	v39 =	vld.idx.msk [tilespmem:v5+s5+$0x0], $0xffff;
	[tilespmem:s15+$0xFFFFFE60] =	vst v1  }
0x6a0: {  	[tilespmem:s24+$0xFFFFFF60] =	vst v44;
	v41 =	vld.idx.msk [tilespmem:v7+s5+$0x0], $0xffff  }
0x6a1: {  	[tilespmem:s3+$0x2E0] =	vst v37;
	v6 =	vld.idx.msk [tilespmem:v6+s10+$0x0], $0xffff  }
0x6a2: {  	[tilespmem:s24+$0x70] =	vst v36;
	v43 =	vld.idx.msk [tilespmem:v2+s6+$0x0], $0xffff  }
0x6a3: {  	v42 =	vld.idx.msk [tilespmem:v35+s31+$0x0], $0xffff;
	[tilespmem:s3+$0xFFFFFEE0] =	vst v40  }
0x6a4: {  	v46 =	vld.idx.msk [tilespmem:v8+s6+$0x0], $0xffff;
	[tilespmem:s15+$0x2E0] =	vst v39  }
0x6a5: {  	v45 =	vld.idx.msk [tilespmem:v5+s6+$0x0], $0xffff;
	[tilespmem:s15+$0xFFFFFEE0] =	vst v41  }
0x6a6: {  	[tilespmem:s24+$0xFFFFFFE0] =	vst v6;
	v47 =	vld.idx.msk [tilespmem:v7+s6+$0x0], $0xffff  }
0x6a7: {  	[tilespmem:s3+$0x360] =	vst v43;
	v6 =	vld [tilespmem:s14+$0xFFFFFFF0]  }
0x6a8: {  	v2 =	vld.idx.msk [tilespmem:v2+s10+$0x0], $0xffff  }
0x6a9: {  	[tilespmem:s3+$0xFFFFFF60] =	vst v46  }
0x6aa: {  	v49 =	vld.idx.msk [tilespmem:v8+s10+$0x0], $0xffff;
	[tilespmem:s15+$0x360] =	vst v45  }
0x6ab: {  	v1 =	vld.idx.msk [tilespmem:v5+s10+$0x0], $0xffff;
	[tilespmem:s15+$0xFFFFFF60] =	vst v47  }
0x6ac: {  	[tilespmem:s24+$0xF0] =	vst v42;
	v50 =	vld.idx.msk [tilespmem:v7+s10+$0x0], $0xffff  }
0x6ad: {  	v48 =	vld.idx.msk [tilespmem:v35+s2+$0x0], $0xffff;
	[tilespmem:s3+$0x3E0] =	vst v2  }
0x6ae: {  	v2 =	vld [tilespmem:s25+$0x70]  }
0x6af: {  	v53 =	vld.idx.msk [tilespmem:v6+s26+$0x0], $0xffff;
	[tilespmem:s3+$0xFFFFFFE0] =	vst v49  }
0x6b0: {  	v5 =	vld [tilespmem:s25+$0xFFFFFFF0];
	[tilespmem:s15+$0x3E0] =	vst v1  }
0x6b1: {  	v1 =	vld [tilespmem:s9+$0x70];
	[tilespmem:s15+$0xFFFFFFE0] =	vst v50  }
0x6b2: {  	v4 =	vld [tilespmem:s9+$0xFFFFFFF0];
	_ =	sdelay $0x1  }
0x6b3: {  	[tilespmem:s24+$0x170] =	vst v48  }
0x6b4: {  	v51 =	vld.idx.msk [tilespmem:v35+s1+$0x0], $0xffff  }
0x6b5: {  	[tilespmem:s24+$0xFFFFFC70] =	vst v53;
	v52 =	vld.idx.msk [tilespmem:v2+s26+$0x0], $0xffff  }
0x6b6: {  	v10 =	vld.idx.msk [tilespmem:v6+s31+$0x0], $0xffff  }
0x6b7: {  	v55 =	vld.idx.msk [tilespmem:v5+s26+$0x0], $0xffff  }
0x6b8: {  	[tilespmem:s11+$0xFFFFFDF0] =	vst v3;
	v54 =	vld.idx.msk [tilespmem:v1+s26+$0x0], $0xffff  }
0x6b9: {  	[tilespmem:s24+$0x1F0] =	vst v51;
	v56 =	vld.idx.msk [tilespmem:v4+s26+$0x0], $0xffff  }
0x6ba: {  	[tilespmem:s3+$0x70] =	vst v52;
	v7 =	vld.idx.msk [tilespmem:v35+s28+$0x0], $0xffff  }
0x6bb: {  	[tilespmem:s24+$0xFFFFFCF0] =	vst v10;
	v8 =	vld.idx.msk [tilespmem:v2+s31+$0x0], $0xffff  }
0x6bc: {  	v60 =	vld.idx.msk [tilespmem:v0+s28+$0x0], $0xffff;
	[tilespmem:s3+$0xFFFFFC70] =	vst v55  }
0x6bd: {  	v59 =	vld.idx.msk [tilespmem:v5+s31+$0x0], $0xffff;
	[tilespmem:s15+$0x70] =	vst v54  }
0x6be: {  	v58 =	vld.idx.msk [tilespmem:v1+s31+$0x0], $0xffff;
	[tilespmem:s15+$0xFFFFFC70] =	vst v56  }
0x6bf: {  	[tilespmem:s24+$0x270] =	vst v7;
	v7 =	vld.idx.msk [tilespmem:v4+s31+$0x0], $0xffff  }
0x6c0: {  	v10 =	vld.idx.msk [tilespmem:v6+s2+$0x0], $0xffff;
	[tilespmem:s3+$0xF0] =	vst v8  }
0x6c1: {  	[tilespmem:s11+$0xFFFFFE70] =	vst v60;
	v8 =	vld.idx.msk [tilespmem:v2+s2+$0x0], $0xffff  }
0x6c2: {  	v57 =	vld.idx.msk [tilespmem:v35+s5+$0x0], $0xffff;
	[tilespmem:s3+$0xFFFFFCF0] =	vst v59  }
0x6c3: {  	v11 =	vld.idx.msk [tilespmem:v5+s2+$0x0], $0xffff;
	[tilespmem:s15+$0xF0] =	vst v58  }
0x6c4: {  	v3 =	vld.idx.msk [tilespmem:v1+s2+$0x0], $0xffff;
	[tilespmem:s15+$0xFFFFFCF0] =	vst v7  }
0x6c5: {  	[tilespmem:s24+$0xFFFFFD70] =	vst v10;
	v7 =	vld.idx.msk [tilespmem:v4+s2+$0x0], $0xffff  }
0x6c6: {  	v10 =	vld.idx.msk [tilespmem:v6+s1+$0x0], $0xffff;
	[tilespmem:s3+$0x170] =	vst v8  }
0x6c7: {  	v8 =	vld.idx.msk [tilespmem:v2+s1+$0x0], $0xffff;
	[tilespmem:s24+$0x2F0] =	vst v57  }
0x6c8: {  	v12 =	vld.idx.msk [tilespmem:v35+s6+$0x0], $0xffff;
	[tilespmem:s3+$0xFFFFFD70] =	vst v11  }
0x6c9: {  	v11 =	vld.idx.msk [tilespmem:v5+s1+$0x0], $0xffff;
	[tilespmem:s15+$0x170] =	vst v3  }
0x6ca: {  	v3 =	vld.idx.msk [tilespmem:v1+s1+$0x0], $0xffff;
	[tilespmem:s15+$0xFFFFFD70] =	vst v7  }
0x6cb: {  	[tilespmem:s24+$0xFFFFFDF0] =	vst v10;
	v7 =	vld.idx.msk [tilespmem:v4+s1+$0x0], $0xffff  }
0x6cc: {  	v10 =	vld.idx.msk [tilespmem:v6+s28+$0x0], $0xffff;
	[tilespmem:s3+$0x1F0] =	vst v8  }
0x6cd: {  	v8 =	vld.idx.msk [tilespmem:v2+s28+$0x0], $0xffff;
	[tilespmem:s24+$0x370] =	vst v12  }
0x6ce: {  	v9 =	vld.idx.msk [tilespmem:v35+s10+$0x0], $0xffff;
	[tilespmem:s3+$0xFFFFFDF0] =	vst v11  }
0x6cf: {  	v11 =	vld.idx.msk [tilespmem:v5+s28+$0x0], $0xffff;
	[tilespmem:s15+$0x1F0] =	vst v3  }
0x6d0: {  	v3 =	vld.idx.msk [tilespmem:v1+s28+$0x0], $0xffff;
	[tilespmem:s15+$0xFFFFFDF0] =	vst v7  }
0x6d1: {  	[tilespmem:s24+$0xFFFFFE70] =	vst v10;
	v7 =	vld.idx.msk [tilespmem:v4+s28+$0x0], $0xffff  }
0x6d2: {  	v10 =	vld.idx.msk [tilespmem:v6+s5+$0x0], $0xffff;
	[tilespmem:s3+$0x270] =	vst v8  }
0x6d3: {  	v8 =	vld.idx.msk [tilespmem:v2+s5+$0x0], $0xffff;
	[tilespmem:s24+$0x3F0] =	vst v9  }
0x6d4: {  	v9 =	vld.idx.msk [tilespmem:v0+s5+$0x0], $0xffff;
	[tilespmem:s3+$0xFFFFFE70] =	vst v11  }
0x6d5: {  	v11 =	vld.idx.msk [tilespmem:v5+s5+$0x0], $0xffff;
	[tilespmem:s15+$0x270] =	vst v3  }
0x6d6: {  	v3 =	vld.idx.msk [tilespmem:v1+s5+$0x0], $0xffff;
	[tilespmem:s15+$0xFFFFFE70] =	vst v7  }
0x6d7: {  	[tilespmem:s24+$0xFFFFFEF0] =	vst v10;
	v7 =	vld.idx.msk [tilespmem:v4+s5+$0x0], $0xffff  }
0x6d8: {  	v10 =	vld.idx.msk [tilespmem:v6+s6+$0x0], $0xffff;
	[tilespmem:s3+$0x2F0] =	vst v8  }
0x6d9: {  	v8 =	vld.idx.msk [tilespmem:v2+s6+$0x0], $0xffff;
	[tilespmem:s11+$0xFFFFFEF0] =	vst v9  }
0x6da: {  	v9 =	vld.idx.msk [tilespmem:v0+s6+$0x0], $0xffff;
	[tilespmem:s3+$0xFFFFFEF0] =	vst v11  }
0x6db: {  	v11 =	vld.idx.msk [tilespmem:v5+s6+$0x0], $0xffff;
	[tilespmem:s15+$0x2F0] =	vst v3  }
0x6dc: {  	v3 =	vld.idx.msk [tilespmem:v1+s6+$0x0], $0xffff;
	[tilespmem:s15+$0xFFFFFEF0] =	vst v7  }
0x6dd: {  	[tilespmem:s24+$0xFFFFFF70] =	vst v10;
	v7 =	vld.idx.msk [tilespmem:v4+s6+$0x0], $0xffff  }
0x6de: {  	v6 =	vld.idx.msk [tilespmem:v6+s10+$0x0], $0xffff;
	[tilespmem:s3+$0x370] =	vst v8  }
0x6df: {  	v2 =	vld.idx.msk [tilespmem:v2+s10+$0x0], $0xffff;
	[tilespmem:s11+$0xFFFFFF70] =	vst v9  }
0x6e0: {  	v61 =	vld.idx.msk [tilespmem:v0+s10+$0x0], $0xffff;
	[tilespmem:s3+$0xFFFFFF70] =	vst v11  }
0x6e1: {  	v62 =	vld.idx.msk [tilespmem:v5+s10+$0x0], $0xffff;
	[tilespmem:s15+$0x370] =	vst v3  }
0x6e2: {  	v1 =	vld.idx.msk [tilespmem:v1+s10+$0x0], $0xffff;
	[tilespmem:s15+$0xFFFFFF70] =	vst v7  }
0x6e3: {  	s12 =	sadd.s32 $0x1, s12;
	[tilespmem:s24+$0xFFFFFFF0] =	vst v6;
	v63 =	vld.idx.msk [tilespmem:v4+s10+$0x0], $0xffff  }
0x6e4: {  	p0 =	sne.s32 s12, $0x31;
	[tilespmem:s3+$0x3F0] =	vst v2  }
.Ltmp4:
0x6e5: {  	s7 =	sshll.u32 s30, $0xE;
	[tilespmem:s11+$0xFFFFFFF0] =	vst v61;
	(pc) =	sbr.rel @p0 .LBB2_5-.Ltmp4, $4  }
0x6e6: {  	s7 =	sadd.s32 s7, s8;
	[tilespmem:s3+$0xFFFFFFF0] =	vst v62  }
0x6e7: {  	s25 =	rddreg [dreg:$0x5];
	s24 =	sshrl.u32 s7, $0x3;
	[tilespmem:s15+$0x3F0] =	vst v1  }
0x6e8: {  	s30 =	simm.s32 $0x16C40;
	s3 =	sadd.s32 s25, s24;
	[tilespmem:s15+$0xFFFFFFF0] =	vst v63  }
0x6e9: {  	[hbm4b:s3+s4] =	stream.linear.scatter [tilespmem:s30], [sflag:$0xC], $0x4000, $0x38;
	[tilespmem:$0x1AC40] =	vst v63  }
0x6ea: {  	s3 =	simm.s32 $0xB  }
0x6eb: {  	_ =	swait.ge [sflag:s3], $0x4000  }
0x6ec: {  	[sflag:s3] =	ssyncset.done $0x0  }
0x6ed: {  	s7 =	simm.s32 $0xC;
	[sflag:s3] =	ssyncadd.s32 $0xFFFFC000  }
0x6ee: {  	_ =	swait.ge [sflag:s7], $0x4000  }
0x6ef: {  	s9 =	rddreg [dreg:$0xd]  }
0x6f0: {  	s30 =	rddreg [dreg:$0xb];
	s9 =	sadd.s32 $0x1, s9  }
0x6f1: {  	p0 =	sne.s32 s9, s30  }
.Ltmp5:
0x6f2: {  	_ = 	snop;
	(pc) =	sbr.rel @p0 .LBB2_1-.Ltmp5, $4  }
0x6f3: {  	_ = 	snop  }
0x6f4: {  	s15 =	simm.s32 $0xD  }
0x6f5: {  	s17 =	simm.s32 $0xC40;
	s19 =	simm.s32 $0x2840;
	[sflag:s7] =	ssyncset.done $0x0  }
0x6f6: {  	s24 =	simm.s32 $0x4440;
	s25 =	simm.s32 $0x6040;
	[sflag:s7] =	ssyncadd.s32 $0xFFFFC000  }
0x6f7: {  	_ =	sfence.sel $0x180000  }
0x6f8: {  	[bflag:$0x0] =	sbarrier.arrive $0xFFFF  }
0x6f9: {  	_ =	strace $0x9000004D  }
0x6fa: {  	s0 =	stileid.u32;
	[bflag:$0x2] =	sbarrier.arrive $0xFFFF  }
0x6fb: {  	p0 =	sne.s32 s0, $0x0;
	s0 =	rddreg [dreg:$0x6]  }
0x6fc: {  	s0 =	sadd.s32 @!p0 $0x100000, s0  }
0x6fd: {  	[sflag:s0] =	ssyncadd.tile.s32 @!p0 $0x1;
	_ =	shalt  }
.Lfunc_end2:
_tile_overlayer_lowered:
.L_overlay_start_2:
0x6fe: {  	(tag) =	ssettag $0x2  }
0x6ff: {  	s0 =	rddreg [dreg:$0x0];
	s2 =	stileid.u32  }
0x700: {  	s1 =	rddreg [dreg:$0x1];
	p0 =	sne.s32 s2, $0x0  }
0x701: {  	s3 =	rddreg [dreg:$0x2];
	[bflag:$0x3] =	sbarrier.arrive $0xFFFF;
	s2 =	simm.s32 @!p0 $0x1C0D  }
0x702: {  	[timem:s3], [sflag:s2] =	dma.local @!p0 [hbm:s0], s1  }
0x703: {  	s0 =	simm.s32 @!p0 $0xD  }
0x704: {  	_ =	swait.ge @!p0 [sflag:s0], s1  }
0x705: {  	s1 =	ssub.s32 @!p0 $0x0, s1;
	[sflag:s0] =	ssyncset.done @!p0 $0x0  }
0x706: {  	[sflag:s0] =	ssyncadd.s32 @!p0 s1  }
0x707: {  	[bflag:$0x3] =	sbarrier.arrive $0xFFFF  }
0x708: {  	_ =	shalt  }

// kernel: kernel.8.cloned.1.call-start
scs
__scs_entry_jumppad:
0x0: {  	(pc) =	sbr.rel $0x88, $3  }
0x1: {  	(tag) =	ssettag $0x0;
	lr =	simm.s32 $0x1  }
0x2: {  	[smem:$0x3F98] =	sst lr;
	_ =	strace $0xD0000000  }
0x3: {  	_ = 	snop  }
0x4: {  	_ = 	snop  }
0x5: {  	_ = 	snop  }
0x6: {  	_ = 	snop  }
0x7: {  	_ = 	snop  }
__scs_overlays_trampoline_lowered:
0x8: {  	[smem:$0x3FA7] =	sst s0  }
0x9: {  	[smem:$0x3FA8] =	sst s1  }
0xa: {  	[smem:$0x3FA9] =	sst s2  }
0xb: {  	[smem:$0x3FAA] =	sst s3  }
0xc: {  	[smem:$0x3FAB] =	sst s4  }
0xd: {  	[smem:$0x3FAC] =	sst s5  }
0xe: {  	[smem:$0x3FAD] =	sst s6  }
0xf: {  	[smem:$0x3FAE] =	sst s7  }
0x10: {  	[smem:$0x3FAF] =	sst s8  }
0x11: {  	[smem:$0x3FB0] =	sst s9;
	s0 =	simm.s32 @!p0 $0x0  }
0x12: {  	s1 =	sld [smem:$0x3F96];
	s0 =	simm.s32 @p0 $0x1  }
0x13: {  	[smem:$0x3FB1] =	sst s0;
	s0 =	simm.s32 @!p1 $0x0  }
0x14: {  	s2 =	sld [smem:$0x3F95];
	s0 =	simm.s32 @p1 $0x1  }
0x15: {  	[smem:$0x3FB2] =	sst s0;
	s0 =	simm.s32 @!p2 $0x0  }
0x16: {  	s3 =	sld [smem:$0x3FDB];
	s0 =	simm.s32 @p2 $0x1  }
0x17: {  	s4 =	simm.s32 $0x1BF5;
	[smem:$0x3FB4] =	sst s0  }
0x18: {  	s0 =	sld [smem:$0x3F97];
	_ =	swait.ge [sflag:s4], $0x0  }
0x19: {  	s7 =	sld [smem:$0x3F98]  }
0x1a: {  	s8 =	sadd.s32 $0xFFFFE003, lr  }
0x1b: {  	s9 =	sadd.s32 $0xFFFFFEF7, lr;
	s5 =	simm.s32 $0xFFFFFFFF;
	p2 =	slt.u32 s8, $0xFFFFF086  }
0x1c: {  	p1 =	slt.u32 s9, $0xF7A;
	s5 =	simm.s32 @!p2 $0x0  }
0x1d: {  	s5 =	simm.s32 @p1 $0x1;
	p0 =	seq.s32 s7, s2  }
0x1e: {  	s7 =	smul.u32 @!p0 $0xF7A, s2;
	p2 =	seq.s32 @!p0 s5, $0x0  }
0x1f: {  	s9 =	smul.u32 $0xF7A, s1;
	s8 =	simm.s32 @!p0 $0x1BF5;
	p2 =	por !p2, p0  }
0x20: {  	[sflag:s8] =	ssyncset.s32 @!p0 $0xFFFFF086;
	s6 =	sadd.s32 @!p0 s3, s7;
	s7 =	simm.s32 @!p0 $0x108  }
0x21: {  	s3 =	sadd.s32 s3, s9;
	s6 =	sadd.s32 @!p0 $0x88, s6;
	s7 =	simm.s32 @p2 $0x1082  }
0x22: {  	[simem:s7], [sflag:s8] =	dma.local @!p0 [hbm:s6], $0xF7A  }
0x23: {  	s9 =	sor.u32 $0xD0000000, s2;
	s6 =	simm.s32 $0x108;
	_ =	swait.ge @!p0 [sflag:s8], $0x0  }
0x24: {  	s3 =	sadd.s32 $0x88, s3;
	s6 =	simm.s32 @!p1 $0x1082;
	[sflag:s4] =	ssyncset.s32 $0xFFFFF086  }
0x25: {  	[simem:s6], [sflag:s4] =	dma.local [hbm:s3], $0xF7A  }
0x26: {  	[smem:$0x3F98] =	sst s1;
	(tag) =	ssettag s2;
	_ =	strace s9  }
0x27: {  	s1 =	sld [smem:$0x3FA8]  }
0x28: {  	s2 =	sld [smem:$0x3FA9]  }
0x29: {  	s4 =	sld [smem:$0x3FAB]  }
0x2a: {  	p0 =	seq.s32 s5, $0x0;
	s5 =	sld [smem:$0x3FAC]  }
0x2b: {  	s6 =	sld [smem:$0x3FAD]  }
0x2c: {  	s7 =	sld [smem:$0x3FAE]  }
0x2d: {  	s3 =	simm.s32 $0x108;
	s8 =	sld [smem:$0x3FAF]  }
0x2e: {  	s3 =	simm.s32 @!p0 $0x1082;
	s9 =	sld [smem:$0x3FB0]  }
0x2f: {  	lr =	sadd.s32 s0, s3;
	s0 =	sld [smem:$0x3FA7]  }
0x30: {  	s3 =	sld [smem:$0x3FAA]  }
0x31: {  	[smem:$0x3FB3] =	sst s10  }
0x32: {  	s10 =	sld [smem:$0x3FB1];
	_ =	sdelay $0x3  }
0x33: {  	p0 =	seq.s32 s10, $0x1;
	s10 =	sld [smem:$0x3FB3];
	_ =	sdelay $0x3  }
0x34: {  	[smem:$0x3FB3] =	sst s10  }
0x35: {  	s10 =	sld [smem:$0x3FB2];
	_ =	sdelay $0x3  }
0x36: {  	p1 =	seq.s32 s10, $0x1;
	s10 =	sld [smem:$0x3FB3];
	_ =	sdelay $0x3  }
0x37: {  	[smem:$0x3FB3] =	sst s10  }
0x38: {  	s10 =	sld [smem:$0x3FB4]  }
0x39: {  	_ = 	snop;
	(pc) =	sbr.ind lr, $3  }
0x3a: {  	_ = 	snop  }
0x3b: {  	_ = 	snop  }
0x3c: {  	p2 =	seq.s32 s10, $0x1;
	s10 =	sld [smem:$0x3FB3]  }
0x3d: {  	_ =	shalt  }
0x3e: {  	_ =	shalt  }
0x3f: {  	_ =	shalt  }
0x40: {  	_ =	shalt  }
0x41: {  	_ =	shalt  }
0x42: {  	_ =	shalt  }
0x43: {  	_ =	shalt  }
0x44: {  	_ =	shalt  }
0x45: {  	_ =	shalt  }
0x46: {  	_ =	shalt  }
0x47: {  	_ =	shalt  }
0x48: {  	_ =	shalt  }
0x49: {  	_ =	shalt  }
0x4a: {  	_ =	shalt  }
0x4b: {  	_ =	shalt  }
0x4c: {  	_ =	shalt  }
0x4d: {  	_ =	shalt  }
0x4e: {  	_ =	shalt  }
0x4f: {  	_ =	shalt  }
0x50: {  	_ =	shalt  }
0x51: {  	_ =	shalt  }
0x52: {  	_ =	shalt  }
0x53: {  	_ =	shalt  }
0x54: {  	_ =	shalt  }
0x55: {  	_ =	shalt  }
0x56: {  	_ =	shalt  }
0x57: {  	_ =	shalt  }
0x58: {  	_ =	shalt  }
0x59: {  	_ =	shalt  }
0x5a: {  	_ =	shalt  }
0x5b: {  	_ =	shalt  }
0x5c: {  	_ =	shalt  }
0x5d: {  	_ =	shalt  }
0x5e: {  	_ =	shalt  }
0x5f: {  	_ =	shalt  }
0x60: {  	_ =	shalt  }
0x61: {  	_ =	shalt  }
0x62: {  	_ =	shalt  }
0x63: {  	_ =	shalt  }
0x64: {  	_ =	shalt  }
0x65: {  	_ =	shalt  }
0x66: {  	_ =	shalt  }
0x67: {  	_ =	shalt  }
0x68: {  	_ =	shalt  }
0x69: {  	_ =	shalt  }
0x6a: {  	_ =	shalt  }
0x6b: {  	_ =	shalt  }
0x6c: {  	_ =	shalt  }
0x6d: {  	_ =	shalt  }
0x6e: {  	_ =	shalt  }
0x6f: {  	_ =	shalt  }
0x70: {  	_ =	shalt  }
0x71: {  	_ =	shalt  }
0x72: {  	_ =	shalt  }
0x73: {  	_ =	shalt  }
0x74: {  	_ =	shalt  }
0x75: {  	_ =	shalt  }
0x76: {  	_ =	shalt  }
0x77: {  	_ =	shalt  }
0x78: {  	_ =	shalt  }
0x79: {  	_ =	shalt  }
0x7a: {  	_ =	shalt  }
0x7b: {  	_ =	shalt  }
0x7c: {  	_ =	shalt  }
0x7d: {  	_ =	shalt  }
0x7e: {  	_ =	shalt  }
0x7f: {  	_ =	shalt  }
0x80: {  	_ =	shalt  }
0x81: {  	_ =	shalt  }
0x82: {  	_ =	shalt  }
0x83: {  	_ =	shalt  }
0x84: {  	_ =	shalt  }
0x85: {  	_ =	shalt  }
0x86: {  	_ =	shalt  }
0x87: {  	_ =	shalt  }
.Lfunc_end0:
.L_simem_size_0:
called_computation_lowered:
.L_overlay_start_0:
0x88: {  	s2 =	sld [smem:$0x3FD9]  }
0x89: {  	s3 =	sld [smem:$0x3FFE];
	_ =	sdelay $0x1  }
0x8a: {  	s1 =	srdreg.scid  }
0x8b: {  	s0 =	sand.u32 $0x1, s1  }
0x8c: {  	s15 =	sshll.u32 s0, $0xA;
	s2 =	sadd.s32 s3, s2  }
0x8d: {  	s2 =	sadd.s32 s2, s15  }
0x8e: {  	[smem:$0x3FBF] =	sst s2  }
0x8f: {  	_ = 	snop  }
0x90: {  	s2 =	sld [smem:$0x3FD0];
	_ =	sdelay $0x2  }
0x91: {  	s4 =	simm.s32 $0xB;
	s5 =	simm.s32 $0x10;
	s16 =	sld [smem:$0x3FC9]  }
0x92: {  	[smem:s5], [sflag:s4] =	dma.local [hbm:s2], $0x1  }
0x93: {  	_ =	swait.eq [sflag:s4], $0x1  }
0x94: {  	[sflag:s4] =	ssyncset.done $0x0  }
0x95: {  	[sflag:s4] =	ssyncadd.s32 $0xFFFFFFFF  }
0x96: {  	s17 =	sld [smem:$0x11];
	(tm) =	ssettm $0x1  }
0x97: {  	s18 =	sld [smem:$0x3FFB];
	_ =	sdelay $0x3  }
0x98: {  	_ =	strace s18  }
0x99: {  	s4 =	sld [smem:$0x3FFC];
	_ =	sdelay $0x3  }
0x9a: {  	_ =	strace s4  }
0x9b: {  	s4 =	sld [smem:$0x3FFD];
	_ =	sdelay $0x3  }
0x9c: {  	_ =	strace s4  }
0x9d: {  	_ =	strace $0x8FFFFFFF  }
0x9e: {  	s19 =	sld [smem:$0x3FDB];
	_ =	sdelay $0x1  }
0x9f: {  	s20 =	simm.s32 $_scs_section_size  }
0xa0: {  	s6 =	simm.s32 $_size__tile_overlayer_lowered;
	s7 =	simm.s32 $_tile_overlayer_lowered  }
0xa1: {  	s23 =	simm.s32 $0x1BFF;
	s22 =	sshll.u32 s7, $0x1;
	s4 =	sadd.s32 s20, s19  }
0xa2: {  	s8 =	simm.s32 $0x0;
	s21 =	sshll.u32 s6, $0x1;
	s6 =	sadd.s32 s22, s4  }
0xa3: {  	[timem:s8], [sflag:s23] =	dma.local [hbm:s6], s21  }
0xa4: {  	_ =	swait.ge [sflag:s23], s21  }
0xa5: {  	s5 =	ssub.s32 $0x0, s21;
	[sflag:s23] =	ssyncset.done $0x0  }
0xa6: {  	[sflag:s23] =	ssyncadd.s32 s5;
	_ =	sdelay $0x1  }
0xa7: {  	s24 =	simm.s32 $0x1B8B  }
0xa8: {  	_ =	swait.ge [sflag:s24], $0x1  }
0xa9: {  	[sflag:s24] =	ssyncset.done $0x0  }
0xaa: {  	s25 =	simm.s32 $0x1B8E;
	[sflag:s24] =	ssyncadd.s32 $0xFFFFFFFF  }
0xab: {  	s26 =	simm.s32 $execute0_lowered;
	[smem:$0x3FD2] =	sst s25  }
0xac: {  	s5 =	sshll.u32 s26, $0x1;
	_ =	strace $0x80000046;
	[dreg:$0x1] =	wrdreg $0xFFFFFFFF  }
0xad: {  	s28 =	simm.s32 $_size_execute0_lowered;
	s4 =	sadd.s32 s4, s5;
	[dreg:$0x0] =	wrdreg $0x0  }
0xae: {  	s5 =	sshll.u32 s28, $0x1;
	[dreg:$0x2] =	wrdreg s4  }
0xaf: {  	[dreg:$0x3] =	wrdreg s5  }
0xb0: {  	[dreg:$0x4] =	wrdreg $0xC0  }
0xb1: {  	_ =	task [dreg:s8], $0x5FFFF  }
0xb2: {  	[dreg:$0x1] =	wrdreg $0xFFFFFFFF  }
0xb3: {  	[dreg:$0x0] =	wrdreg $0x60  }
0xb4: {  	[dreg:$0x2] =	wrdreg s16  }
0xb5: {  	[dreg:$0x3] =	wrdreg s17  }
0xb6: {  	[dreg:$0x4] =	wrdreg $0x25800  }
0xb7: {  	[dreg:$0x5] =	wrdreg $0x9  }
0xb8: {  	_ =	task.clear_ibuf [dreg:s8], $0x6FFFF;
	_ =	strace $0x90000046  }
0xb9: {  	s29 =	simm.s32 $0x9;
	_ =	strace $0x80000048  }
0xba: {  	_ =	swait.ge [sflag:s29], $0x1  }
0xbb: {  	[sflag:s29] =	ssyncadd.s32 $0xFFFFFFFF  }
0xbc: {  	_ =	strace $0x90000048  }
0xbd: {  	_ =	sfence  }
0xbe: {  	s30 =	sld [smem:$0x0];
	_ =	sdelay $0x2  }
0xbf: {  	s31 =	sshll.u32 s1, $0xD;
	s1 =	sshrl.u32 s1, $0x2  }
0xc0: {  	s3 =	sand.u32 $0x4000, s31;
	s1 =	sadd.s32 s1, s30  }
0xc1: {  	s0 =	sor.u32 s3, s0;
	s1 =	sshll.u32 s1, $0x11  }
0xc2: {  	s0 =	sor.u32 s1, s0  }
0xc3: {  	s0 =	sadd.s32 $0x8F2B, s0  }
0xc4: {  	[sflag:s0] =	ssyncadd.remote.s32 $0x1  }
0xc5: {  	_ =	sfence.sel $0xFFFF  }
0xc6: {  	[dreg:$0x0] =	wrdreg $0xFFFFFFFF;
	(pc) =	sbr.abs _section_cstart, $3  }
0xc7: {  	[dreg:$0x1] =	wrdreg $0xFFFFFFFF  }
0xc8: {  	_ =	task.clear_ibuf [dreg:s8], $0x2FFFF;
	_ =	strace $0x9FFFFFFF  }
0xc9: {  	(tm) =	ssettm $0x7FFFFFFF  }
tec
execute0_lowered:
.L_overlay_start_1:
0x0: {  	(tag) =	ssettag $0x1  }
0x1: {  	s5 =	rddreg [dreg:$0x0]  }
0x2: {  	s7 =	rddreg [dreg:$0x1];
	s0 =	srdreg.scid  }
0x3: {  	s2 =	rddreg [dreg:$0x2];
	s1 =	stileid.u32;
	s3 =	simm.s32 $0x0  }
0x4: {  	s4 =	sand.u32 $0x1, s0;
	s0 =	rddreg [dreg:$0x3];
	s8 =	smul.u32 $0x3100, s1  }
0x5: {  	[smem:$0x7FF] =	sst s3;
	s11 =	smul.u32 $0xC35, s1  }
0x6: {  	s6 =	sshll.u32 s4, $0x4;
	s9 =	ssub.s32 $0x2, s4;
	_ =	strace $0x80000047  }
0x7: {  	s13 =	smul.u32 $0xC350, s4;
	s6 =	sor.u32 s1, s6;
	s23 =	sshrl.u32 s9, $0x1  }
0x8: {  	s24 =	sshrl.u32 s8, $0x2;
	s12 =	sand.u32 $0xFFF8, s11;
	s10 =	smul.u32 $0xC35, s6  }
0x9: {  	s9 =	ssub.s32 s9, s23;
	s4 =	sadd.s32 s24, s2;
	s28 =	smin.u32 s12, $0xB710  }
0xa: {  	s11 =	sadd.s32 s11, s13;
	s12 =	simm.s32 $0xC40;
	s14 =	sadd.s32 s13, s28  }
0xb: {  	s6 =	sadd.s32 s28, s2;
	s31 =	sand.u32 $0x1FFF8, s11;
	s11 =	simm.s32 $0x1  }
0xc: {  	s13 =	simm.s32 $0xC80;
	s25 =	sand.u32 $0x1FFF8, s10;
	s29 =	sadd.s32 $0xC35, s10  }
0xd: {  	s30 =	sshrl.u32 s14, $0x3;
	v0 =	vmov s10;
	s10 =	simm.s32 $0x1900;
	s8 =	smin.u32 s25, $0x17A60  }
0xe: {  	s14 =	simm.s32 $0x0;
	s7 =	sadd.s32 s7, s30;
	s26 =	sshrl.u32 s8, $0x3  }
0xf: {  	v2 =	vimm.f32 $0.0e+00;
	v3 =	vlaneseq.u32;
	v1 =	vmov s29;
	s8 =	smax.u32 s9, $0x1;
	s9 =	smin.u32 s31, $0x17A60;
	s5 =	sadd.s32 s5, s26  }
.LBB2_1:
0x10: {  	s15 =	simm.s32 $0x40;
	s16 =	simm.s32 $0x0  }
.LBB2_2:
0x11: {  	p0 =	sne.s32 s15, $0x30C0;
	[tilespmem:s16+$0x1900] =	vst v2;
	s16 =	smov.u32 s15;
	s15 =	sadd.s32 $0x40, s15  }
.Ltmp0:
0x12: {  	(pc) =	sbr.rel @p0 .LBB2_2-.Ltmp0, $2  }
0x13: {  	_ =	sdelay $0x2  }
0x14: {  	s16 =	sshra.s32 s16, $0x2  }
0x15: {  	[tilespmem:s16+$0x1900] =	vst v2  }
0x16: {  	[spmem:s4] =	stream.linear.scatter [tilespmem:s10], [sflag:$0x1], $0xC40, $0x38;
	[tilespmem:$0x31C0] =	vst v63  }
0x17: {  	_ =	swait.ge [sflag:s11], $0xC40  }
0x18: {  	[sflag:s11] =	ssyncset.done $0x0  }
0x19: {  	s15 =	simm.s32 $0x0;
	[sflag:s11] =	ssyncadd.s32 $0xFFFFF3C0  }
0x1a: {  	v4 =	vadd.s32 s9, v3;
	[tilespmem:s15], [sflag:$0x1] =	stream.linear.gather [hbm4b:s5+s15], $0xC40, $0x38;
	[tilespmem:$0x31C0] =	vst v63  }
0x1b: {  	vm0 =	vge.u32 v4, v0;
	vm1 =	vlt.u32 v4, v1;
	_ =	swait.ge [sflag:s11], $0xC40  }
0x1c: {  	s17 =	simm.s32 $0x0;
	vm0 =	vmand vm0, vm1;
	[sflag:s11] =	ssyncset.done $0x0  }
0x1d: {  	s16 =	smov.u32 s9;
	v4 =	vsel vm0, $0x3F800000, v2;
	s15 =	simm.s32 $0x40;
	[sflag:s11] =	ssyncadd.s32 $0xFFFFF3C0  }
.LBB2_4:
0x1e: {  	p0 =	sne.s32 s15, $0x30C0  }
0x1f: {  	[tilespmem:s17+$0xC80] =	vst v4;
	s16 =	sadd.s32 $0x10, s16;
	s17 =	smov.u32 s15;
	s15 =	sadd.s32 $0x40, s15  }
.Ltmp1:
0x20: {  	(pc) =	sbr.rel @p0 .LBB2_4-.Ltmp1, $4  }
0x21: {  	v4 =	vadd.s32 s16, v3  }
0x22: {  	vm0 =	vge.u32 v4, v0;
	vm1 =	vlt.u32 v4, v1  }
0x23: {  	vm0 =	vmand vm0, vm1  }
0x24: {  	s17 =	sshra.s32 s17, $0x2;
	v4 =	vsel vm0, $0x3F800000, v2  }
0x25: {  	[tilespmem:s17+$0xC80] =	vst v4  }
0x26: {  	[bflag:$0x0] =	sbarrier.arrive $0xFFFF  }
0x27: {  	[spmem:s2] =	stream.indirect.scatter.add.f32 [tilespmem:s13], [sflag:$0x1], $0x1, s3, s12, $0xb8;
	[tilespmem:$0x31C0] =	vst v63  }
0x28: {  	_ =	swait.ge [sflag:s11], $0xC40  }
0x29: {  	[sflag:s11] =	ssyncset.done $0x0  }
0x2a: {  	[sflag:s11] =	ssyncadd.s32 $0xFFFFF3C0  }
0x2b: {  	[bflag:$0x0] =	sbarrier.arrive $0xFFFF  }
0x2c: {  	[tilespmem:s10], [sflag:$0x1] =	stream.linear.gather [spmem:s6], $0xC40, $0x38;
	[tilespmem:$0x31C0] =	vst v63  }
0x2d: {  	s14 =	sadd.s32 $0x1, s14;
	_ =	swait.ge [sflag:s11], $0xC40  }
0x2e: {  	p0 =	sne.s32 s14, s8;
	[sflag:s11] =	ssyncset.done $0x0  }
.Ltmp2:
0x2f: {  	[sflag:s11] =	ssyncadd.s32 $0xFFFFF3C0;
	(pc) =	sbr.rel @p0 .LBB2_1-.Ltmp2, $4  }
0x30: {  	[hbm4b:s7+s3] =	stream.linear.scatter [tilespmem:s10], [sflag:$0x1], $0xC40, $0x38;
	[tilespmem:$0x31C0] =	vst v63  }
0x31: {  	_ =	swait.ge [sflag:s11], $0xC40  }
0x32: {  	[sflag:s11] =	ssyncset.done $0x0  }
0x33: {  	[sflag:s11] =	ssyncadd.s32 $0xFFFFF3C0  }
0x34: {  	_ =	sfence.sel $0x180000  }
0x35: {  	[bflag:$0x0] =	sbarrier.arrive $0xFFFF  }
0x36: {  	p0 =	sne.s32 s1, $0x0;
	_ =	strace $0x90000047  }
0x37: {  	s0 =	sadd.s32 @!p0 $0x100000, s0;
	[bflag:$0x2] =	sbarrier.arrive $0xFFFF  }
0x38: {  	[sflag:s0] =	ssyncadd.tile.s32 @!p0 $0x1;
	_ =	shalt  }
.Lfunc_end2:
_tile_overlayer_lowered:
.L_overlay_start_2:
0x39: {  	(tag) =	ssettag $0x2  }
0x3a: {  	s0 =	rddreg [dreg:$0x0];
	s2 =	stileid.u32  }
0x3b: {  	s1 =	rddreg [dreg:$0x1];
	p0 =	sne.s32 s2, $0x0  }
0x3c: {  	s3 =	rddreg [dreg:$0x2];
	[bflag:$0x3] =	sbarrier.arrive $0xFFFF;
	s2 =	simm.s32 @!p0 $0x1C01  }
0x3d: {  	[timem:s3], [sflag:s2] =	dma.local @!p0 [hbm:s0], s1  }
0x3e: {  	s0 =	simm.s32 @!p0 $0x1  }
0x3f: {  	_ =	swait.ge @!p0 [sflag:s0], s1  }
0x40: {  	s1 =	ssub.s32 @!p0 $0x0, s1;
	[sflag:s0] =	ssyncset.done @!p0 $0x0  }
0x41: {  	[sflag:s0] =	ssyncadd.s32 @!p0 s1  }
0x42: {  	[bflag:$0x3] =	sbarrier.arrive $0xFFFF  }
0x43: {  	_ =	shalt  }

</sc_bundles>
